<compile_context>
chip_gen: v7x
topology: tpu7x:2x2x1
jax: 0.10.2.dev20260603
libtpu: 0.0.44.dev20260713+nightly
codegen_flags: <defaults>
</compile_context>

<pallas_src>
import functools

import jax
import jax.numpy as jnp
from jax import lax
from jax.experimental import pallas as pl
from jax.experimental.pallas import tpu as pltpu
from jax.experimental.pallas import tpu_sc as plsc

_M = 256
_LOG2M = 8
_L = 16


def _route_scatter_body(NC, NS, N, NP,
                        idx_hbm, x_hbm, pos_hbm, te_hbm, xs_hbm,
                        idx_v, hist, nextoff, pos2d, te_v, rows0, rows1,
                        sem_ld, sem_sc):
    NW = NC * NS
    C = N // NW
    NVC = C // _L
    NVT = N // _L
    wid = lax.axis_index("s") * NC + lax.axis_index("c")
    base_tok = wid * C
    v0 = wid * NVC

    iota = lax.iota(jnp.int32, _L)
    ones = jnp.ones((_L,), jnp.int32)
    zeros = jnp.zeros((_L,), jnp.int32)

    pltpu.sync_copy(idx_hbm, idx_v)

    hist[...] = zeros

    def hist_step(i, _):
        v = idx_v[pl.ds(i * _L, _L)]
        plsc.addupdate_scatter(hist, [v], ones)
        return 0

    lax.fori_loop(0, v0, hist_step, 0)
    pref = hist[...]
    lax.fori_loop(v0, NVT, hist_step, 0)
    tot = hist[...]

    padded = ((tot + (_M - 1)) >> _LOG2M) << _LOG2M
    seg_base = plsc.cumsum(padded) - padded
    nextoff[...] = seg_base + pref

    for k in range(NVC):
        v = idx_v[pl.ds((v0 + k) * _L, _L)]
        off = plsc.load_gather(nextoff, [v])
        rank = zeros
        for e in range(8):
            m = v == e
            inc = plsc.cumsum(m.astype(jnp.int32))
            rank = jnp.where(m, inc - 1, rank)
        plsc.addupdate_scatter(nextoff, [v], ones)
        pos2d[k] = off + rank

    pltpu.sync_copy(pos2d, pos_hbm.at[pl.ds(wid * NVC, NVC)])

    @pl.when(wid == 0)
    def _te():
        seg_end = seg_base + padded
        TE = te_hbm.shape[0]
        for g in range(TE // _L):
            tv = (iota + g * _L) << _LOG2M
            cnt = jnp.zeros((_L,), jnp.int32)
            for e in range(8):
                end_e = jnp.sum(jnp.where(iota == e, seg_end, 0))
                cnt = cnt + (tv >= end_e).astype(jnp.int32)
            te_v[pl.ds(g * _L, _L)] = jnp.minimum(cnt, 7)
        pltpu.sync_copy(te_v, te_hbm)

    bufs = (rows0, rows1)
    loads = [None] * NVC
    scats = [None] * NVC
    loads[0] = pltpu.async_copy(
        x_hbm.at[pl.ds(base_tok, _L)], bufs[0], sem_ld.at[0])
    for j in range(NVC):
        if j + 1 < NVC:
            if j >= 1:
                scats[j - 1].wait()
            loads[j + 1] = pltpu.async_copy(
                x_hbm.at[pl.ds(base_tok + _L * (j + 1), _L)],
                bufs[(j + 1) % 2], sem_ld.at[(j + 1) % 2])
        loads[j].wait()
        scats[j] = pltpu.async_copy(
            bufs[j % 2], xs_hbm.at[pos2d.at[j]], sem_sc.at[j % 2])
    scats[NVC - 2].wait()
    scats[NVC - 1].wait()


def _unpermute_body(NC, NS, N, O,
                    pos_hbm, ys_hbm, y_hbm,
                    posk, rows0, rows1, sem_ld, sem_sc):
    NW = NC * NS
    C = N // NW
    wid = lax.axis_index("s") * NC + lax.axis_index("c")
    base_tok = wid * C
    JB = C // 32
    bufs = (rows0, rows1)
    pltpu.sync_copy(pos_hbm.at[pl.ds(wid * JB, JB)], posk)
    gets = [None] * JB
    puts = [None] * JB
    gets[0] = pltpu.async_copy(ys_hbm.at[posk.at[0]], bufs[0], sem_ld.at[0])
    for j in range(JB):
        if j + 1 < JB:
            if j >= 1:
                puts[j - 1].wait()
            gets[j + 1] = pltpu.async_copy(
                ys_hbm.at[posk.at[j + 1]], bufs[(j + 1) % 2],
                sem_ld.at[(j + 1) % 2])
        gets[j].wait()
        puts[j] = pltpu.async_copy(
            bufs[j % 2], y_hbm.at[pl.ds(base_tok + 32 * j, 32)],
            sem_sc.at[j % 2])
    puts[JB - 2].wait()
    puts[JB - 1].wait()


def _mm_body(te_ref, xs_ref, w_ref, b_ref, o_ref, wb_ref, last_ref):
    t = pl.program_id(0)
    te = te_ref[t]

    @pl.when((t == 0) | (te != last_ref[0]))
    def _cast_w():
        wb_ref[...] = w_ref[0].astype(jnp.bfloat16)
        last_ref[0] = te

    xb = xs_ref[...].astype(jnp.bfloat16)
    acc = jax.lax.dot_general(
        xb, wb_ref[...], (((1,), (1,)), ((), ())),
        preferred_element_type=jnp.float32)
    o_ref[...] = acc + b_ref[0]


def kernel(x, index, W, b):
    N, D = x.shape
    E, O, _ = W.shape
    NP = N + E * _M
    T = NP // _M
    TE = ((T + _L - 1) // _L) * _L

    mesh = plsc.VectorSubcoreMesh(core_axis_name="c", subcore_axis_name="s")
    NC, NS = mesh.num_cores, mesh.num_subcores
    NW = NC * NS
    C = N // NW

    route_scatter = pl.kernel(
        functools.partial(_route_scatter_body, NC, NS, N, NP),
        out_type=(
            jax.ShapeDtypeStruct((N // _L, _L), jnp.int32),
            jax.ShapeDtypeStruct((TE,), jnp.int32),
            jax.ShapeDtypeStruct((NP, D), jnp.float32),
        ),
        mesh=mesh,
        compiler_params=pltpu.CompilerParams(needs_layout_passes=False),
        scratch_types=[
            pltpu.VMEM((N,), jnp.int32),
            pltpu.VMEM((_L,), jnp.int32),
            pltpu.VMEM((_L,), jnp.int32),
            pltpu.VMEM((C // _L, _L), jnp.int32),
            pltpu.VMEM((TE,), jnp.int32),
            pltpu.VMEM((_L, D), jnp.float32),
            pltpu.VMEM((_L, D), jnp.float32),
            pltpu.SemaphoreType.DMA((2,)),
            pltpu.SemaphoreType.DMA((2,)),
        ],
    )

    unpermute = pl.kernel(
        functools.partial(_unpermute_body, NC, NS, N, O),
        out_type=jax.ShapeDtypeStruct((N, O), jnp.float32),
        mesh=mesh,
        compiler_params=pltpu.CompilerParams(needs_layout_passes=False),
        scratch_types=[
            pltpu.VMEM((C // 32, 32), jnp.int32),
            pltpu.VMEM((32, O), jnp.float32),
            pltpu.VMEM((32, O), jnp.float32),
            pltpu.SemaphoreType.DMA((2,)),
            pltpu.SemaphoreType.DMA((2,)),
        ],
    )

    idx32 = index.astype(jnp.int32)
    pos, te, xs = route_scatter(idx32, x)

    ys = pl.pallas_call(
        _mm_body,
        grid_spec=pltpu.PrefetchScalarGridSpec(
            num_scalar_prefetch=1,
            grid=(T,),
            in_specs=[
                pl.BlockSpec((_M, D), lambda t, te_ref: (t, 0)),
                pl.BlockSpec((1, O, D), lambda t, te_ref: (te_ref[t], 0, 0)),
                pl.BlockSpec((1, 1, O), lambda t, te_ref: (te_ref[t], 0, 0)),
            ],
            out_specs=pl.BlockSpec((_M, O), lambda t, te_ref: (t, 0)),
            scratch_shapes=[
                pltpu.VMEM((O, D), jnp.bfloat16),
                pltpu.SMEM((1,), jnp.int32),
            ],
        ),
        out_shape=jax.ShapeDtypeStruct((NP, O), jnp.float32),
    )(te, xs, W, b.reshape(E, 1, O))

    y = unpermute(pos.reshape(N // 32, 32), ys)
    return y

# --- scband reference (transcript-rebuilt; emitter-appended) ---
"""Pipeline reference for scband-categorical-78494822302255 (READ-ONLY COPY).

The authoritative reference and input builder live on the scoring server;
editing this copy changes nothing except your own understanding.
"""

import jax, jax.numpy as jnp
import numpy as np

E = 8
D = 2048
O = 1024
N = 8192

def setup_inputs(seed: int = 0) -> dict:
    key = jax.random.key(seed)
    k1, k2, k3 = jax.random.split(key, 3)
    x = jax.random.normal(k1, (N, D), dtype=jnp.float32)
    index = jax.random.randint(k2, (N,), 0, E)
    # per-subpolicy Linear params: orthogonal-init with gain 0.01 approximated by small random; bias zero
    W = jax.random.normal(k3, (E, O, D), dtype=jnp.float32) * 0.01
    b = jnp.zeros((E, O), dtype=jnp.float32)
    return {"x": x, "index": index, "W": W, "b": b}

def reference(x, index, W, b):
    # Faithful translation of Categorical.forward with num_subpolicy > 1:
    # route each row of x to its subpolicy's Linear, then index_add results back.
    num_sub = W.shape[0]
    num_outputs = W.shape[1]
    y = jnp.zeros((x.shape[0], num_outputs), dtype=x.dtype)
    for i in range(num_sub):
        mask = (index == i)[:, None]
        yi = x @ W[i].T + b[i]
        y = y + jnp.where(mask, yi, jnp.zeros((), dtype=x.dtype))
    # FixedCategorical(logits=y_) is a distribution wrapper; the tensor output is y_.
    return y

if __name__ == "__main__":
    import jax
    _d = setup_inputs()
    print(jax.jit(kernel)(*tuple(_d.values())))

</pallas_src>

<mosaic_0001>
#map = affine_map<(d0, d1) -> (0)>
#map1 = affine_map<(d0, d1) -> (0, 0)>
module attributes {stable_mosaic.version = 14 : i64} {
  func.func @_route_scatter_body(%arg0: i32, %arg1: i32, %arg2: memref<8192xi32, #tpu.memory_space<hbm>>, %arg3: memref<8192x2048xf32, #tpu.memory_space<hbm>>, %arg4: memref<512x16xi32, #tpu.memory_space<hbm>>, %arg5: memref<48xi32, #tpu.memory_space<hbm>>, %arg6: memref<10240x2048xf32, #tpu.memory_space<hbm>>, %arg7: memref<8192xi32, #tpu.memory_space<vmem>>, %arg8: memref<16xi32, #tpu.memory_space<vmem>>, %arg9: memref<16xi32, #tpu.memory_space<vmem>>, %arg10: memref<16x16xi32, #tpu.memory_space<vmem>>, %arg11: memref<48xi32, #tpu.memory_space<vmem>>, %arg12: memref<16x2048xf32, #tpu.memory_space<vmem>>, %arg13: memref<16x2048xf32, #tpu.memory_space<vmem>>, %arg14: memref<2x!tpu.dma_semaphore, #tpu.memory_space<semaphore_mem>>, %arg15: memref<2x!tpu.dma_semaphore, #tpu.memory_space<semaphore_mem>>) attributes {dimension_semantics = [#tpu.dimension_semantics<core_parallel>, #tpu.dimension_semantics<subcore_parallel>], iteration_bounds = array<i64: 2, 16>, scalar_prefetch = 0 : i64, scratch_operands = 9 : i64, tpu.core_type = #tpu.core_type<sc_vector_subcore>, window_params = [{transform_indices = #map}, {transform_indices = #map1}, {transform_indices = #map1}, {transform_indices = #map}, {transform_indices = #map1}]} {
    %mul3A = arith.constant 2 : i32
    %mul3A_0 = arith.muli %arg1, %mul3A : i32
    %add3A = arith.addi %mul3A_0, %arg0 : i32
    %mul3A_1 = arith.constant 256 : i32
    %mul3A_2 = arith.muli %add3A, %mul3A_1 : i32
    %mul3A_3 = arith.constant 16 : i32
    %mul3A_4 = arith.muli %add3A, %mul3A_3 : i32
    %iota3A = tpu.iota {dimensions = array<i32: 0>} : vector<16xi32>
    %broadcast_in_dim3A = arith.constant 1 : i32
    %broadcast_in_dim3A_5 = vector.broadcast %broadcast_in_dim3A : i32 to vector<16xi32>
    %broadcast_in_dim3A_6 = arith.constant 0 : i32
    %broadcast_in_dim3A_7 = vector.broadcast %broadcast_in_dim3A_6 : i32 to vector<16xi32>
    "tpu.region"() ({
      %run_scoped3A = tpu.sem_alloc : memref<!tpu.dma_semaphore, #tpu.memory_space<semaphore_mem>>
      tpu.enqueue_dma source(%arg2 : memref<8192xi32, #tpu.memory_space<hbm>>) target(%arg7 : memref<8192xi32, #tpu.memory_space<vmem>>) target_semaphore(%run_scoped3A : memref<!tpu.dma_semaphore, #tpu.memory_space<semaphore_mem>>)
      tpu.wait_dma2 semaphore(%run_scoped3A : memref<!tpu.dma_semaphore, #tpu.memory_space<semaphore_mem>>) src(%arg2 : memref<8192xi32, #tpu.memory_space<hbm>>) dst(%arg7 : memref<8192xi32, #tpu.memory_space<vmem>>)
      tpu.yield
    }) : () -> ()
    %swap3A = arith.constant 0 : index
    %swap3A_8 = tpu.vector_load %arg8[%swap3A] {strides = array<i32>} : memref<16xi32, #tpu.memory_space<vmem>>, vector<16xi32>,
    tpu.vector_store %arg8[%swap3A], %broadcast_in_dim3A_7 {strides = array<i32>} : memref<16xi32, #tpu.memory_space<vmem>>, vector<16xi32>,
    %while3A = arith.constant 0 : i32
    %while3A_9 = arith.constant 0 : i32
    %while3A_10 = arith.subi %mul3A_4, %while3A : i32
    %while3A_11 = arith.addi %while3A, %while3A_10 : i32
    %while3A_12 = arith.constant 1 : i32
    %while3A_13 = arith.divsi %while3A_10, %while3A_12 : i32
    %while3A_14 = arith.muli %while3A_13, %while3A_12 : i32
    %while3A_15 = arith.addi %while3A, %while3A_14 : i32
    %while3A_16 = arith.constant 1 : i32
    %while3A_17 = scf.for %while3A_2221 = %while3A to %while3A_15 step %while3A_16 iter_args(%while3A_2222 = %while3A_9) -> (i32)  : i32 {
      %mul3A_2223 = arith.constant 16 : i32
      %mul3A_2224 = arith.muli %while3A_2221, %mul3A_2223 : i32
      %get3A_2225 = arith.index_cast %mul3A_2224 : i32 to index
      %get3A_2226 = tpu.vector_load %arg7[%get3A_2225] {strides = array<i32>} : memref<8192xi32, #tpu.memory_space<vmem>>, vector<16xi32>,
      tpu.vector_store_idx %arg8[%get3A_2226], %broadcast_in_dim3A_5 {add = true} : memref<16xi32, #tpu.memory_space<vmem>>[vector<16xi32>], vector<16xi32>,
      %while3A_2227 = arith.constant 0 : i32
      scf.yield %while3A_2227 : i32
    }
    %while3A_18 = arith.constant 1 : i32
    %while3A_19 = scf.for %while3A_2221 = %while3A_15 to %while3A_11 step %while3A_18 iter_args(%while3A_2222 = %while3A_17) -> (i32)  : i32 {
      %mul3A_2223 = arith.constant 16 : i32
      %mul3A_2224 = arith.muli %while3A_2221, %mul3A_2223 : i32
      %get3A_2225 = arith.index_cast %mul3A_2224 : i32 to index
      %get3A_2226 = tpu.vector_load %arg7[%get3A_2225] {strides = array<i32>} : memref<8192xi32, #tpu.memory_space<vmem>>, vector<16xi32>,
      tpu.vector_store_idx %arg8[%get3A_2226], %broadcast_in_dim3A_5 {add = true} : memref<16xi32, #tpu.memory_space<vmem>>[vector<16xi32>], vector<16xi32>,
      %while3A_2227 = arith.constant 0 : i32
      scf.yield %while3A_2227 : i32
    }
    %get3A = arith.constant 0 : index
    %get3A_20 = tpu.vector_load %arg8[%get3A] {strides = array<i32>} : memref<16xi32, #tpu.memory_space<vmem>>, vector<16xi32>,
    %while3A_21 = arith.constant 512 : i32
    %while3A_22 = arith.constant 0 : i32
    %while3A_23 = arith.subi %while3A_21, %mul3A_4 : i32
    %while3A_24 = arith.addi %mul3A_4, %while3A_23 : i32
    %while3A_25 = arith.constant 1 : i32
    %while3A_26 = arith.divsi %while3A_23, %while3A_25 : i32
    %while3A_27 = arith.muli %while3A_26, %while3A_25 : i32
    %while3A_28 = arith.addi %mul3A_4, %while3A_27 : i32
    %while3A_29 = arith.constant 1 : i32
    %while3A_30 = scf.for %while3A_2221 = %mul3A_4 to %while3A_28 step %while3A_29 iter_args(%while3A_2222 = %while3A_22) -> (i32)  : i32 {
      %mul3A_2223 = arith.constant 16 : i32
      %mul3A_2224 = arith.muli %while3A_2221, %mul3A_2223 : i32
      %get3A_2225 = arith.index_cast %mul3A_2224 : i32 to index
      %get3A_2226 = tpu.vector_load %arg7[%get3A_2225] {strides = array<i32>} : memref<8192xi32, #tpu.memory_space<vmem>>, vector<16xi32>,
      tpu.vector_store_idx %arg8[%get3A_2226], %broadcast_in_dim3A_5 {add = true} : memref<16xi32, #tpu.memory_space<vmem>>[vector<16xi32>], vector<16xi32>,
      %while3A_2227 = arith.constant 0 : i32
      scf.yield %while3A_2227 : i32
    }
    %while3A_31 = arith.constant 1 : i32
    %while3A_32 = scf.for %while3A_2221 = %while3A_28 to %while3A_24 step %while3A_31 iter_args(%while3A_2222 = %while3A_30) -> (i32)  : i32 {
      %mul3A_2223 = arith.constant 16 : i32
      %mul3A_2224 = arith.muli %while3A_2221, %mul3A_2223 : i32
      %get3A_2225 = arith.index_cast %mul3A_2224 : i32 to index
      %get3A_2226 = tpu.vector_load %arg7[%get3A_2225] {strides = array<i32>} : memref<8192xi32, #tpu.memory_space<vmem>>, vector<16xi32>,
      tpu.vector_store_idx %arg8[%get3A_2226], %broadcast_in_dim3A_5 {add = true} : memref<16xi32, #tpu.memory_space<vmem>>[vector<16xi32>], vector<16xi32>,
      %while3A_2227 = arith.constant 0 : i32
      scf.yield %while3A_2227 : i32
    }
    %get3A_33 = arith.constant 0 : index
    %get3A_34 = tpu.vector_load %arg8[%get3A_33] {strides = array<i32>} : memref<16xi32, #tpu.memory_space<vmem>>, vector<16xi32>,
    %add3A_35 = arith.constant 255 : i32
    %add3A_36 = vector.broadcast %add3A_35 : i32 to vector<16xi32>
    %add3A_37 = arith.addi %get3A_34, %add3A_36 : vector<16xi32>
    %shift_right_arithmetic3A = arith.constant 8 : i32
    %shift_right_arithmetic3A_38 = vector.broadcast %shift_right_arithmetic3A : i32 to vector<16xi32>
    %shift_right_arithmetic3A_39 = arith.shrsi %add3A_37, %shift_right_arithmetic3A_38 : vector<16xi32>
    %shift_left3A = arith.constant 8 : i32
    %shift_left3A_40 = vector.broadcast %shift_left3A : i32 to vector<16xi32>
    %shift_left3A_41 = arith.shli %shift_right_arithmetic3A_39, %shift_left3A_40 : vector<16xi32>
    %broadcast_in_dim3A_42 = arith.constant true
    %broadcast_in_dim3A_43 = vector.broadcast %broadcast_in_dim3A_42 : i1 to vector<16xi1>
    %masked_cumsum3A = tpu.scan <sum>, %shift_left3A_41 masked %broadcast_in_dim3A_43 : vector<16xi32>, vector<16xi1> -> vector<16xi32>
    %sub3A = arith.subi %masked_cumsum3A, %shift_left3A_41 : vector<16xi32>
    %add3A_44 = arith.addi %sub3A, %get3A_20 : vector<16xi32>
    %swap3A_45 = arith.constant 0 : index
    %swap3A_46 = tpu.vector_load %arg9[%swap3A_45] {strides = array<i32>} : memref<16xi32, #tpu.memory_space<vmem>>, vector<16xi32>,
    tpu.vector_store %arg9[%swap3A_45], %add3A_44 {strides = array<i32>} : memref<16xi32, #tpu.memory_space<vmem>>, vector<16xi32>,
    %add3A_47 = arith.constant 0 : i32
    %add3A_48 = arith.addi %mul3A_4, %add3A_47 : i32
    %mul3A_49 = arith.constant 16 : i32
    %mul3A_50 = arith.muli %add3A_48, %mul3A_49 : i32
    %get3A_51 = arith.index_cast %mul3A_50 : i32 to index
    %get3A_52 = tpu.vector_load %arg7[%get3A_51] {strides = array<i32>} : memref<8192xi32, #tpu.memory_space<vmem>>, vector<16xi32>,
    %gather3A = tpu.vector_load_idx %arg9[%get3A_52] : memref<16xi32, #tpu.memory_space<vmem>>[vector<16xi32>], vector<16xi32>,
    %eq3A = arith.constant 0 : i32
    %eq3A_53 = vector.broadcast %eq3A : i32 to vector<16xi32>
    %eq3A_54 = arith.cmpi eq, %get3A_52, %eq3A_53 : vector<16xi32>
    %convert_element_type3A = arith.extui %eq3A_54 : vector<16xi1> to vector<16xi32>
    %broadcast_in_dim3A_55 = arith.constant true
    %broadcast_in_dim3A_56 = vector.broadcast %broadcast_in_dim3A_55 : i1 to vector<16xi1>
    %masked_cumsum3A_57 = tpu.scan <sum>, %convert_element_type3A masked %broadcast_in_dim3A_56 : vector<16xi32>, vector<16xi1> -> vector<16xi32>
    %sub3A_58 = arith.constant 1 : i32
    %sub3A_59 = vector.broadcast %sub3A_58 : i32 to vector<16xi32>
    %sub3A_60 = arith.subi %masked_cumsum3A_57, %sub3A_59 : vector<16xi32>
    %select_n3A = arith.select %eq3A_54, %sub3A_60, %broadcast_in_dim3A_7 : vector<16xi1>, vector<16xi32>
    %eq3A_61 = arith.constant 1 : i32
    %eq3A_62 = vector.broadcast %eq3A_61 : i32 to vector<16xi32>
    %eq3A_63 = arith.cmpi eq, %get3A_52, %eq3A_62 : vector<16xi32>
    %convert_element_type3A_64 = arith.extui %eq3A_63 : vector<16xi1> to vector<16xi32>
    %broadcast_in_dim3A_65 = arith.constant true
    %broadcast_in_dim3A_66 = vector.broadcast %broadcast_in_dim3A_65 : i1 to vector<16xi1>
    %masked_cumsum3A_67 = tpu.scan <sum>, %convert_element_type3A_64 masked %broadcast_in_dim3A_66 : vector<16xi32>, vector<16xi1> -> vector<16xi32>
    %sub3A_68 = arith.constant 1 : i32
    %sub3A_69 = vector.broadcast %sub3A_68 : i32 to vector<16xi32>
    %sub3A_70 = arith.subi %masked_cumsum3A_67, %sub3A_69 : vector<16xi32>
    %select_n3A_71 = arith.select %eq3A_63, %sub3A_70, %select_n3A : vector<16xi1>, vector<16xi32>
    %eq3A_72 = arith.constant 2 : i32
    %eq3A_73 = vector.broadcast %eq3A_72 : i32 to vector<16xi32>
    %eq3A_74 = arith.cmpi eq, %get3A_52, %eq3A_73 : vector<16xi32>
    %convert_element_type3A_75 = arith.extui %eq3A_74 : vector<16xi1> to vector<16xi32>
    %broadcast_in_dim3A_76 = arith.constant true
    %broadcast_in_dim3A_77 = vector.broadcast %broadcast_in_dim3A_76 : i1 to vector<16xi1>
    %masked_cumsum3A_78 = tpu.scan <sum>, %convert_element_type3A_75 masked %broadcast_in_dim3A_77 : vector<16xi32>, vector<16xi1> -> vector<16xi32>
    %sub3A_79 = arith.constant 1 : i32
    %sub3A_80 = vector.broadcast %sub3A_79 : i32 to vector<16xi32>
    %sub3A_81 = arith.subi %masked_cumsum3A_78, %sub3A_80 : vector<16xi32>
    %select_n3A_82 = arith.select %eq3A_74, %sub3A_81, %select_n3A_71 : vector<16xi1>, vector<16xi32>
    %eq3A_83 = arith.constant 3 : i32
    %eq3A_84 = vector.broadcast %eq3A_83 : i32 to vector<16xi32>
    %eq3A_85 = arith.cmpi eq, %get3A_52, %eq3A_84 : vector<16xi32>
    %convert_element_type3A_86 = arith.extui %eq3A_85 : vector<16xi1> to vector<16xi32>
    %broadcast_in_dim3A_87 = arith.constant true
    %broadcast_in_dim3A_88 = vector.broadcast %broadcast_in_dim3A_87 : i1 to vector<16xi1>
    %masked_cumsum3A_89 = tpu.scan <sum>, %convert_element_type3A_86 masked %broadcast_in_dim3A_88 : vector<16xi32>, vector<16xi1> -> vector<16xi32>
    %sub3A_90 = arith.constant 1 : i32
    %sub3A_91 = vector.broadcast %sub3A_90 : i32 to vector<16xi32>
    %sub3A_92 = arith.subi %masked_cumsum3A_89, %sub3A_91 : vector<16xi32>
    %select_n3A_93 = arith.select %eq3A_85, %sub3A_92, %select_n3A_82 : vector<16xi1>, vector<16xi32>
    %eq3A_94 = arith.constant 4 : i32
    %eq3A_95 = vector.broadcast %eq3A_94 : i32 to vector<16xi32>
    %eq3A_96 = arith.cmpi eq, %get3A_52, %eq3A_95 : vector<16xi32>
    %convert_element_type3A_97 = arith.extui %eq3A_96 : vector<16xi1> to vector<16xi32>
    %broadcast_in_dim3A_98 = arith.constant true
    %broadcast_in_dim3A_99 = vector.broadcast %broadcast_in_dim3A_98 : i1 to vector<16xi1>
    %masked_cumsum3A_100 = tpu.scan <sum>, %convert_element_type3A_97 masked %broadcast_in_dim3A_99 : vector<16xi32>, vector<16xi1> -> vector<16xi32>
    %sub3A_101 = arith.constant 1 : i32
    %sub3A_102 = vector.broadcast %sub3A_101 : i32 to vector<16xi32>
    %sub3A_103 = arith.subi %masked_cumsum3A_100, %sub3A_102 : vector<16xi32>
    %select_n3A_104 = arith.select %eq3A_96, %sub3A_103, %select_n3A_93 : vector<16xi1>, vector<16xi32>
    %eq3A_105 = arith.constant 5 : i32
    %eq3A_106 = vector.broadcast %eq3A_105 : i32 to vector<16xi32>
    %eq3A_107 = arith.cmpi eq, %get3A_52, %eq3A_106 : vector<16xi32>
    %convert_element_type3A_108 = arith.extui %eq3A_107 : vector<16xi1> to vector<16xi32>
    %broadcast_in_dim3A_109 = arith.constant true
    %broadcast_in_dim3A_110 = vector.broadcast %broadcast_in_dim3A_109 : i1 to vector<16xi1>
    %masked_cumsum3A_111 = tpu.scan <sum>, %convert_element_type3A_108 masked %broadcast_in_dim3A_110 : vector<16xi32>, vector<16xi1> -> vector<16xi32>
    %sub3A_112 = arith.constant 1 : i32
    %sub3A_113 = vector.broadcast %sub3A_112 : i32 to vector<16xi32>
    %sub3A_114 = arith.subi %masked_cumsum3A_111, %sub3A_113 : vector<16xi32>
    %select_n3A_115 = arith.select %eq3A_107, %sub3A_114, %select_n3A_104 : vector<16xi1>, vector<16xi32>
    %eq3A_116 = arith.constant 6 : i32
    %eq3A_117 = vector.broadcast %eq3A_116 : i32 to vector<16xi32>
    %eq3A_118 = arith.cmpi eq, %get3A_52, %eq3A_117 : vector<16xi32>
    %convert_element_type3A_119 = arith.extui %eq3A_118 : vector<16xi1> to vector<16xi32>
    %broadcast_in_dim3A_120 = arith.constant true
    %broadcast_in_dim3A_121 = vector.broadcast %broadcast_in_dim3A_120 : i1 to vector<16xi1>
    %masked_cumsum3A_122 = tpu.scan <sum>, %convert_element_type3A_119 masked %broadcast_in_dim3A_121 : vector<16xi32>, vector<16xi1> -> vector<16xi32>
    %sub3A_123 = arith.constant 1 : i32
    %sub3A_124 = vector.broadcast %sub3A_123 : i32 to vector<16xi32>
    %sub3A_125 = arith.subi %masked_cumsum3A_122, %sub3A_124 : vector<16xi32>
    %select_n3A_126 = arith.select %eq3A_118, %sub3A_125, %select_n3A_115 : vector<16xi1>, vector<16xi32>
    %eq3A_127 = arith.constant 7 : i32
    %eq3A_128 = vector.broadcast %eq3A_127 : i32 to vector<16xi32>
    %eq3A_129 = arith.cmpi eq, %get3A_52, %eq3A_128 : vector<16xi32>
    %convert_element_type3A_130 = arith.extui %eq3A_129 : vector<16xi1> to vector<16xi32>
    %broadcast_in_dim3A_131 = arith.constant true
    %broadcast_in_dim3A_132 = vector.broadcast %broadcast_in_dim3A_131 : i1 to vector<16xi1>
    %masked_cumsum3A_133 = tpu.scan <sum>, %convert_element_type3A_130 masked %broadcast_in_dim3A_132 : vector<16xi32>, vector<16xi1> -> vector<16xi32>
    %sub3A_134 = arith.constant 1 : i32
    %sub3A_135 = vector.broadcast %sub3A_134 : i32 to vector<16xi32>
    %sub3A_136 = arith.subi %masked_cumsum3A_133, %sub3A_135 : vector<16xi32>
    %select_n3A_137 = arith.select %eq3A_129, %sub3A_136, %select_n3A_126 : vector<16xi1>, vector<16xi32>
    tpu.vector_store_idx %arg9[%get3A_52], %broadcast_in_dim3A_5 {add = true} : memref<16xi32, #tpu.memory_space<vmem>>[vector<16xi32>], vector<16xi32>,
    %add3A_138 = arith.addi %gather3A, %select_n3A_137 : vector<16xi32>
    %swap3A_139 = arith.constant 0 : i32
    %swap3A_140 = arith.index_cast %swap3A_139 : i32 to index
    %swap3A_141 = arith.constant 0 : index
    %swap3A_142 = tpu.vector_load %arg10[%swap3A_140, %swap3A_141] {strides = array<i32>} : memref<16x16xi32, #tpu.memory_space<vmem>>, vector<16xi32>,
    tpu.vector_store %arg10[%swap3A_140, %swap3A_141], %add3A_138 {strides = array<i32>} : memref<16x16xi32, #tpu.memory_space<vmem>>, vector<16xi32>,
    %add3A_143 = arith.constant 1 : i32
    %add3A_144 = arith.addi %mul3A_4, %add3A_143 : i32
    %mul3A_145 = arith.constant 16 : i32
    %mul3A_146 = arith.muli %add3A_144, %mul3A_145 : i32
    %get3A_147 = arith.index_cast %mul3A_146 : i32 to index
    %get3A_148 = tpu.vector_load %arg7[%get3A_147] {strides = array<i32>} : memref<8192xi32, #tpu.memory_space<vmem>>, vector<16xi32>,
    %gather3A_149 = tpu.vector_load_idx %arg9[%get3A_148] : memref<16xi32, #tpu.memory_space<vmem>>[vector<16xi32>], vector<16xi32>,
    %eq3A_150 = arith.constant 0 : i32
    %eq3A_151 = vector.broadcast %eq3A_150 : i32 to vector<16xi32>
    %eq3A_152 = arith.cmpi eq, %get3A_148, %eq3A_151 : vector<16xi32>
    %convert_element_type3A_153 = arith.extui %eq3A_152 : vector<16xi1> to vector<16xi32>
    %broadcast_in_dim3A_154 = arith.constant true
    %broadcast_in_dim3A_155 = vector.broadcast %broadcast_in_dim3A_154 : i1 to vector<16xi1>
    %masked_cumsum3A_156 = tpu.scan <sum>, %convert_element_type3A_153 masked %broadcast_in_dim3A_155 : vector<16xi32>, vector<16xi1> -> vector<16xi32>
    %sub3A_157 = arith.constant 1 : i32
    %sub3A_158 = vector.broadcast %sub3A_157 : i32 to vector<16xi32>
    %sub3A_159 = arith.subi %masked_cumsum3A_156, %sub3A_158 : vector<16xi32>
    %select_n3A_160 = arith.select %eq3A_152, %sub3A_159, %broadcast_in_dim3A_7 : vector<16xi1>, vector<16xi32>
    %eq3A_161 = arith.constant 1 : i32
    %eq3A_162 = vector.broadcast %eq3A_161 : i32 to vector<16xi32>
    %eq3A_163 = arith.cmpi eq, %get3A_148, %eq3A_162 : vector<16xi32>
    %convert_element_type3A_164 = arith.extui %eq3A_163 : vector<16xi1> to vector<16xi32>
    %broadcast_in_dim3A_165 = arith.constant true
    %broadcast_in_dim3A_166 = vector.broadcast %broadcast_in_dim3A_165 : i1 to vector<16xi1>
    %masked_cumsum3A_167 = tpu.scan <sum>, %convert_element_type3A_164 masked %broadcast_in_dim3A_166 : vector<16xi32>, vector<16xi1> -> vector<16xi32>
    %sub3A_168 = arith.constant 1 : i32
    %sub3A_169 = vector.broadcast %sub3A_168 : i32 to vector<16xi32>
    %sub3A_170 = arith.subi %masked_cumsum3A_167, %sub3A_169 : vector<16xi32>
    %select_n3A_171 = arith.select %eq3A_163, %sub3A_170, %select_n3A_160 : vector<16xi1>, vector<16xi32>
    %eq3A_172 = arith.constant 2 : i32
    %eq3A_173 = vector.broadcast %eq3A_172 : i32 to vector<16xi32>
    %eq3A_174 = arith.cmpi eq, %get3A_148, %eq3A_173 : vector<16xi32>
    %convert_element_type3A_175 = arith.extui %eq3A_174 : vector<16xi1> to vector<16xi32>
    %broadcast_in_dim3A_176 = arith.constant true
    %broadcast_in_dim3A_177 = vector.broadcast %broadcast_in_dim3A_176 : i1 to vector<16xi1>
    %masked_cumsum3A_178 = tpu.scan <sum>, %convert_element_type3A_175 masked %broadcast_in_dim3A_177 : vector<16xi32>, vector<16xi1> -> vector<16xi32>
    %sub3A_179 = arith.constant 1 : i32
    %sub3A_180 = vector.broadcast %sub3A_179 : i32 to vector<16xi32>
    %sub3A_181 = arith.subi %masked_cumsum3A_178, %sub3A_180 : vector<16xi32>
    %select_n3A_182 = arith.select %eq3A_174, %sub3A_181, %select_n3A_171 : vector<16xi1>, vector<16xi32>
    %eq3A_183 = arith.constant 3 : i32
    %eq3A_184 = vector.broadcast %eq3A_183 : i32 to vector<16xi32>
    %eq3A_185 = arith.cmpi eq, %get3A_148, %eq3A_184 : vector<16xi32>
    %convert_element_type3A_186 = arith.extui %eq3A_185 : vector<16xi1> to vector<16xi32>
    %broadcast_in_dim3A_187 = arith.constant true
    %broadcast_in_dim3A_188 = vector.broadcast %broadcast_in_dim3A_187 : i1 to vector<16xi1>
    %masked_cumsum3A_189 = tpu.scan <sum>, %convert_element_type3A_186 masked %broadcast_in_dim3A_188 : vector<16xi32>, vector<16xi1> -> vector<16xi32>
    %sub3A_190 = arith.constant 1 : i32
    %sub3A_191 = vector.broadcast %sub3A_190 : i32 to vector<16xi32>
    %sub3A_192 = arith.subi %masked_cumsum3A_189, %sub3A_191 : vector<16xi32>
    %select_n3A_193 = arith.select %eq3A_185, %sub3A_192, %select_n3A_182 : vector<16xi1>, vector<16xi32>
    %eq3A_194 = arith.constant 4 : i32
    %eq3A_195 = vector.broadcast %eq3A_194 : i32 to vector<16xi32>
    %eq3A_196 = arith.cmpi eq, %get3A_148, %eq3A_195 : vector<16xi32>
    %convert_element_type3A_197 = arith.extui %eq3A_196 : vector<16xi1> to vector<16xi32>
    %broadcast_in_dim3A_198 = arith.constant true
    %broadcast_in_dim3A_199 = vector.broadcast %broadcast_in_dim3A_198 : i1 to vector<16xi1>
    %masked_cumsum3A_200 = tpu.scan <sum>, %convert_element_type3A_197 masked %broadcast_in_dim3A_199 : vector<16xi32>, vector<16xi1> -> vector<16xi32>
    %sub3A_201 = arith.constant 1 : i32
    %sub3A_202 = vector.broadcast %sub3A_201 : i32 to vector<16xi32>
    %sub3A_203 = arith.subi %masked_cumsum3A_200, %sub3A_202 : vector<16xi32>
    %select_n3A_204 = arith.select %eq3A_196, %sub3A_203, %select_n3A_193 : vector<16xi1>, vector<16xi32>
    %eq3A_205 = arith.constant 5 : i32
    %eq3A_206 = vector.broadcast %eq3A_205 : i32 to vector<16xi32>
    %eq3A_207 = arith.cmpi eq, %get3A_148, %eq3A_206 : vector<16xi32>
    %convert_element_type3A_208 = arith.extui %eq3A_207 : vector<16xi1> to vector<16xi32>
    %broadcast_in_dim3A_209 = arith.constant true
    %broadcast_in_dim3A_210 = vector.broadcast %broadcast_in_dim3A_209 : i1 to vector<16xi1>
    %masked_cumsum3A_211 = tpu.scan <sum>, %convert_element_type3A_208 masked %broadcast_in_dim3A_210 : vector<16xi32>, vector<16xi1> -> vector<16xi32>
    %sub3A_212 = arith.constant 1 : i32
    %sub3A_213 = vector.broadcast %sub3A_212 : i32 to vector<16xi32>
    %sub3A_214 = arith.subi %masked_cumsum3A_211, %sub3A_213 : vector<16xi32>
    %select_n3A_215 = arith.select %eq3A_207, %sub3A_214, %select_n3A_204 : vector<16xi1>, vector<16xi32>
    %eq3A_216 = arith.constant 6 : i32
    %eq3A_217 = vector.broadcast %eq3A_216 : i32 to vector<16xi32>
    %eq3A_218 = arith.cmpi eq, %get3A_148, %eq3A_217 : vector<16xi32>
    %convert_element_type3A_219 = arith.extui %eq3A_218 : vector<16xi1> to vector<16xi32>
    %broadcast_in_dim3A_220 = arith.constant true
    %broadcast_in_dim3A_221 = vector.broadcast %broadcast_in_dim3A_220 : i1 to vector<16xi1>
    %masked_cumsum3A_222 = tpu.scan <sum>, %convert_element_type3A_219 masked %broadcast_in_dim3A_221 : vector<16xi32>, vector<16xi1> -> vector<16xi32>
    %sub3A_223 = arith.constant 1 : i32
    %sub3A_224 = vector.broadcast %sub3A_223 : i32 to vector<16xi32>
    %sub3A_225 = arith.subi %masked_cumsum3A_222, %sub3A_224 : vector<16xi32>
    %select_n3A_226 = arith.select %eq3A_218, %sub3A_225, %select_n3A_215 : vector<16xi1>, vector<16xi32>
    %eq3A_227 = arith.constant 7 : i32
    %eq3A_228 = vector.broadcast %eq3A_227 : i32 to vector<16xi32>
    %eq3A_229 = arith.cmpi eq, %get3A_148, %eq3A_228 : vector<16xi32>
    %convert_element_type3A_230 = arith.extui %eq3A_229 : vector<16xi1> to vector<16xi32>
    %broadcast_in_dim3A_231 = arith.constant true
    %broadcast_in_dim3A_232 = vector.broadcast %broadcast_in_dim3A_231 : i1 to vector<16xi1>
    %masked_cumsum3A_233 = tpu.scan <sum>, %convert_element_type3A_230 masked %broadcast_in_dim3A_232 : vector<16xi32>, vector<16xi1> -> vector<16xi32>
    %sub3A_234 = arith.constant 1 : i32
    %sub3A_235 = vector.broadcast %sub3A_234 : i32 to vector<16xi32>
    %sub3A_236 = arith.subi %masked_cumsum3A_233, %sub3A_235 : vector<16xi32>
    %select_n3A_237 = arith.select %eq3A_229, %sub3A_236, %select_n3A_226 : vector<16xi1>, vector<16xi32>
    tpu.vector_store_idx %arg9[%get3A_148], %broadcast_in_dim3A_5 {add = true} : memref<16xi32, #tpu.memory_space<vmem>>[vector<16xi32>], vector<16xi32>,
    %add3A_238 = arith.addi %gather3A_149, %select_n3A_237 : vector<16xi32>
    %swap3A_239 = arith.constant 1 : i32
    %swap3A_240 = arith.index_cast %swap3A_239 : i32 to index
    %swap3A_241 = arith.constant 0 : index
    %swap3A_242 = tpu.vector_load %arg10[%swap3A_240, %swap3A_241] {strides = array<i32>} : memref<16x16xi32, #tpu.memory_space<vmem>>, vector<16xi32>,
    tpu.vector_store %arg10[%swap3A_240, %swap3A_241], %add3A_238 {strides = array<i32>} : memref<16x16xi32, #tpu.memory_space<vmem>>, vector<16xi32>,
    %add3A_243 = arith.constant 2 : i32
    %add3A_244 = arith.addi %mul3A_4, %add3A_243 : i32
    %mul3A_245 = arith.constant 16 : i32
    %mul3A_246 = arith.muli %add3A_244, %mul3A_245 : i32
    %get3A_247 = arith.index_cast %mul3A_246 : i32 to index
    %get3A_248 = tpu.vector_load %arg7[%get3A_247] {strides = array<i32>} : memref<8192xi32, #tpu.memory_space<vmem>>, vector<16xi32>,
    %gather3A_249 = tpu.vector_load_idx %arg9[%get3A_248] : memref<16xi32, #tpu.memory_space<vmem>>[vector<16xi32>], vector<16xi32>,
    %eq3A_250 = arith.constant 0 : i32
    %eq3A_251 = vector.broadcast %eq3A_250 : i32 to vector<16xi32>
    %eq3A_252 = arith.cmpi eq, %get3A_248, %eq3A_251 : vector<16xi32>
    %convert_element_type3A_253 = arith.extui %eq3A_252 : vector<16xi1> to vector<16xi32>
    %broadcast_in_dim3A_254 = arith.constant true
    %broadcast_in_dim3A_255 = vector.broadcast %broadcast_in_dim3A_254 : i1 to vector<16xi1>
    %masked_cumsum3A_256 = tpu.scan <sum>, %convert_element_type3A_253 masked %broadcast_in_dim3A_255 : vector<16xi32>, vector<16xi1> -> vector<16xi32>
    %sub3A_257 = arith.constant 1 : i32
    %sub3A_258 = vector.broadcast %sub3A_257 : i32 to vector<16xi32>
    %sub3A_259 = arith.subi %masked_cumsum3A_256, %sub3A_258 : vector<16xi32>
    %select_n3A_260 = arith.select %eq3A_252, %sub3A_259, %broadcast_in_dim3A_7 : vector<16xi1>, vector<16xi32>
    %eq3A_261 = arith.constant 1 : i32
    %eq3A_262 = vector.broadcast %eq3A_261 : i32 to vector<16xi32>
    %eq3A_263 = arith.cmpi eq, %get3A_248, %eq3A_262 : vector<16xi32>
    %convert_element_type3A_264 = arith.extui %eq3A_263 : vector<16xi1> to vector<16xi32>
    %broadcast_in_dim3A_265 = arith.constant true
    %broadcast_in_dim3A_266 = vector.broadcast %broadcast_in_dim3A_265 : i1 to vector<16xi1>
    %masked_cumsum3A_267 = tpu.scan <sum>, %convert_element_type3A_264 masked %broadcast_in_dim3A_266 : vector<16xi32>, vector<16xi1> -> vector<16xi32>
    %sub3A_268 = arith.constant 1 : i32
    %sub3A_269 = vector.broadcast %sub3A_268 : i32 to vector<16xi32>
    %sub3A_270 = arith.subi %masked_cumsum3A_267, %sub3A_269 : vector<16xi32>
    %select_n3A_271 = arith.select %eq3A_263, %sub3A_270, %select_n3A_260 : vector<16xi1>, vector<16xi32>
    %eq3A_272 = arith.constant 2 : i32
    %eq3A_273 = vector.broadcast %eq3A_272 : i32 to vector<16xi32>
    %eq3A_274 = arith.cmpi eq, %get3A_248, %eq3A_273 : vector<16xi32>
    %convert_element_type3A_275 = arith.extui %eq3A_274 : vector<16xi1> to vector<16xi32>
    %broadcast_in_dim3A_276 = arith.constant true
    %broadcast_in_dim3A_277 = vector.broadcast %broadcast_in_dim3A_276 : i1 to vector<16xi1>
    %masked_cumsum3A_278 = tpu.scan <sum>, %convert_element_type3A_275 masked %broadcast_in_dim3A_277 : vector<16xi32>, vector<16xi1> -> vector<16xi32>
    %sub3A_279 = arith.constant 1 : i32
    %sub3A_280 = vector.broadcast %sub3A_279 : i32 to vector<16xi32>
    %sub3A_281 = arith.subi %masked_cumsum3A_278, %sub3A_280 : vector<16xi32>
    %select_n3A_282 = arith.select %eq3A_274, %sub3A_281, %select_n3A_271 : vector<16xi1>, vector<16xi32>
    %eq3A_283 = arith.constant 3 : i32
    %eq3A_284 = vector.broadcast %eq3A_283 : i32 to vector<16xi32>
    %eq3A_285 = arith.cmpi eq, %get3A_248, %eq3A_284 : vector<16xi32>
    %convert_element_type3A_286 = arith.extui %eq3A_285 : vector<16xi1> to vector<16xi32>
    %broadcast_in_dim3A_287 = arith.constant true
    %broadcast_in_dim3A_288 = vector.broadcast %broadcast_in_dim3A_287 : i1 to vector<16xi1>
    %masked_cumsum3A_289 = tpu.scan <sum>, %convert_element_type3A_286 masked %broadcast_in_dim3A_288 : vector<16xi32>, vector<16xi1> -> vector<16xi32>
    %sub3A_290 = arith.constant 1 : i32
    %sub3A_291 = vector.broadcast %sub3A_290 : i32 to vector<16xi32>
    %sub3A_292 = arith.subi %masked_cumsum3A_289, %sub3A_291 : vector<16xi32>
    %select_n3A_293 = arith.select %eq3A_285, %sub3A_292, %select_n3A_282 : vector<16xi1>, vector<16xi32>
    %eq3A_294 = arith.constant 4 : i32
    %eq3A_295 = vector.broadcast %eq3A_294 : i32 to vector<16xi32>
    %eq3A_296 = arith.cmpi eq, %get3A_248, %eq3A_295 : vector<16xi32>
    %convert_element_type3A_297 = arith.extui %eq3A_296 : vector<16xi1> to vector<16xi32>
    %broadcast_in_dim3A_298 = arith.constant true
    %broadcast_in_dim3A_299 = vector.broadcast %broadcast_in_dim3A_298 : i1 to vector<16xi1>
    %masked_cumsum3A_300 = tpu.scan <sum>, %convert_element_type3A_297 masked %broadcast_in_dim3A_299 : vector<16xi32>, vector<16xi1> -> vector<16xi32>
    %sub3A_301 = arith.constant 1 : i32
    %sub3A_302 = vector.broadcast %sub3A_301 : i32 to vector<16xi32>
    %sub3A_303 = arith.subi %masked_cumsum3A_300, %sub3A_302 : vector<16xi32>
    %select_n3A_304 = arith.select %eq3A_296, %sub3A_303, %select_n3A_293 : vector<16xi1>, vector<16xi32>
    %eq3A_305 = arith.constant 5 : i32
    %eq3A_306 = vector.broadcast %eq3A_305 : i32 to vector<16xi32>
    %eq3A_307 = arith.cmpi eq, %get3A_248, %eq3A_306 : vector<16xi32>
    %convert_element_type3A_308 = arith.extui %eq3A_307 : vector<16xi1> to vector<16xi32>
    %broadcast_in_dim3A_309 = arith.constant true
    %broadcast_in_dim3A_310 = vector.broadcast %broadcast_in_dim3A_309 : i1 to vector<16xi1>
    %masked_cumsum3A_311 = tpu.scan <sum>, %convert_element_type3A_308 masked %broadcast_in_dim3A_310 : vector<16xi32>, vector<16xi1> -> vector<16xi32>
    %sub3A_312 = arith.constant 1 : i32
    %sub3A_313 = vector.broadcast %sub3A_312 : i32 to vector<16xi32>
    %sub3A_314 = arith.subi %masked_cumsum3A_311, %sub3A_313 : vector<16xi32>
    %select_n3A_315 = arith.select %eq3A_307, %sub3A_314, %select_n3A_304 : vector<16xi1>, vector<16xi32>
    %eq3A_316 = arith.constant 6 : i32
    %eq3A_317 = vector.broadcast %eq3A_316 : i32 to vector<16xi32>
    %eq3A_318 = arith.cmpi eq, %get3A_248, %eq3A_317 : vector<16xi32>
    %convert_element_type3A_319 = arith.extui %eq3A_318 : vector<16xi1> to vector<16xi32>
    %broadcast_in_dim3A_320 = arith.constant true
    %broadcast_in_dim3A_321 = vector.broadcast %broadcast_in_dim3A_320 : i1 to vector<16xi1>
    %masked_cumsum3A_322 = tpu.scan <sum>, %convert_element_type3A_319 masked %broadcast_in_dim3A_321 : vector<16xi32>, vector<16xi1> -> vector<16xi32>
    %sub3A_323 = arith.constant 1 : i32
    %sub3A_324 = vector.broadcast %sub3A_323 : i32 to vector<16xi32>
    %sub3A_325 = arith.subi %masked_cumsum3A_322, %sub3A_324 : vector<16xi32>
    %select_n3A_326 = arith.select %eq3A_318, %sub3A_325, %select_n3A_315 : vector<16xi1>, vector<16xi32>
    %eq3A_327 = arith.constant 7 : i32
    %eq3A_328 = vector.broadcast %eq3A_327 : i32 to vector<16xi32>
    %eq3A_329 = arith.cmpi eq, %get3A_248, %eq3A_328 : vector<16xi32>
    %convert_element_type3A_330 = arith.extui %eq3A_329 : vector<16xi1> to vector<16xi32>
    %broadcast_in_dim3A_331 = arith.constant true
    %broadcast_in_dim3A_332 = vector.broadcast %broadcast_in_dim3A_331 : i1 to vector<16xi1>
    %masked_cumsum3A_333 = tpu.scan <sum>, %convert_element_type3A_330 masked %broadcast_in_dim3A_332 : vector<16xi32>, vector<16xi1> -> vector<16xi32>
    %sub3A_334 = arith.constant 1 : i32
    %sub3A_335 = vector.broadcast %sub3A_334 : i32 to vector<16xi32>
    %sub3A_336 = arith.subi %masked_cumsum3A_333, %sub3A_335 : vector<16xi32>
    %select_n3A_337 = arith.select %eq3A_329, %sub3A_336, %select_n3A_326 : vector<16xi1>, vector<16xi32>
    tpu.vector_store_idx %arg9[%get3A_248], %broadcast_in_dim3A_5 {add = true} : memref<16xi32, #tpu.memory_space<vmem>>[vector<16xi32>], vector<16xi32>,
    %add3A_338 = arith.addi %gather3A_249, %select_n3A_337 : vector<16xi32>
    %swap3A_339 = arith.constant 2 : i32
    %swap3A_340 = arith.index_cast %swap3A_339 : i32 to index
    %swap3A_341 = arith.constant 0 : index
    %swap3A_342 = tpu.vector_load %arg10[%swap3A_340, %swap3A_341] {strides = array<i32>} : memref<16x16xi32, #tpu.memory_space<vmem>>, vector<16xi32>,
    tpu.vector_store %arg10[%swap3A_340, %swap3A_341], %add3A_338 {strides = array<i32>} : memref<16x16xi32, #tpu.memory_space<vmem>>, vector<16xi32>,
    %add3A_343 = arith.constant 3 : i32
    %add3A_344 = arith.addi %mul3A_4, %add3A_343 : i32
    %mul3A_345 = arith.constant 16 : i32
    %mul3A_346 = arith.muli %add3A_344, %mul3A_345 : i32
    %get3A_347 = arith.index_cast %mul3A_346 : i32 to index
    %get3A_348 = tpu.vector_load %arg7[%get3A_347] {strides = array<i32>} : memref<8192xi32, #tpu.memory_space<vmem>>, vector<16xi32>,
    %gather3A_349 = tpu.vector_load_idx %arg9[%get3A_348] : memref<16xi32, #tpu.memory_space<vmem>>[vector<16xi32>], vector<16xi32>,
    %eq3A_350 = arith.constant 0 : i32
    %eq3A_351 = vector.broadcast %eq3A_350 : i32 to vector<16xi32>
    %eq3A_352 = arith.cmpi eq, %get3A_348, %eq3A_351 : vector<16xi32>
    %convert_element_type3A_353 = arith.extui %eq3A_352 : vector<16xi1> to vector<16xi32>
    %broadcast_in_dim3A_354 = arith.constant true
    %broadcast_in_dim3A_355 = vector.broadcast %broadcast_in_dim3A_354 : i1 to vector<16xi1>
    %masked_cumsum3A_356 = tpu.scan <sum>, %convert_element_type3A_353 masked %broadcast_in_dim3A_355 : vector<16xi32>, vector<16xi1> -> vector<16xi32>
    %sub3A_357 = arith.constant 1 : i32
    %sub3A_358 = vector.broadcast %sub3A_357 : i32 to vector<16xi32>
    %sub3A_359 = arith.subi %masked_cumsum3A_356, %sub3A_358 : vector<16xi32>
    %select_n3A_360 = arith.select %eq3A_352, %sub3A_359, %broadcast_in_dim3A_7 : vector<16xi1>, vector<16xi32>
    %eq3A_361 = arith.constant 1 : i32
    %eq3A_362 = vector.broadcast %eq3A_361 : i32 to vector<16xi32>
    %eq3A_363 = arith.cmpi eq, %get3A_348, %eq3A_362 : vector<16xi32>
    %convert_element_type3A_364 = arith.extui %eq3A_363 : vector<16xi1> to vector<16xi32>
    %broadcast_in_dim3A_365 = arith.constant true
    %broadcast_in_dim3A_366 = vector.broadcast %broadcast_in_dim3A_365 : i1 to vector<16xi1>
    %masked_cumsum3A_367 = tpu.scan <sum>, %convert_element_type3A_364 masked %broadcast_in_dim3A_366 : vector<16xi32>, vector<16xi1> -> vector<16xi32>
    %sub3A_368 = arith.constant 1 : i32
    %sub3A_369 = vector.broadcast %sub3A_368 : i32 to vector<16xi32>
    %sub3A_370 = arith.subi %masked_cumsum3A_367, %sub3A_369 : vector<16xi32>
    %select_n3A_371 = arith.select %eq3A_363, %sub3A_370, %select_n3A_360 : vector<16xi1>, vector<16xi32>
    %eq3A_372 = arith.constant 2 : i32
    %eq3A_373 = vector.broadcast %eq3A_372 : i32 to vector<16xi32>
    %eq3A_374 = arith.cmpi eq, %get3A_348, %eq3A_373 : vector<16xi32>
    %convert_element_type3A_375 = arith.extui %eq3A_374 : vector<16xi1> to vector<16xi32>
    %broadcast_in_dim3A_376 = arith.constant true
    %broadcast_in_dim3A_377 = vector.broadcast %broadcast_in_dim3A_376 : i1 to vector<16xi1>
    %masked_cumsum3A_378 = tpu.scan <sum>, %convert_element_type3A_375 masked %broadcast_in_dim3A_377 : vector<16xi32>, vector<16xi1> -> vector<16xi32>
    %sub3A_379 = arith.constant 1 : i32
    %sub3A_380 = vector.broadcast %sub3A_379 : i32 to vector<16xi32>
    %sub3A_381 = arith.subi %masked_cumsum3A_378, %sub3A_380 : vector<16xi32>
    %select_n3A_382 = arith.select %eq3A_374, %sub3A_381, %select_n3A_371 : vector<16xi1>, vector<16xi32>
    %eq3A_383 = arith.constant 3 : i32
    %eq3A_384 = vector.broadcast %eq3A_383 : i32 to vector<16xi32>
    %eq3A_385 = arith.cmpi eq, %get3A_348, %eq3A_384 : vector<16xi32>
    %convert_element_type3A_386 = arith.extui %eq3A_385 : vector<16xi1> to vector<16xi32>
    %broadcast_in_dim3A_387 = arith.constant true
    %broadcast_in_dim3A_388 = vector.broadcast %broadcast_in_dim3A_387 : i1 to vector<16xi1>
    %masked_cumsum3A_389 = tpu.scan <sum>, %convert_element_type3A_386 masked %broadcast_in_dim3A_388 : vector<16xi32>, vector<16xi1> -> vector<16xi32>
    %sub3A_390 = arith.constant 1 : i32
    %sub3A_391 = vector.broadcast %sub3A_390 : i32 to vector<16xi32>
    %sub3A_392 = arith.subi %masked_cumsum3A_389, %sub3A_391 : vector<16xi32>
    %select_n3A_393 = arith.select %eq3A_385, %sub3A_392, %select_n3A_382 : vector<16xi1>, vector<16xi32>
    %eq3A_394 = arith.constant 4 : i32
    %eq3A_395 = vector.broadcast %eq3A_394 : i32 to vector<16xi32>
    %eq3A_396 = arith.cmpi eq, %get3A_348, %eq3A_395 : vector<16xi32>
    %convert_element_type3A_397 = arith.extui %eq3A_396 : vector<16xi1> to vector<16xi32>
    %broadcast_in_dim3A_398 = arith.constant true
    %broadcast_in_dim3A_399 = vector.broadcast %broadcast_in_dim3A_398 : i1 to vector<16xi1>
    %masked_cumsum3A_400 = tpu.scan <sum>, %convert_element_type3A_397 masked %broadcast_in_dim3A_399 : vector<16xi32>, vector<16xi1> -> vector<16xi32>
    %sub3A_401 = arith.constant 1 : i32
    %sub3A_402 = vector.broadcast %sub3A_401 : i32 to vector<16xi32>
    %sub3A_403 = arith.subi %masked_cumsum3A_400, %sub3A_402 : vector<16xi32>
    %select_n3A_404 = arith.select %eq3A_396, %sub3A_403, %select_n3A_393 : vector<16xi1>, vector<16xi32>
    %eq3A_405 = arith.constant 5 : i32
    %eq3A_406 = vector.broadcast %eq3A_405 : i32 to vector<16xi32>
    %eq3A_407 = arith.cmpi eq, %get3A_348, %eq3A_406 : vector<16xi32>
    %convert_element_type3A_408 = arith.extui %eq3A_407 : vector<16xi1> to vector<16xi32>
    %broadcast_in_dim3A_409 = arith.constant true
    %broadcast_in_dim3A_410 = vector.broadcast %broadcast_in_dim3A_409 : i1 to vector<16xi1>
    %masked_cumsum3A_411 = tpu.scan <sum>, %convert_element_type3A_408 masked %broadcast_in_dim3A_410 : vector<16xi32>, vector<16xi1> -> vector<16xi32>
    %sub3A_412 = arith.constant 1 : i32
    %sub3A_413 = vector.broadcast %sub3A_412 : i32 to vector<16xi32>
    %sub3A_414 = arith.subi %masked_cumsum3A_411, %sub3A_413 : vector<16xi32>
    %select_n3A_415 = arith.select %eq3A_407, %sub3A_414, %select_n3A_404 : vector<16xi1>, vector<16xi32>
    %eq3A_416 = arith.constant 6 : i32
    %eq3A_417 = vector.broadcast %eq3A_416 : i32 to vector<16xi32>
    %eq3A_418 = arith.cmpi eq, %get3A_348, %eq3A_417 : vector<16xi32>
    %convert_element_type3A_419 = arith.extui %eq3A_418 : vector<16xi1> to vector<16xi32>
    %broadcast_in_dim3A_420 = arith.constant true
    %broadcast_in_dim3A_421 = vector.broadcast %broadcast_in_dim3A_420 : i1 to vector<16xi1>
    %masked_cumsum3A_422 = tpu.scan <sum>, %convert_element_type3A_419 masked %broadcast_in_dim3A_421 : vector<16xi32>, vector<16xi1> -> vector<16xi32>
    %sub3A_423 = arith.constant 1 : i32
    %sub3A_424 = vector.broadcast %sub3A_423 : i32 to vector<16xi32>
    %sub3A_425 = arith.subi %masked_cumsum3A_422, %sub3A_424 : vector<16xi32>
    %select_n3A_426 = arith.select %eq3A_418, %sub3A_425, %select_n3A_415 : vector<16xi1>, vector<16xi32>
    %eq3A_427 = arith.constant 7 : i32
    %eq3A_428 = vector.broadcast %eq3A_427 : i32 to vector<16xi32>
    %eq3A_429 = arith.cmpi eq, %get3A_348, %eq3A_428 : vector<16xi32>
    %convert_element_type3A_430 = arith.extui %eq3A_429 : vector<16xi1> to vector<16xi32>
    %broadcast_in_dim3A_431 = arith.constant true
    %broadcast_in_dim3A_432 = vector.broadcast %broadcast_in_dim3A_431 : i1 to vector<16xi1>
    %masked_cumsum3A_433 = tpu.scan <sum>, %convert_element_type3A_430 masked %broadcast_in_dim3A_432 : vector<16xi32>, vector<16xi1> -> vector<16xi32>
    %sub3A_434 = arith.constant 1 : i32
    %sub3A_435 = vector.broadcast %sub3A_434 : i32 to vector<16xi32>
    %sub3A_436 = arith.subi %masked_cumsum3A_433, %sub3A_435 : vector<16xi32>
    %select_n3A_437 = arith.select %eq3A_429, %sub3A_436, %select_n3A_426 : vector<16xi1>, vector<16xi32>
    tpu.vector_store_idx %arg9[%get3A_348], %broadcast_in_dim3A_5 {add = true} : memref<16xi32, #tpu.memory_space<vmem>>[vector<16xi32>], vector<16xi32>,
    %add3A_438 = arith.addi %gather3A_349, %select_n3A_437 : vector<16xi32>
    %swap3A_439 = arith.constant 3 : i32
    %swap3A_440 = arith.index_cast %swap3A_439 : i32 to index
    %swap3A_441 = arith.constant 0 : index
    %swap3A_442 = tpu.vector_load %arg10[%swap3A_440, %swap3A_441] {strides = array<i32>} : memref<16x16xi32, #tpu.memory_space<vmem>>, vector<16xi32>,
    tpu.vector_store %arg10[%swap3A_440, %swap3A_441], %add3A_438 {strides = array<i32>} : memref<16x16xi32, #tpu.memory_space<vmem>>, vector<16xi32>,
    %add3A_443 = arith.constant 4 : i32
    %add3A_444 = arith.addi %mul3A_4, %add3A_443 : i32
    %mul3A_445 = arith.constant 16 : i32
    %mul3A_446 = arith.muli %add3A_444, %mul3A_445 : i32
    %get3A_447 = arith.index_cast %mul3A_446 : i32 to index
    %get3A_448 = tpu.vector_load %arg7[%get3A_447] {strides = array<i32>} : memref<8192xi32, #tpu.memory_space<vmem>>, vector<16xi32>,
    %gather3A_449 = tpu.vector_load_idx %arg9[%get3A_448] : memref<16xi32, #tpu.memory_space<vmem>>[vector<16xi32>], vector<16xi32>,
    %eq3A_450 = arith.constant 0 : i32
    %eq3A_451 = vector.broadcast %eq3A_450 : i32 to vector<16xi32>
    %eq3A_452 = arith.cmpi eq, %get3A_448, %eq3A_451 : vector<16xi32>
    %convert_element_type3A_453 = arith.extui %eq3A_452 : vector<16xi1> to vector<16xi32>
    %broadcast_in_dim3A_454 = arith.constant true
    %broadcast_in_dim3A_455 = vector.broadcast %broadcast_in_dim3A_454 : i1 to vector<16xi1>
    %masked_cumsum3A_456 = tpu.scan <sum>, %convert_element_type3A_453 masked %broadcast_in_dim3A_455 : vector<16xi32>, vector<16xi1> -> vector<16xi32>
    %sub3A_457 = arith.constant 1 : i32
    %sub3A_458 = vector.broadcast %sub3A_457 : i32 to vector<16xi32>
    %sub3A_459 = arith.subi %masked_cumsum3A_456, %sub3A_458 : vector<16xi32>
    %select_n3A_460 = arith.select %eq3A_452, %sub3A_459, %broadcast_in_dim3A_7 : vector<16xi1>, vector<16xi32>
    %eq3A_461 = arith.constant 1 : i32
    %eq3A_462 = vector.broadcast %eq3A_461 : i32 to vector<16xi32>
    %eq3A_463 = arith.cmpi eq, %get3A_448, %eq3A_462 : vector<16xi32>
    %convert_element_type3A_464 = arith.extui %eq3A_463 : vector<16xi1> to vector<16xi32>
    %broadcast_in_dim3A_465 = arith.constant true
    %broadcast_in_dim3A_466 = vector.broadcast %broadcast_in_dim3A_465 : i1 to vector<16xi1>
    %masked_cumsum3A_467 = tpu.scan <sum>, %convert_element_type3A_464 masked %broadcast_in_dim3A_466 : vector<16xi32>, vector<16xi1> -> vector<16xi32>
    %sub3A_468 = arith.constant 1 : i32
    %sub3A_469 = vector.broadcast %sub3A_468 : i32 to vector<16xi32>
    %sub3A_470 = arith.subi %masked_cumsum3A_467, %sub3A_469 : vector<16xi32>
    %select_n3A_471 = arith.select %eq3A_463, %sub3A_470, %select_n3A_460 : vector<16xi1>, vector<16xi32>
    %eq3A_472 = arith.constant 2 : i32
    %eq3A_473 = vector.broadcast %eq3A_472 : i32 to vector<16xi32>
    %eq3A_474 = arith.cmpi eq, %get3A_448, %eq3A_473 : vector<16xi32>
    %convert_element_type3A_475 = arith.extui %eq3A_474 : vector<16xi1> to vector<16xi32>
    %broadcast_in_dim3A_476 = arith.constant true
    %broadcast_in_dim3A_477 = vector.broadcast %broadcast_in_dim3A_476 : i1 to vector<16xi1>
    %masked_cumsum3A_478 = tpu.scan <sum>, %convert_element_type3A_475 masked %broadcast_in_dim3A_477 : vector<16xi32>, vector<16xi1> -> vector<16xi32>
    %sub3A_479 = arith.constant 1 : i32
    %sub3A_480 = vector.broadcast %sub3A_479 : i32 to vector<16xi32>
    %sub3A_481 = arith.subi %masked_cumsum3A_478, %sub3A_480 : vector<16xi32>
    %select_n3A_482 = arith.select %eq3A_474, %sub3A_481, %select_n3A_471 : vector<16xi1>, vector<16xi32>
    %eq3A_483 = arith.constant 3 : i32
    %eq3A_484 = vector.broadcast %eq3A_483 : i32 to vector<16xi32>
    %eq3A_485 = arith.cmpi eq, %get3A_448, %eq3A_484 : vector<16xi32>
    %convert_element_type3A_486 = arith.extui %eq3A_485 : vector<16xi1> to vector<16xi32>
    %broadcast_in_dim3A_487 = arith.constant true
    %broadcast_in_dim3A_488 = vector.broadcast %broadcast_in_dim3A_487 : i1 to vector<16xi1>
    %masked_cumsum3A_489 = tpu.scan <sum>, %convert_element_type3A_486 masked %broadcast_in_dim3A_488 : vector<16xi32>, vector<16xi1> -> vector<16xi32>
    %sub3A_490 = arith.constant 1 : i32
    %sub3A_491 = vector.broadcast %sub3A_490 : i32 to vector<16xi32>
    %sub3A_492 = arith.subi %masked_cumsum3A_489, %sub3A_491 : vector<16xi32>
    %select_n3A_493 = arith.select %eq3A_485, %sub3A_492, %select_n3A_482 : vector<16xi1>, vector<16xi32>
    %eq3A_494 = arith.constant 4 : i32
    %eq3A_495 = vector.broadcast %eq3A_494 : i32 to vector<16xi32>
    %eq3A_496 = arith.cmpi eq, %get3A_448, %eq3A_495 : vector<16xi32>
    %convert_element_type3A_497 = arith.extui %eq3A_496 : vector<16xi1> to vector<16xi32>
    %broadcast_in_dim3A_498 = arith.constant true
    %broadcast_in_dim3A_499 = vector.broadcast %broadcast_in_dim3A_498 : i1 to vector<16xi1>
    %masked_cumsum3A_500 = tpu.scan <sum>, %convert_element_type3A_497 masked %broadcast_in_dim3A_499 : vector<16xi32>, vector<16xi1> -> vector<16xi32>
    %sub3A_501 = arith.constant 1 : i32
    %sub3A_502 = vector.broadcast %sub3A_501 : i32 to vector<16xi32>
    %sub3A_503 = arith.subi %masked_cumsum3A_500, %sub3A_502 : vector<16xi32>
    %select_n3A_504 = arith.select %eq3A_496, %sub3A_503, %select_n3A_493 : vector<16xi1>, vector<16xi32>
    %eq3A_505 = arith.constant 5 : i32
    %eq3A_506 = vector.broadcast %eq3A_505 : i32 to vector<16xi32>
    %eq3A_507 = arith.cmpi eq, %get3A_448, %eq3A_506 : vector<16xi32>
    %convert_element_type3A_508 = arith.extui %eq3A_507 : vector<16xi1> to vector<16xi32>
    %broadcast_in_dim3A_509 = arith.constant true
    %broadcast_in_dim3A_510 = vector.broadcast %broadcast_in_dim3A_509 : i1 to vector<16xi1>
    %masked_cumsum3A_511 = tpu.scan <sum>, %convert_element_type3A_508 masked %broadcast_in_dim3A_510 : vector<16xi32>, vector<16xi1> -> vector<16xi32>
    %sub3A_512 = arith.constant 1 : i32
    %sub3A_513 = vector.broadcast %sub3A_512 : i32 to vector<16xi32>
    %sub3A_514 = arith.subi %masked_cumsum3A_511, %sub3A_513 : vector<16xi32>
    %select_n3A_515 = arith.select %eq3A_507, %sub3A_514, %select_n3A_504 : vector<16xi1>, vector<16xi32>
    %eq3A_516 = arith.constant 6 : i32
    %eq3A_517 = vector.broadcast %eq3A_516 : i32 to vector<16xi32>
    %eq3A_518 = arith.cmpi eq, %get3A_448, %eq3A_517 : vector<16xi32>
    %convert_element_type3A_519 = arith.extui %eq3A_518 : vector<16xi1> to vector<16xi32>
    %broadcast_in_dim3A_520 = arith.constant true
    %broadcast_in_dim3A_521 = vector.broadcast %broadcast_in_dim3A_520 : i1 to vector<16xi1>
    %masked_cumsum3A_522 = tpu.scan <sum>, %convert_element_type3A_519 masked %broadcast_in_dim3A_521 : vector<16xi32>, vector<16xi1> -> vector<16xi32>
    %sub3A_523 = arith.constant 1 : i32
    %sub3A_524 = vector.broadcast %sub3A_523 : i32 to vector<16xi32>
    %sub3A_525 = arith.subi %masked_cumsum3A_522, %sub3A_524 : vector<16xi32>
    %select_n3A_526 = arith.select %eq3A_518, %sub3A_525, %select_n3A_515 : vector<16xi1>, vector<16xi32>
    %eq3A_527 = arith.constant 7 : i32
    %eq3A_528 = vector.broadcast %eq3A_527 : i32 to vector<16xi32>
    %eq3A_529 = arith.cmpi eq, %get3A_448, %eq3A_528 : vector<16xi32>
    %convert_element_type3A_530 = arith.extui %eq3A_529 : vector<16xi1> to vector<16xi32>
    %broadcast_in_dim3A_531 = arith.constant true
    %broadcast_in_dim3A_532 = vector.broadcast %broadcast_in_dim3A_531 : i1 to vector<16xi1>
    %masked_cumsum3A_533 = tpu.scan <sum>, %convert_element_type3A_530 masked %broadcast_in_dim3A_532 : vector<16xi32>, vector<16xi1> -> vector<16xi32>
    %sub3A_534 = arith.constant 1 : i32
    %sub3A_535 = vector.broadcast %sub3A_534 : i32 to vector<16xi32>
    %sub3A_536 = arith.subi %masked_cumsum3A_533, %sub3A_535 : vector<16xi32>
    %select_n3A_537 = arith.select %eq3A_529, %sub3A_536, %select_n3A_526 : vector<16xi1>, vector<16xi32>
    tpu.vector_store_idx %arg9[%get3A_448], %broadcast_in_dim3A_5 {add = true} : memref<16xi32, #tpu.memory_space<vmem>>[vector<16xi32>], vector<16xi32>,
    %add3A_538 = arith.addi %gather3A_449, %select_n3A_537 : vector<16xi32>
    %swap3A_539 = arith.constant 4 : i32
    %swap3A_540 = arith.index_cast %swap3A_539 : i32 to index
    %swap3A_541 = arith.constant 0 : index
    %swap3A_542 = tpu.vector_load %arg10[%swap3A_540, %swap3A_541] {strides = array<i32>} : memref<16x16xi32, #tpu.memory_space<vmem>>, vector<16xi32>,
    tpu.vector_store %arg10[%swap3A_540, %swap3A_541], %add3A_538 {strides = array<i32>} : memref<16x16xi32, #tpu.memory_space<vmem>>, vector<16xi32>,
    %add3A_543 = arith.constant 5 : i32
    %add3A_544 = arith.addi %mul3A_4, %add3A_543 : i32
    %mul3A_545 = arith.constant 16 : i32
    %mul3A_546 = arith.muli %add3A_544, %mul3A_545 : i32
    %get3A_547 = arith.index_cast %mul3A_546 : i32 to index
    %get3A_548 = tpu.vector_load %arg7[%get3A_547] {strides = array<i32>} : memref<8192xi32, #tpu.memory_space<vmem>>, vector<16xi32>,
    %gather3A_549 = tpu.vector_load_idx %arg9[%get3A_548] : memref<16xi32, #tpu.memory_space<vmem>>[vector<16xi32>], vector<16xi32>,
    %eq3A_550 = arith.constant 0 : i32
    %eq3A_551 = vector.broadcast %eq3A_550 : i32 to vector<16xi32>
    %eq3A_552 = arith.cmpi eq, %get3A_548, %eq3A_551 : vector<16xi32>
    %convert_element_type3A_553 = arith.extui %eq3A_552 : vector<16xi1> to vector<16xi32>
    %broadcast_in_dim3A_554 = arith.constant true
    %broadcast_in_dim3A_555 = vector.broadcast %broadcast_in_dim3A_554 : i1 to vector<16xi1>
    %masked_cumsum3A_556 = tpu.scan <sum>, %convert_element_type3A_553 masked %broadcast_in_dim3A_555 : vector<16xi32>, vector<16xi1> -> vector<16xi32>
    %sub3A_557 = arith.constant 1 : i32
    %sub3A_558 = vector.broadcast %sub3A_557 : i32 to vector<16xi32>
    %sub3A_559 = arith.subi %masked_cumsum3A_556, %sub3A_558 : vector<16xi32>
    %select_n3A_560 = arith.select %eq3A_552, %sub3A_559, %broadcast_in_dim3A_7 : vector<16xi1>, vector<16xi32>
    %eq3A_561 = arith.constant 1 : i32
    %eq3A_562 = vector.broadcast %eq3A_561 : i32 to vector<16xi32>
    %eq3A_563 = arith.cmpi eq, %get3A_548, %eq3A_562 : vector<16xi32>
    %convert_element_type3A_564 = arith.extui %eq3A_563 : vector<16xi1> to vector<16xi32>
    %broadcast_in_dim3A_565 = arith.constant true
    %broadcast_in_dim3A_566 = vector.broadcast %broadcast_in_dim3A_565 : i1 to vector<16xi1>
    %masked_cumsum3A_567 = tpu.scan <sum>, %convert_element_type3A_564 masked %broadcast_in_dim3A_566 : vector<16xi32>, vector<16xi1> -> vector<16xi32>
    %sub3A_568 = arith.constant 1 : i32
    %sub3A_569 = vector.broadcast %sub3A_568 : i32 to vector<16xi32>
    %sub3A_570 = arith.subi %masked_cumsum3A_567, %sub3A_569 : vector<16xi32>
    %select_n3A_571 = arith.select %eq3A_563, %sub3A_570, %select_n3A_560 : vector<16xi1>, vector<16xi32>
    %eq3A_572 = arith.constant 2 : i32
    %eq3A_573 = vector.broadcast %eq3A_572 : i32 to vector<16xi32>
    %eq3A_574 = arith.cmpi eq, %get3A_548, %eq3A_573 : vector<16xi32>
    %convert_element_type3A_575 = arith.extui %eq3A_574 : vector<16xi1> to vector<16xi32>
    %broadcast_in_dim3A_576 = arith.constant true
    %broadcast_in_dim3A_577 = vector.broadcast %broadcast_in_dim3A_576 : i1 to vector<16xi1>
    %masked_cumsum3A_578 = tpu.scan <sum>, %convert_element_type3A_575 masked %broadcast_in_dim3A_577 : vector<16xi32>, vector<16xi1> -> vector<16xi32>
    %sub3A_579 = arith.constant 1 : i32
    %sub3A_580 = vector.broadcast %sub3A_579 : i32 to vector<16xi32>
    %sub3A_581 = arith.subi %masked_cumsum3A_578, %sub3A_580 : vector<16xi32>
    %select_n3A_582 = arith.select %eq3A_574, %sub3A_581, %select_n3A_571 : vector<16xi1>, vector<16xi32>
    %eq3A_583 = arith.constant 3 : i32
    %eq3A_584 = vector.broadcast %eq3A_583 : i32 to vector<16xi32>
    %eq3A_585 = arith.cmpi eq, %get3A_548, %eq3A_584 : vector<16xi32>
    %convert_element_type3A_586 = arith.extui %eq3A_585 : vector<16xi1> to vector<16xi32>
    %broadcast_in_dim3A_587 = arith.constant true
    %broadcast_in_dim3A_588 = vector.broadcast %broadcast_in_dim3A_587 : i1 to vector<16xi1>
    %masked_cumsum3A_589 = tpu.scan <sum>, %convert_element_type3A_586 masked %broadcast_in_dim3A_588 : vector<16xi32>, vector<16xi1> -> vector<16xi32>
    %sub3A_590 = arith.constant 1 : i32
    %sub3A_591 = vector.broadcast %sub3A_590 : i32 to vector<16xi32>
    %sub3A_592 = arith.subi %masked_cumsum3A_589, %sub3A_591 : vector<16xi32>
    %select_n3A_593 = arith.select %eq3A_585, %sub3A_592, %select_n3A_582 : vector<16xi1>, vector<16xi32>
    %eq3A_594 = arith.constant 4 : i32
    %eq3A_595 = vector.broadcast %eq3A_594 : i32 to vector<16xi32>
    %eq3A_596 = arith.cmpi eq, %get3A_548, %eq3A_595 : vector<16xi32>
    %convert_element_type3A_597 = arith.extui %eq3A_596 : vector<16xi1> to vector<16xi32>
    %broadcast_in_dim3A_598 = arith.constant true
    %broadcast_in_dim3A_599 = vector.broadcast %broadcast_in_dim3A_598 : i1 to vector<16xi1>
    %masked_cumsum3A_600 = tpu.scan <sum>, %convert_element_type3A_597 masked %broadcast_in_dim3A_599 : vector<16xi32>, vector<16xi1> -> vector<16xi32>
    %sub3A_601 = arith.constant 1 : i32
    %sub3A_602 = vector.broadcast %sub3A_601 : i32 to vector<16xi32>
    %sub3A_603 = arith.subi %masked_cumsum3A_600, %sub3A_602 : vector<16xi32>
    %select_n3A_604 = arith.select %eq3A_596, %sub3A_603, %select_n3A_593 : vector<16xi1>, vector<16xi32>
    %eq3A_605 = arith.constant 5 : i32
    %eq3A_606 = vector.broadcast %eq3A_605 : i32 to vector<16xi32>
    %eq3A_607 = arith.cmpi eq, %get3A_548, %eq3A_606 : vector<16xi32>
    %convert_element_type3A_608 = arith.extui %eq3A_607 : vector<16xi1> to vector<16xi32>
    %broadcast_in_dim3A_609 = arith.constant true
    %broadcast_in_dim3A_610 = vector.broadcast %broadcast_in_dim3A_609 : i1 to vector<16xi1>
    %masked_cumsum3A_611 = tpu.scan <sum>, %convert_element_type3A_608 masked %broadcast_in_dim3A_610 : vector<16xi32>, vector<16xi1> -> vector<16xi32>
    %sub3A_612 = arith.constant 1 : i32
    %sub3A_613 = vector.broadcast %sub3A_612 : i32 to vector<16xi32>
    %sub3A_614 = arith.subi %masked_cumsum3A_611, %sub3A_613 : vector<16xi32>
    %select_n3A_615 = arith.select %eq3A_607, %sub3A_614, %select_n3A_604 : vector<16xi1>, vector<16xi32>
    %eq3A_616 = arith.constant 6 : i32
    %eq3A_617 = vector.broadcast %eq3A_616 : i32 to vector<16xi32>
    %eq3A_618 = arith.cmpi eq, %get3A_548, %eq3A_617 : vector<16xi32>
    %convert_element_type3A_619 = arith.extui %eq3A_618 : vector<16xi1> to vector<16xi32>
    %broadcast_in_dim3A_620 = arith.constant true
    %broadcast_in_dim3A_621 = vector.broadcast %broadcast_in_dim3A_620 : i1 to vector<16xi1>
    %masked_cumsum3A_622 = tpu.scan <sum>, %convert_element_type3A_619 masked %broadcast_in_dim3A_621 : vector<16xi32>, vector<16xi1> -> vector<16xi32>
    %sub3A_623 = arith.constant 1 : i32
    %sub3A_624 = vector.broadcast %sub3A_623 : i32 to vector<16xi32>
    %sub3A_625 = arith.subi %masked_cumsum3A_622, %sub3A_624 : vector<16xi32>
    %select_n3A_626 = arith.select %eq3A_618, %sub3A_625, %select_n3A_615 : vector<16xi1>, vector<16xi32>
    %eq3A_627 = arith.constant 7 : i32
    %eq3A_628 = vector.broadcast %eq3A_627 : i32 to vector<16xi32>
    %eq3A_629 = arith.cmpi eq, %get3A_548, %eq3A_628 : vector<16xi32>
    %convert_element_type3A_630 = arith.extui %eq3A_629 : vector<16xi1> to vector<16xi32>
    %broadcast_in_dim3A_631 = arith.constant true
    %broadcast_in_dim3A_632 = vector.broadcast %broadcast_in_dim3A_631 : i1 to vector<16xi1>
    %masked_cumsum3A_633 = tpu.scan <sum>, %convert_element_type3A_630 masked %broadcast_in_dim3A_632 : vector<16xi32>, vector<16xi1> -> vector<16xi32>
    %sub3A_634 = arith.constant 1 : i32
    %sub3A_635 = vector.broadcast %sub3A_634 : i32 to vector<16xi32>
    %sub3A_636 = arith.subi %masked_cumsum3A_633, %sub3A_635 : vector<16xi32>
    %select_n3A_637 = arith.select %eq3A_629, %sub3A_636, %select_n3A_626 : vector<16xi1>, vector<16xi32>
    tpu.vector_store_idx %arg9[%get3A_548], %broadcast_in_dim3A_5 {add = true} : memref<16xi32, #tpu.memory_space<vmem>>[vector<16xi32>], vector<16xi32>,
    %add3A_638 = arith.addi %gather3A_549, %select_n3A_637 : vector<16xi32>
    %swap3A_639 = arith.constant 5 : i32
    %swap3A_640 = arith.index_cast %swap3A_639 : i32 to index
    %swap3A_641 = arith.constant 0 : index
    %swap3A_642 = tpu.vector_load %arg10[%swap3A_640, %swap3A_641] {strides = array<i32>} : memref<16x16xi32, #tpu.memory_space<vmem>>, vector<16xi32>,
    tpu.vector_store %arg10[%swap3A_640, %swap3A_641], %add3A_638 {strides = array<i32>} : memref<16x16xi32, #tpu.memory_space<vmem>>, vector<16xi32>,
    %add3A_643 = arith.constant 6 : i32
    %add3A_644 = arith.addi %mul3A_4, %add3A_643 : i32
    %mul3A_645 = arith.constant 16 : i32
    %mul3A_646 = arith.muli %add3A_644, %mul3A_645 : i32
    %get3A_647 = arith.index_cast %mul3A_646 : i32 to index
    %get3A_648 = tpu.vector_load %arg7[%get3A_647] {strides = array<i32>} : memref<8192xi32, #tpu.memory_space<vmem>>, vector<16xi32>,
    %gather3A_649 = tpu.vector_load_idx %arg9[%get3A_648] : memref<16xi32, #tpu.memory_space<vmem>>[vector<16xi32>], vector<16xi32>,
    %eq3A_650 = arith.constant 0 : i32
    %eq3A_651 = vector.broadcast %eq3A_650 : i32 to vector<16xi32>
    %eq3A_652 = arith.cmpi eq, %get3A_648, %eq3A_651 : vector<16xi32>
    %convert_element_type3A_653 = arith.extui %eq3A_652 : vector<16xi1> to vector<16xi32>
    %broadcast_in_dim3A_654 = arith.constant true
    %broadcast_in_dim3A_655 = vector.broadcast %broadcast_in_dim3A_654 : i1 to vector<16xi1>
    %masked_cumsum3A_656 = tpu.scan <sum>, %convert_element_type3A_653 masked %broadcast_in_dim3A_655 : vector<16xi32>, vector<16xi1> -> vector<16xi32>
    %sub3A_657 = arith.constant 1 : i32
    %sub3A_658 = vector.broadcast %sub3A_657 : i32 to vector<16xi32>
    %sub3A_659 = arith.subi %masked_cumsum3A_656, %sub3A_658 : vector<16xi32>
    %select_n3A_660 = arith.select %eq3A_652, %sub3A_659, %broadcast_in_dim3A_7 : vector<16xi1>, vector<16xi32>
    %eq3A_661 = arith.constant 1 : i32
    %eq3A_662 = vector.broadcast %eq3A_661 : i32 to vector<16xi32>
    %eq3A_663 = arith.cmpi eq, %get3A_648, %eq3A_662 : vector<16xi32>
    %convert_element_type3A_664 = arith.extui %eq3A_663 : vector<16xi1> to vector<16xi32>
    %broadcast_in_dim3A_665 = arith.constant true
    %broadcast_in_dim3A_666 = vector.broadcast %broadcast_in_dim3A_665 : i1 to vector<16xi1>
    %masked_cumsum3A_667 = tpu.scan <sum>, %convert_element_type3A_664 masked %broadcast_in_dim3A_666 : vector<16xi32>, vector<16xi1> -> vector<16xi32>
    %sub3A_668 = arith.constant 1 : i32
    %sub3A_669 = vector.broadcast %sub3A_668 : i32 to vector<16xi32>
    %sub3A_670 = arith.subi %masked_cumsum3A_667, %sub3A_669 : vector<16xi32>
    %select_n3A_671 = arith.select %eq3A_663, %sub3A_670, %select_n3A_660 : vector<16xi1>, vector<16xi32>
    %eq3A_672 = arith.constant 2 : i32
    %eq3A_673 = vector.broadcast %eq3A_672 : i32 to vector<16xi32>
    %eq3A_674 = arith.cmpi eq, %get3A_648, %eq3A_673 : vector<16xi32>
    %convert_element_type3A_675 = arith.extui %eq3A_674 : vector<16xi1> to vector<16xi32>
    %broadcast_in_dim3A_676 = arith.constant true
    %broadcast_in_dim3A_677 = vector.broadcast %broadcast_in_dim3A_676 : i1 to vector<16xi1>
    %masked_cumsum3A_678 = tpu.scan <sum>, %convert_element_type3A_675 masked %broadcast_in_dim3A_677 : vector<16xi32>, vector<16xi1> -> vector<16xi32>
    %sub3A_679 = arith.constant 1 : i32
    %sub3A_680 = vector.broadcast %sub3A_679 : i32 to vector<16xi32>
    %sub3A_681 = arith.subi %masked_cumsum3A_678, %sub3A_680 : vector<16xi32>
    %select_n3A_682 = arith.select %eq3A_674, %sub3A_681, %select_n3A_671 : vector<16xi1>, vector<16xi32>
    %eq3A_683 = arith.constant 3 : i32
    %eq3A_684 = vector.broadcast %eq3A_683 : i32 to vector<16xi32>
    %eq3A_685 = arith.cmpi eq, %get3A_648, %eq3A_684 : vector<16xi32>
    %convert_element_type3A_686 = arith.extui %eq3A_685 : vector<16xi1> to vector<16xi32>
    %broadcast_in_dim3A_687 = arith.constant true
    %broadcast_in_dim3A_688 = vector.broadcast %broadcast_in_dim3A_687 : i1 to vector<16xi1>
    %masked_cumsum3A_689 = tpu.scan <sum>, %convert_element_type3A_686 masked %broadcast_in_dim3A_688 : vector<16xi32>, vector<16xi1> -> vector<16xi32>
    %sub3A_690 = arith.constant 1 : i32
    %sub3A_691 = vector.broadcast %sub3A_690 : i32 to vector<16xi32>
    %sub3A_692 = arith.subi %masked_cumsum3A_689, %sub3A_691 : vector<16xi32>
    %select_n3A_693 = arith.select %eq3A_685, %sub3A_692, %select_n3A_682 : vector<16xi1>, vector<16xi32>
    %eq3A_694 = arith.constant 4 : i32
    %eq3A_695 = vector.broadcast %eq3A_694 : i32 to vector<16xi32>
    %eq3A_696 = arith.cmpi eq, %get3A_648, %eq3A_695 : vector<16xi32>
    %convert_element_type3A_697 = arith.extui %eq3A_696 : vector<16xi1> to vector<16xi32>
    %broadcast_in_dim3A_698 = arith.constant true
    %broadcast_in_dim3A_699 = vector.broadcast %broadcast_in_dim3A_698 : i1 to vector<16xi1>
    %masked_cumsum3A_700 = tpu.scan <sum>, %convert_element_type3A_697 masked %broadcast_in_dim3A_699 : vector<16xi32>, vector<16xi1> -> vector<16xi32>
    %sub3A_701 = arith.constant 1 : i32
    %sub3A_702 = vector.broadcast %sub3A_701 : i32 to vector<16xi32>
    %sub3A_703 = arith.subi %masked_cumsum3A_700, %sub3A_702 : vector<16xi32>
    %select_n3A_704 = arith.select %eq3A_696, %sub3A_703, %select_n3A_693 : vector<16xi1>, vector<16xi32>
    %eq3A_705 = arith.constant 5 : i32
    %eq3A_706 = vector.broadcast %eq3A_705 : i32 to vector<16xi32>
    %eq3A_707 = arith.cmpi eq, %get3A_648, %eq3A_706 : vector<16xi32>
    %convert_element_type3A_708 = arith.extui %eq3A_707 : vector<16xi1> to vector<16xi32>
    %broadcast_in_dim3A_709 = arith.constant true
    %broadcast_in_dim3A_710 = vector.broadcast %broadcast_in_dim3A_709 : i1 to vector<16xi1>
    %masked_cumsum3A_711 = tpu.scan <sum>, %convert_element_type3A_708 masked %broadcast_in_dim3A_710 : vector<16xi32>, vector<16xi1> -> vector<16xi32>
    %sub3A_712 = arith.constant 1 : i32
    %sub3A_713 = vector.broadcast %sub3A_712 : i32 to vector<16xi32>
    %sub3A_714 = arith.subi %masked_cumsum3A_711, %sub3A_713 : vector<16xi32>
    %select_n3A_715 = arith.select %eq3A_707, %sub3A_714, %select_n3A_704 : vector<16xi1>, vector<16xi32>
    %eq3A_716 = arith.constant 6 : i32
    %eq3A_717 = vector.broadcast %eq3A_716 : i32 to vector<16xi32>
    %eq3A_718 = arith.cmpi eq, %get3A_648, %eq3A_717 : vector<16xi32>
    %convert_element_type3A_719 = arith.extui %eq3A_718 : vector<16xi1> to vector<16xi32>
    %broadcast_in_dim3A_720 = arith.constant true
    %broadcast_in_dim3A_721 = vector.broadcast %broadcast_in_dim3A_720 : i1 to vector<16xi1>
    %masked_cumsum3A_722 = tpu.scan <sum>, %convert_element_type3A_719 masked %broadcast_in_dim3A_721 : vector<16xi32>, vector<16xi1> -> vector<16xi32>
    %sub3A_723 = arith.constant 1 : i32
    %sub3A_724 = vector.broadcast %sub3A_723 : i32 to vector<16xi32>
    %sub3A_725 = arith.subi %masked_cumsum3A_722, %sub3A_724 : vector<16xi32>
    %select_n3A_726 = arith.select %eq3A_718, %sub3A_725, %select_n3A_715 : vector<16xi1>, vector<16xi32>
    %eq3A_727 = arith.constant 7 : i32
    %eq3A_728 = vector.broadcast %eq3A_727 : i32 to vector<16xi32>
    %eq3A_729 = arith.cmpi eq, %get3A_648, %eq3A_728 : vector<16xi32>
    %convert_element_type3A_730 = arith.extui %eq3A_729 : vector<16xi1> to vector<16xi32>
    %broadcast_in_dim3A_731 = arith.constant true
    %broadcast_in_dim3A_732 = vector.broadcast %broadcast_in_dim3A_731 : i1 to vector<16xi1>
    %masked_cumsum3A_733 = tpu.scan <sum>, %convert_element_type3A_730 masked %broadcast_in_dim3A_732 : vector<16xi32>, vector<16xi1> -> vector<16xi32>
    %sub3A_734 = arith.constant 1 : i32
    %sub3A_735 = vector.broadcast %sub3A_734 : i32 to vector<16xi32>
    %sub3A_736 = arith.subi %masked_cumsum3A_733, %sub3A_735 : vector<16xi32>
    %select_n3A_737 = arith.select %eq3A_729, %sub3A_736, %select_n3A_726 : vector<16xi1>, vector<16xi32>
    tpu.vector_store_idx %arg9[%get3A_648], %broadcast_in_dim3A_5 {add = true} : memref<16xi32, #tpu.memory_space<vmem>>[vector<16xi32>], vector<16xi32>,
    %add3A_738 = arith.addi %gather3A_649, %select_n3A_737 : vector<16xi32>
    %swap3A_739 = arith.constant 6 : i32
    %swap3A_740 = arith.index_cast %swap3A_739 : i32 to index
    %swap3A_741 = arith.constant 0 : index
    %swap3A_742 = tpu.vector_load %arg10[%swap3A_740, %swap3A_741] {strides = array<i32>} : memref<16x16xi32, #tpu.memory_space<vmem>>, vector<16xi32>,
    tpu.vector_store %arg10[%swap3A_740, %swap3A_741], %add3A_738 {strides = array<i32>} : memref<16x16xi32, #tpu.memory_space<vmem>>, vector<16xi32>,
    %add3A_743 = arith.constant 7 : i32
    %add3A_744 = arith.addi %mul3A_4, %add3A_743 : i32
    %mul3A_745 = arith.constant 16 : i32
    %mul3A_746 = arith.muli %add3A_744, %mul3A_745 : i32
    %get3A_747 = arith.index_cast %mul3A_746 : i32 to index
    %get3A_748 = tpu.vector_load %arg7[%get3A_747] {strides = array<i32>} : memref<8192xi32, #tpu.memory_space<vmem>>, vector<16xi32>,
    %gather3A_749 = tpu.vector_load_idx %arg9[%get3A_748] : memref<16xi32, #tpu.memory_space<vmem>>[vector<16xi32>], vector<16xi32>,
    %eq3A_750 = arith.constant 0 : i32
    %eq3A_751 = vector.broadcast %eq3A_750 : i32 to vector<16xi32>
    %eq3A_752 = arith.cmpi eq, %get3A_748, %eq3A_751 : vector<16xi32>
    %convert_element_type3A_753 = arith.extui %eq3A_752 : vector<16xi1> to vector<16xi32>
    %broadcast_in_dim3A_754 = arith.constant true
    %broadcast_in_dim3A_755 = vector.broadcast %broadcast_in_dim3A_754 : i1 to vector<16xi1>
    %masked_cumsum3A_756 = tpu.scan <sum>, %convert_element_type3A_753 masked %broadcast_in_dim3A_755 : vector<16xi32>, vector<16xi1> -> vector<16xi32>
    %sub3A_757 = arith.constant 1 : i32
    %sub3A_758 = vector.broadcast %sub3A_757 : i32 to vector<16xi32>
    %sub3A_759 = arith.subi %masked_cumsum3A_756, %sub3A_758 : vector<16xi32>
    %select_n3A_760 = arith.select %eq3A_752, %sub3A_759, %broadcast_in_dim3A_7 : vector<16xi1>, vector<16xi32>
    %eq3A_761 = arith.constant 1 : i32
    %eq3A_762 = vector.broadcast %eq3A_761 : i32 to vector<16xi32>
    %eq3A_763 = arith.cmpi eq, %get3A_748, %eq3A_762 : vector<16xi32>
    %convert_element_type3A_764 = arith.extui %eq3A_763 : vector<16xi1> to vector<16xi32>
    %broadcast_in_dim3A_765 = arith.constant true
    %broadcast_in_dim3A_766 = vector.broadcast %broadcast_in_dim3A_765 : i1 to vector<16xi1>
    %masked_cumsum3A_767 = tpu.scan <sum>, %convert_element_type3A_764 masked %broadcast_in_dim3A_766 : vector<16xi32>, vector<16xi1> -> vector<16xi32>
    %sub3A_768 = arith.constant 1 : i32
    %sub3A_769 = vector.broadcast %sub3A_768 : i32 to vector<16xi32>
    %sub3A_770 = arith.subi %masked_cumsum3A_767, %sub3A_769 : vector<16xi32>
    %select_n3A_771 = arith.select %eq3A_763, %sub3A_770, %select_n3A_760 : vector<16xi1>, vector<16xi32>
    %eq3A_772 = arith.constant 2 : i32
    %eq3A_773 = vector.broadcast %eq3A_772 : i32 to vector<16xi32>
    %eq3A_774 = arith.cmpi eq, %get3A_748, %eq3A_773 : vector<16xi32>
    %convert_element_type3A_775 = arith.extui %eq3A_774 : vector<16xi1> to vector<16xi32>
    %broadcast_in_dim3A_776 = arith.constant true
    %broadcast_in_dim3A_777 = vector.broadcast %broadcast_in_dim3A_776 : i1 to vector<16xi1>
    %masked_cumsum3A_778 = tpu.scan <sum>, %convert_element_type3A_775 masked %broadcast_in_dim3A_777 : vector<16xi32>, vector<16xi1> -> vector<16xi32>
    %sub3A_779 = arith.constant 1 : i32
    %sub3A_780 = vector.broadcast %sub3A_779 : i32 to vector<16xi32>
    %sub3A_781 = arith.subi %masked_cumsum3A_778, %sub3A_780 : vector<16xi32>
    %select_n3A_782 = arith.select %eq3A_774, %sub3A_781, %select_n3A_771 : vector<16xi1>, vector<16xi32>
    %eq3A_783 = arith.constant 3 : i32
    %eq3A_784 = vector.broadcast %eq3A_783 : i32 to vector<16xi32>
    %eq3A_785 = arith.cmpi eq, %get3A_748, %eq3A_784 : vector<16xi32>
    %convert_element_type3A_786 = arith.extui %eq3A_785 : vector<16xi1> to vector<16xi32>
    %broadcast_in_dim3A_787 = arith.constant true
    %broadcast_in_dim3A_788 = vector.broadcast %broadcast_in_dim3A_787 : i1 to vector<16xi1>
    %masked_cumsum3A_789 = tpu.scan <sum>, %convert_element_type3A_786 masked %broadcast_in_dim3A_788 : vector<16xi32>, vector<16xi1> -> vector<16xi32>
    %sub3A_790 = arith.constant 1 : i32
    %sub3A_791 = vector.broadcast %sub3A_790 : i32 to vector<16xi32>
    %sub3A_792 = arith.subi %masked_cumsum3A_789, %sub3A_791 : vector<16xi32>
    %select_n3A_793 = arith.select %eq3A_785, %sub3A_792, %select_n3A_782 : vector<16xi1>, vector<16xi32>
    %eq3A_794 = arith.constant 4 : i32
    %eq3A_795 = vector.broadcast %eq3A_794 : i32 to vector<16xi32>
    %eq3A_796 = arith.cmpi eq, %get3A_748, %eq3A_795 : vector<16xi32>
    %convert_element_type3A_797 = arith.extui %eq3A_796 : vector<16xi1> to vector<16xi32>
    %broadcast_in_dim3A_798 = arith.constant true
    %broadcast_in_dim3A_799 = vector.broadcast %broadcast_in_dim3A_798 : i1 to vector<16xi1>
    %masked_cumsum3A_800 = tpu.scan <sum>, %convert_element_type3A_797 masked %broadcast_in_dim3A_799 : vector<16xi32>, vector<16xi1> -> vector<16xi32>
    %sub3A_801 = arith.constant 1 : i32
    %sub3A_802 = vector.broadcast %sub3A_801 : i32 to vector<16xi32>
    %sub3A_803 = arith.subi %masked_cumsum3A_800, %sub3A_802 : vector<16xi32>
    %select_n3A_804 = arith.select %eq3A_796, %sub3A_803, %select_n3A_793 : vector<16xi1>, vector<16xi32>
    %eq3A_805 = arith.constant 5 : i32
    %eq3A_806 = vector.broadcast %eq3A_805 : i32 to vector<16xi32>
    %eq3A_807 = arith.cmpi eq, %get3A_748, %eq3A_806 : vector<16xi32>
    %convert_element_type3A_808 = arith.extui %eq3A_807 : vector<16xi1> to vector<16xi32>
    %broadcast_in_dim3A_809 = arith.constant true
    %broadcast_in_dim3A_810 = vector.broadcast %broadcast_in_dim3A_809 : i1 to vector<16xi1>
    %masked_cumsum3A_811 = tpu.scan <sum>, %convert_element_type3A_808 masked %broadcast_in_dim3A_810 : vector<16xi32>, vector<16xi1> -> vector<16xi32>
    %sub3A_812 = arith.constant 1 : i32
    %sub3A_813 = vector.broadcast %sub3A_812 : i32 to vector<16xi32>
    %sub3A_814 = arith.subi %masked_cumsum3A_811, %sub3A_813 : vector<16xi32>
    %select_n3A_815 = arith.select %eq3A_807, %sub3A_814, %select_n3A_804 : vector<16xi1>, vector<16xi32>
    %eq3A_816 = arith.constant 6 : i32
    %eq3A_817 = vector.broadcast %eq3A_816 : i32 to vector<16xi32>
    %eq3A_818 = arith.cmpi eq, %get3A_748, %eq3A_817 : vector<16xi32>
    %convert_element_type3A_819 = arith.extui %eq3A_818 : vector<16xi1> to vector<16xi32>
    %broadcast_in_dim3A_820 = arith.constant true
    %broadcast_in_dim3A_821 = vector.broadcast %broadcast_in_dim3A_820 : i1 to vector<16xi1>
    %masked_cumsum3A_822 = tpu.scan <sum>, %convert_element_type3A_819 masked %broadcast_in_dim3A_821 : vector<16xi32>, vector<16xi1> -> vector<16xi32>
    %sub3A_823 = arith.constant 1 : i32
    %sub3A_824 = vector.broadcast %sub3A_823 : i32 to vector<16xi32>
    %sub3A_825 = arith.subi %masked_cumsum3A_822, %sub3A_824 : vector<16xi32>
    %select_n3A_826 = arith.select %eq3A_818, %sub3A_825, %select_n3A_815 : vector<16xi1>, vector<16xi32>
    %eq3A_827 = arith.constant 7 : i32
    %eq3A_828 = vector.broadcast %eq3A_827 : i32 to vector<16xi32>
    %eq3A_829 = arith.cmpi eq, %get3A_748, %eq3A_828 : vector<16xi32>
    %convert_element_type3A_830 = arith.extui %eq3A_829 : vector<16xi1> to vector<16xi32>
    %broadcast_in_dim3A_831 = arith.constant true
    %broadcast_in_dim3A_832 = vector.broadcast %broadcast_in_dim3A_831 : i1 to vector<16xi1>
    %masked_cumsum3A_833 = tpu.scan <sum>, %convert_element_type3A_830 masked %broadcast_in_dim3A_832 : vector<16xi32>, vector<16xi1> -> vector<16xi32>
    %sub3A_834 = arith.constant 1 : i32
    %sub3A_835 = vector.broadcast %sub3A_834 : i32 to vector<16xi32>
    %sub3A_836 = arith.subi %masked_cumsum3A_833, %sub3A_835 : vector<16xi32>
    %select_n3A_837 = arith.select %eq3A_829, %sub3A_836, %select_n3A_826 : vector<16xi1>, vector<16xi32>
    tpu.vector_store_idx %arg9[%get3A_748], %broadcast_in_dim3A_5 {add = true} : memref<16xi32, #tpu.memory_space<vmem>>[vector<16xi32>], vector<16xi32>,
    %add3A_838 = arith.addi %gather3A_749, %select_n3A_837 : vector<16xi32>
    %swap3A_839 = arith.constant 7 : i32
    %swap3A_840 = arith.index_cast %swap3A_839 : i32 to index
    %swap3A_841 = arith.constant 0 : index
    %swap3A_842 = tpu.vector_load %arg10[%swap3A_840, %swap3A_841] {strides = array<i32>} : memref<16x16xi32, #tpu.memory_space<vmem>>, vector<16xi32>,
    tpu.vector_store %arg10[%swap3A_840, %swap3A_841], %add3A_838 {strides = array<i32>} : memref<16x16xi32, #tpu.memory_space<vmem>>, vector<16xi32>,
    %add3A_843 = arith.constant 8 : i32
    %add3A_844 = arith.addi %mul3A_4, %add3A_843 : i32
    %mul3A_845 = arith.constant 16 : i32
    %mul3A_846 = arith.muli %add3A_844, %mul3A_845 : i32
    %get3A_847 = arith.index_cast %mul3A_846 : i32 to index
    %get3A_848 = tpu.vector_load %arg7[%get3A_847] {strides = array<i32>} : memref<8192xi32, #tpu.memory_space<vmem>>, vector<16xi32>,
    %gather3A_849 = tpu.vector_load_idx %arg9[%get3A_848] : memref<16xi32, #tpu.memory_space<vmem>>[vector<16xi32>], vector<16xi32>,
    %eq3A_850 = arith.constant 0 : i32
    %eq3A_851 = vector.broadcast %eq3A_850 : i32 to vector<16xi32>
    %eq3A_852 = arith.cmpi eq, %get3A_848, %eq3A_851 : vector<16xi32>
    %convert_element_type3A_853 = arith.extui %eq3A_852 : vector<16xi1> to vector<16xi32>
    %broadcast_in_dim3A_854 = arith.constant true
    %broadcast_in_dim3A_855 = vector.broadcast %broadcast_in_dim3A_854 : i1 to vector<16xi1>
    %masked_cumsum3A_856 = tpu.scan <sum>, %convert_element_type3A_853 masked %broadcast_in_dim3A_855 : vector<16xi32>, vector<16xi1> -> vector<16xi32>
    %sub3A_857 = arith.constant 1 : i32
    %sub3A_858 = vector.broadcast %sub3A_857 : i32 to vector<16xi32>
    %sub3A_859 = arith.subi %masked_cumsum3A_856, %sub3A_858 : vector<16xi32>
    %select_n3A_860 = arith.select %eq3A_852, %sub3A_859, %broadcast_in_dim3A_7 : vector<16xi1>, vector<16xi32>
    %eq3A_861 = arith.constant 1 : i32
    %eq3A_862 = vector.broadcast %eq3A_861 : i32 to vector<16xi32>
    %eq3A_863 = arith.cmpi eq, %get3A_848, %eq3A_862 : vector<16xi32>
    %convert_element_type3A_864 = arith.extui %eq3A_863 : vector<16xi1> to vector<16xi32>
    %broadcast_in_dim3A_865 = arith.constant true
    %broadcast_in_dim3A_866 = vector.broadcast %broadcast_in_dim3A_865 : i1 to vector<16xi1>
    %masked_cumsum3A_867 = tpu.scan <sum>, %convert_element_type3A_864 masked %broadcast_in_dim3A_866 : vector<16xi32>, vector<16xi1> -> vector<16xi32>
    %sub3A_868 = arith.constant 1 : i32
    %sub3A_869 = vector.broadcast %sub3A_868 : i32 to vector<16xi32>
    %sub3A_870 = arith.subi %masked_cumsum3A_867, %sub3A_869 : vector<16xi32>
    %select_n3A_871 = arith.select %eq3A_863, %sub3A_870, %select_n3A_860 : vector<16xi1>, vector<16xi32>
    %eq3A_872 = arith.constant 2 : i32
    %eq3A_873 = vector.broadcast %eq3A_872 : i32 to vector<16xi32>
    %eq3A_874 = arith.cmpi eq, %get3A_848, %eq3A_873 : vector<16xi32>
    %convert_element_type3A_875 = arith.extui %eq3A_874 : vector<16xi1> to vector<16xi32>
    %broadcast_in_dim3A_876 = arith.constant true
    %broadcast_in_dim3A_877 = vector.broadcast %broadcast_in_dim3A_876 : i1 to vector<16xi1>
    %masked_cumsum3A_878 = tpu.scan <sum>, %convert_element_type3A_875 masked %broadcast_in_dim3A_877 : vector<16xi32>, vector<16xi1> -> vector<16xi32>
    %sub3A_879 = arith.constant 1 : i32
    %sub3A_880 = vector.broadcast %sub3A_879 : i32 to vector<16xi32>
    %sub3A_881 = arith.subi %masked_cumsum3A_878, %sub3A_880 : vector<16xi32>
    %select_n3A_882 = arith.select %eq3A_874, %sub3A_881, %select_n3A_871 : vector<16xi1>, vector<16xi32>
    %eq3A_883 = arith.constant 3 : i32
    %eq3A_884 = vector.broadcast %eq3A_883 : i32 to vector<16xi32>
    %eq3A_885 = arith.cmpi eq, %get3A_848, %eq3A_884 : vector<16xi32>
    %convert_element_type3A_886 = arith.extui %eq3A_885 : vector<16xi1> to vector<16xi32>
    %broadcast_in_dim3A_887 = arith.constant true
    %broadcast_in_dim3A_888 = vector.broadcast %broadcast_in_dim3A_887 : i1 to vector<16xi1>
    %masked_cumsum3A_889 = tpu.scan <sum>, %convert_element_type3A_886 masked %broadcast_in_dim3A_888 : vector<16xi32>, vector<16xi1> -> vector<16xi32>
    %sub3A_890 = arith.constant 1 : i32
    %sub3A_891 = vector.broadcast %sub3A_890 : i32 to vector<16xi32>
    %sub3A_892 = arith.subi %masked_cumsum3A_889, %sub3A_891 : vector<16xi32>
    %select_n3A_893 = arith.select %eq3A_885, %sub3A_892, %select_n3A_882 : vector<16xi1>, vector<16xi32>
    %eq3A_894 = arith.constant 4 : i32
    %eq3A_895 = vector.broadcast %eq3A_894 : i32 to vector<16xi32>
    %eq3A_896 = arith.cmpi eq, %get3A_848, %eq3A_895 : vector<16xi32>
    %convert_element_type3A_897 = arith.extui %eq3A_896 : vector<16xi1> to vector<16xi32>
    %broadcast_in_dim3A_898 = arith.constant true
    %broadcast_in_dim3A_899 = vector.broadcast %broadcast_in_dim3A_898 : i1 to vector<16xi1>
    %masked_cumsum3A_900 = tpu.scan <sum>, %convert_element_type3A_897 masked %broadcast_in_dim3A_899 : vector<16xi32>, vector<16xi1> -> vector<16xi32>
    %sub3A_901 = arith.constant 1 : i32
    %sub3A_902 = vector.broadcast %sub3A_901 : i32 to vector<16xi32>
    %sub3A_903 = arith.subi %masked_cumsum3A_900, %sub3A_902 : vector<16xi32>
    %select_n3A_904 = arith.select %eq3A_896, %sub3A_903, %select_n3A_893 : vector<16xi1>, vector<16xi32>
    %eq3A_905 = arith.constant 5 : i32
    %eq3A_906 = vector.broadcast %eq3A_905 : i32 to vector<16xi32>
    %eq3A_907 = arith.cmpi eq, %get3A_848, %eq3A_906 : vector<16xi32>
    %convert_element_type3A_908 = arith.extui %eq3A_907 : vector<16xi1> to vector<16xi32>
    %broadcast_in_dim3A_909 = arith.constant true
    %broadcast_in_dim3A_910 = vector.broadcast %broadcast_in_dim3A_909 : i1 to vector<16xi1>
    %masked_cumsum3A_911 = tpu.scan <sum>, %convert_element_type3A_908 masked %broadcast_in_dim3A_910 : vector<16xi32>, vector<16xi1> -> vector<16xi32>
    %sub3A_912 = arith.constant 1 : i32
    %sub3A_913 = vector.broadcast %sub3A_912 : i32 to vector<16xi32>
    %sub3A_914 = arith.subi %masked_cumsum3A_911, %sub3A_913 : vector<16xi32>
    %select_n3A_915 = arith.select %eq3A_907, %sub3A_914, %select_n3A_904 : vector<16xi1>, vector<16xi32>
    %eq3A_916 = arith.constant 6 : i32
    %eq3A_917 = vector.broadcast %eq3A_916 : i32 to vector<16xi32>
    %eq3A_918 = arith.cmpi eq, %get3A_848, %eq3A_917 : vector<16xi32>
    %convert_element_type3A_919 = arith.extui %eq3A_918 : vector<16xi1> to vector<16xi32>
    %broadcast_in_dim3A_920 = arith.constant true
    %broadcast_in_dim3A_921 = vector.broadcast %broadcast_in_dim3A_920 : i1 to vector<16xi1>
    %masked_cumsum3A_922 = tpu.scan <sum>, %convert_element_type3A_919 masked %broadcast_in_dim3A_921 : vector<16xi32>, vector<16xi1> -> vector<16xi32>
    %sub3A_923 = arith.constant 1 : i32
    %sub3A_924 = vector.broadcast %sub3A_923 : i32 to vector<16xi32>
    %sub3A_925 = arith.subi %masked_cumsum3A_922, %sub3A_924 : vector<16xi32>
    %select_n3A_926 = arith.select %eq3A_918, %sub3A_925, %select_n3A_915 : vector<16xi1>, vector<16xi32>
    %eq3A_927 = arith.constant 7 : i32
    %eq3A_928 = vector.broadcast %eq3A_927 : i32 to vector<16xi32>
    %eq3A_929 = arith.cmpi eq, %get3A_848, %eq3A_928 : vector<16xi32>
    %convert_element_type3A_930 = arith.extui %eq3A_929 : vector<16xi1> to vector<16xi32>
    %broadcast_in_dim3A_931 = arith.constant true
    %broadcast_in_dim3A_932 = vector.broadcast %broadcast_in_dim3A_931 : i1 to vector<16xi1>
    %masked_cumsum3A_933 = tpu.scan <sum>, %convert_element_type3A_930 masked %broadcast_in_dim3A_932 : vector<16xi32>, vector<16xi1> -> vector<16xi32>
    %sub3A_934 = arith.constant 1 : i32
    %sub3A_935 = vector.broadcast %sub3A_934 : i32 to vector<16xi32>
    %sub3A_936 = arith.subi %masked_cumsum3A_933, %sub3A_935 : vector<16xi32>
    %select_n3A_937 = arith.select %eq3A_929, %sub3A_936, %select_n3A_926 : vector<16xi1>, vector<16xi32>
    tpu.vector_store_idx %arg9[%get3A_848], %broadcast_in_dim3A_5 {add = true} : memref<16xi32, #tpu.memory_space<vmem>>[vector<16xi32>], vector<16xi32>,
    %add3A_938 = arith.addi %gather3A_849, %select_n3A_937 : vector<16xi32>
    %swap3A_939 = arith.constant 8 : i32
    %swap3A_940 = arith.index_cast %swap3A_939 : i32 to index
    %swap3A_941 = arith.constant 0 : index
    %swap3A_942 = tpu.vector_load %arg10[%swap3A_940, %swap3A_941] {strides = array<i32>} : memref<16x16xi32, #tpu.memory_space<vmem>>, vector<16xi32>,
    tpu.vector_store %arg10[%swap3A_940, %swap3A_941], %add3A_938 {strides = array<i32>} : memref<16x16xi32, #tpu.memory_space<vmem>>, vector<16xi32>,
    %add3A_943 = arith.constant 9 : i32
    %add3A_944 = arith.addi %mul3A_4, %add3A_943 : i32
    %mul3A_945 = arith.constant 16 : i32
    %mul3A_946 = arith.muli %add3A_944, %mul3A_945 : i32
    %get3A_947 = arith.index_cast %mul3A_946 : i32 to index
    %get3A_948 = tpu.vector_load %arg7[%get3A_947] {strides = array<i32>} : memref<8192xi32, #tpu.memory_space<vmem>>, vector<16xi32>,
    %gather3A_949 = tpu.vector_load_idx %arg9[%get3A_948] : memref<16xi32, #tpu.memory_space<vmem>>[vector<16xi32>], vector<16xi32>,
    %eq3A_950 = arith.constant 0 : i32
    %eq3A_951 = vector.broadcast %eq3A_950 : i32 to vector<16xi32>
    %eq3A_952 = arith.cmpi eq, %get3A_948, %eq3A_951 : vector<16xi32>
    %convert_element_type3A_953 = arith.extui %eq3A_952 : vector<16xi1> to vector<16xi32>
    %broadcast_in_dim3A_954 = arith.constant true
    %broadcast_in_dim3A_955 = vector.broadcast %broadcast_in_dim3A_954 : i1 to vector<16xi1>
    %masked_cumsum3A_956 = tpu.scan <sum>, %convert_element_type3A_953 masked %broadcast_in_dim3A_955 : vector<16xi32>, vector<16xi1> -> vector<16xi32>
    %sub3A_957 = arith.constant 1 : i32
    %sub3A_958 = vector.broadcast %sub3A_957 : i32 to vector<16xi32>
    %sub3A_959 = arith.subi %masked_cumsum3A_956, %sub3A_958 : vector<16xi32>
    %select_n3A_960 = arith.select %eq3A_952, %sub3A_959, %broadcast_in_dim3A_7 : vector<16xi1>, vector<16xi32>
    %eq3A_961 = arith.constant 1 : i32
    %eq3A_962 = vector.broadcast %eq3A_961 : i32 to vector<16xi32>
    %eq3A_963 = arith.cmpi eq, %get3A_948, %eq3A_962 : vector<16xi32>
    %convert_element_type3A_964 = arith.extui %eq3A_963 : vector<16xi1> to vector<16xi32>
    %broadcast_in_dim3A_965 = arith.constant true
    %broadcast_in_dim3A_966 = vector.broadcast %broadcast_in_dim3A_965 : i1 to vector<16xi1>
    %masked_cumsum3A_967 = tpu.scan <sum>, %convert_element_type3A_964 masked %broadcast_in_dim3A_966 : vector<16xi32>, vector<16xi1> -> vector<16xi32>
    %sub3A_968 = arith.constant 1 : i32
    %sub3A_969 = vector.broadcast %sub3A_968 : i32 to vector<16xi32>
    %sub3A_970 = arith.subi %masked_cumsum3A_967, %sub3A_969 : vector<16xi32>
    %select_n3A_971 = arith.select %eq3A_963, %sub3A_970, %select_n3A_960 : vector<16xi1>, vector<16xi32>
    %eq3A_972 = arith.constant 2 : i32
    %eq3A_973 = vector.broadcast %eq3A_972 : i32 to vector<16xi32>
    %eq3A_974 = arith.cmpi eq, %get3A_948, %eq3A_973 : vector<16xi32>
    %convert_element_type3A_975 = arith.extui %eq3A_974 : vector<16xi1> to vector<16xi32>
    %broadcast_in_dim3A_976 = arith.constant true
    %broadcast_in_dim3A_977 = vector.broadcast %broadcast_in_dim3A_976 : i1 to vector<16xi1>
    %masked_cumsum3A_978 = tpu.scan <sum>, %convert_element_type3A_975 masked %broadcast_in_dim3A_977 : vector<16xi32>, vector<16xi1> -> vector<16xi32>
    %sub3A_979 = arith.constant 1 : i32
    %sub3A_980 = vector.broadcast %sub3A_979 : i32 to vector<16xi32>
    %sub3A_981 = arith.subi %masked_cumsum3A_978, %sub3A_980 : vector<16xi32>
    %select_n3A_982 = arith.select %eq3A_974, %sub3A_981, %select_n3A_971 : vector<16xi1>, vector<16xi32>
    %eq3A_983 = arith.constant 3 : i32
    %eq3A_984 = vector.broadcast %eq3A_983 : i32 to vector<16xi32>
    %eq3A_985 = arith.cmpi eq, %get3A_948, %eq3A_984 : vector<16xi32>
    %convert_element_type3A_986 = arith.extui %eq3A_985 : vector<16xi1> to vector<16xi32>
    %broadcast_in_dim3A_987 = arith.constant true
    %broadcast_in_dim3A_988 = vector.broadcast %broadcast_in_dim3A_987 : i1 to vector<16xi1>
    %masked_cumsum3A_989 = tpu.scan <sum>, %convert_element_type3A_986 masked %broadcast_in_dim3A_988 : vector<16xi32>, vector<16xi1> -> vector<16xi32>
    %sub3A_990 = arith.constant 1 : i32
    %sub3A_991 = vector.broadcast %sub3A_990 : i32 to vector<16xi32>
    %sub3A_992 = arith.subi %masked_cumsum3A_989, %sub3A_991 : vector<16xi32>
    %select_n3A_993 = arith.select %eq3A_985, %sub3A_992, %select_n3A_982 : vector<16xi1>, vector<16xi32>
    %eq3A_994 = arith.constant 4 : i32
    %eq3A_995 = vector.broadcast %eq3A_994 : i32 to vector<16xi32>
    %eq3A_996 = arith.cmpi eq, %get3A_948, %eq3A_995 : vector<16xi32>
    %convert_element_type3A_997 = arith.extui %eq3A_996 : vector<16xi1> to vector<16xi32>
    %broadcast_in_dim3A_998 = arith.constant true
    %broadcast_in_dim3A_999 = vector.broadcast %broadcast_in_dim3A_998 : i1 to vector<16xi1>
    %masked_cumsum3A_1000 = tpu.scan <sum>, %convert_element_type3A_997 masked %broadcast_in_dim3A_999 : vector<16xi32>, vector<16xi1> -> vector<16xi32>
    %sub3A_1001 = arith.constant 1 : i32
    %sub3A_1002 = vector.broadcast %sub3A_1001 : i32 to vector<16xi32>
    %sub3A_1003 = arith.subi %masked_cumsum3A_1000, %sub3A_1002 : vector<16xi32>
    %select_n3A_1004 = arith.select %eq3A_996, %sub3A_1003, %select_n3A_993 : vector<16xi1>, vector<16xi32>
    %eq3A_1005 = arith.constant 5 : i32
    %eq3A_1006 = vector.broadcast %eq3A_1005 : i32 to vector<16xi32>
    %eq3A_1007 = arith.cmpi eq, %get3A_948, %eq3A_1006 : vector<16xi32>
    %convert_element_type3A_1008 = arith.extui %eq3A_1007 : vector<16xi1> to vector<16xi32>
    %broadcast_in_dim3A_1009 = arith.constant true
    %broadcast_in_dim3A_1010 = vector.broadcast %broadcast_in_dim3A_1009 : i1 to vector<16xi1>
    %masked_cumsum3A_1011 = tpu.scan <sum>, %convert_element_type3A_1008 masked %broadcast_in_dim3A_1010 : vector<16xi32>, vector<16xi1> -> vector<16xi32>
    %sub3A_1012 = arith.constant 1 : i32
    %sub3A_1013 = vector.broadcast %sub3A_1012 : i32 to vector<16xi32>
    %sub3A_1014 = arith.subi %masked_cumsum3A_1011, %sub3A_1013 : vector<16xi32>
    %select_n3A_1015 = arith.select %eq3A_1007, %sub3A_1014, %select_n3A_1004 : vector<16xi1>, vector<16xi32>
    %eq3A_1016 = arith.constant 6 : i32
    %eq3A_1017 = vector.broadcast %eq3A_1016 : i32 to vector<16xi32>
    %eq3A_1018 = arith.cmpi eq, %get3A_948, %eq3A_1017 : vector<16xi32>
    %convert_element_type3A_1019 = arith.extui %eq3A_1018 : vector<16xi1> to vector<16xi32>
    %broadcast_in_dim3A_1020 = arith.constant true
    %broadcast_in_dim3A_1021 = vector.broadcast %broadcast_in_dim3A_1020 : i1 to vector<16xi1>
    %masked_cumsum3A_1022 = tpu.scan <sum>, %convert_element_type3A_1019 masked %broadcast_in_dim3A_1021 : vector<16xi32>, vector<16xi1> -> vector<16xi32>
    %sub3A_1023 = arith.constant 1 : i32
    %sub3A_1024 = vector.broadcast %sub3A_1023 : i32 to vector<16xi32>
    %sub3A_1025 = arith.subi %masked_cumsum3A_1022, %sub3A_1024 : vector<16xi32>
    %select_n3A_1026 = arith.select %eq3A_1018, %sub3A_1025, %select_n3A_1015 : vector<16xi1>, vector<16xi32>
    %eq3A_1027 = arith.constant 7 : i32
    %eq3A_1028 = vector.broadcast %eq3A_1027 : i32 to vector<16xi32>
    %eq3A_1029 = arith.cmpi eq, %get3A_948, %eq3A_1028 : vector<16xi32>
    %convert_element_type3A_1030 = arith.extui %eq3A_1029 : vector<16xi1> to vector<16xi32>
    %broadcast_in_dim3A_1031 = arith.constant true
    %broadcast_in_dim3A_1032 = vector.broadcast %broadcast_in_dim3A_1031 : i1 to vector<16xi1>
    %masked_cumsum3A_1033 = tpu.scan <sum>, %convert_element_type3A_1030 masked %broadcast_in_dim3A_1032 : vector<16xi32>, vector<16xi1> -> vector<16xi32>
    %sub3A_1034 = arith.constant 1 : i32
    %sub3A_1035 = vector.broadcast %sub3A_1034 : i32 to vector<16xi32>
    %sub3A_1036 = arith.subi %masked_cumsum3A_1033, %sub3A_1035 : vector<16xi32>
    %select_n3A_1037 = arith.select %eq3A_1029, %sub3A_1036, %select_n3A_1026 : vector<16xi1>, vector<16xi32>
    tpu.vector_store_idx %arg9[%get3A_948], %broadcast_in_dim3A_5 {add = true} : memref<16xi32, #tpu.memory_space<vmem>>[vector<16xi32>], vector<16xi32>,
    %add3A_1038 = arith.addi %gather3A_949, %select_n3A_1037 : vector<16xi32>
    %swap3A_1039 = arith.constant 9 : i32
    %swap3A_1040 = arith.index_cast %swap3A_1039 : i32 to index
    %swap3A_1041 = arith.constant 0 : index
    %swap3A_1042 = tpu.vector_load %arg10[%swap3A_1040, %swap3A_1041] {strides = array<i32>} : memref<16x16xi32, #tpu.memory_space<vmem>>, vector<16xi32>,
    tpu.vector_store %arg10[%swap3A_1040, %swap3A_1041], %add3A_1038 {strides = array<i32>} : memref<16x16xi32, #tpu.memory_space<vmem>>, vector<16xi32>,
    %add3A_1043 = arith.constant 10 : i32
    %add3A_1044 = arith.addi %mul3A_4, %add3A_1043 : i32
    %mul3A_1045 = arith.constant 16 : i32
    %mul3A_1046 = arith.muli %add3A_1044, %mul3A_1045 : i32
    %get3A_1047 = arith.index_cast %mul3A_1046 : i32 to index
    %get3A_1048 = tpu.vector_load %arg7[%get3A_1047] {strides = array<i32>} : memref<8192xi32, #tpu.memory_space<vmem>>, vector<16xi32>,
    %gather3A_1049 = tpu.vector_load_idx %arg9[%get3A_1048] : memref<16xi32, #tpu.memory_space<vmem>>[vector<16xi32>], vector<16xi32>,
    %eq3A_1050 = arith.constant 0 : i32
    %eq3A_1051 = vector.broadcast %eq3A_1050 : i32 to vector<16xi32>
    %eq3A_1052 = arith.cmpi eq, %get3A_1048, %eq3A_1051 : vector<16xi32>
    %convert_element_type3A_1053 = arith.extui %eq3A_1052 : vector<16xi1> to vector<16xi32>
    %broadcast_in_dim3A_1054 = arith.constant true
    %broadcast_in_dim3A_1055 = vector.broadcast %broadcast_in_dim3A_1054 : i1 to vector<16xi1>
    %masked_cumsum3A_1056 = tpu.scan <sum>, %convert_element_type3A_1053 masked %broadcast_in_dim3A_1055 : vector<16xi32>, vector<16xi1> -> vector<16xi32>
    %sub3A_1057 = arith.constant 1 : i32
    %sub3A_1058 = vector.broadcast %sub3A_1057 : i32 to vector<16xi32>
    %sub3A_1059 = arith.subi %masked_cumsum3A_1056, %sub3A_1058 : vector<16xi32>
    %select_n3A_1060 = arith.select %eq3A_1052, %sub3A_1059, %broadcast_in_dim3A_7 : vector<16xi1>, vector<16xi32>
    %eq3A_1061 = arith.constant 1 : i32
    %eq3A_1062 = vector.broadcast %eq3A_1061 : i32 to vector<16xi32>
    %eq3A_1063 = arith.cmpi eq, %get3A_1048, %eq3A_1062 : vector<16xi32>
    %convert_element_type3A_1064 = arith.extui %eq3A_1063 : vector<16xi1> to vector<16xi32>
    %broadcast_in_dim3A_1065 = arith.constant true
    %broadcast_in_dim3A_1066 = vector.broadcast %broadcast_in_dim3A_1065 : i1 to vector<16xi1>
    %masked_cumsum3A_1067 = tpu.scan <sum>, %convert_element_type3A_1064 masked %broadcast_in_dim3A_1066 : vector<16xi32>, vector<16xi1> -> vector<16xi32>
    %sub3A_1068 = arith.constant 1 : i32
    %sub3A_1069 = vector.broadcast %sub3A_1068 : i32 to vector<16xi32>
    %sub3A_1070 = arith.subi %masked_cumsum3A_1067, %sub3A_1069 : vector<16xi32>
    %select_n3A_1071 = arith.select %eq3A_1063, %sub3A_1070, %select_n3A_1060 : vector<16xi1>, vector<16xi32>
    %eq3A_1072 = arith.constant 2 : i32
    %eq3A_1073 = vector.broadcast %eq3A_1072 : i32 to vector<16xi32>
    %eq3A_1074 = arith.cmpi eq, %get3A_1048, %eq3A_1073 : vector<16xi32>
    %convert_element_type3A_1075 = arith.extui %eq3A_1074 : vector<16xi1> to vector<16xi32>
    %broadcast_in_dim3A_1076 = arith.constant true
    %broadcast_in_dim3A_1077 = vector.broadcast %broadcast_in_dim3A_1076 : i1 to vector<16xi1>
    %masked_cumsum3A_1078 = tpu.scan <sum>, %convert_element_type3A_1075 masked %broadcast_in_dim3A_1077 : vector<16xi32>, vector<16xi1> -> vector<16xi32>
    %sub3A_1079 = arith.constant 1 : i32
    %sub3A_1080 = vector.broadcast %sub3A_1079 : i32 to vector<16xi32>
    %sub3A_1081 = arith.subi %masked_cumsum3A_1078, %sub3A_1080 : vector<16xi32>
    %select_n3A_1082 = arith.select %eq3A_1074, %sub3A_1081, %select_n3A_1071 : vector<16xi1>, vector<16xi32>
    %eq3A_1083 = arith.constant 3 : i32
    %eq3A_1084 = vector.broadcast %eq3A_1083 : i32 to vector<16xi32>
    %eq3A_1085 = arith.cmpi eq, %get3A_1048, %eq3A_1084 : vector<16xi32>
    %convert_element_type3A_1086 = arith.extui %eq3A_1085 : vector<16xi1> to vector<16xi32>
    %broadcast_in_dim3A_1087 = arith.constant true
    %broadcast_in_dim3A_1088 = vector.broadcast %broadcast_in_dim3A_1087 : i1 to vector<16xi1>
    %masked_cumsum3A_1089 = tpu.scan <sum>, %convert_element_type3A_1086 masked %broadcast_in_dim3A_1088 : vector<16xi32>, vector<16xi1> -> vector<16xi32>
    %sub3A_1090 = arith.constant 1 : i32
    %sub3A_1091 = vector.broadcast %sub3A_1090 : i32 to vector<16xi32>
    %sub3A_1092 = arith.subi %masked_cumsum3A_1089, %sub3A_1091 : vector<16xi32>
    %select_n3A_1093 = arith.select %eq3A_1085, %sub3A_1092, %select_n3A_1082 : vector<16xi1>, vector<16xi32>
    %eq3A_1094 = arith.constant 4 : i32
    %eq3A_1095 = vector.broadcast %eq3A_1094 : i32 to vector<16xi32>
    %eq3A_1096 = arith.cmpi eq, %get3A_1048, %eq3A_1095 : vector<16xi32>
    %convert_element_type3A_1097 = arith.extui %eq3A_1096 : vector<16xi1> to vector<16xi32>
    %broadcast_in_dim3A_1098 = arith.constant true
    %broadcast_in_dim3A_1099 = vector.broadcast %broadcast_in_dim3A_1098 : i1 to vector<16xi1>
    %masked_cumsum3A_1100 = tpu.scan <sum>, %convert_element_type3A_1097 masked %broadcast_in_dim3A_1099 : vector<16xi32>, vector<16xi1> -> vector<16xi32>
    %sub3A_1101 = arith.constant 1 : i32
    %sub3A_1102 = vector.broadcast %sub3A_1101 : i32 to vector<16xi32>
    %sub3A_1103 = arith.subi %masked_cumsum3A_1100, %sub3A_1102 : vector<16xi32>
    %select_n3A_1104 = arith.select %eq3A_1096, %sub3A_1103, %select_n3A_1093 : vector<16xi1>, vector<16xi32>
    %eq3A_1105 = arith.constant 5 : i32
    %eq3A_1106 = vector.broadcast %eq3A_1105 : i32 to vector<16xi32>
    %eq3A_1107 = arith.cmpi eq, %get3A_1048, %eq3A_1106 : vector<16xi32>
    %convert_element_type3A_1108 = arith.extui %eq3A_1107 : vector<16xi1> to vector<16xi32>
    %broadcast_in_dim3A_1109 = arith.constant true
    %broadcast_in_dim3A_1110 = vector.broadcast %broadcast_in_dim3A_1109 : i1 to vector<16xi1>
    %masked_cumsum3A_1111 = tpu.scan <sum>, %convert_element_type3A_1108 masked %broadcast_in_dim3A_1110 : vector<16xi32>, vector<16xi1> -> vector<16xi32>
    %sub3A_1112 = arith.constant 1 : i32
    %sub3A_1113 = vector.broadcast %sub3A_1112 : i32 to vector<16xi32>
    %sub3A_1114 = arith.subi %masked_cumsum3A_1111, %sub3A_1113 : vector<16xi32>
    %select_n3A_1115 = arith.select %eq3A_1107, %sub3A_1114, %select_n3A_1104 : vector<16xi1>, vector<16xi32>
    %eq3A_1116 = arith.constant 6 : i32
    %eq3A_1117 = vector.broadcast %eq3A_1116 : i32 to vector<16xi32>
    %eq3A_1118 = arith.cmpi eq, %get3A_1048, %eq3A_1117 : vector<16xi32>
    %convert_element_type3A_1119 = arith.extui %eq3A_1118 : vector<16xi1> to vector<16xi32>
    %broadcast_in_dim3A_1120 = arith.constant true
    %broadcast_in_dim3A_1121 = vector.broadcast %broadcast_in_dim3A_1120 : i1 to vector<16xi1>
    %masked_cumsum3A_1122 = tpu.scan <sum>, %convert_element_type3A_1119 masked %broadcast_in_dim3A_1121 : vector<16xi32>, vector<16xi1> -> vector<16xi32>
    %sub3A_1123 = arith.constant 1 : i32
    %sub3A_1124 = vector.broadcast %sub3A_1123 : i32 to vector<16xi32>
    %sub3A_1125 = arith.subi %masked_cumsum3A_1122, %sub3A_1124 : vector<16xi32>
    %select_n3A_1126 = arith.select %eq3A_1118, %sub3A_1125, %select_n3A_1115 : vector<16xi1>, vector<16xi32>
    %eq3A_1127 = arith.constant 7 : i32
    %eq3A_1128 = vector.broadcast %eq3A_1127 : i32 to vector<16xi32>
    %eq3A_1129 = arith.cmpi eq, %get3A_1048, %eq3A_1128 : vector<16xi32>
    %convert_element_type3A_1130 = arith.extui %eq3A_1129 : vector<16xi1> to vector<16xi32>
    %broadcast_in_dim3A_1131 = arith.constant true
    %broadcast_in_dim3A_1132 = vector.broadcast %broadcast_in_dim3A_1131 : i1 to vector<16xi1>
    %masked_cumsum3A_1133 = tpu.scan <sum>, %convert_element_type3A_1130 masked %broadcast_in_dim3A_1132 : vector<16xi32>, vector<16xi1> -> vector<16xi32>
    %sub3A_1134 = arith.constant 1 : i32
    %sub3A_1135 = vector.broadcast %sub3A_1134 : i32 to vector<16xi32>
    %sub3A_1136 = arith.subi %masked_cumsum3A_1133, %sub3A_1135 : vector<16xi32>
    %select_n3A_1137 = arith.select %eq3A_1129, %sub3A_1136, %select_n3A_1126 : vector<16xi1>, vector<16xi32>
    tpu.vector_store_idx %arg9[%get3A_1048], %broadcast_in_dim3A_5 {add = true} : memref<16xi32, #tpu.memory_space<vmem>>[vector<16xi32>], vector<16xi32>,
    %add3A_1138 = arith.addi %gather3A_1049, %select_n3A_1137 : vector<16xi32>
    %swap3A_1139 = arith.constant 10 : i32
    %swap3A_1140 = arith.index_cast %swap3A_1139 : i32 to index
    %swap3A_1141 = arith.constant 0 : index
    %swap3A_1142 = tpu.vector_load %arg10[%swap3A_1140, %swap3A_1141] {strides = array<i32>} : memref<16x16xi32, #tpu.memory_space<vmem>>, vector<16xi32>,
    tpu.vector_store %arg10[%swap3A_1140, %swap3A_1141], %add3A_1138 {strides = array<i32>} : memref<16x16xi32, #tpu.memory_space<vmem>>, vector<16xi32>,
    %add3A_1143 = arith.constant 11 : i32
    %add3A_1144 = arith.addi %mul3A_4, %add3A_1143 : i32
    %mul3A_1145 = arith.constant 16 : i32
    %mul3A_1146 = arith.muli %add3A_1144, %mul3A_1145 : i32
    %get3A_1147 = arith.index_cast %mul3A_1146 : i32 to index
    %get3A_1148 = tpu.vector_load %arg7[%get3A_1147] {strides = array<i32>} : memref<8192xi32, #tpu.memory_space<vmem>>, vector<16xi32>,
    %gather3A_1149 = tpu.vector_load_idx %arg9[%get3A_1148] : memref<16xi32, #tpu.memory_space<vmem>>[vector<16xi32>], vector<16xi32>,
    %eq3A_1150 = arith.constant 0 : i32
    %eq3A_1151 = vector.broadcast %eq3A_1150 : i32 to vector<16xi32>
    %eq3A_1152 = arith.cmpi eq, %get3A_1148, %eq3A_1151 : vector<16xi32>
    %convert_element_type3A_1153 = arith.extui %eq3A_1152 : vector<16xi1> to vector<16xi32>
    %broadcast_in_dim3A_1154 = arith.constant true
    %broadcast_in_dim3A_1155 = vector.broadcast %broadcast_in_dim3A_1154 : i1 to vector<16xi1>
    %masked_cumsum3A_1156 = tpu.scan <sum>, %convert_element_type3A_1153 masked %broadcast_in_dim3A_1155 : vector<16xi32>, vector<16xi1> -> vector<16xi32>
    %sub3A_1157 = arith.constant 1 : i32
    %sub3A_1158 = vector.broadcast %sub3A_1157 : i32 to vector<16xi32>
    %sub3A_1159 = arith.subi %masked_cumsum3A_1156, %sub3A_1158 : vector<16xi32>
    %select_n3A_1160 = arith.select %eq3A_1152, %sub3A_1159, %broadcast_in_dim3A_7 : vector<16xi1>, vector<16xi32>
    %eq3A_1161 = arith.constant 1 : i32
    %eq3A_1162 = vector.broadcast %eq3A_1161 : i32 to vector<16xi32>
    %eq3A_1163 = arith.cmpi eq, %get3A_1148, %eq3A_1162 : vector<16xi32>
    %convert_element_type3A_1164 = arith.extui %eq3A_1163 : vector<16xi1> to vector<16xi32>
    %broadcast_in_dim3A_1165 = arith.constant true
    %broadcast_in_dim3A_1166 = vector.broadcast %broadcast_in_dim3A_1165 : i1 to vector<16xi1>
    %masked_cumsum3A_1167 = tpu.scan <sum>, %convert_element_type3A_1164 masked %broadcast_in_dim3A_1166 : vector<16xi32>, vector<16xi1> -> vector<16xi32>
    %sub3A_1168 = arith.constant 1 : i32
    %sub3A_1169 = vector.broadcast %sub3A_1168 : i32 to vector<16xi32>
    %sub3A_1170 = arith.subi %masked_cumsum3A_1167, %sub3A_1169 : vector<16xi32>
    %select_n3A_1171 = arith.select %eq3A_1163, %sub3A_1170, %select_n3A_1160 : vector<16xi1>, vector<16xi32>
    %eq3A_1172 = arith.constant 2 : i32
    %eq3A_1173 = vector.broadcast %eq3A_1172 : i32 to vector<16xi32>
    %eq3A_1174 = arith.cmpi eq, %get3A_1148, %eq3A_1173 : vector<16xi32>
    %convert_element_type3A_1175 = arith.extui %eq3A_1174 : vector<16xi1> to vector<16xi32>
    %broadcast_in_dim3A_1176 = arith.constant true
    %broadcast_in_dim3A_1177 = vector.broadcast %broadcast_in_dim3A_1176 : i1 to vector<16xi1>
    %masked_cumsum3A_1178 = tpu.scan <sum>, %convert_element_type3A_1175 masked %broadcast_in_dim3A_1177 : vector<16xi32>, vector<16xi1> -> vector<16xi32>
    %sub3A_1179 = arith.constant 1 : i32
    %sub3A_1180 = vector.broadcast %sub3A_1179 : i32 to vector<16xi32>
    %sub3A_1181 = arith.subi %masked_cumsum3A_1178, %sub3A_1180 : vector<16xi32>
    %select_n3A_1182 = arith.select %eq3A_1174, %sub3A_1181, %select_n3A_1171 : vector<16xi1>, vector<16xi32>
    %eq3A_1183 = arith.constant 3 : i32
    %eq3A_1184 = vector.broadcast %eq3A_1183 : i32 to vector<16xi32>
    %eq3A_1185 = arith.cmpi eq, %get3A_1148, %eq3A_1184 : vector<16xi32>
    %convert_element_type3A_1186 = arith.extui %eq3A_1185 : vector<16xi1> to vector<16xi32>
    %broadcast_in_dim3A_1187 = arith.constant true
    %broadcast_in_dim3A_1188 = vector.broadcast %broadcast_in_dim3A_1187 : i1 to vector<16xi1>
    %masked_cumsum3A_1189 = tpu.scan <sum>, %convert_element_type3A_1186 masked %broadcast_in_dim3A_1188 : vector<16xi32>, vector<16xi1> -> vector<16xi32>
    %sub3A_1190 = arith.constant 1 : i32
    %sub3A_1191 = vector.broadcast %sub3A_1190 : i32 to vector<16xi32>
    %sub3A_1192 = arith.subi %masked_cumsum3A_1189, %sub3A_1191 : vector<16xi32>
    %select_n3A_1193 = arith.select %eq3A_1185, %sub3A_1192, %select_n3A_1182 : vector<16xi1>, vector<16xi32>
    %eq3A_1194 = arith.constant 4 : i32
    %eq3A_1195 = vector.broadcast %eq3A_1194 : i32 to vector<16xi32>
    %eq3A_1196 = arith.cmpi eq, %get3A_1148, %eq3A_1195 : vector<16xi32>
    %convert_element_type3A_1197 = arith.extui %eq3A_1196 : vector<16xi1> to vector<16xi32>
    %broadcast_in_dim3A_1198 = arith.constant true
    %broadcast_in_dim3A_1199 = vector.broadcast %broadcast_in_dim3A_1198 : i1 to vector<16xi1>
    %masked_cumsum3A_1200 = tpu.scan <sum>, %convert_element_type3A_1197 masked %broadcast_in_dim3A_1199 : vector<16xi32>, vector<16xi1> -> vector<16xi32>
    %sub3A_1201 = arith.constant 1 : i32
    %sub3A_1202 = vector.broadcast %sub3A_1201 : i32 to vector<16xi32>
    %sub3A_1203 = arith.subi %masked_cumsum3A_1200, %sub3A_1202 : vector<16xi32>
    %select_n3A_1204 = arith.select %eq3A_1196, %sub3A_1203, %select_n3A_1193 : vector<16xi1>, vector<16xi32>
    %eq3A_1205 = arith.constant 5 : i32
    %eq3A_1206 = vector.broadcast %eq3A_1205 : i32 to vector<16xi32>
    %eq3A_1207 = arith.cmpi eq, %get3A_1148, %eq3A_1206 : vector<16xi32>
    %convert_element_type3A_1208 = arith.extui %eq3A_1207 : vector<16xi1> to vector<16xi32>
    %broadcast_in_dim3A_1209 = arith.constant true
    %broadcast_in_dim3A_1210 = vector.broadcast %broadcast_in_dim3A_1209 : i1 to vector<16xi1>
    %masked_cumsum3A_1211 = tpu.scan <sum>, %convert_element_type3A_1208 masked %broadcast_in_dim3A_1210 : vector<16xi32>, vector<16xi1> -> vector<16xi32>
    %sub3A_1212 = arith.constant 1 : i32
    %sub3A_1213 = vector.broadcast %sub3A_1212 : i32 to vector<16xi32>
    %sub3A_1214 = arith.subi %masked_cumsum3A_1211, %sub3A_1213 : vector<16xi32>
    %select_n3A_1215 = arith.select %eq3A_1207, %sub3A_1214, %select_n3A_1204 : vector<16xi1>, vector<16xi32>
    %eq3A_1216 = arith.constant 6 : i32
    %eq3A_1217 = vector.broadcast %eq3A_1216 : i32 to vector<16xi32>
    %eq3A_1218 = arith.cmpi eq, %get3A_1148, %eq3A_1217 : vector<16xi32>
    %convert_element_type3A_1219 = arith.extui %eq3A_1218 : vector<16xi1> to vector<16xi32>
    %broadcast_in_dim3A_1220 = arith.constant true
    %broadcast_in_dim3A_1221 = vector.broadcast %broadcast_in_dim3A_1220 : i1 to vector<16xi1>
    %masked_cumsum3A_1222 = tpu.scan <sum>, %convert_element_type3A_1219 masked %broadcast_in_dim3A_1221 : vector<16xi32>, vector<16xi1> -> vector<16xi32>
    %sub3A_1223 = arith.constant 1 : i32
    %sub3A_1224 = vector.broadcast %sub3A_1223 : i32 to vector<16xi32>
    %sub3A_1225 = arith.subi %masked_cumsum3A_1222, %sub3A_1224 : vector<16xi32>
    %select_n3A_1226 = arith.select %eq3A_1218, %sub3A_1225, %select_n3A_1215 : vector<16xi1>, vector<16xi32>
    %eq3A_1227 = arith.constant 7 : i32
    %eq3A_1228 = vector.broadcast %eq3A_1227 : i32 to vector<16xi32>
    %eq3A_1229 = arith.cmpi eq, %get3A_1148, %eq3A_1228 : vector<16xi32>
    %convert_element_type3A_1230 = arith.extui %eq3A_1229 : vector<16xi1> to vector<16xi32>
    %broadcast_in_dim3A_1231 = arith.constant true
    %broadcast_in_dim3A_1232 = vector.broadcast %broadcast_in_dim3A_1231 : i1 to vector<16xi1>
    %masked_cumsum3A_1233 = tpu.scan <sum>, %convert_element_type3A_1230 masked %broadcast_in_dim3A_1232 : vector<16xi32>, vector<16xi1> -> vector<16xi32>
    %sub3A_1234 = arith.constant 1 : i32
    %sub3A_1235 = vector.broadcast %sub3A_1234 : i32 to vector<16xi32>
    %sub3A_1236 = arith.subi %masked_cumsum3A_1233, %sub3A_1235 : vector<16xi32>
    %select_n3A_1237 = arith.select %eq3A_1229, %sub3A_1236, %select_n3A_1226 : vector<16xi1>, vector<16xi32>
    tpu.vector_store_idx %arg9[%get3A_1148], %broadcast_in_dim3A_5 {add = true} : memref<16xi32, #tpu.memory_space<vmem>>[vector<16xi32>], vector<16xi32>,
    %add3A_1238 = arith.addi %gather3A_1149, %select_n3A_1237 : vector<16xi32>
    %swap3A_1239 = arith.constant 11 : i32
    %swap3A_1240 = arith.index_cast %swap3A_1239 : i32 to index
    %swap3A_1241 = arith.constant 0 : index
    %swap3A_1242 = tpu.vector_load %arg10[%swap3A_1240, %swap3A_1241] {strides = array<i32>} : memref<16x16xi32, #tpu.memory_space<vmem>>, vector<16xi32>,
    tpu.vector_store %arg10[%swap3A_1240, %swap3A_1241], %add3A_1238 {strides = array<i32>} : memref<16x16xi32, #tpu.memory_space<vmem>>, vector<16xi32>,
    %add3A_1243 = arith.constant 12 : i32
    %add3A_1244 = arith.addi %mul3A_4, %add3A_1243 : i32
    %mul3A_1245 = arith.constant 16 : i32
    %mul3A_1246 = arith.muli %add3A_1244, %mul3A_1245 : i32
    %get3A_1247 = arith.index_cast %mul3A_1246 : i32 to index
    %get3A_1248 = tpu.vector_load %arg7[%get3A_1247] {strides = array<i32>} : memref<8192xi32, #tpu.memory_space<vmem>>, vector<16xi32>,
    %gather3A_1249 = tpu.vector_load_idx %arg9[%get3A_1248] : memref<16xi32, #tpu.memory_space<vmem>>[vector<16xi32>], vector<16xi32>,
    %eq3A_1250 = arith.constant 0 : i32
    %eq3A_1251 = vector.broadcast %eq3A_1250 : i32 to vector<16xi32>
    %eq3A_1252 = arith.cmpi eq, %get3A_1248, %eq3A_1251 : vector<16xi32>
    %convert_element_type3A_1253 = arith.extui %eq3A_1252 : vector<16xi1> to vector<16xi32>
    %broadcast_in_dim3A_1254 = arith.constant true
    %broadcast_in_dim3A_1255 = vector.broadcast %broadcast_in_dim3A_1254 : i1 to vector<16xi1>
    %masked_cumsum3A_1256 = tpu.scan <sum>, %convert_element_type3A_1253 masked %broadcast_in_dim3A_1255 : vector<16xi32>, vector<16xi1> -> vector<16xi32>
    %sub3A_1257 = arith.constant 1 : i32
    %sub3A_1258 = vector.broadcast %sub3A_1257 : i32 to vector<16xi32>
    %sub3A_1259 = arith.subi %masked_cumsum3A_1256, %sub3A_1258 : vector<16xi32>
    %select_n3A_1260 = arith.select %eq3A_1252, %sub3A_1259, %broadcast_in_dim3A_7 : vector<16xi1>, vector<16xi32>
    %eq3A_1261 = arith.constant 1 : i32
    %eq3A_1262 = vector.broadcast %eq3A_1261 : i32 to vector<16xi32>
    %eq3A_1263 = arith.cmpi eq, %get3A_1248, %eq3A_1262 : vector<16xi32>
    %convert_element_type3A_1264 = arith.extui %eq3A_1263 : vector<16xi1> to vector<16xi32>
    %broadcast_in_dim3A_1265 = arith.constant true
    %broadcast_in_dim3A_1266 = vector.broadcast %broadcast_in_dim3A_1265 : i1 to vector<16xi1>
    %masked_cumsum3A_1267 = tpu.scan <sum>, %convert_element_type3A_1264 masked %broadcast_in_dim3A_1266 : vector<16xi32>, vector<16xi1> -> vector<16xi32>
    %sub3A_1268 = arith.constant 1 : i32
    %sub3A_1269 = vector.broadcast %sub3A_1268 : i32 to vector<16xi32>
    %sub3A_1270 = arith.subi %masked_cumsum3A_1267, %sub3A_1269 : vector<16xi32>
    %select_n3A_1271 = arith.select %eq3A_1263, %sub3A_1270, %select_n3A_1260 : vector<16xi1>, vector<16xi32>
    %eq3A_1272 = arith.constant 2 : i32
    %eq3A_1273 = vector.broadcast %eq3A_1272 : i32 to vector<16xi32>
    %eq3A_1274 = arith.cmpi eq, %get3A_1248, %eq3A_1273 : vector<16xi32>
    %convert_element_type3A_1275 = arith.extui %eq3A_1274 : vector<16xi1> to vector<16xi32>
    %broadcast_in_dim3A_1276 = arith.constant true
    %broadcast_in_dim3A_1277 = vector.broadcast %broadcast_in_dim3A_1276 : i1 to vector<16xi1>
    %masked_cumsum3A_1278 = tpu.scan <sum>, %convert_element_type3A_1275 masked %broadcast_in_dim3A_1277 : vector<16xi32>, vector<16xi1> -> vector<16xi32>
    %sub3A_1279 = arith.constant 1 : i32
    %sub3A_1280 = vector.broadcast %sub3A_1279 : i32 to vector<16xi32>
    %sub3A_1281 = arith.subi %masked_cumsum3A_1278, %sub3A_1280 : vector<16xi32>
    %select_n3A_1282 = arith.select %eq3A_1274, %sub3A_1281, %select_n3A_1271 : vector<16xi1>, vector<16xi32>
    %eq3A_1283 = arith.constant 3 : i32
    %eq3A_1284 = vector.broadcast %eq3A_1283 : i32 to vector<16xi32>
    %eq3A_1285 = arith.cmpi eq, %get3A_1248, %eq3A_1284 : vector<16xi32>
    %convert_element_type3A_1286 = arith.extui %eq3A_1285 : vector<16xi1> to vector<16xi32>
    %broadcast_in_dim3A_1287 = arith.constant true
    %broadcast_in_dim3A_1288 = vector.broadcast %broadcast_in_dim3A_1287 : i1 to vector<16xi1>
    %masked_cumsum3A_1289 = tpu.scan <sum>, %convert_element_type3A_1286 masked %broadcast_in_dim3A_1288 : vector<16xi32>, vector<16xi1> -> vector<16xi32>
    %sub3A_1290 = arith.constant 1 : i32
    %sub3A_1291 = vector.broadcast %sub3A_1290 : i32 to vector<16xi32>
    %sub3A_1292 = arith.subi %masked_cumsum3A_1289, %sub3A_1291 : vector<16xi32>
    %select_n3A_1293 = arith.select %eq3A_1285, %sub3A_1292, %select_n3A_1282 : vector<16xi1>, vector<16xi32>
    %eq3A_1294 = arith.constant 4 : i32
    %eq3A_1295 = vector.broadcast %eq3A_1294 : i32 to vector<16xi32>
    %eq3A_1296 = arith.cmpi eq, %get3A_1248, %eq3A_1295 : vector<16xi32>
    %convert_element_type3A_1297 = arith.extui %eq3A_1296 : vector<16xi1> to vector<16xi32>
    %broadcast_in_dim3A_1298 = arith.constant true
    %broadcast_in_dim3A_1299 = vector.broadcast %broadcast_in_dim3A_1298 : i1 to vector<16xi1>
    %masked_cumsum3A_1300 = tpu.scan <sum>, %convert_element_type3A_1297 masked %broadcast_in_dim3A_1299 : vector<16xi32>, vector<16xi1> -> vector<16xi32>
    %sub3A_1301 = arith.constant 1 : i32
    %sub3A_1302 = vector.broadcast %sub3A_1301 : i32 to vector<16xi32>
    %sub3A_1303 = arith.subi %masked_cumsum3A_1300, %sub3A_1302 : vector<16xi32>
    %select_n3A_1304 = arith.select %eq3A_1296, %sub3A_1303, %select_n3A_1293 : vector<16xi1>, vector<16xi32>
    %eq3A_1305 = arith.constant 5 : i32
    %eq3A_1306 = vector.broadcast %eq3A_1305 : i32 to vector<16xi32>
    %eq3A_1307 = arith.cmpi eq, %get3A_1248, %eq3A_1306 : vector<16xi32>
    %convert_element_type3A_1308 = arith.extui %eq3A_1307 : vector<16xi1> to vector<16xi32>
    %broadcast_in_dim3A_1309 = arith.constant true
    %broadcast_in_dim3A_1310 = vector.broadcast %broadcast_in_dim3A_1309 : i1 to vector<16xi1>
    %masked_cumsum3A_1311 = tpu.scan <sum>, %convert_element_type3A_1308 masked %broadcast_in_dim3A_1310 : vector<16xi32>, vector<16xi1> -> vector<16xi32>
    %sub3A_1312 = arith.constant 1 : i32
    %sub3A_1313 = vector.broadcast %sub3A_1312 : i32 to vector<16xi32>
    %sub3A_1314 = arith.subi %masked_cumsum3A_1311, %sub3A_1313 : vector<16xi32>
    %select_n3A_1315 = arith.select %eq3A_1307, %sub3A_1314, %select_n3A_1304 : vector<16xi1>, vector<16xi32>
    %eq3A_1316 = arith.constant 6 : i32
    %eq3A_1317 = vector.broadcast %eq3A_1316 : i32 to vector<16xi32>
    %eq3A_1318 = arith.cmpi eq, %get3A_1248, %eq3A_1317 : vector<16xi32>
    %convert_element_type3A_1319 = arith.extui %eq3A_1318 : vector<16xi1> to vector<16xi32>
    %broadcast_in_dim3A_1320 = arith.constant true
    %broadcast_in_dim3A_1321 = vector.broadcast %broadcast_in_dim3A_1320 : i1 to vector<16xi1>
    %masked_cumsum3A_1322 = tpu.scan <sum>, %convert_element_type3A_1319 masked %broadcast_in_dim3A_1321 : vector<16xi32>, vector<16xi1> -> vector<16xi32>
    %sub3A_1323 = arith.constant 1 : i32
    %sub3A_1324 = vector.broadcast %sub3A_1323 : i32 to vector<16xi32>
    %sub3A_1325 = arith.subi %masked_cumsum3A_1322, %sub3A_1324 : vector<16xi32>
    %select_n3A_1326 = arith.select %eq3A_1318, %sub3A_1325, %select_n3A_1315 : vector<16xi1>, vector<16xi32>
    %eq3A_1327 = arith.constant 7 : i32
    %eq3A_1328 = vector.broadcast %eq3A_1327 : i32 to vector<16xi32>
    %eq3A_1329 = arith.cmpi eq, %get3A_1248, %eq3A_1328 : vector<16xi32>
    %convert_element_type3A_1330 = arith.extui %eq3A_1329 : vector<16xi1> to vector<16xi32>
    %broadcast_in_dim3A_1331 = arith.constant true
    %broadcast_in_dim3A_1332 = vector.broadcast %broadcast_in_dim3A_1331 : i1 to vector<16xi1>
    %masked_cumsum3A_1333 = tpu.scan <sum>, %convert_element_type3A_1330 masked %broadcast_in_dim3A_1332 : vector<16xi32>, vector<16xi1> -> vector<16xi32>
    %sub3A_1334 = arith.constant 1 : i32
    %sub3A_1335 = vector.broadcast %sub3A_1334 : i32 to vector<16xi32>
    %sub3A_1336 = arith.subi %masked_cumsum3A_1333, %sub3A_1335 : vector<16xi32>
    %select_n3A_1337 = arith.select %eq3A_1329, %sub3A_1336, %select_n3A_1326 : vector<16xi1>, vector<16xi32>
    tpu.vector_store_idx %arg9[%get3A_1248], %broadcast_in_dim3A_5 {add = true} : memref<16xi32, #tpu.memory_space<vmem>>[vector<16xi32>], vector<16xi32>,
    %add3A_1338 = arith.addi %gather3A_1249, %select_n3A_1337 : vector<16xi32>
    %swap3A_1339 = arith.constant 12 : i32
    %swap3A_1340 = arith.index_cast %swap3A_1339 : i32 to index
    %swap3A_1341 = arith.constant 0 : index
    %swap3A_1342 = tpu.vector_load %arg10[%swap3A_1340, %swap3A_1341] {strides = array<i32>} : memref<16x16xi32, #tpu.memory_space<vmem>>, vector<16xi32>,
    tpu.vector_store %arg10[%swap3A_1340, %swap3A_1341], %add3A_1338 {strides = array<i32>} : memref<16x16xi32, #tpu.memory_space<vmem>>, vector<16xi32>,
    %add3A_1343 = arith.constant 13 : i32
    %add3A_1344 = arith.addi %mul3A_4, %add3A_1343 : i32
    %mul3A_1345 = arith.constant 16 : i32
    %mul3A_1346 = arith.muli %add3A_1344, %mul3A_1345 : i32
    %get3A_1347 = arith.index_cast %mul3A_1346 : i32 to index
    %get3A_1348 = tpu.vector_load %arg7[%get3A_1347] {strides = array<i32>} : memref<8192xi32, #tpu.memory_space<vmem>>, vector<16xi32>,
    %gather3A_1349 = tpu.vector_load_idx %arg9[%get3A_1348] : memref<16xi32, #tpu.memory_space<vmem>>[vector<16xi32>], vector<16xi32>,
    %eq3A_1350 = arith.constant 0 : i32
    %eq3A_1351 = vector.broadcast %eq3A_1350 : i32 to vector<16xi32>
    %eq3A_1352 = arith.cmpi eq, %get3A_1348, %eq3A_1351 : vector<16xi32>
    %convert_element_type3A_1353 = arith.extui %eq3A_1352 : vector<16xi1> to vector<16xi32>
    %broadcast_in_dim3A_1354 = arith.constant true
    %broadcast_in_dim3A_1355 = vector.broadcast %broadcast_in_dim3A_1354 : i1 to vector<16xi1>
    %masked_cumsum3A_1356 = tpu.scan <sum>, %convert_element_type3A_1353 masked %broadcast_in_dim3A_1355 : vector<16xi32>, vector<16xi1> -> vector<16xi32>
    %sub3A_1357 = arith.constant 1 : i32
    %sub3A_1358 = vector.broadcast %sub3A_1357 : i32 to vector<16xi32>
    %sub3A_1359 = arith.subi %masked_cumsum3A_1356, %sub3A_1358 : vector<16xi32>
    %select_n3A_1360 = arith.select %eq3A_1352, %sub3A_1359, %broadcast_in_dim3A_7 : vector<16xi1>, vector<16xi32>
    %eq3A_1361 = arith.constant 1 : i32
    %eq3A_1362 = vector.broadcast %eq3A_1361 : i32 to vector<16xi32>
    %eq3A_1363 = arith.cmpi eq, %get3A_1348, %eq3A_1362 : vector<16xi32>
    %convert_element_type3A_1364 = arith.extui %eq3A_1363 : vector<16xi1> to vector<16xi32>
    %broadcast_in_dim3A_1365 = arith.constant true
    %broadcast_in_dim3A_1366 = vector.broadcast %broadcast_in_dim3A_1365 : i1 to vector<16xi1>
    %masked_cumsum3A_1367 = tpu.scan <sum>, %convert_element_type3A_1364 masked %broadcast_in_dim3A_1366 : vector<16xi32>, vector<16xi1> -> vector<16xi32>
    %sub3A_1368 = arith.constant 1 : i32
    %sub3A_1369 = vector.broadcast %sub3A_1368 : i32 to vector<16xi32>
    %sub3A_1370 = arith.subi %masked_cumsum3A_1367, %sub3A_1369 : vector<16xi32>
    %select_n3A_1371 = arith.select %eq3A_1363, %sub3A_1370, %select_n3A_1360 : vector<16xi1>, vector<16xi32>
    %eq3A_1372 = arith.constant 2 : i32
    %eq3A_1373 = vector.broadcast %eq3A_1372 : i32 to vector<16xi32>
    %eq3A_1374 = arith.cmpi eq, %get3A_1348, %eq3A_1373 : vector<16xi32>
    %convert_element_type3A_1375 = arith.extui %eq3A_1374 : vector<16xi1> to vector<16xi32>
    %broadcast_in_dim3A_1376 = arith.constant true
    %broadcast_in_dim3A_1377 = vector.broadcast %broadcast_in_dim3A_1376 : i1 to vector<16xi1>
    %masked_cumsum3A_1378 = tpu.scan <sum>, %convert_element_type3A_1375 masked %broadcast_in_dim3A_1377 : vector<16xi32>, vector<16xi1> -> vector<16xi32>
    %sub3A_1379 = arith.constant 1 : i32
    %sub3A_1380 = vector.broadcast %sub3A_1379 : i32 to vector<16xi32>
    %sub3A_1381 = arith.subi %masked_cumsum3A_1378, %sub3A_1380 : vector<16xi32>
    %select_n3A_1382 = arith.select %eq3A_1374, %sub3A_1381, %select_n3A_1371 : vector<16xi1>, vector<16xi32>
    %eq3A_1383 = arith.constant 3 : i32
    %eq3A_1384 = vector.broadcast %eq3A_1383 : i32 to vector<16xi32>
    %eq3A_1385 = arith.cmpi eq, %get3A_1348, %eq3A_1384 : vector<16xi32>
    %convert_element_type3A_1386 = arith.extui %eq3A_1385 : vector<16xi1> to vector<16xi32>
    %broadcast_in_dim3A_1387 = arith.constant true
    %broadcast_in_dim3A_1388 = vector.broadcast %broadcast_in_dim3A_1387 : i1 to vector<16xi1>
    %masked_cumsum3A_1389 = tpu.scan <sum>, %convert_element_type3A_1386 masked %broadcast_in_dim3A_1388 : vector<16xi32>, vector<16xi1> -> vector<16xi32>
    %sub3A_1390 = arith.constant 1 : i32
    %sub3A_1391 = vector.broadcast %sub3A_1390 : i32 to vector<16xi32>
    %sub3A_1392 = arith.subi %masked_cumsum3A_1389, %sub3A_1391 : vector<16xi32>
    %select_n3A_1393 = arith.select %eq3A_1385, %sub3A_1392, %select_n3A_1382 : vector<16xi1>, vector<16xi32>
    %eq3A_1394 = arith.constant 4 : i32
    %eq3A_1395 = vector.broadcast %eq3A_1394 : i32 to vector<16xi32>
    %eq3A_1396 = arith.cmpi eq, %get3A_1348, %eq3A_1395 : vector<16xi32>
    %convert_element_type3A_1397 = arith.extui %eq3A_1396 : vector<16xi1> to vector<16xi32>
    %broadcast_in_dim3A_1398 = arith.constant true
    %broadcast_in_dim3A_1399 = vector.broadcast %broadcast_in_dim3A_1398 : i1 to vector<16xi1>
    %masked_cumsum3A_1400 = tpu.scan <sum>, %convert_element_type3A_1397 masked %broadcast_in_dim3A_1399 : vector<16xi32>, vector<16xi1> -> vector<16xi32>
    %sub3A_1401 = arith.constant 1 : i32
    %sub3A_1402 = vector.broadcast %sub3A_1401 : i32 to vector<16xi32>
    %sub3A_1403 = arith.subi %masked_cumsum3A_1400, %sub3A_1402 : vector<16xi32>
    %select_n3A_1404 = arith.select %eq3A_1396, %sub3A_1403, %select_n3A_1393 : vector<16xi1>, vector<16xi32>
    %eq3A_1405 = arith.constant 5 : i32
    %eq3A_1406 = vector.broadcast %eq3A_1405 : i32 to vector<16xi32>
    %eq3A_1407 = arith.cmpi eq, %get3A_1348, %eq3A_1406 : vector<16xi32>
    %convert_element_type3A_1408 = arith.extui %eq3A_1407 : vector<16xi1> to vector<16xi32>
    %broadcast_in_dim3A_1409 = arith.constant true
    %broadcast_in_dim3A_1410 = vector.broadcast %broadcast_in_dim3A_1409 : i1 to vector<16xi1>
    %masked_cumsum3A_1411 = tpu.scan <sum>, %convert_element_type3A_1408 masked %broadcast_in_dim3A_1410 : vector<16xi32>, vector<16xi1> -> vector<16xi32>
    %sub3A_1412 = arith.constant 1 : i32
    %sub3A_1413 = vector.broadcast %sub3A_1412 : i32 to vector<16xi32>
    %sub3A_1414 = arith.subi %masked_cumsum3A_1411, %sub3A_1413 : vector<16xi32>
    %select_n3A_1415 = arith.select %eq3A_1407, %sub3A_1414, %select_n3A_1404 : vector<16xi1>, vector<16xi32>
    %eq3A_1416 = arith.constant 6 : i32
    %eq3A_1417 = vector.broadcast %eq3A_1416 : i32 to vector<16xi32>
    %eq3A_1418 = arith.cmpi eq, %get3A_1348, %eq3A_1417 : vector<16xi32>
    %convert_element_type3A_1419 = arith.extui %eq3A_1418 : vector<16xi1> to vector<16xi32>
    %broadcast_in_dim3A_1420 = arith.constant true
    %broadcast_in_dim3A_1421 = vector.broadcast %broadcast_in_dim3A_1420 : i1 to vector<16xi1>
    %masked_cumsum3A_1422 = tpu.scan <sum>, %convert_element_type3A_1419 masked %broadcast_in_dim3A_1421 : vector<16xi32>, vector<16xi1> -> vector<16xi32>
    %sub3A_1423 = arith.constant 1 : i32
    %sub3A_1424 = vector.broadcast %sub3A_1423 : i32 to vector<16xi32>
    %sub3A_1425 = arith.subi %masked_cumsum3A_1422, %sub3A_1424 : vector<16xi32>
    %select_n3A_1426 = arith.select %eq3A_1418, %sub3A_1425, %select_n3A_1415 : vector<16xi1>, vector<16xi32>
    %eq3A_1427 = arith.constant 7 : i32
    %eq3A_1428 = vector.broadcast %eq3A_1427 : i32 to vector<16xi32>
    %eq3A_1429 = arith.cmpi eq, %get3A_1348, %eq3A_1428 : vector<16xi32>
    %convert_element_type3A_1430 = arith.extui %eq3A_1429 : vector<16xi1> to vector<16xi32>
    %broadcast_in_dim3A_1431 = arith.constant true
    %broadcast_in_dim3A_1432 = vector.broadcast %broadcast_in_dim3A_1431 : i1 to vector<16xi1>
    %masked_cumsum3A_1433 = tpu.scan <sum>, %convert_element_type3A_1430 masked %broadcast_in_dim3A_1432 : vector<16xi32>, vector<16xi1> -> vector<16xi32>
    %sub3A_1434 = arith.constant 1 : i32
    %sub3A_1435 = vector.broadcast %sub3A_1434 : i32 to vector<16xi32>
    %sub3A_1436 = arith.subi %masked_cumsum3A_1433, %sub3A_1435 : vector<16xi32>
    %select_n3A_1437 = arith.select %eq3A_1429, %sub3A_1436, %select_n3A_1426 : vector<16xi1>, vector<16xi32>
    tpu.vector_store_idx %arg9[%get3A_1348], %broadcast_in_dim3A_5 {add = true} : memref<16xi32, #tpu.memory_space<vmem>>[vector<16xi32>], vector<16xi32>,
    %add3A_1438 = arith.addi %gather3A_1349, %select_n3A_1437 : vector<16xi32>
    %swap3A_1439 = arith.constant 13 : i32
    %swap3A_1440 = arith.index_cast %swap3A_1439 : i32 to index
    %swap3A_1441 = arith.constant 0 : index
    %swap3A_1442 = tpu.vector_load %arg10[%swap3A_1440, %swap3A_1441] {strides = array<i32>} : memref<16x16xi32, #tpu.memory_space<vmem>>, vector<16xi32>,
    tpu.vector_store %arg10[%swap3A_1440, %swap3A_1441], %add3A_1438 {strides = array<i32>} : memref<16x16xi32, #tpu.memory_space<vmem>>, vector<16xi32>,
    %add3A_1443 = arith.constant 14 : i32
    %add3A_1444 = arith.addi %mul3A_4, %add3A_1443 : i32
    %mul3A_1445 = arith.constant 16 : i32
    %mul3A_1446 = arith.muli %add3A_1444, %mul3A_1445 : i32
    %get3A_1447 = arith.index_cast %mul3A_1446 : i32 to index
    %get3A_1448 = tpu.vector_load %arg7[%get3A_1447] {strides = array<i32>} : memref<8192xi32, #tpu.memory_space<vmem>>, vector<16xi32>,
    %gather3A_1449 = tpu.vector_load_idx %arg9[%get3A_1448] : memref<16xi32, #tpu.memory_space<vmem>>[vector<16xi32>], vector<16xi32>,
    %eq3A_1450 = arith.constant 0 : i32
    %eq3A_1451 = vector.broadcast %eq3A_1450 : i32 to vector<16xi32>
    %eq3A_1452 = arith.cmpi eq, %get3A_1448, %eq3A_1451 : vector<16xi32>
    %convert_element_type3A_1453 = arith.extui %eq3A_1452 : vector<16xi1> to vector<16xi32>
    %broadcast_in_dim3A_1454 = arith.constant true
    %broadcast_in_dim3A_1455 = vector.broadcast %broadcast_in_dim3A_1454 : i1 to vector<16xi1>
    %masked_cumsum3A_1456 = tpu.scan <sum>, %convert_element_type3A_1453 masked %broadcast_in_dim3A_1455 : vector<16xi32>, vector<16xi1> -> vector<16xi32>
    %sub3A_1457 = arith.constant 1 : i32
    %sub3A_1458 = vector.broadcast %sub3A_1457 : i32 to vector<16xi32>
    %sub3A_1459 = arith.subi %masked_cumsum3A_1456, %sub3A_1458 : vector<16xi32>
    %select_n3A_1460 = arith.select %eq3A_1452, %sub3A_1459, %broadcast_in_dim3A_7 : vector<16xi1>, vector<16xi32>
    %eq3A_1461 = arith.constant 1 : i32
    %eq3A_1462 = vector.broadcast %eq3A_1461 : i32 to vector<16xi32>
    %eq3A_1463 = arith.cmpi eq, %get3A_1448, %eq3A_1462 : vector<16xi32>
    %convert_element_type3A_1464 = arith.extui %eq3A_1463 : vector<16xi1> to vector<16xi32>
    %broadcast_in_dim3A_1465 = arith.constant true
    %broadcast_in_dim3A_1466 = vector.broadcast %broadcast_in_dim3A_1465 : i1 to vector<16xi1>
    %masked_cumsum3A_1467 = tpu.scan <sum>, %convert_element_type3A_1464 masked %broadcast_in_dim3A_1466 : vector<16xi32>, vector<16xi1> -> vector<16xi32>
    %sub3A_1468 = arith.constant 1 : i32
    %sub3A_1469 = vector.broadcast %sub3A_1468 : i32 to vector<16xi32>
    %sub3A_1470 = arith.subi %masked_cumsum3A_1467, %sub3A_1469 : vector<16xi32>
    %select_n3A_1471 = arith.select %eq3A_1463, %sub3A_1470, %select_n3A_1460 : vector<16xi1>, vector<16xi32>
    %eq3A_1472 = arith.constant 2 : i32
    %eq3A_1473 = vector.broadcast %eq3A_1472 : i32 to vector<16xi32>
    %eq3A_1474 = arith.cmpi eq, %get3A_1448, %eq3A_1473 : vector<16xi32>
    %convert_element_type3A_1475 = arith.extui %eq3A_1474 : vector<16xi1> to vector<16xi32>
    %broadcast_in_dim3A_1476 = arith.constant true
    %broadcast_in_dim3A_1477 = vector.broadcast %broadcast_in_dim3A_1476 : i1 to vector<16xi1>
    %masked_cumsum3A_1478 = tpu.scan <sum>, %convert_element_type3A_1475 masked %broadcast_in_dim3A_1477 : vector<16xi32>, vector<16xi1> -> vector<16xi32>
    %sub3A_1479 = arith.constant 1 : i32
    %sub3A_1480 = vector.broadcast %sub3A_1479 : i32 to vector<16xi32>
    %sub3A_1481 = arith.subi %masked_cumsum3A_1478, %sub3A_1480 : vector<16xi32>
    %select_n3A_1482 = arith.select %eq3A_1474, %sub3A_1481, %select_n3A_1471 : vector<16xi1>, vector<16xi32>
    %eq3A_1483 = arith.constant 3 : i32
    %eq3A_1484 = vector.broadcast %eq3A_1483 : i32 to vector<16xi32>
    %eq3A_1485 = arith.cmpi eq, %get3A_1448, %eq3A_1484 : vector<16xi32>
    %convert_element_type3A_1486 = arith.extui %eq3A_1485 : vector<16xi1> to vector<16xi32>
    %broadcast_in_dim3A_1487 = arith.constant true
    %broadcast_in_dim3A_1488 = vector.broadcast %broadcast_in_dim3A_1487 : i1 to vector<16xi1>
    %masked_cumsum3A_1489 = tpu.scan <sum>, %convert_element_type3A_1486 masked %broadcast_in_dim3A_1488 : vector<16xi32>, vector<16xi1> -> vector<16xi32>
    %sub3A_1490 = arith.constant 1 : i32
    %sub3A_1491 = vector.broadcast %sub3A_1490 : i32 to vector<16xi32>
    %sub3A_1492 = arith.subi %masked_cumsum3A_1489, %sub3A_1491 : vector<16xi32>
    %select_n3A_1493 = arith.select %eq3A_1485, %sub3A_1492, %select_n3A_1482 : vector<16xi1>, vector<16xi32>
    %eq3A_1494 = arith.constant 4 : i32
    %eq3A_1495 = vector.broadcast %eq3A_1494 : i32 to vector<16xi32>
    %eq3A_1496 = arith.cmpi eq, %get3A_1448, %eq3A_1495 : vector<16xi32>
    %convert_element_type3A_1497 = arith.extui %eq3A_1496 : vector<16xi1> to vector<16xi32>
    %broadcast_in_dim3A_1498 = arith.constant true
    %broadcast_in_dim3A_1499 = vector.broadcast %broadcast_in_dim3A_1498 : i1 to vector<16xi1>
    %masked_cumsum3A_1500 = tpu.scan <sum>, %convert_element_type3A_1497 masked %broadcast_in_dim3A_1499 : vector<16xi32>, vector<16xi1> -> vector<16xi32>
    %sub3A_1501 = arith.constant 1 : i32
    %sub3A_1502 = vector.broadcast %sub3A_1501 : i32 to vector<16xi32>
    %sub3A_1503 = arith.subi %masked_cumsum3A_1500, %sub3A_1502 : vector<16xi32>
    %select_n3A_1504 = arith.select %eq3A_1496, %sub3A_1503, %select_n3A_1493 : vector<16xi1>, vector<16xi32>
    %eq3A_1505 = arith.constant 5 : i32
    %eq3A_1506 = vector.broadcast %eq3A_1505 : i32 to vector<16xi32>
    %eq3A_1507 = arith.cmpi eq, %get3A_1448, %eq3A_1506 : vector<16xi32>
    %convert_element_type3A_1508 = arith.extui %eq3A_1507 : vector<16xi1> to vector<16xi32>
    %broadcast_in_dim3A_1509 = arith.constant true
    %broadcast_in_dim3A_1510 = vector.broadcast %broadcast_in_dim3A_1509 : i1 to vector<16xi1>
    %masked_cumsum3A_1511 = tpu.scan <sum>, %convert_element_type3A_1508 masked %broadcast_in_dim3A_1510 : vector<16xi32>, vector<16xi1> -> vector<16xi32>
    %sub3A_1512 = arith.constant 1 : i32
    %sub3A_1513 = vector.broadcast %sub3A_1512 : i32 to vector<16xi32>
    %sub3A_1514 = arith.subi %masked_cumsum3A_1511, %sub3A_1513 : vector<16xi32>
    %select_n3A_1515 = arith.select %eq3A_1507, %sub3A_1514, %select_n3A_1504 : vector<16xi1>, vector<16xi32>
    %eq3A_1516 = arith.constant 6 : i32
    %eq3A_1517 = vector.broadcast %eq3A_1516 : i32 to vector<16xi32>
    %eq3A_1518 = arith.cmpi eq, %get3A_1448, %eq3A_1517 : vector<16xi32>
    %convert_element_type3A_1519 = arith.extui %eq3A_1518 : vector<16xi1> to vector<16xi32>
    %broadcast_in_dim3A_1520 = arith.constant true
    %broadcast_in_dim3A_1521 = vector.broadcast %broadcast_in_dim3A_1520 : i1 to vector<16xi1>
    %masked_cumsum3A_1522 = tpu.scan <sum>, %convert_element_type3A_1519 masked %broadcast_in_dim3A_1521 : vector<16xi32>, vector<16xi1> -> vector<16xi32>
    %sub3A_1523 = arith.constant 1 : i32
    %sub3A_1524 = vector.broadcast %sub3A_1523 : i32 to vector<16xi32>
    %sub3A_1525 = arith.subi %masked_cumsum3A_1522, %sub3A_1524 : vector<16xi32>
    %select_n3A_1526 = arith.select %eq3A_1518, %sub3A_1525, %select_n3A_1515 : vector<16xi1>, vector<16xi32>
    %eq3A_1527 = arith.constant 7 : i32
    %eq3A_1528 = vector.broadcast %eq3A_1527 : i32 to vector<16xi32>
    %eq3A_1529 = arith.cmpi eq, %get3A_1448, %eq3A_1528 : vector<16xi32>
    %convert_element_type3A_1530 = arith.extui %eq3A_1529 : vector<16xi1> to vector<16xi32>
    %broadcast_in_dim3A_1531 = arith.constant true
    %broadcast_in_dim3A_1532 = vector.broadcast %broadcast_in_dim3A_1531 : i1 to vector<16xi1>
    %masked_cumsum3A_1533 = tpu.scan <sum>, %convert_element_type3A_1530 masked %broadcast_in_dim3A_1532 : vector<16xi32>, vector<16xi1> -> vector<16xi32>
    %sub3A_1534 = arith.constant 1 : i32
    %sub3A_1535 = vector.broadcast %sub3A_1534 : i32 to vector<16xi32>
    %sub3A_1536 = arith.subi %masked_cumsum3A_1533, %sub3A_1535 : vector<16xi32>
    %select_n3A_1537 = arith.select %eq3A_1529, %sub3A_1536, %select_n3A_1526 : vector<16xi1>, vector<16xi32>
    tpu.vector_store_idx %arg9[%get3A_1448], %broadcast_in_dim3A_5 {add = true} : memref<16xi32, #tpu.memory_space<vmem>>[vector<16xi32>], vector<16xi32>,
    %add3A_1538 = arith.addi %gather3A_1449, %select_n3A_1537 : vector<16xi32>
    %swap3A_1539 = arith.constant 14 : i32
    %swap3A_1540 = arith.index_cast %swap3A_1539 : i32 to index
    %swap3A_1541 = arith.constant 0 : index
    %swap3A_1542 = tpu.vector_load %arg10[%swap3A_1540, %swap3A_1541] {strides = array<i32>} : memref<16x16xi32, #tpu.memory_space<vmem>>, vector<16xi32>,
    tpu.vector_store %arg10[%swap3A_1540, %swap3A_1541], %add3A_1538 {strides = array<i32>} : memref<16x16xi32, #tpu.memory_space<vmem>>, vector<16xi32>,
    %add3A_1543 = arith.constant 15 : i32
    %add3A_1544 = arith.addi %mul3A_4, %add3A_1543 : i32
    %mul3A_1545 = arith.constant 16 : i32
    %mul3A_1546 = arith.muli %add3A_1544, %mul3A_1545 : i32
    %get3A_1547 = arith.index_cast %mul3A_1546 : i32 to index
    %get3A_1548 = tpu.vector_load %arg7[%get3A_1547] {strides = array<i32>} : memref<8192xi32, #tpu.memory_space<vmem>>, vector<16xi32>,
    %gather3A_1549 = tpu.vector_load_idx %arg9[%get3A_1548] : memref<16xi32, #tpu.memory_space<vmem>>[vector<16xi32>], vector<16xi32>,
    %eq3A_1550 = arith.constant 0 : i32
    %eq3A_1551 = vector.broadcast %eq3A_1550 : i32 to vector<16xi32>
    %eq3A_1552 = arith.cmpi eq, %get3A_1548, %eq3A_1551 : vector<16xi32>
    %convert_element_type3A_1553 = arith.extui %eq3A_1552 : vector<16xi1> to vector<16xi32>
    %broadcast_in_dim3A_1554 = arith.constant true
    %broadcast_in_dim3A_1555 = vector.broadcast %broadcast_in_dim3A_1554 : i1 to vector<16xi1>
    %masked_cumsum3A_1556 = tpu.scan <sum>, %convert_element_type3A_1553 masked %broadcast_in_dim3A_1555 : vector<16xi32>, vector<16xi1> -> vector<16xi32>
    %sub3A_1557 = arith.constant 1 : i32
    %sub3A_1558 = vector.broadcast %sub3A_1557 : i32 to vector<16xi32>
    %sub3A_1559 = arith.subi %masked_cumsum3A_1556, %sub3A_1558 : vector<16xi32>
    %select_n3A_1560 = arith.select %eq3A_1552, %sub3A_1559, %broadcast_in_dim3A_7 : vector<16xi1>, vector<16xi32>
    %eq3A_1561 = arith.constant 1 : i32
    %eq3A_1562 = vector.broadcast %eq3A_1561 : i32 to vector<16xi32>
    %eq3A_1563 = arith.cmpi eq, %get3A_1548, %eq3A_1562 : vector<16xi32>
    %convert_element_type3A_1564 = arith.extui %eq3A_1563 : vector<16xi1> to vector<16xi32>
    %broadcast_in_dim3A_1565 = arith.constant true
    %broadcast_in_dim3A_1566 = vector.broadcast %broadcast_in_dim3A_1565 : i1 to vector<16xi1>
    %masked_cumsum3A_1567 = tpu.scan <sum>, %convert_element_type3A_1564 masked %broadcast_in_dim3A_1566 : vector<16xi32>, vector<16xi1> -> vector<16xi32>
    %sub3A_1568 = arith.constant 1 : i32
    %sub3A_1569 = vector.broadcast %sub3A_1568 : i32 to vector<16xi32>
    %sub3A_1570 = arith.subi %masked_cumsum3A_1567, %sub3A_1569 : vector<16xi32>
    %select_n3A_1571 = arith.select %eq3A_1563, %sub3A_1570, %select_n3A_1560 : vector<16xi1>, vector<16xi32>
    %eq3A_1572 = arith.constant 2 : i32
    %eq3A_1573 = vector.broadcast %eq3A_1572 : i32 to vector<16xi32>
    %eq3A_1574 = arith.cmpi eq, %get3A_1548, %eq3A_1573 : vector<16xi32>
    %convert_element_type3A_1575 = arith.extui %eq3A_1574 : vector<16xi1> to vector<16xi32>
    %broadcast_in_dim3A_1576 = arith.constant true
    %broadcast_in_dim3A_1577 = vector.broadcast %broadcast_in_dim3A_1576 : i1 to vector<16xi1>
    %masked_cumsum3A_1578 = tpu.scan <sum>, %convert_element_type3A_1575 masked %broadcast_in_dim3A_1577 : vector<16xi32>, vector<16xi1> -> vector<16xi32>
    %sub3A_1579 = arith.constant 1 : i32
    %sub3A_1580 = vector.broadcast %sub3A_1579 : i32 to vector<16xi32>
    %sub3A_1581 = arith.subi %masked_cumsum3A_1578, %sub3A_1580 : vector<16xi32>
    %select_n3A_1582 = arith.select %eq3A_1574, %sub3A_1581, %select_n3A_1571 : vector<16xi1>, vector<16xi32>
    %eq3A_1583 = arith.constant 3 : i32
    %eq3A_1584 = vector.broadcast %eq3A_1583 : i32 to vector<16xi32>
    %eq3A_1585 = arith.cmpi eq, %get3A_1548, %eq3A_1584 : vector<16xi32>
    %convert_element_type3A_1586 = arith.extui %eq3A_1585 : vector<16xi1> to vector<16xi32>
    %broadcast_in_dim3A_1587 = arith.constant true
    %broadcast_in_dim3A_1588 = vector.broadcast %broadcast_in_dim3A_1587 : i1 to vector<16xi1>
    %masked_cumsum3A_1589 = tpu.scan <sum>, %convert_element_type3A_1586 masked %broadcast_in_dim3A_1588 : vector<16xi32>, vector<16xi1> -> vector<16xi32>
    %sub3A_1590 = arith.constant 1 : i32
    %sub3A_1591 = vector.broadcast %sub3A_1590 : i32 to vector<16xi32>
    %sub3A_1592 = arith.subi %masked_cumsum3A_1589, %sub3A_1591 : vector<16xi32>
    %select_n3A_1593 = arith.select %eq3A_1585, %sub3A_1592, %select_n3A_1582 : vector<16xi1>, vector<16xi32>
    %eq3A_1594 = arith.constant 4 : i32
    %eq3A_1595 = vector.broadcast %eq3A_1594 : i32 to vector<16xi32>
    %eq3A_1596 = arith.cmpi eq, %get3A_1548, %eq3A_1595 : vector<16xi32>
    %convert_element_type3A_1597 = arith.extui %eq3A_1596 : vector<16xi1> to vector<16xi32>
    %broadcast_in_dim3A_1598 = arith.constant true
    %broadcast_in_dim3A_1599 = vector.broadcast %broadcast_in_dim3A_1598 : i1 to vector<16xi1>
    %masked_cumsum3A_1600 = tpu.scan <sum>, %convert_element_type3A_1597 masked %broadcast_in_dim3A_1599 : vector<16xi32>, vector<16xi1> -> vector<16xi32>
    %sub3A_1601 = arith.constant 1 : i32
    %sub3A_1602 = vector.broadcast %sub3A_1601 : i32 to vector<16xi32>
    %sub3A_1603 = arith.subi %masked_cumsum3A_1600, %sub3A_1602 : vector<16xi32>
    %select_n3A_1604 = arith.select %eq3A_1596, %sub3A_1603, %select_n3A_1593 : vector<16xi1>, vector<16xi32>
    %eq3A_1605 = arith.constant 5 : i32
    %eq3A_1606 = vector.broadcast %eq3A_1605 : i32 to vector<16xi32>
    %eq3A_1607 = arith.cmpi eq, %get3A_1548, %eq3A_1606 : vector<16xi32>
    %convert_element_type3A_1608 = arith.extui %eq3A_1607 : vector<16xi1> to vector<16xi32>
    %broadcast_in_dim3A_1609 = arith.constant true
    %broadcast_in_dim3A_1610 = vector.broadcast %broadcast_in_dim3A_1609 : i1 to vector<16xi1>
    %masked_cumsum3A_1611 = tpu.scan <sum>, %convert_element_type3A_1608 masked %broadcast_in_dim3A_1610 : vector<16xi32>, vector<16xi1> -> vector<16xi32>
    %sub3A_1612 = arith.constant 1 : i32
    %sub3A_1613 = vector.broadcast %sub3A_1612 : i32 to vector<16xi32>
    %sub3A_1614 = arith.subi %masked_cumsum3A_1611, %sub3A_1613 : vector<16xi32>
    %select_n3A_1615 = arith.select %eq3A_1607, %sub3A_1614, %select_n3A_1604 : vector<16xi1>, vector<16xi32>
    %eq3A_1616 = arith.constant 6 : i32
    %eq3A_1617 = vector.broadcast %eq3A_1616 : i32 to vector<16xi32>
    %eq3A_1618 = arith.cmpi eq, %get3A_1548, %eq3A_1617 : vector<16xi32>
    %convert_element_type3A_1619 = arith.extui %eq3A_1618 : vector<16xi1> to vector<16xi32>
    %broadcast_in_dim3A_1620 = arith.constant true
    %broadcast_in_dim3A_1621 = vector.broadcast %broadcast_in_dim3A_1620 : i1 to vector<16xi1>
    %masked_cumsum3A_1622 = tpu.scan <sum>, %convert_element_type3A_1619 masked %broadcast_in_dim3A_1621 : vector<16xi32>, vector<16xi1> -> vector<16xi32>
    %sub3A_1623 = arith.constant 1 : i32
    %sub3A_1624 = vector.broadcast %sub3A_1623 : i32 to vector<16xi32>
    %sub3A_1625 = arith.subi %masked_cumsum3A_1622, %sub3A_1624 : vector<16xi32>
    %select_n3A_1626 = arith.select %eq3A_1618, %sub3A_1625, %select_n3A_1615 : vector<16xi1>, vector<16xi32>
    %eq3A_1627 = arith.constant 7 : i32
    %eq3A_1628 = vector.broadcast %eq3A_1627 : i32 to vector<16xi32>
    %eq3A_1629 = arith.cmpi eq, %get3A_1548, %eq3A_1628 : vector<16xi32>
    %convert_element_type3A_1630 = arith.extui %eq3A_1629 : vector<16xi1> to vector<16xi32>
    %broadcast_in_dim3A_1631 = arith.constant true
    %broadcast_in_dim3A_1632 = vector.broadcast %broadcast_in_dim3A_1631 : i1 to vector<16xi1>
    %masked_cumsum3A_1633 = tpu.scan <sum>, %convert_element_type3A_1630 masked %broadcast_in_dim3A_1632 : vector<16xi32>, vector<16xi1> -> vector<16xi32>
    %sub3A_1634 = arith.constant 1 : i32
    %sub3A_1635 = vector.broadcast %sub3A_1634 : i32 to vector<16xi32>
    %sub3A_1636 = arith.subi %masked_cumsum3A_1633, %sub3A_1635 : vector<16xi32>
    %select_n3A_1637 = arith.select %eq3A_1629, %sub3A_1636, %select_n3A_1626 : vector<16xi1>, vector<16xi32>
    tpu.vector_store_idx %arg9[%get3A_1548], %broadcast_in_dim3A_5 {add = true} : memref<16xi32, #tpu.memory_space<vmem>>[vector<16xi32>], vector<16xi32>,
    %add3A_1638 = arith.addi %gather3A_1549, %select_n3A_1637 : vector<16xi32>
    %swap3A_1639 = arith.constant 15 : i32
    %swap3A_1640 = arith.index_cast %swap3A_1639 : i32 to index
    %swap3A_1641 = arith.constant 0 : index
    %swap3A_1642 = tpu.vector_load %arg10[%swap3A_1640, %swap3A_1641] {strides = array<i32>} : memref<16x16xi32, #tpu.memory_space<vmem>>, vector<16xi32>,
    tpu.vector_store %arg10[%swap3A_1640, %swap3A_1641], %add3A_1638 {strides = array<i32>} : memref<16x16xi32, #tpu.memory_space<vmem>>, vector<16xi32>,
    %mul3A_1643 = arith.constant 16 : i32
    %mul3A_1644 = arith.muli %add3A, %mul3A_1643 : i32
    "tpu.region"() ({
      %run_scoped3A = tpu.sem_alloc : memref<!tpu.dma_semaphore, #tpu.memory_space<semaphore_mem>>
      %dma_start3A_2221 = arith.constant 0 : i32
      %dma_start3A_2222 = tpu.memref_slice %arg4[%mul3A_1644, %dma_start3A_2221] : memref<512x16xi32, #tpu.memory_space<hbm>> -> memref<16x16xi32, #tpu.memory_space<hbm>>
      %dma_start3A_2223 = arith.constant 0 : i32
      %dma_start3A_2224 = tpu.memref_slice %arg4[%mul3A_1644, %dma_start3A_2223] : memref<512x16xi32, #tpu.memory_space<hbm>> -> memref<16x16xi32, #tpu.memory_space<hbm>>
      tpu.enqueue_dma source(%arg10 : memref<16x16xi32, #tpu.memory_space<vmem>>) target(%dma_start3A_2224 : memref<16x16xi32, #tpu.memory_space<hbm>>) target_semaphore(%run_scoped3A : memref<!tpu.dma_semaphore, #tpu.memory_space<semaphore_mem>>)
      %dma_wait3A_2225 = arith.constant 0 : i32
      %dma_wait3A_2226 = tpu.memref_slice %arg4[%mul3A_1644, %dma_wait3A_2225] : memref<512x16xi32, #tpu.memory_space<hbm>> -> memref<16x16xi32, #tpu.memory_space<hbm>>
      %dma_wait3A_2227 = arith.constant 0 : i32
      %dma_wait3A_2228 = tpu.memref_slice %arg4[%mul3A_1644, %dma_wait3A_2227] : memref<512x16xi32, #tpu.memory_space<hbm>> -> memref<16x16xi32, #tpu.memory_space<hbm>>
      tpu.wait_dma2 semaphore(%run_scoped3A : memref<!tpu.dma_semaphore, #tpu.memory_space<semaphore_mem>>) src(%arg10 : memref<16x16xi32, #tpu.memory_space<vmem>>) dst(%dma_wait3A_2228 : memref<16x16xi32, #tpu.memory_space<hbm>>)
      tpu.yield
    }) : () -> ()
    %eq3A_1645 = arith.constant 0 : i32
    %eq3A_1646 = arith.cmpi eq, %add3A, %eq3A_1645 : i32
    %convert_element_type3A_1647 = arith.extui %eq3A_1646 : i1 to i32
    %cond3A = arith.constant 0 : i32
    %cond3A_1648 = arith.cmpi ne, %convert_element_type3A_1647, %cond3A : i32
    scf.if %cond3A_1648 {
      %add3A_2221 = arith.addi %sub3A, %shift_left3A_41 : vector<16xi32>
      %add3A_2222 = arith.constant 0 : i32
      %add3A_2223 = vector.broadcast %add3A_2222 : i32 to vector<16xi32>
      %add3A_2224 = arith.addi %iota3A, %add3A_2223 : vector<16xi32>
      %shift_left3A_2225 = arith.constant 8 : i32
      %shift_left3A_2226 = vector.broadcast %shift_left3A_2225 : i32 to vector<16xi32>
      %shift_left3A_2227 = arith.shli %add3A_2224, %shift_left3A_2226 : vector<16xi32>
      %broadcast_in_dim3A_2228 = arith.constant 0 : i32
      %broadcast_in_dim3A_2229 = vector.broadcast %broadcast_in_dim3A_2228 : i32 to vector<16xi32>
      %eq3A_2230 = arith.constant 0 : i32
      %eq3A_2231 = vector.broadcast %eq3A_2230 : i32 to vector<16xi32>
      %eq3A_2232 = arith.cmpi eq, %iota3A, %eq3A_2231 : vector<16xi32>
      %jit3A = arith.constant 0 : i32
      %broadcast_in_dim3A_2233 = vector.broadcast %jit3A : i32 to vector<16xi32>
      %select_n3A_2234 = arith.select %eq3A_2232, %add3A_2221, %broadcast_in_dim3A_2233 : vector<16xi1>, vector<16xi32>
      %reduce_sum3A = arith.constant true
      %reduce_sum3A_2235 = vector.broadcast %reduce_sum3A : i1 to vector<16xi1>
      %reduce_sum3A_2236 = tpu.scan <sum>, %select_n3A_2234 masked %reduce_sum3A_2235 : vector<16xi32>, vector<16xi1> -> vector<16xi32>
      %reduce_sum3A_2237 = vector.extract %reduce_sum3A_2236[15] : i32 from vector<16xi32>
      %ge3A = vector.broadcast %reduce_sum3A_2237 : i32 to vector<16xi32>
      %ge3A_2238 = arith.cmpi sge, %shift_left3A_2227, %ge3A : vector<16xi32>
      %convert_element_type3A_2239 = arith.extui %ge3A_2238 : vector<16xi1> to vector<16xi32>
      %add3A_2240 = arith.addi %broadcast_in_dim3A_2229, %convert_element_type3A_2239 : vector<16xi32>
      %eq3A_2241 = arith.constant 1 : i32
      %eq3A_2242 = vector.broadcast %eq3A_2241 : i32 to vector<16xi32>
      %eq3A_2243 = arith.cmpi eq, %iota3A, %eq3A_2242 : vector<16xi32>
      %jit3A_2244 = arith.constant 0 : i32
      %broadcast_in_dim3A_2245 = vector.broadcast %jit3A_2244 : i32 to vector<16xi32>
      %select_n3A_2246 = arith.select %eq3A_2243, %add3A_2221, %broadcast_in_dim3A_2245 : vector<16xi1>, vector<16xi32>
      %reduce_sum3A_2247 = arith.constant true
      %reduce_sum3A_2248 = vector.broadcast %reduce_sum3A_2247 : i1 to vector<16xi1>
      %reduce_sum3A_2249 = tpu.scan <sum>, %select_n3A_2246 masked %reduce_sum3A_2248 : vector<16xi32>, vector<16xi1> -> vector<16xi32>
      %reduce_sum3A_2250 = vector.extract %reduce_sum3A_2249[15] : i32 from vector<16xi32>
      %ge3A_2251 = vector.broadcast %reduce_sum3A_2250 : i32 to vector<16xi32>
      %ge3A_2252 = arith.cmpi sge, %shift_left3A_2227, %ge3A_2251 : vector<16xi32>
      %convert_element_type3A_2253 = arith.extui %ge3A_2252 : vector<16xi1> to vector<16xi32>
      %add3A_2254 = arith.addi %add3A_2240, %convert_element_type3A_2253 : vector<16xi32>
      %eq3A_2255 = arith.constant 2 : i32
      %eq3A_2256 = vector.broadcast %eq3A_2255 : i32 to vector<16xi32>
      %eq3A_2257 = arith.cmpi eq, %iota3A, %eq3A_2256 : vector<16xi32>
      %jit3A_2258 = arith.constant 0 : i32
      %broadcast_in_dim3A_2259 = vector.broadcast %jit3A_2258 : i32 to vector<16xi32>
      %select_n3A_2260 = arith.select %eq3A_2257, %add3A_2221, %broadcast_in_dim3A_2259 : vector<16xi1>, vector<16xi32>
      %reduce_sum3A_2261 = arith.constant true
      %reduce_sum3A_2262 = vector.broadcast %reduce_sum3A_2261 : i1 to vector<16xi1>
      %reduce_sum3A_2263 = tpu.scan <sum>, %select_n3A_2260 masked %reduce_sum3A_2262 : vector<16xi32>, vector<16xi1> -> vector<16xi32>
      %reduce_sum3A_2264 = vector.extract %reduce_sum3A_2263[15] : i32 from vector<16xi32>
      %ge3A_2265 = vector.broadcast %reduce_sum3A_2264 : i32 to vector<16xi32>
      %ge3A_2266 = arith.cmpi sge, %shift_left3A_2227, %ge3A_2265 : vector<16xi32>
      %convert_element_type3A_2267 = arith.extui %ge3A_2266 : vector<16xi1> to vector<16xi32>
      %add3A_2268 = arith.addi %add3A_2254, %convert_element_type3A_2267 : vector<16xi32>
      %eq3A_2269 = arith.constant 3 : i32
      %eq3A_2270 = vector.broadcast %eq3A_2269 : i32 to vector<16xi32>
      %eq3A_2271 = arith.cmpi eq, %iota3A, %eq3A_2270 : vector<16xi32>
      %jit3A_2272 = arith.constant 0 : i32
      %broadcast_in_dim3A_2273 = vector.broadcast %jit3A_2272 : i32 to vector<16xi32>
      %select_n3A_2274 = arith.select %eq3A_2271, %add3A_2221, %broadcast_in_dim3A_2273 : vector<16xi1>, vector<16xi32>
      %reduce_sum3A_2275 = arith.constant true
      %reduce_sum3A_2276 = vector.broadcast %reduce_sum3A_2275 : i1 to vector<16xi1>
      %reduce_sum3A_2277 = tpu.scan <sum>, %select_n3A_2274 masked %reduce_sum3A_2276 : vector<16xi32>, vector<16xi1> -> vector<16xi32>
      %reduce_sum3A_2278 = vector.extract %reduce_sum3A_2277[15] : i32 from vector<16xi32>
      %ge3A_2279 = vector.broadcast %reduce_sum3A_2278 : i32 to vector<16xi32>
      %ge3A_2280 = arith.cmpi sge, %shift_left3A_2227, %ge3A_2279 : vector<16xi32>
      %convert_element_type3A_2281 = arith.extui %ge3A_2280 : vector<16xi1> to vector<16xi32>
      %add3A_2282 = arith.addi %add3A_2268, %convert_element_type3A_2281 : vector<16xi32>
      %eq3A_2283 = arith.constant 4 : i32
      %eq3A_2284 = vector.broadcast %eq3A_2283 : i32 to vector<16xi32>
      %eq3A_2285 = arith.cmpi eq, %iota3A, %eq3A_2284 : vector<16xi32>
      %jit3A_2286 = arith.constant 0 : i32
      %broadcast_in_dim3A_2287 = vector.broadcast %jit3A_2286 : i32 to vector<16xi32>
      %select_n3A_2288 = arith.select %eq3A_2285, %add3A_2221, %broadcast_in_dim3A_2287 : vector<16xi1>, vector<16xi32>
      %reduce_sum3A_2289 = arith.constant true
      %reduce_sum3A_2290 = vector.broadcast %reduce_sum3A_2289 : i1 to vector<16xi1>
      %reduce_sum3A_2291 = tpu.scan <sum>, %select_n3A_2288 masked %reduce_sum3A_2290 : vector<16xi32>, vector<16xi1> -> vector<16xi32>
      %reduce_sum3A_2292 = vector.extract %reduce_sum3A_2291[15] : i32 from vector<16xi32>
      %ge3A_2293 = vector.broadcast %reduce_sum3A_2292 : i32 to vector<16xi32>
      %ge3A_2294 = arith.cmpi sge, %shift_left3A_2227, %ge3A_2293 : vector<16xi32>
      %convert_element_type3A_2295 = arith.extui %ge3A_2294 : vector<16xi1> to vector<16xi32>
      %add3A_2296 = arith.addi %add3A_2282, %convert_element_type3A_2295 : vector<16xi32>
      %eq3A_2297 = arith.constant 5 : i32
      %eq3A_2298 = vector.broadcast %eq3A_2297 : i32 to vector<16xi32>
      %eq3A_2299 = arith.cmpi eq, %iota3A, %eq3A_2298 : vector<16xi32>
      %jit3A_2300 = arith.constant 0 : i32
      %broadcast_in_dim3A_2301 = vector.broadcast %jit3A_2300 : i32 to vector<16xi32>
      %select_n3A_2302 = arith.select %eq3A_2299, %add3A_2221, %broadcast_in_dim3A_2301 : vector<16xi1>, vector<16xi32>
      %reduce_sum3A_2303 = arith.constant true
      %reduce_sum3A_2304 = vector.broadcast %reduce_sum3A_2303 : i1 to vector<16xi1>
      %reduce_sum3A_2305 = tpu.scan <sum>, %select_n3A_2302 masked %reduce_sum3A_2304 : vector<16xi32>, vector<16xi1> -> vector<16xi32>
      %reduce_sum3A_2306 = vector.extract %reduce_sum3A_2305[15] : i32 from vector<16xi32>
      %ge3A_2307 = vector.broadcast %reduce_sum3A_2306 : i32 to vector<16xi32>
      %ge3A_2308 = arith.cmpi sge, %shift_left3A_2227, %ge3A_2307 : vector<16xi32>
      %convert_element_type3A_2309 = arith.extui %ge3A_2308 : vector<16xi1> to vector<16xi32>
      %add3A_2310 = arith.addi %add3A_2296, %convert_element_type3A_2309 : vector<16xi32>
      %eq3A_2311 = arith.constant 6 : i32
      %eq3A_2312 = vector.broadcast %eq3A_2311 : i32 to vector<16xi32>
      %eq3A_2313 = arith.cmpi eq, %iota3A, %eq3A_2312 : vector<16xi32>
      %jit3A_2314 = arith.constant 0 : i32
      %broadcast_in_dim3A_2315 = vector.broadcast %jit3A_2314 : i32 to vector<16xi32>
      %select_n3A_2316 = arith.select %eq3A_2313, %add3A_2221, %broadcast_in_dim3A_2315 : vector<16xi1>, vector<16xi32>
      %reduce_sum3A_2317 = arith.constant true
      %reduce_sum3A_2318 = vector.broadcast %reduce_sum3A_2317 : i1 to vector<16xi1>
      %reduce_sum3A_2319 = tpu.scan <sum>, %select_n3A_2316 masked %reduce_sum3A_2318 : vector<16xi32>, vector<16xi1> -> vector<16xi32>
      %reduce_sum3A_2320 = vector.extract %reduce_sum3A_2319[15] : i32 from vector<16xi32>
      %ge3A_2321 = vector.broadcast %reduce_sum3A_2320 : i32 to vector<16xi32>
      %ge3A_2322 = arith.cmpi sge, %shift_left3A_2227, %ge3A_2321 : vector<16xi32>
      %convert_element_type3A_2323 = arith.extui %ge3A_2322 : vector<16xi1> to vector<16xi32>
      %add3A_2324 = arith.addi %add3A_2310, %convert_element_type3A_2323 : vector<16xi32>
      %eq3A_2325 = arith.constant 7 : i32
      %eq3A_2326 = vector.broadcast %eq3A_2325 : i32 to vector<16xi32>
      %eq3A_2327 = arith.cmpi eq, %iota3A, %eq3A_2326 : vector<16xi32>
      %jit3A_2328 = arith.constant 0 : i32
      %broadcast_in_dim3A_2329 = vector.broadcast %jit3A_2328 : i32 to vector<16xi32>
      %select_n3A_2330 = arith.select %eq3A_2327, %add3A_2221, %broadcast_in_dim3A_2329 : vector<16xi1>, vector<16xi32>
      %reduce_sum3A_2331 = arith.constant true
      %reduce_sum3A_2332 = vector.broadcast %reduce_sum3A_2331 : i1 to vector<16xi1>
      %reduce_sum3A_2333 = tpu.scan <sum>, %select_n3A_2330 masked %reduce_sum3A_2332 : vector<16xi32>, vector<16xi1> -> vector<16xi32>
      %reduce_sum3A_2334 = vector.extract %reduce_sum3A_2333[15] : i32 from vector<16xi32>
      %ge3A_2335 = vector.broadcast %reduce_sum3A_2334 : i32 to vector<16xi32>
      %ge3A_2336 = arith.cmpi sge, %shift_left3A_2227, %ge3A_2335 : vector<16xi32>
      %convert_element_type3A_2337 = arith.extui %ge3A_2336 : vector<16xi1> to vector<16xi32>
      %add3A_2338 = arith.addi %add3A_2324, %convert_element_type3A_2337 : vector<16xi32>
      %min3A = arith.constant 7 : i32
      %min3A_2339 = vector.broadcast %min3A : i32 to vector<16xi32>
      %min3A_2340 = arith.minsi %add3A_2338, %min3A_2339 : vector<16xi32>
      %swap3A_2341 = arith.constant 0 : index
      %swap3A_2342 = tpu.vector_load %arg11[%swap3A_2341] {strides = array<i32>} : memref<48xi32, #tpu.memory_space<vmem>>, vector<16xi32>,
      tpu.vector_store %arg11[%swap3A_2341], %min3A_2340 {strides = array<i32>} : memref<48xi32, #tpu.memory_space<vmem>>, vector<16xi32>,
      %add3A_2343 = arith.constant 16 : i32
      %add3A_2344 = vector.broadcast %add3A_2343 : i32 to vector<16xi32>
      %add3A_2345 = arith.addi %iota3A, %add3A_2344 : vector<16xi32>
      %shift_left3A_2346 = arith.constant 8 : i32
      %shift_left3A_2347 = vector.broadcast %shift_left3A_2346 : i32 to vector<16xi32>
      %shift_left3A_2348 = arith.shli %add3A_2345, %shift_left3A_2347 : vector<16xi32>
      %broadcast_in_dim3A_2349 = arith.constant 0 : i32
      %broadcast_in_dim3A_2350 = vector.broadcast %broadcast_in_dim3A_2349 : i32 to vector<16xi32>
      %eq3A_2351 = arith.constant 0 : i32
      %eq3A_2352 = vector.broadcast %eq3A_2351 : i32 to vector<16xi32>
      %eq3A_2353 = arith.cmpi eq, %iota3A, %eq3A_2352 : vector<16xi32>
      %jit3A_2354 = arith.constant 0 : i32
      %broadcast_in_dim3A_2355 = vector.broadcast %jit3A_2354 : i32 to vector<16xi32>
      %select_n3A_2356 = arith.select %eq3A_2353, %add3A_2221, %broadcast_in_dim3A_2355 : vector<16xi1>, vector<16xi32>
      %reduce_sum3A_2357 = arith.constant true
      %reduce_sum3A_2358 = vector.broadcast %reduce_sum3A_2357 : i1 to vector<16xi1>
      %reduce_sum3A_2359 = tpu.scan <sum>, %select_n3A_2356 masked %reduce_sum3A_2358 : vector<16xi32>, vector<16xi1> -> vector<16xi32>
      %reduce_sum3A_2360 = vector.extract %reduce_sum3A_2359[15] : i32 from vector<16xi32>
      %ge3A_2361 = vector.broadcast %reduce_sum3A_2360 : i32 to vector<16xi32>
      %ge3A_2362 = arith.cmpi sge, %shift_left3A_2348, %ge3A_2361 : vector<16xi32>
      %convert_element_type3A_2363 = arith.extui %ge3A_2362 : vector<16xi1> to vector<16xi32>
      %add3A_2364 = arith.addi %broadcast_in_dim3A_2350, %convert_element_type3A_2363 : vector<16xi32>
      %eq3A_2365 = arith.constant 1 : i32
      %eq3A_2366 = vector.broadcast %eq3A_2365 : i32 to vector<16xi32>
      %eq3A_2367 = arith.cmpi eq, %iota3A, %eq3A_2366 : vector<16xi32>
      %jit3A_2368 = arith.constant 0 : i32
      %broadcast_in_dim3A_2369 = vector.broadcast %jit3A_2368 : i32 to vector<16xi32>
      %select_n3A_2370 = arith.select %eq3A_2367, %add3A_2221, %broadcast_in_dim3A_2369 : vector<16xi1>, vector<16xi32>
      %reduce_sum3A_2371 = arith.constant true
      %reduce_sum3A_2372 = vector.broadcast %reduce_sum3A_2371 : i1 to vector<16xi1>
      %reduce_sum3A_2373 = tpu.scan <sum>, %select_n3A_2370 masked %reduce_sum3A_2372 : vector<16xi32>, vector<16xi1> -> vector<16xi32>
      %reduce_sum3A_2374 = vector.extract %reduce_sum3A_2373[15] : i32 from vector<16xi32>
      %ge3A_2375 = vector.broadcast %reduce_sum3A_2374 : i32 to vector<16xi32>
      %ge3A_2376 = arith.cmpi sge, %shift_left3A_2348, %ge3A_2375 : vector<16xi32>
      %convert_element_type3A_2377 = arith.extui %ge3A_2376 : vector<16xi1> to vector<16xi32>
      %add3A_2378 = arith.addi %add3A_2364, %convert_element_type3A_2377 : vector<16xi32>
      %eq3A_2379 = arith.constant 2 : i32
      %eq3A_2380 = vector.broadcast %eq3A_2379 : i32 to vector<16xi32>
      %eq3A_2381 = arith.cmpi eq, %iota3A, %eq3A_2380 : vector<16xi32>
      %jit3A_2382 = arith.constant 0 : i32
      %broadcast_in_dim3A_2383 = vector.broadcast %jit3A_2382 : i32 to vector<16xi32>
      %select_n3A_2384 = arith.select %eq3A_2381, %add3A_2221, %broadcast_in_dim3A_2383 : vector<16xi1>, vector<16xi32>
      %reduce_sum3A_2385 = arith.constant true
      %reduce_sum3A_2386 = vector.broadcast %reduce_sum3A_2385 : i1 to vector<16xi1>
      %reduce_sum3A_2387 = tpu.scan <sum>, %select_n3A_2384 masked %reduce_sum3A_2386 : vector<16xi32>, vector<16xi1> -> vector<16xi32>
      %reduce_sum3A_2388 = vector.extract %reduce_sum3A_2387[15] : i32 from vector<16xi32>
      %ge3A_2389 = vector.broadcast %reduce_sum3A_2388 : i32 to vector<16xi32>
      %ge3A_2390 = arith.cmpi sge, %shift_left3A_2348, %ge3A_2389 : vector<16xi32>
      %convert_element_type3A_2391 = arith.extui %ge3A_2390 : vector<16xi1> to vector<16xi32>
      %add3A_2392 = arith.addi %add3A_2378, %convert_element_type3A_2391 : vector<16xi32>
      %eq3A_2393 = arith.constant 3 : i32
      %eq3A_2394 = vector.broadcast %eq3A_2393 : i32 to vector<16xi32>
      %eq3A_2395 = arith.cmpi eq, %iota3A, %eq3A_2394 : vector<16xi32>
      %jit3A_2396 = arith.constant 0 : i32
      %broadcast_in_dim3A_2397 = vector.broadcast %jit3A_2396 : i32 to vector<16xi32>
      %select_n3A_2398 = arith.select %eq3A_2395, %add3A_2221, %broadcast_in_dim3A_2397 : vector<16xi1>, vector<16xi32>
      %reduce_sum3A_2399 = arith.constant true
      %reduce_sum3A_2400 = vector.broadcast %reduce_sum3A_2399 : i1 to vector<16xi1>
      %reduce_sum3A_2401 = tpu.scan <sum>, %select_n3A_2398 masked %reduce_sum3A_2400 : vector<16xi32>, vector<16xi1> -> vector<16xi32>
      %reduce_sum3A_2402 = vector.extract %reduce_sum3A_2401[15] : i32 from vector<16xi32>
      %ge3A_2403 = vector.broadcast %reduce_sum3A_2402 : i32 to vector<16xi32>
      %ge3A_2404 = arith.cmpi sge, %shift_left3A_2348, %ge3A_2403 : vector<16xi32>
      %convert_element_type3A_2405 = arith.extui %ge3A_2404 : vector<16xi1> to vector<16xi32>
      %add3A_2406 = arith.addi %add3A_2392, %convert_element_type3A_2405 : vector<16xi32>
      %eq3A_2407 = arith.constant 4 : i32
      %eq3A_2408 = vector.broadcast %eq3A_2407 : i32 to vector<16xi32>
      %eq3A_2409 = arith.cmpi eq, %iota3A, %eq3A_2408 : vector<16xi32>
      %jit3A_2410 = arith.constant 0 : i32
      %broadcast_in_dim3A_2411 = vector.broadcast %jit3A_2410 : i32 to vector<16xi32>
      %select_n3A_2412 = arith.select %eq3A_2409, %add3A_2221, %broadcast_in_dim3A_2411 : vector<16xi1>, vector<16xi32>
      %reduce_sum3A_2413 = arith.constant true
      %reduce_sum3A_2414 = vector.broadcast %reduce_sum3A_2413 : i1 to vector<16xi1>
      %reduce_sum3A_2415 = tpu.scan <sum>, %select_n3A_2412 masked %reduce_sum3A_2414 : vector<16xi32>, vector<16xi1> -> vector<16xi32>
      %reduce_sum3A_2416 = vector.extract %reduce_sum3A_2415[15] : i32 from vector<16xi32>
      %ge3A_2417 = vector.broadcast %reduce_sum3A_2416 : i32 to vector<16xi32>
      %ge3A_2418 = arith.cmpi sge, %shift_left3A_2348, %ge3A_2417 : vector<16xi32>
      %convert_element_type3A_2419 = arith.extui %ge3A_2418 : vector<16xi1> to vector<16xi32>
      %add3A_2420 = arith.addi %add3A_2406, %convert_element_type3A_2419 : vector<16xi32>
      %eq3A_2421 = arith.constant 5 : i32
      %eq3A_2422 = vector.broadcast %eq3A_2421 : i32 to vector<16xi32>
      %eq3A_2423 = arith.cmpi eq, %iota3A, %eq3A_2422 : vector<16xi32>
      %jit3A_2424 = arith.constant 0 : i32
      %broadcast_in_dim3A_2425 = vector.broadcast %jit3A_2424 : i32 to vector<16xi32>
      %select_n3A_2426 = arith.select %eq3A_2423, %add3A_2221, %broadcast_in_dim3A_2425 : vector<16xi1>, vector<16xi32>
      %reduce_sum3A_2427 = arith.constant true
      %reduce_sum3A_2428 = vector.broadcast %reduce_sum3A_2427 : i1 to vector<16xi1>
      %reduce_sum3A_2429 = tpu.scan <sum>, %select_n3A_2426 masked %reduce_sum3A_2428 : vector<16xi32>, vector<16xi1> -> vector<16xi32>
      %reduce_sum3A_2430 = vector.extract %reduce_sum3A_2429[15] : i32 from vector<16xi32>
      %ge3A_2431 = vector.broadcast %reduce_sum3A_2430 : i32 to vector<16xi32>
      %ge3A_2432 = arith.cmpi sge, %shift_left3A_2348, %ge3A_2431 : vector<16xi32>
      %convert_element_type3A_2433 = arith.extui %ge3A_2432 : vector<16xi1> to vector<16xi32>
      %add3A_2434 = arith.addi %add3A_2420, %convert_element_type3A_2433 : vector<16xi32>
      %eq3A_2435 = arith.constant 6 : i32
      %eq3A_2436 = vector.broadcast %eq3A_2435 : i32 to vector<16xi32>
      %eq3A_2437 = arith.cmpi eq, %iota3A, %eq3A_2436 : vector<16xi32>
      %jit3A_2438 = arith.constant 0 : i32
      %broadcast_in_dim3A_2439 = vector.broadcast %jit3A_2438 : i32 to vector<16xi32>
      %select_n3A_2440 = arith.select %eq3A_2437, %add3A_2221, %broadcast_in_dim3A_2439 : vector<16xi1>, vector<16xi32>
      %reduce_sum3A_2441 = arith.constant true
      %reduce_sum3A_2442 = vector.broadcast %reduce_sum3A_2441 : i1 to vector<16xi1>
      %reduce_sum3A_2443 = tpu.scan <sum>, %select_n3A_2440 masked %reduce_sum3A_2442 : vector<16xi32>, vector<16xi1> -> vector<16xi32>
      %reduce_sum3A_2444 = vector.extract %reduce_sum3A_2443[15] : i32 from vector<16xi32>
      %ge3A_2445 = vector.broadcast %reduce_sum3A_2444 : i32 to vector<16xi32>
      %ge3A_2446 = arith.cmpi sge, %shift_left3A_2348, %ge3A_2445 : vector<16xi32>
      %convert_element_type3A_2447 = arith.extui %ge3A_2446 : vector<16xi1> to vector<16xi32>
      %add3A_2448 = arith.addi %add3A_2434, %convert_element_type3A_2447 : vector<16xi32>
      %eq3A_2449 = arith.constant 7 : i32
      %eq3A_2450 = vector.broadcast %eq3A_2449 : i32 to vector<16xi32>
      %eq3A_2451 = arith.cmpi eq, %iota3A, %eq3A_2450 : vector<16xi32>
      %jit3A_2452 = arith.constant 0 : i32
      %broadcast_in_dim3A_2453 = vector.broadcast %jit3A_2452 : i32 to vector<16xi32>
      %select_n3A_2454 = arith.select %eq3A_2451, %add3A_2221, %broadcast_in_dim3A_2453 : vector<16xi1>, vector<16xi32>
      %reduce_sum3A_2455 = arith.constant true
      %reduce_sum3A_2456 = vector.broadcast %reduce_sum3A_2455 : i1 to vector<16xi1>
      %reduce_sum3A_2457 = tpu.scan <sum>, %select_n3A_2454 masked %reduce_sum3A_2456 : vector<16xi32>, vector<16xi1> -> vector<16xi32>
      %reduce_sum3A_2458 = vector.extract %reduce_sum3A_2457[15] : i32 from vector<16xi32>
      %ge3A_2459 = vector.broadcast %reduce_sum3A_2458 : i32 to vector<16xi32>
      %ge3A_2460 = arith.cmpi sge, %shift_left3A_2348, %ge3A_2459 : vector<16xi32>
      %convert_element_type3A_2461 = arith.extui %ge3A_2460 : vector<16xi1> to vector<16xi32>
      %add3A_2462 = arith.addi %add3A_2448, %convert_element_type3A_2461 : vector<16xi32>
      %min3A_2463 = arith.constant 7 : i32
      %min3A_2464 = vector.broadcast %min3A_2463 : i32 to vector<16xi32>
      %min3A_2465 = arith.minsi %add3A_2462, %min3A_2464 : vector<16xi32>
      %swap3A_2466 = arith.constant 16 : index
      %swap3A_2467 = tpu.vector_load %arg11[%swap3A_2466] {strides = array<i32>} : memref<48xi32, #tpu.memory_space<vmem>>, vector<16xi32>,
      tpu.vector_store %arg11[%swap3A_2466], %min3A_2465 {strides = array<i32>} : memref<48xi32, #tpu.memory_space<vmem>>, vector<16xi32>,
      %add3A_2468 = arith.constant 32 : i32
      %add3A_2469 = vector.broadcast %add3A_2468 : i32 to vector<16xi32>
      %add3A_2470 = arith.addi %iota3A, %add3A_2469 : vector<16xi32>
      %shift_left3A_2471 = arith.constant 8 : i32
      %shift_left3A_2472 = vector.broadcast %shift_left3A_2471 : i32 to vector<16xi32>
      %shift_left3A_2473 = arith.shli %add3A_2470, %shift_left3A_2472 : vector<16xi32>
      %broadcast_in_dim3A_2474 = arith.constant 0 : i32
      %broadcast_in_dim3A_2475 = vector.broadcast %broadcast_in_dim3A_2474 : i32 to vector<16xi32>
      %eq3A_2476 = arith.constant 0 : i32
      %eq3A_2477 = vector.broadcast %eq3A_2476 : i32 to vector<16xi32>
      %eq3A_2478 = arith.cmpi eq, %iota3A, %eq3A_2477 : vector<16xi32>
      %jit3A_2479 = arith.constant 0 : i32
      %broadcast_in_dim3A_2480 = vector.broadcast %jit3A_2479 : i32 to vector<16xi32>
      %select_n3A_2481 = arith.select %eq3A_2478, %add3A_2221, %broadcast_in_dim3A_2480 : vector<16xi1>, vector<16xi32>
      %reduce_sum3A_2482 = arith.constant true
      %reduce_sum3A_2483 = vector.broadcast %reduce_sum3A_2482 : i1 to vector<16xi1>
      %reduce_sum3A_2484 = tpu.scan <sum>, %select_n3A_2481 masked %reduce_sum3A_2483 : vector<16xi32>, vector<16xi1> -> vector<16xi32>
      %reduce_sum3A_2485 = vector.extract %reduce_sum3A_2484[15] : i32 from vector<16xi32>
      %ge3A_2486 = vector.broadcast %reduce_sum3A_2485 : i32 to vector<16xi32>
      %ge3A_2487 = arith.cmpi sge, %shift_left3A_2473, %ge3A_2486 : vector<16xi32>
      %convert_element_type3A_2488 = arith.extui %ge3A_2487 : vector<16xi1> to vector<16xi32>
      %add3A_2489 = arith.addi %broadcast_in_dim3A_2475, %convert_element_type3A_2488 : vector<16xi32>
      %eq3A_2490 = arith.constant 1 : i32
      %eq3A_2491 = vector.broadcast %eq3A_2490 : i32 to vector<16xi32>
      %eq3A_2492 = arith.cmpi eq, %iota3A, %eq3A_2491 : vector<16xi32>
      %jit3A_2493 = arith.constant 0 : i32
      %broadcast_in_dim3A_2494 = vector.broadcast %jit3A_2493 : i32 to vector<16xi32>
      %select_n3A_2495 = arith.select %eq3A_2492, %add3A_2221, %broadcast_in_dim3A_2494 : vector<16xi1>, vector<16xi32>
      %reduce_sum3A_2496 = arith.constant true
      %reduce_sum3A_2497 = vector.broadcast %reduce_sum3A_2496 : i1 to vector<16xi1>
      %reduce_sum3A_2498 = tpu.scan <sum>, %select_n3A_2495 masked %reduce_sum3A_2497 : vector<16xi32>, vector<16xi1> -> vector<16xi32>
      %reduce_sum3A_2499 = vector.extract %reduce_sum3A_2498[15] : i32 from vector<16xi32>
      %ge3A_2500 = vector.broadcast %reduce_sum3A_2499 : i32 to vector<16xi32>
      %ge3A_2501 = arith.cmpi sge, %shift_left3A_2473, %ge3A_2500 : vector<16xi32>
      %convert_element_type3A_2502 = arith.extui %ge3A_2501 : vector<16xi1> to vector<16xi32>
      %add3A_2503 = arith.addi %add3A_2489, %convert_element_type3A_2502 : vector<16xi32>
      %eq3A_2504 = arith.constant 2 : i32
      %eq3A_2505 = vector.broadcast %eq3A_2504 : i32 to vector<16xi32>
      %eq3A_2506 = arith.cmpi eq, %iota3A, %eq3A_2505 : vector<16xi32>
      %jit3A_2507 = arith.constant 0 : i32
      %broadcast_in_dim3A_2508 = vector.broadcast %jit3A_2507 : i32 to vector<16xi32>
      %select_n3A_2509 = arith.select %eq3A_2506, %add3A_2221, %broadcast_in_dim3A_2508 : vector<16xi1>, vector<16xi32>
      %reduce_sum3A_2510 = arith.constant true
      %reduce_sum3A_2511 = vector.broadcast %reduce_sum3A_2510 : i1 to vector<16xi1>
      %reduce_sum3A_2512 = tpu.scan <sum>, %select_n3A_2509 masked %reduce_sum3A_2511 : vector<16xi32>, vector<16xi1> -> vector<16xi32>
      %reduce_sum3A_2513 = vector.extract %reduce_sum3A_2512[15] : i32 from vector<16xi32>
      %ge3A_2514 = vector.broadcast %reduce_sum3A_2513 : i32 to vector<16xi32>
      %ge3A_2515 = arith.cmpi sge, %shift_left3A_2473, %ge3A_2514 : vector<16xi32>
      %convert_element_type3A_2516 = arith.extui %ge3A_2515 : vector<16xi1> to vector<16xi32>
      %add3A_2517 = arith.addi %add3A_2503, %convert_element_type3A_2516 : vector<16xi32>
      %eq3A_2518 = arith.constant 3 : i32
      %eq3A_2519 = vector.broadcast %eq3A_2518 : i32 to vector<16xi32>
      %eq3A_2520 = arith.cmpi eq, %iota3A, %eq3A_2519 : vector<16xi32>
      %jit3A_2521 = arith.constant 0 : i32
      %broadcast_in_dim3A_2522 = vector.broadcast %jit3A_2521 : i32 to vector<16xi32>
      %select_n3A_2523 = arith.select %eq3A_2520, %add3A_2221, %broadcast_in_dim3A_2522 : vector<16xi1>, vector<16xi32>
      %reduce_sum3A_2524 = arith.constant true
      %reduce_sum3A_2525 = vector.broadcast %reduce_sum3A_2524 : i1 to vector<16xi1>
      %reduce_sum3A_2526 = tpu.scan <sum>, %select_n3A_2523 masked %reduce_sum3A_2525 : vector<16xi32>, vector<16xi1> -> vector<16xi32>
      %reduce_sum3A_2527 = vector.extract %reduce_sum3A_2526[15] : i32 from vector<16xi32>
      %ge3A_2528 = vector.broadcast %reduce_sum3A_2527 : i32 to vector<16xi32>
      %ge3A_2529 = arith.cmpi sge, %shift_left3A_2473, %ge3A_2528 : vector<16xi32>
      %convert_element_type3A_2530 = arith.extui %ge3A_2529 : vector<16xi1> to vector<16xi32>
      %add3A_2531 = arith.addi %add3A_2517, %convert_element_type3A_2530 : vector<16xi32>
      %eq3A_2532 = arith.constant 4 : i32
      %eq3A_2533 = vector.broadcast %eq3A_2532 : i32 to vector<16xi32>
      %eq3A_2534 = arith.cmpi eq, %iota3A, %eq3A_2533 : vector<16xi32>
      %jit3A_2535 = arith.constant 0 : i32
      %broadcast_in_dim3A_2536 = vector.broadcast %jit3A_2535 : i32 to vector<16xi32>
      %select_n3A_2537 = arith.select %eq3A_2534, %add3A_2221, %broadcast_in_dim3A_2536 : vector<16xi1>, vector<16xi32>
      %reduce_sum3A_2538 = arith.constant true
      %reduce_sum3A_2539 = vector.broadcast %reduce_sum3A_2538 : i1 to vector<16xi1>
      %reduce_sum3A_2540 = tpu.scan <sum>, %select_n3A_2537 masked %reduce_sum3A_2539 : vector<16xi32>, vector<16xi1> -> vector<16xi32>
      %reduce_sum3A_2541 = vector.extract %reduce_sum3A_2540[15] : i32 from vector<16xi32>
      %ge3A_2542 = vector.broadcast %reduce_sum3A_2541 : i32 to vector<16xi32>
      %ge3A_2543 = arith.cmpi sge, %shift_left3A_2473, %ge3A_2542 : vector<16xi32>
      %convert_element_type3A_2544 = arith.extui %ge3A_2543 : vector<16xi1> to vector<16xi32>
      %add3A_2545 = arith.addi %add3A_2531, %convert_element_type3A_2544 : vector<16xi32>
      %eq3A_2546 = arith.constant 5 : i32
      %eq3A_2547 = vector.broadcast %eq3A_2546 : i32 to vector<16xi32>
      %eq3A_2548 = arith.cmpi eq, %iota3A, %eq3A_2547 : vector<16xi32>
      %jit3A_2549 = arith.constant 0 : i32
      %broadcast_in_dim3A_2550 = vector.broadcast %jit3A_2549 : i32 to vector<16xi32>
      %select_n3A_2551 = arith.select %eq3A_2548, %add3A_2221, %broadcast_in_dim3A_2550 : vector<16xi1>, vector<16xi32>
      %reduce_sum3A_2552 = arith.constant true
      %reduce_sum3A_2553 = vector.broadcast %reduce_sum3A_2552 : i1 to vector<16xi1>
      %reduce_sum3A_2554 = tpu.scan <sum>, %select_n3A_2551 masked %reduce_sum3A_2553 : vector<16xi32>, vector<16xi1> -> vector<16xi32>
      %reduce_sum3A_2555 = vector.extract %reduce_sum3A_2554[15] : i32 from vector<16xi32>
      %ge3A_2556 = vector.broadcast %reduce_sum3A_2555 : i32 to vector<16xi32>
      %ge3A_2557 = arith.cmpi sge, %shift_left3A_2473, %ge3A_2556 : vector<16xi32>
      %convert_element_type3A_2558 = arith.extui %ge3A_2557 : vector<16xi1> to vector<16xi32>
      %add3A_2559 = arith.addi %add3A_2545, %convert_element_type3A_2558 : vector<16xi32>
      %eq3A_2560 = arith.constant 6 : i32
      %eq3A_2561 = vector.broadcast %eq3A_2560 : i32 to vector<16xi32>
      %eq3A_2562 = arith.cmpi eq, %iota3A, %eq3A_2561 : vector<16xi32>
      %jit3A_2563 = arith.constant 0 : i32
      %broadcast_in_dim3A_2564 = vector.broadcast %jit3A_2563 : i32 to vector<16xi32>
      %select_n3A_2565 = arith.select %eq3A_2562, %add3A_2221, %broadcast_in_dim3A_2564 : vector<16xi1>, vector<16xi32>
      %reduce_sum3A_2566 = arith.constant true
      %reduce_sum3A_2567 = vector.broadcast %reduce_sum3A_2566 : i1 to vector<16xi1>
      %reduce_sum3A_2568 = tpu.scan <sum>, %select_n3A_2565 masked %reduce_sum3A_2567 : vector<16xi32>, vector<16xi1> -> vector<16xi32>
      %reduce_sum3A_2569 = vector.extract %reduce_sum3A_2568[15] : i32 from vector<16xi32>
      %ge3A_2570 = vector.broadcast %reduce_sum3A_2569 : i32 to vector<16xi32>
      %ge3A_2571 = arith.cmpi sge, %shift_left3A_2473, %ge3A_2570 : vector<16xi32>
      %convert_element_type3A_2572 = arith.extui %ge3A_2571 : vector<16xi1> to vector<16xi32>
      %add3A_2573 = arith.addi %add3A_2559, %convert_element_type3A_2572 : vector<16xi32>
      %eq3A_2574 = arith.constant 7 : i32
      %eq3A_2575 = vector.broadcast %eq3A_2574 : i32 to vector<16xi32>
      %eq3A_2576 = arith.cmpi eq, %iota3A, %eq3A_2575 : vector<16xi32>
      %jit3A_2577 = arith.constant 0 : i32
      %broadcast_in_dim3A_2578 = vector.broadcast %jit3A_2577 : i32 to vector<16xi32>
      %select_n3A_2579 = arith.select %eq3A_2576, %add3A_2221, %broadcast_in_dim3A_2578 : vector<16xi1>, vector<16xi32>
      %reduce_sum3A_2580 = arith.constant true
      %reduce_sum3A_2581 = vector.broadcast %reduce_sum3A_2580 : i1 to vector<16xi1>
      %reduce_sum3A_2582 = tpu.scan <sum>, %select_n3A_2579 masked %reduce_sum3A_2581 : vector<16xi32>, vector<16xi1> -> vector<16xi32>
      %reduce_sum3A_2583 = vector.extract %reduce_sum3A_2582[15] : i32 from vector<16xi32>
      %ge3A_2584 = vector.broadcast %reduce_sum3A_2583 : i32 to vector<16xi32>
      %ge3A_2585 = arith.cmpi sge, %shift_left3A_2473, %ge3A_2584 : vector<16xi32>
      %convert_element_type3A_2586 = arith.extui %ge3A_2585 : vector<16xi1> to vector<16xi32>
      %add3A_2587 = arith.addi %add3A_2573, %convert_element_type3A_2586 : vector<16xi32>
      %min3A_2588 = arith.constant 7 : i32
      %min3A_2589 = vector.broadcast %min3A_2588 : i32 to vector<16xi32>
      %min3A_2590 = arith.minsi %add3A_2587, %min3A_2589 : vector<16xi32>
      %swap3A_2591 = arith.constant 32 : index
      %swap3A_2592 = tpu.vector_load %arg11[%swap3A_2591] {strides = array<i32>} : memref<48xi32, #tpu.memory_space<vmem>>, vector<16xi32>,
      tpu.vector_store %arg11[%swap3A_2591], %min3A_2590 {strides = array<i32>} : memref<48xi32, #tpu.memory_space<vmem>>, vector<16xi32>,
      "tpu.region"() ({
        %run_scoped3A = tpu.sem_alloc : memref<!tpu.dma_semaphore, #tpu.memory_space<semaphore_mem>>
        tpu.enqueue_dma source(%arg11 : memref<48xi32, #tpu.memory_space<vmem>>) target(%arg5 : memref<48xi32, #tpu.memory_space<hbm>>) target_semaphore(%run_scoped3A : memref<!tpu.dma_semaphore, #tpu.memory_space<semaphore_mem>>)
        tpu.wait_dma2 semaphore(%run_scoped3A : memref<!tpu.dma_semaphore, #tpu.memory_space<semaphore_mem>>) src(%arg11 : memref<48xi32, #tpu.memory_space<vmem>>) dst(%arg5 : memref<48xi32, #tpu.memory_space<hbm>>)
        tpu.yield
      }) : () -> ()
    } else {
    }
    %dma_start3A = arith.constant 0 : i32
    %dma_start3A_1649 = arith.constant 0 : i32
    %dma_start3A_1650 = tpu.memref_slice %arg3[%mul3A_2, %dma_start3A_1649] : memref<8192x2048xf32, #tpu.memory_space<hbm>> -> memref<16x2048xf32, #tpu.memory_space<hbm>>
    %dma_start3A_1651 = tpu.memref_slice %arg14[%dma_start3A] : memref<2x!tpu.dma_semaphore, #tpu.memory_space<semaphore_mem>> -> memref<1x!tpu.dma_semaphore, #tpu.memory_space<semaphore_mem>>
    %dma_start3A_1652 = tpu.memref_squeeze %dma_start3A_1651 : memref<1x!tpu.dma_semaphore, #tpu.memory_space<semaphore_mem>> -> memref<!tpu.dma_semaphore, #tpu.memory_space<semaphore_mem>>
    %dma_start3A_1653 = arith.constant 0 : i32
    %dma_start3A_1654 = tpu.memref_slice %arg3[%mul3A_2, %dma_start3A_1653] : memref<8192x2048xf32, #tpu.memory_space<hbm>> -> memref<16x2048xf32, #tpu.memory_space<hbm>>
    tpu.enqueue_dma source(%dma_start3A_1654 : memref<16x2048xf32, #tpu.memory_space<hbm>>) target(%arg12 : memref<16x2048xf32, #tpu.memory_space<vmem>>) target_semaphore(%dma_start3A_1652 : memref<!tpu.dma_semaphore, #tpu.memory_space<semaphore_mem>>)
    %add3A_1655 = arith.constant 16 : i32
    %add3A_1656 = arith.addi %mul3A_2, %add3A_1655 : i32
    %dma_start3A_1657 = arith.constant 1 : i32
    %dma_start3A_1658 = arith.constant 0 : i32
    %dma_start3A_1659 = tpu.memref_slice %arg3[%add3A_1656, %dma_start3A_1658] : memref<8192x2048xf32, #tpu.memory_space<hbm>> -> memref<16x2048xf32, #tpu.memory_space<hbm>>
    %dma_start3A_1660 = tpu.memref_slice %arg14[%dma_start3A_1657] : memref<2x!tpu.dma_semaphore, #tpu.memory_space<semaphore_mem>> -> memref<1x!tpu.dma_semaphore, #tpu.memory_space<semaphore_mem>>
    %dma_start3A_1661 = tpu.memref_squeeze %dma_start3A_1660 : memref<1x!tpu.dma_semaphore, #tpu.memory_space<semaphore_mem>> -> memref<!tpu.dma_semaphore, #tpu.memory_space<semaphore_mem>>
    %dma_start3A_1662 = arith.constant 0 : i32
    %dma_start3A_1663 = tpu.memref_slice %arg3[%add3A_1656, %dma_start3A_1662] : memref<8192x2048xf32, #tpu.memory_space<hbm>> -> memref<16x2048xf32, #tpu.memory_space<hbm>>
    tpu.enqueue_dma source(%dma_start3A_1663 : memref<16x2048xf32, #tpu.memory_space<hbm>>) target(%arg13 : memref<16x2048xf32, #tpu.memory_space<vmem>>) target_semaphore(%dma_start3A_1661 : memref<!tpu.dma_semaphore, #tpu.memory_space<semaphore_mem>>)
    %dma_wait3A = arith.constant 0 : i32
    %dma_wait3A_1664 = arith.constant 0 : i32
    %dma_wait3A_1665 = tpu.memref_slice %arg3[%mul3A_2, %dma_wait3A_1664] : memref<8192x2048xf32, #tpu.memory_space<hbm>> -> memref<16x2048xf32, #tpu.memory_space<hbm>>
    %dma_wait3A_1666 = tpu.memref_slice %arg14[%dma_wait3A] : memref<2x!tpu.dma_semaphore, #tpu.memory_space<semaphore_mem>> -> memref<1x!tpu.dma_semaphore, #tpu.memory_space<semaphore_mem>>
    %dma_wait3A_1667 = tpu.memref_squeeze %dma_wait3A_1666 : memref<1x!tpu.dma_semaphore, #tpu.memory_space<semaphore_mem>> -> memref<!tpu.dma_semaphore, #tpu.memory_space<semaphore_mem>>
    %dma_wait3A_1668 = arith.constant 0 : i32
    %dma_wait3A_1669 = tpu.memref_slice %arg3[%mul3A_2, %dma_wait3A_1668] : memref<8192x2048xf32, #tpu.memory_space<hbm>> -> memref<16x2048xf32, #tpu.memory_space<hbm>>
    tpu.wait_dma2 semaphore(%dma_wait3A_1667 : memref<!tpu.dma_semaphore, #tpu.memory_space<semaphore_mem>>) src(%dma_wait3A_1669 : memref<16x2048xf32, #tpu.memory_space<hbm>>) dst(%arg12 : memref<16x2048xf32, #tpu.memory_space<vmem>>)
    %dma_start3A_1670 = arith.constant 0 : i32
    %dma_start3A_1671 = arith.constant 0 : i32
    %dma_start3A_1672 = arith.constant 0 : i32
    %dma_start3A_1673 = tpu.memref_slice %arg10[%dma_start3A_1670, %dma_start3A_1672] : memref<16x16xi32, #tpu.memory_space<vmem>> -> memref<1x16xi32, #tpu.memory_space<vmem>>
    %dma_start3A_1674 = tpu.memref_squeeze %dma_start3A_1673 : memref<1x16xi32, #tpu.memory_space<vmem>> -> memref<16xi32, #tpu.memory_space<vmem>>
    %dma_start3A_1675 = arith.constant 0 : i32
    %dma_start3A_1676 = arith.constant 0 : i32
    %dma_start3A_1677 = tpu.memref_slice %arg6[%dma_start3A_1675, %dma_start3A_1676] : memref<10240x2048xf32, #tpu.memory_space<hbm>> -> memref<10240x2048xf32, #tpu.memory_space<hbm>>
    %dma_start3A_1678 = tpu.memref_slice %arg15[%dma_start3A_1671] : memref<2x!tpu.dma_semaphore, #tpu.memory_space<semaphore_mem>> -> memref<1x!tpu.dma_semaphore, #tpu.memory_space<semaphore_mem>>
    %dma_start3A_1679 = tpu.memref_squeeze %dma_start3A_1678 : memref<1x!tpu.dma_semaphore, #tpu.memory_space<semaphore_mem>> -> memref<!tpu.dma_semaphore, #tpu.memory_space<semaphore_mem>>
    tpu.enqueue_indirect_dma source(%arg12 : memref<16x2048xf32, #tpu.memory_space<vmem>>) target(%dma_start3A_1677 : memref<10240x2048xf32, #tpu.memory_space<hbm>>) offsets(%dma_start3A_1674 : memref<16xi32, #tpu.memory_space<vmem>>) semaphore(%dma_start3A_1679 : memref<!tpu.dma_semaphore, #tpu.memory_space<semaphore_mem>>)
    %dma_wait3A_1680 = arith.constant 0 : i32
    %dma_wait3A_1681 = arith.constant 0 : i32
    %dma_wait3A_1682 = arith.constant 0 : i32
    %dma_wait3A_1683 = tpu.memref_slice %arg10[%dma_wait3A_1680, %dma_wait3A_1682] : memref<16x16xi32, #tpu.memory_space<vmem>> -> memref<1x16xi32, #tpu.memory_space<vmem>>
    %dma_wait3A_1684 = tpu.memref_squeeze %dma_wait3A_1683 : memref<1x16xi32, #tpu.memory_space<vmem>> -> memref<16xi32, #tpu.memory_space<vmem>>
    %dma_wait3A_1685 = arith.constant 0 : i32
    %dma_wait3A_1686 = arith.constant 0 : i32
    %dma_wait3A_1687 = tpu.memref_slice %arg6[%dma_wait3A_1685, %dma_wait3A_1686] : memref<10240x2048xf32, #tpu.memory_space<hbm>> -> memref<10240x2048xf32, #tpu.memory_space<hbm>>
    %dma_wait3A_1688 = tpu.memref_slice %arg15[%dma_wait3A_1681] : memref<2x!tpu.dma_semaphore, #tpu.memory_space<semaphore_mem>> -> memref<1x!tpu.dma_semaphore, #tpu.memory_space<semaphore_mem>>
    %dma_wait3A_1689 = tpu.memref_squeeze %dma_wait3A_1688 : memref<1x!tpu.dma_semaphore, #tpu.memory_space<semaphore_mem>> -> memref<!tpu.dma_semaphore, #tpu.memory_space<semaphore_mem>>
    tpu.wait_indirect_dma semaphore(%dma_wait3A_1689 : memref<!tpu.dma_semaphore, #tpu.memory_space<semaphore_mem>>) src(%arg12 : memref<16x2048xf32, #tpu.memory_space<vmem>>) dst(%dma_wait3A_1687 : memref<10240x2048xf32, #tpu.memory_space<hbm>>)
    %add3A_1690 = arith.constant 32 : i32
    %add3A_1691 = arith.addi %mul3A_2, %add3A_1690 : i32
    %dma_start3A_1692 = arith.constant 0 : i32
    %dma_start3A_1693 = arith.constant 0 : i32
    %dma_start3A_1694 = tpu.memref_slice %arg3[%add3A_1691, %dma_start3A_1693] : memref<8192x2048xf32, #tpu.memory_space<hbm>> -> memref<16x2048xf32, #tpu.memory_space<hbm>>
    %dma_start3A_1695 = tpu.memref_slice %arg14[%dma_start3A_1692] : memref<2x!tpu.dma_semaphore, #tpu.memory_space<semaphore_mem>> -> memref<1x!tpu.dma_semaphore, #tpu.memory_space<semaphore_mem>>
    %dma_start3A_1696 = tpu.memref_squeeze %dma_start3A_1695 : memref<1x!tpu.dma_semaphore, #tpu.memory_space<semaphore_mem>> -> memref<!tpu.dma_semaphore, #tpu.memory_space<semaphore_mem>>
    %dma_start3A_1697 = arith.constant 0 : i32
    %dma_start3A_1698 = tpu.memref_slice %arg3[%add3A_1691, %dma_start3A_1697] : memref<8192x2048xf32, #tpu.memory_space<hbm>> -> memref<16x2048xf32, #tpu.memory_space<hbm>>
    tpu.enqueue_dma source(%dma_start3A_1698 : memref<16x2048xf32, #tpu.memory_space<hbm>>) target(%arg12 : memref<16x2048xf32, #tpu.memory_space<vmem>>) target_semaphore(%dma_start3A_1696 : memref<!tpu.dma_semaphore, #tpu.memory_space<semaphore_mem>>)
    %dma_wait3A_1699 = arith.constant 1 : i32
    %dma_wait3A_1700 = arith.constant 0 : i32
    %dma_wait3A_1701 = tpu.memref_slice %arg3[%add3A_1656, %dma_wait3A_1700] : memref<8192x2048xf32, #tpu.memory_space<hbm>> -> memref<16x2048xf32, #tpu.memory_space<hbm>>
    %dma_wait3A_1702 = tpu.memref_slice %arg14[%dma_wait3A_1699] : memref<2x!tpu.dma_semaphore, #tpu.memory_space<semaphore_mem>> -> memref<1x!tpu.dma_semaphore, #tpu.memory_space<semaphore_mem>>
    %dma_wait3A_1703 = tpu.memref_squeeze %dma_wait3A_1702 : memref<1x!tpu.dma_semaphore, #tpu.memory_space<semaphore_mem>> -> memref<!tpu.dma_semaphore, #tpu.memory_space<semaphore_mem>>
    %dma_wait3A_1704 = arith.constant 0 : i32
    %dma_wait3A_1705 = tpu.memref_slice %arg3[%add3A_1656, %dma_wait3A_1704] : memref<8192x2048xf32, #tpu.memory_space<hbm>> -> memref<16x2048xf32, #tpu.memory_space<hbm>>
    tpu.wait_dma2 semaphore(%dma_wait3A_1703 : memref<!tpu.dma_semaphore, #tpu.memory_space<semaphore_mem>>) src(%dma_wait3A_1705 : memref<16x2048xf32, #tpu.memory_space<hbm>>) dst(%arg13 : memref<16x2048xf32, #tpu.memory_space<vmem>>)
    %dma_start3A_1706 = arith.constant 1 : i32
    %dma_start3A_1707 = arith.constant 1 : i32
    %dma_start3A_1708 = arith.constant 0 : i32
    %dma_start3A_1709 = tpu.memref_slice %arg10[%dma_start3A_1706, %dma_start3A_1708] : memref<16x16xi32, #tpu.memory_space<vmem>> -> memref<1x16xi32, #tpu.memory_space<vmem>>
    %dma_start3A_1710 = tpu.memref_squeeze %dma_start3A_1709 : memref<1x16xi32, #tpu.memory_space<vmem>> -> memref<16xi32, #tpu.memory_space<vmem>>
    %dma_start3A_1711 = arith.constant 0 : i32
    %dma_start3A_1712 = arith.constant 0 : i32
    %dma_start3A_1713 = tpu.memref_slice %arg6[%dma_start3A_1711, %dma_start3A_1712] : memref<10240x2048xf32, #tpu.memory_space<hbm>> -> memref<10240x2048xf32, #tpu.memory_space<hbm>>
    %dma_start3A_1714 = tpu.memref_slice %arg15[%dma_start3A_1707] : memref<2x!tpu.dma_semaphore, #tpu.memory_space<semaphore_mem>> -> memref<1x!tpu.dma_semaphore, #tpu.memory_space<semaphore_mem>>
    %dma_start3A_1715 = tpu.memref_squeeze %dma_start3A_1714 : memref<1x!tpu.dma_semaphore, #tpu.memory_space<semaphore_mem>> -> memref<!tpu.dma_semaphore, #tpu.memory_space<semaphore_mem>>
    tpu.enqueue_indirect_dma source(%arg13 : memref<16x2048xf32, #tpu.memory_space<vmem>>) target(%dma_start3A_1713 : memref<10240x2048xf32, #tpu.memory_space<hbm>>) offsets(%dma_start3A_1710 : memref<16xi32, #tpu.memory_space<vmem>>) semaphore(%dma_start3A_1715 : memref<!tpu.dma_semaphore, #tpu.memory_space<semaphore_mem>>)
    %dma_wait3A_1716 = arith.constant 1 : i32
    %dma_wait3A_1717 = arith.constant 1 : i32
    %dma_wait3A_1718 = arith.constant 0 : i32
    %dma_wait3A_1719 = tpu.memref_slice %arg10[%dma_wait3A_1716, %dma_wait3A_1718] : memref<16x16xi32, #tpu.memory_space<vmem>> -> memref<1x16xi32, #tpu.memory_space<vmem>>
    %dma_wait3A_1720 = tpu.memref_squeeze %dma_wait3A_1719 : memref<1x16xi32, #tpu.memory_space<vmem>> -> memref<16xi32, #tpu.memory_space<vmem>>
    %dma_wait3A_1721 = arith.constant 0 : i32
    %dma_wait3A_1722 = arith.constant 0 : i32
    %dma_wait3A_1723 = tpu.memref_slice %arg6[%dma_wait3A_1721, %dma_wait3A_1722] : memref<10240x2048xf32, #tpu.memory_space<hbm>> -> memref<10240x2048xf32, #tpu.memory_space<hbm>>
    %dma_wait3A_1724 = tpu.memref_slice %arg15[%dma_wait3A_1717] : memref<2x!tpu.dma_semaphore, #tpu.memory_space<semaphore_mem>> -> memref<1x!tpu.dma_semaphore, #tpu.memory_space<semaphore_mem>>
    %dma_wait3A_1725 = tpu.memref_squeeze %dma_wait3A_1724 : memref<1x!tpu.dma_semaphore, #tpu.memory_space<semaphore_mem>> -> memref<!tpu.dma_semaphore, #tpu.memory_space<semaphore_mem>>
    tpu.wait_indirect_dma semaphore(%dma_wait3A_1725 : memref<!tpu.dma_semaphore, #tpu.memory_space<semaphore_mem>>) src(%arg13 : memref<16x2048xf32, #tpu.memory_space<vmem>>) dst(%dma_wait3A_1723 : memref<10240x2048xf32, #tpu.memory_space<hbm>>)
    %add3A_1726 = arith.constant 48 : i32
    %add3A_1727 = arith.addi %mul3A_2, %add3A_1726 : i32
    %dma_start3A_1728 = arith.constant 1 : i32
    %dma_start3A_1729 = arith.constant 0 : i32
    %dma_start3A_1730 = tpu.memref_slice %arg3[%add3A_1727, %dma_start3A_1729] : memref<8192x2048xf32, #tpu.memory_space<hbm>> -> memref<16x2048xf32, #tpu.memory_space<hbm>>
    %dma_start3A_1731 = tpu.memref_slice %arg14[%dma_start3A_1728] : memref<2x!tpu.dma_semaphore, #tpu.memory_space<semaphore_mem>> -> memref<1x!tpu.dma_semaphore, #tpu.memory_space<semaphore_mem>>
    %dma_start3A_1732 = tpu.memref_squeeze %dma_start3A_1731 : memref<1x!tpu.dma_semaphore, #tpu.memory_space<semaphore_mem>> -> memref<!tpu.dma_semaphore, #tpu.memory_space<semaphore_mem>>
    %dma_start3A_1733 = arith.constant 0 : i32
    %dma_start3A_1734 = tpu.memref_slice %arg3[%add3A_1727, %dma_start3A_1733] : memref<8192x2048xf32, #tpu.memory_space<hbm>> -> memref<16x2048xf32, #tpu.memory_space<hbm>>
    tpu.enqueue_dma source(%dma_start3A_1734 : memref<16x2048xf32, #tpu.memory_space<hbm>>) target(%arg13 : memref<16x2048xf32, #tpu.memory_space<vmem>>) target_semaphore(%dma_start3A_1732 : memref<!tpu.dma_semaphore, #tpu.memory_space<semaphore_mem>>)
    %dma_wait3A_1735 = arith.constant 0 : i32
    %dma_wait3A_1736 = arith.constant 0 : i32
    %dma_wait3A_1737 = tpu.memref_slice %arg3[%add3A_1691, %dma_wait3A_1736] : memref<8192x2048xf32, #tpu.memory_space<hbm>> -> memref<16x2048xf32, #tpu.memory_space<hbm>>
    %dma_wait3A_1738 = tpu.memref_slice %arg14[%dma_wait3A_1735] : memref<2x!tpu.dma_semaphore, #tpu.memory_space<semaphore_mem>> -> memref<1x!tpu.dma_semaphore, #tpu.memory_space<semaphore_mem>>
    %dma_wait3A_1739 = tpu.memref_squeeze %dma_wait3A_1738 : memref<1x!tpu.dma_semaphore, #tpu.memory_space<semaphore_mem>> -> memref<!tpu.dma_semaphore, #tpu.memory_space<semaphore_mem>>
    %dma_wait3A_1740 = arith.constant 0 : i32
    %dma_wait3A_1741 = tpu.memref_slice %arg3[%add3A_1691, %dma_wait3A_1740] : memref<8192x2048xf32, #tpu.memory_space<hbm>> -> memref<16x2048xf32, #tpu.memory_space<hbm>>
    tpu.wait_dma2 semaphore(%dma_wait3A_1739 : memref<!tpu.dma_semaphore, #tpu.memory_space<semaphore_mem>>) src(%dma_wait3A_1741 : memref<16x2048xf32, #tpu.memory_space<hbm>>) dst(%arg12 : memref<16x2048xf32, #tpu.memory_space<vmem>>)
    %dma_start3A_1742 = arith.constant 2 : i32
    %dma_start3A_1743 = arith.constant 0 : i32
    %dma_start3A_1744 = arith.constant 0 : i32
    %dma_start3A_1745 = tpu.memref_slice %arg10[%dma_start3A_1742, %dma_start3A_1744] : memref<16x16xi32, #tpu.memory_space<vmem>> -> memref<1x16xi32, #tpu.memory_space<vmem>>
    %dma_start3A_1746 = tpu.memref_squeeze %dma_start3A_1745 : memref<1x16xi32, #tpu.memory_space<vmem>> -> memref<16xi32, #tpu.memory_space<vmem>>
    %dma_start3A_1747 = arith.constant 0 : i32
    %dma_start3A_1748 = arith.constant 0 : i32
    %dma_start3A_1749 = tpu.memref_slice %arg6[%dma_start3A_1747, %dma_start3A_1748] : memref<10240x2048xf32, #tpu.memory_space<hbm>> -> memref<10240x2048xf32, #tpu.memory_space<hbm>>
    %dma_start3A_1750 = tpu.memref_slice %arg15[%dma_start3A_1743] : memref<2x!tpu.dma_semaphore, #tpu.memory_space<semaphore_mem>> -> memref<1x!tpu.dma_semaphore, #tpu.memory_space<semaphore_mem>>
    %dma_start3A_1751 = tpu.memref_squeeze %dma_start3A_1750 : memref<1x!tpu.dma_semaphore, #tpu.memory_space<semaphore_mem>> -> memref<!tpu.dma_semaphore, #tpu.memory_space<semaphore_mem>>
    tpu.enqueue_indirect_dma source(%arg12 : memref<16x2048xf32, #tpu.memory_space<vmem>>) target(%dma_start3A_1749 : memref<10240x2048xf32, #tpu.memory_space<hbm>>) offsets(%dma_start3A_1746 : memref<16xi32, #tpu.memory_space<vmem>>) semaphore(%dma_start3A_1751 : memref<!tpu.dma_semaphore, #tpu.memory_space<semaphore_mem>>)
    %dma_wait3A_1752 = arith.constant 2 : i32
    %dma_wait3A_1753 = arith.constant 0 : i32
    %dma_wait3A_1754 = arith.constant 0 : i32
    %dma_wait3A_1755 = tpu.memref_slice %arg10[%dma_wait3A_1752, %dma_wait3A_1754] : memref<16x16xi32, #tpu.memory_space<vmem>> -> memref<1x16xi32, #tpu.memory_space<vmem>>
    %dma_wait3A_1756 = tpu.memref_squeeze %dma_wait3A_1755 : memref<1x16xi32, #tpu.memory_space<vmem>> -> memref<16xi32, #tpu.memory_space<vmem>>
    %dma_wait3A_1757 = arith.constant 0 : i32
    %dma_wait3A_1758 = arith.constant 0 : i32
    %dma_wait3A_1759 = tpu.memref_slice %arg6[%dma_wait3A_1757, %dma_wait3A_1758] : memref<10240x2048xf32, #tpu.memory_space<hbm>> -> memref<10240x2048xf32, #tpu.memory_space<hbm>>
    %dma_wait3A_1760 = tpu.memref_slice %arg15[%dma_wait3A_1753] : memref<2x!tpu.dma_semaphore, #tpu.memory_space<semaphore_mem>> -> memref<1x!tpu.dma_semaphore, #tpu.memory_space<semaphore_mem>>
    %dma_wait3A_1761 = tpu.memref_squeeze %dma_wait3A_1760 : memref<1x!tpu.dma_semaphore, #tpu.memory_space<semaphore_mem>> -> memref<!tpu.dma_semaphore, #tpu.memory_space<semaphore_mem>>
    tpu.wait_indirect_dma semaphore(%dma_wait3A_1761 : memref<!tpu.dma_semaphore, #tpu.memory_space<semaphore_mem>>) src(%arg12 : memref<16x2048xf32, #tpu.memory_space<vmem>>) dst(%dma_wait3A_1759 : memref<10240x2048xf32, #tpu.memory_space<hbm>>)
    %add3A_1762 = arith.constant 64 : i32
    %add3A_1763 = arith.addi %mul3A_2, %add3A_1762 : i32
    %dma_start3A_1764 = arith.constant 0 : i32
    %dma_start3A_1765 = arith.constant 0 : i32
    %dma_start3A_1766 = tpu.memref_slice %arg3[%add3A_1763, %dma_start3A_1765] : memref<8192x2048xf32, #tpu.memory_space<hbm>> -> memref<16x2048xf32, #tpu.memory_space<hbm>>
    %dma_start3A_1767 = tpu.memref_slice %arg14[%dma_start3A_1764] : memref<2x!tpu.dma_semaphore, #tpu.memory_space<semaphore_mem>> -> memref<1x!tpu.dma_semaphore, #tpu.memory_space<semaphore_mem>>
    %dma_start3A_1768 = tpu.memref_squeeze %dma_start3A_1767 : memref<1x!tpu.dma_semaphore, #tpu.memory_space<semaphore_mem>> -> memref<!tpu.dma_semaphore, #tpu.memory_space<semaphore_mem>>
    %dma_start3A_1769 = arith.constant 0 : i32
    %dma_start3A_1770 = tpu.memref_slice %arg3[%add3A_1763, %dma_start3A_1769] : memref<8192x2048xf32, #tpu.memory_space<hbm>> -> memref<16x2048xf32, #tpu.memory_space<hbm>>
    tpu.enqueue_dma source(%dma_start3A_1770 : memref<16x2048xf32, #tpu.memory_space<hbm>>) target(%arg12 : memref<16x2048xf32, #tpu.memory_space<vmem>>) target_semaphore(%dma_start3A_1768 : memref<!tpu.dma_semaphore, #tpu.memory_space<semaphore_mem>>)
    %dma_wait3A_1771 = arith.constant 1 : i32
    %dma_wait3A_1772 = arith.constant 0 : i32
    %dma_wait3A_1773 = tpu.memref_slice %arg3[%add3A_1727, %dma_wait3A_1772] : memref<8192x2048xf32, #tpu.memory_space<hbm>> -> memref<16x2048xf32, #tpu.memory_space<hbm>>
    %dma_wait3A_1774 = tpu.memref_slice %arg14[%dma_wait3A_1771] : memref<2x!tpu.dma_semaphore, #tpu.memory_space<semaphore_mem>> -> memref<1x!tpu.dma_semaphore, #tpu.memory_space<semaphore_mem>>
    %dma_wait3A_1775 = tpu.memref_squeeze %dma_wait3A_1774 : memref<1x!tpu.dma_semaphore, #tpu.memory_space<semaphore_mem>> -> memref<!tpu.dma_semaphore, #tpu.memory_space<semaphore_mem>>
    %dma_wait3A_1776 = arith.constant 0 : i32
    %dma_wait3A_1777 = tpu.memref_slice %arg3[%add3A_1727, %dma_wait3A_1776] : memref<8192x2048xf32, #tpu.memory_space<hbm>> -> memref<16x2048xf32, #tpu.memory_space<hbm>>
    tpu.wait_dma2 semaphore(%dma_wait3A_1775 : memref<!tpu.dma_semaphore, #tpu.memory_space<semaphore_mem>>) src(%dma_wait3A_1777 : memref<16x2048xf32, #tpu.memory_space<hbm>>) dst(%arg13 : memref<16x2048xf32, #tpu.memory_space<vmem>>)
    %dma_start3A_1778 = arith.constant 3 : i32
    %dma_start3A_1779 = arith.constant 1 : i32
    %dma_start3A_1780 = arith.constant 0 : i32
    %dma_start3A_1781 = tpu.memref_slice %arg10[%dma_start3A_1778, %dma_start3A_1780] : memref<16x16xi32, #tpu.memory_space<vmem>> -> memref<1x16xi32, #tpu.memory_space<vmem>>
    %dma_start3A_1782 = tpu.memref_squeeze %dma_start3A_1781 : memref<1x16xi32, #tpu.memory_space<vmem>> -> memref<16xi32, #tpu.memory_space<vmem>>
    %dma_start3A_1783 = arith.constant 0 : i32
    %dma_start3A_1784 = arith.constant 0 : i32
    %dma_start3A_1785 = tpu.memref_slice %arg6[%dma_start3A_1783, %dma_start3A_1784] : memref<10240x2048xf32, #tpu.memory_space<hbm>> -> memref<10240x2048xf32, #tpu.memory_space<hbm>>
    %dma_start3A_1786 = tpu.memref_slice %arg15[%dma_start3A_1779] : memref<2x!tpu.dma_semaphore, #tpu.memory_space<semaphore_mem>> -> memref<1x!tpu.dma_semaphore, #tpu.memory_space<semaphore_mem>>
    %dma_start3A_1787 = tpu.memref_squeeze %dma_start3A_1786 : memref<1x!tpu.dma_semaphore, #tpu.memory_space<semaphore_mem>> -> memref<!tpu.dma_semaphore, #tpu.memory_space<semaphore_mem>>
    tpu.enqueue_indirect_dma source(%arg13 : memref<16x2048xf32, #tpu.memory_space<vmem>>) target(%dma_start3A_1785 : memref<10240x2048xf32, #tpu.memory_space<hbm>>) offsets(%dma_start3A_1782 : memref<16xi32, #tpu.memory_space<vmem>>) semaphore(%dma_start3A_1787 : memref<!tpu.dma_semaphore, #tpu.memory_space<semaphore_mem>>)
    %dma_wait3A_1788 = arith.constant 3 : i32
    %dma_wait3A_1789 = arith.constant 1 : i32
    %dma_wait3A_1790 = arith.constant 0 : i32
    %dma_wait3A_1791 = tpu.memref_slice %arg10[%dma_wait3A_1788, %dma_wait3A_1790] : memref<16x16xi32, #tpu.memory_space<vmem>> -> memref<1x16xi32, #tpu.memory_space<vmem>>
    %dma_wait3A_1792 = tpu.memref_squeeze %dma_wait3A_1791 : memref<1x16xi32, #tpu.memory_space<vmem>> -> memref<16xi32, #tpu.memory_space<vmem>>
    %dma_wait3A_1793 = arith.constant 0 : i32
    %dma_wait3A_1794 = arith.constant 0 : i32
    %dma_wait3A_1795 = tpu.memref_slice %arg6[%dma_wait3A_1793, %dma_wait3A_1794] : memref<10240x2048xf32, #tpu.memory_space<hbm>> -> memref<10240x2048xf32, #tpu.memory_space<hbm>>
    %dma_wait3A_1796 = tpu.memref_slice %arg15[%dma_wait3A_1789] : memref<2x!tpu.dma_semaphore, #tpu.memory_space<semaphore_mem>> -> memref<1x!tpu.dma_semaphore, #tpu.memory_space<semaphore_mem>>
    %dma_wait3A_1797 = tpu.memref_squeeze %dma_wait3A_1796 : memref<1x!tpu.dma_semaphore, #tpu.memory_space<semaphore_mem>> -> memref<!tpu.dma_semaphore, #tpu.memory_space<semaphore_mem>>
    tpu.wait_indirect_dma semaphore(%dma_wait3A_1797 : memref<!tpu.dma_semaphore, #tpu.memory_space<semaphore_mem>>) src(%arg13 : memref<16x2048xf32, #tpu.memory_space<vmem>>) dst(%dma_wait3A_1795 : memref<10240x2048xf32, #tpu.memory_space<hbm>>)
    %add3A_1798 = arith.constant 80 : i32
    %add3A_1799 = arith.addi %mul3A_2, %add3A_1798 : i32
    %dma_start3A_1800 = arith.constant 1 : i32
    %dma_start3A_1801 = arith.constant 0 : i32
    %dma_start3A_1802 = tpu.memref_slice %arg3[%add3A_1799, %dma_start3A_1801] : memref<8192x2048xf32, #tpu.memory_space<hbm>> -> memref<16x2048xf32, #tpu.memory_space<hbm>>
    %dma_start3A_1803 = tpu.memref_slice %arg14[%dma_start3A_1800] : memref<2x!tpu.dma_semaphore, #tpu.memory_space<semaphore_mem>> -> memref<1x!tpu.dma_semaphore, #tpu.memory_space<semaphore_mem>>
    %dma_start3A_1804 = tpu.memref_squeeze %dma_start3A_1803 : memref<1x!tpu.dma_semaphore, #tpu.memory_space<semaphore_mem>> -> memref<!tpu.dma_semaphore, #tpu.memory_space<semaphore_mem>>
    %dma_start3A_1805 = arith.constant 0 : i32
    %dma_start3A_1806 = tpu.memref_slice %arg3[%add3A_1799, %dma_start3A_1805] : memref<8192x2048xf32, #tpu.memory_space<hbm>> -> memref<16x2048xf32, #tpu.memory_space<hbm>>
    tpu.enqueue_dma source(%dma_start3A_1806 : memref<16x2048xf32, #tpu.memory_space<hbm>>) target(%arg13 : memref<16x2048xf32, #tpu.memory_space<vmem>>) target_semaphore(%dma_start3A_1804 : memref<!tpu.dma_semaphore, #tpu.memory_space<semaphore_mem>>)
    %dma_wait3A_1807 = arith.constant 0 : i32
    %dma_wait3A_1808 = arith.constant 0 : i32
    %dma_wait3A_1809 = tpu.memref_slice %arg3[%add3A_1763, %dma_wait3A_1808] : memref<8192x2048xf32, #tpu.memory_space<hbm>> -> memref<16x2048xf32, #tpu.memory_space<hbm>>
    %dma_wait3A_1810 = tpu.memref_slice %arg14[%dma_wait3A_1807] : memref<2x!tpu.dma_semaphore, #tpu.memory_space<semaphore_mem>> -> memref<1x!tpu.dma_semaphore, #tpu.memory_space<semaphore_mem>>
    %dma_wait3A_1811 = tpu.memref_squeeze %dma_wait3A_1810 : memref<1x!tpu.dma_semaphore, #tpu.memory_space<semaphore_mem>> -> memref<!tpu.dma_semaphore, #tpu.memory_space<semaphore_mem>>
    %dma_wait3A_1812 = arith.constant 0 : i32
    %dma_wait3A_1813 = tpu.memref_slice %arg3[%add3A_1763, %dma_wait3A_1812] : memref<8192x2048xf32, #tpu.memory_space<hbm>> -> memref<16x2048xf32, #tpu.memory_space<hbm>>
    tpu.wait_dma2 semaphore(%dma_wait3A_1811 : memref<!tpu.dma_semaphore, #tpu.memory_space<semaphore_mem>>) src(%dma_wait3A_1813 : memref<16x2048xf32, #tpu.memory_space<hbm>>) dst(%arg12 : memref<16x2048xf32, #tpu.memory_space<vmem>>)
    %dma_start3A_1814 = arith.constant 4 : i32
    %dma_start3A_1815 = arith.constant 0 : i32
    %dma_start3A_1816 = arith.constant 0 : i32
    %dma_start3A_1817 = tpu.memref_slice %arg10[%dma_start3A_1814, %dma_start3A_1816] : memref<16x16xi32, #tpu.memory_space<vmem>> -> memref<1x16xi32, #tpu.memory_space<vmem>>
    %dma_start3A_1818 = tpu.memref_squeeze %dma_start3A_1817 : memref<1x16xi32, #tpu.memory_space<vmem>> -> memref<16xi32, #tpu.memory_space<vmem>>
    %dma_start3A_1819 = arith.constant 0 : i32
    %dma_start3A_1820 = arith.constant 0 : i32
    %dma_start3A_1821 = tpu.memref_slice %arg6[%dma_start3A_1819, %dma_start3A_1820] : memref<10240x2048xf32, #tpu.memory_space<hbm>> -> memref<10240x2048xf32, #tpu.memory_space<hbm>>
    %dma_start3A_1822 = tpu.memref_slice %arg15[%dma_start3A_1815] : memref<2x!tpu.dma_semaphore, #tpu.memory_space<semaphore_mem>> -> memref<1x!tpu.dma_semaphore, #tpu.memory_space<semaphore_mem>>
    %dma_start3A_1823 = tpu.memref_squeeze %dma_start3A_1822 : memref<1x!tpu.dma_semaphore, #tpu.memory_space<semaphore_mem>> -> memref<!tpu.dma_semaphore, #tpu.memory_space<semaphore_mem>>
    tpu.enqueue_indirect_dma source(%arg12 : memref<16x2048xf32, #tpu.memory_space<vmem>>) target(%dma_start3A_1821 : memref<10240x2048xf32, #tpu.memory_space<hbm>>) offsets(%dma_start3A_1818 : memref<16xi32, #tpu.memory_space<vmem>>) semaphore(%dma_start3A_1823 : memref<!tpu.dma_semaphore, #tpu.memory_space<semaphore_mem>>)
    %dma_wait3A_1824 = arith.constant 4 : i32
    %dma_wait3A_1825 = arith.constant 0 : i32
    %dma_wait3A_1826 = arith.constant 0 : i32
    %dma_wait3A_1827 = tpu.memref_slice %arg10[%dma_wait3A_1824, %dma_wait3A_1826] : memref<16x16xi32, #tpu.memory_space<vmem>> -> memref<1x16xi32, #tpu.memory_space<vmem>>
    %dma_wait3A_1828 = tpu.memref_squeeze %dma_wait3A_1827 : memref<1x16xi32, #tpu.memory_space<vmem>> -> memref<16xi32, #tpu.memory_space<vmem>>
    %dma_wait3A_1829 = arith.constant 0 : i32
    %dma_wait3A_1830 = arith.constant 0 : i32
    %dma_wait3A_1831 = tpu.memref_slice %arg6[%dma_wait3A_1829, %dma_wait3A_1830] : memref<10240x2048xf32, #tpu.memory_space<hbm>> -> memref<10240x2048xf32, #tpu.memory_space<hbm>>
    %dma_wait3A_1832 = tpu.memref_slice %arg15[%dma_wait3A_1825] : memref<2x!tpu.dma_semaphore, #tpu.memory_space<semaphore_mem>> -> memref<1x!tpu.dma_semaphore, #tpu.memory_space<semaphore_mem>>
    %dma_wait3A_1833 = tpu.memref_squeeze %dma_wait3A_1832 : memref<1x!tpu.dma_semaphore, #tpu.memory_space<semaphore_mem>> -> memref<!tpu.dma_semaphore, #tpu.memory_space<semaphore_mem>>
    tpu.wait_indirect_dma semaphore(%dma_wait3A_1833 : memref<!tpu.dma_semaphore, #tpu.memory_space<semaphore_mem>>) src(%arg12 : memref<16x2048xf32, #tpu.memory_space<vmem>>) dst(%dma_wait3A_1831 : memref<10240x2048xf32, #tpu.memory_space<hbm>>)
    %add3A_1834 = arith.constant 96 : i32
    %add3A_1835 = arith.addi %mul3A_2, %add3A_1834 : i32
    %dma_start3A_1836 = arith.constant 0 : i32
    %dma_start3A_1837 = arith.constant 0 : i32
    %dma_start3A_1838 = tpu.memref_slice %arg3[%add3A_1835, %dma_start3A_1837] : memref<8192x2048xf32, #tpu.memory_space<hbm>> -> memref<16x2048xf32, #tpu.memory_space<hbm>>
    %dma_start3A_1839 = tpu.memref_slice %arg14[%dma_start3A_1836] : memref<2x!tpu.dma_semaphore, #tpu.memory_space<semaphore_mem>> -> memref<1x!tpu.dma_semaphore, #tpu.memory_space<semaphore_mem>>
    %dma_start3A_1840 = tpu.memref_squeeze %dma_start3A_1839 : memref<1x!tpu.dma_semaphore, #tpu.memory_space<semaphore_mem>> -> memref<!tpu.dma_semaphore, #tpu.memory_space<semaphore_mem>>
    %dma_start3A_1841 = arith.constant 0 : i32
    %dma_start3A_1842 = tpu.memref_slice %arg3[%add3A_1835, %dma_start3A_1841] : memref<8192x2048xf32, #tpu.memory_space<hbm>> -> memref<16x2048xf32, #tpu.memory_space<hbm>>
    tpu.enqueue_dma source(%dma_start3A_1842 : memref<16x2048xf32, #tpu.memory_space<hbm>>) target(%arg12 : memref<16x2048xf32, #tpu.memory_space<vmem>>) target_semaphore(%dma_start3A_1840 : memref<!tpu.dma_semaphore, #tpu.memory_space<semaphore_mem>>)
    %dma_wait3A_1843 = arith.constant 1 : i32
    %dma_wait3A_1844 = arith.constant 0 : i32
    %dma_wait3A_1845 = tpu.memref_slice %arg3[%add3A_1799, %dma_wait3A_1844] : memref<8192x2048xf32, #tpu.memory_space<hbm>> -> memref<16x2048xf32, #tpu.memory_space<hbm>>
    %dma_wait3A_1846 = tpu.memref_slice %arg14[%dma_wait3A_1843] : memref<2x!tpu.dma_semaphore, #tpu.memory_space<semaphore_mem>> -> memref<1x!tpu.dma_semaphore, #tpu.memory_space<semaphore_mem>>
    %dma_wait3A_1847 = tpu.memref_squeeze %dma_wait3A_1846 : memref<1x!tpu.dma_semaphore, #tpu.memory_space<semaphore_mem>> -> memref<!tpu.dma_semaphore, #tpu.memory_space<semaphore_mem>>
    %dma_wait3A_1848 = arith.constant 0 : i32
    %dma_wait3A_1849 = tpu.memref_slice %arg3[%add3A_1799, %dma_wait3A_1848] : memref<8192x2048xf32, #tpu.memory_space<hbm>> -> memref<16x2048xf32, #tpu.memory_space<hbm>>
    tpu.wait_dma2 semaphore(%dma_wait3A_1847 : memref<!tpu.dma_semaphore, #tpu.memory_space<semaphore_mem>>) src(%dma_wait3A_1849 : memref<16x2048xf32, #tpu.memory_space<hbm>>) dst(%arg13 : memref<16x2048xf32, #tpu.memory_space<vmem>>)
    %dma_start3A_1850 = arith.constant 5 : i32
    %dma_start3A_1851 = arith.constant 1 : i32
    %dma_start3A_1852 = arith.constant 0 : i32
    %dma_start3A_1853 = tpu.memref_slice %arg10[%dma_start3A_1850, %dma_start3A_1852] : memref<16x16xi32, #tpu.memory_space<vmem>> -> memref<1x16xi32, #tpu.memory_space<vmem>>
    %dma_start3A_1854 = tpu.memref_squeeze %dma_start3A_1853 : memref<1x16xi32, #tpu.memory_space<vmem>> -> memref<16xi32, #tpu.memory_space<vmem>>
    %dma_start3A_1855 = arith.constant 0 : i32
    %dma_start3A_1856 = arith.constant 0 : i32
    %dma_start3A_1857 = tpu.memref_slice %arg6[%dma_start3A_1855, %dma_start3A_1856] : memref<10240x2048xf32, #tpu.memory_space<hbm>> -> memref<10240x2048xf32, #tpu.memory_space<hbm>>
    %dma_start3A_1858 = tpu.memref_slice %arg15[%dma_start3A_1851] : memref<2x!tpu.dma_semaphore, #tpu.memory_space<semaphore_mem>> -> memref<1x!tpu.dma_semaphore, #tpu.memory_space<semaphore_mem>>
    %dma_start3A_1859 = tpu.memref_squeeze %dma_start3A_1858 : memref<1x!tpu.dma_semaphore, #tpu.memory_space<semaphore_mem>> -> memref<!tpu.dma_semaphore, #tpu.memory_space<semaphore_mem>>
    tpu.enqueue_indirect_dma source(%arg13 : memref<16x2048xf32, #tpu.memory_space<vmem>>) target(%dma_start3A_1857 : memref<10240x2048xf32, #tpu.memory_space<hbm>>) offsets(%dma_start3A_1854 : memref<16xi32, #tpu.memory_space<vmem>>) semaphore(%dma_start3A_1859 : memref<!tpu.dma_semaphore, #tpu.memory_space<semaphore_mem>>)
    %dma_wait3A_1860 = arith.constant 5 : i32
    %dma_wait3A_1861 = arith.constant 1 : i32
    %dma_wait3A_1862 = arith.constant 0 : i32
    %dma_wait3A_1863 = tpu.memref_slice %arg10[%dma_wait3A_1860, %dma_wait3A_1862] : memref<16x16xi32, #tpu.memory_space<vmem>> -> memref<1x16xi32, #tpu.memory_space<vmem>>
    %dma_wait3A_1864 = tpu.memref_squeeze %dma_wait3A_1863 : memref<1x16xi32, #tpu.memory_space<vmem>> -> memref<16xi32, #tpu.memory_space<vmem>>
    %dma_wait3A_1865 = arith.constant 0 : i32
    %dma_wait3A_1866 = arith.constant 0 : i32
    %dma_wait3A_1867 = tpu.memref_slice %arg6[%dma_wait3A_1865, %dma_wait3A_1866] : memref<10240x2048xf32, #tpu.memory_space<hbm>> -> memref<10240x2048xf32, #tpu.memory_space<hbm>>
    %dma_wait3A_1868 = tpu.memref_slice %arg15[%dma_wait3A_1861] : memref<2x!tpu.dma_semaphore, #tpu.memory_space<semaphore_mem>> -> memref<1x!tpu.dma_semaphore, #tpu.memory_space<semaphore_mem>>
    %dma_wait3A_1869 = tpu.memref_squeeze %dma_wait3A_1868 : memref<1x!tpu.dma_semaphore, #tpu.memory_space<semaphore_mem>> -> memref<!tpu.dma_semaphore, #tpu.memory_space<semaphore_mem>>
    tpu.wait_indirect_dma semaphore(%dma_wait3A_1869 : memref<!tpu.dma_semaphore, #tpu.memory_space<semaphore_mem>>) src(%arg13 : memref<16x2048xf32, #tpu.memory_space<vmem>>) dst(%dma_wait3A_1867 : memref<10240x2048xf32, #tpu.memory_space<hbm>>)
    %add3A_1870 = arith.constant 112 : i32
    %add3A_1871 = arith.addi %mul3A_2, %add3A_1870 : i32
    %dma_start3A_1872 = arith.constant 1 : i32
    %dma_start3A_1873 = arith.constant 0 : i32
    %dma_start3A_1874 = tpu.memref_slice %arg3[%add3A_1871, %dma_start3A_1873] : memref<8192x2048xf32, #tpu.memory_space<hbm>> -> memref<16x2048xf32, #tpu.memory_space<hbm>>
    %dma_start3A_1875 = tpu.memref_slice %arg14[%dma_start3A_1872] : memref<2x!tpu.dma_semaphore, #tpu.memory_space<semaphore_mem>> -> memref<1x!tpu.dma_semaphore, #tpu.memory_space<semaphore_mem>>
    %dma_start3A_1876 = tpu.memref_squeeze %dma_start3A_1875 : memref<1x!tpu.dma_semaphore, #tpu.memory_space<semaphore_mem>> -> memref<!tpu.dma_semaphore, #tpu.memory_space<semaphore_mem>>
    %dma_start3A_1877 = arith.constant 0 : i32
    %dma_start3A_1878 = tpu.memref_slice %arg3[%add3A_1871, %dma_start3A_1877] : memref<8192x2048xf32, #tpu.memory_space<hbm>> -> memref<16x2048xf32, #tpu.memory_space<hbm>>
    tpu.enqueue_dma source(%dma_start3A_1878 : memref<16x2048xf32, #tpu.memory_space<hbm>>) target(%arg13 : memref<16x2048xf32, #tpu.memory_space<vmem>>) target_semaphore(%dma_start3A_1876 : memref<!tpu.dma_semaphore, #tpu.memory_space<semaphore_mem>>)
    %dma_wait3A_1879 = arith.constant 0 : i32
    %dma_wait3A_1880 = arith.constant 0 : i32
    %dma_wait3A_1881 = tpu.memref_slice %arg3[%add3A_1835, %dma_wait3A_1880] : memref<8192x2048xf32, #tpu.memory_space<hbm>> -> memref<16x2048xf32, #tpu.memory_space<hbm>>
    %dma_wait3A_1882 = tpu.memref_slice %arg14[%dma_wait3A_1879] : memref<2x!tpu.dma_semaphore, #tpu.memory_space<semaphore_mem>> -> memref<1x!tpu.dma_semaphore, #tpu.memory_space<semaphore_mem>>
    %dma_wait3A_1883 = tpu.memref_squeeze %dma_wait3A_1882 : memref<1x!tpu.dma_semaphore, #tpu.memory_space<semaphore_mem>> -> memref<!tpu.dma_semaphore, #tpu.memory_space<semaphore_mem>>
    %dma_wait3A_1884 = arith.constant 0 : i32
    %dma_wait3A_1885 = tpu.memref_slice %arg3[%add3A_1835, %dma_wait3A_1884] : memref<8192x2048xf32, #tpu.memory_space<hbm>> -> memref<16x2048xf32, #tpu.memory_space<hbm>>
    tpu.wait_dma2 semaphore(%dma_wait3A_1883 : memref<!tpu.dma_semaphore, #tpu.memory_space<semaphore_mem>>) src(%dma_wait3A_1885 : memref<16x2048xf32, #tpu.memory_space<hbm>>) dst(%arg12 : memref<16x2048xf32, #tpu.memory_space<vmem>>)
    %dma_start3A_1886 = arith.constant 6 : i32
    %dma_start3A_1887 = arith.constant 0 : i32
    %dma_start3A_1888 = arith.constant 0 : i32
    %dma_start3A_1889 = tpu.memref_slice %arg10[%dma_start3A_1886, %dma_start3A_1888] : memref<16x16xi32, #tpu.memory_space<vmem>> -> memref<1x16xi32, #tpu.memory_space<vmem>>
    %dma_start3A_1890 = tpu.memref_squeeze %dma_start3A_1889 : memref<1x16xi32, #tpu.memory_space<vmem>> -> memref<16xi32, #tpu.memory_space<vmem>>
    %dma_start3A_1891 = arith.constant 0 : i32
    %dma_start3A_1892 = arith.constant 0 : i32
    %dma_start3A_1893 = tpu.memref_slice %arg6[%dma_start3A_1891, %dma_start3A_1892] : memref<10240x2048xf32, #tpu.memory_space<hbm>> -> memref<10240x2048xf32, #tpu.memory_space<hbm>>
    %dma_start3A_1894 = tpu.memref_slice %arg15[%dma_start3A_1887] : memref<2x!tpu.dma_semaphore, #tpu.memory_space<semaphore_mem>> -> memref<1x!tpu.dma_semaphore, #tpu.memory_space<semaphore_mem>>
    %dma_start3A_1895 = tpu.memref_squeeze %dma_start3A_1894 : memref<1x!tpu.dma_semaphore, #tpu.memory_space<semaphore_mem>> -> memref<!tpu.dma_semaphore, #tpu.memory_space<semaphore_mem>>
    tpu.enqueue_indirect_dma source(%arg12 : memref<16x2048xf32, #tpu.memory_space<vmem>>) target(%dma_start3A_1893 : memref<10240x2048xf32, #tpu.memory_space<hbm>>) offsets(%dma_start3A_1890 : memref<16xi32, #tpu.memory_space<vmem>>) semaphore(%dma_start3A_1895 : memref<!tpu.dma_semaphore, #tpu.memory_space<semaphore_mem>>)
    %dma_wait3A_1896 = arith.constant 6 : i32
    %dma_wait3A_1897 = arith.constant 0 : i32
    %dma_wait3A_1898 = arith.constant 0 : i32
    %dma_wait3A_1899 = tpu.memref_slice %arg10[%dma_wait3A_1896, %dma_wait3A_1898] : memref<16x16xi32, #tpu.memory_space<vmem>> -> memref<1x16xi32, #tpu.memory_space<vmem>>
    %dma_wait3A_1900 = tpu.memref_squeeze %dma_wait3A_1899 : memref<1x16xi32, #tpu.memory_space<vmem>> -> memref<16xi32, #tpu.memory_space<vmem>>
    %dma_wait3A_1901 = arith.constant 0 : i32
    %dma_wait3A_1902 = arith.constant 0 : i32
    %dma_wait3A_1903 = tpu.memref_slice %arg6[%dma_wait3A_1901, %dma_wait3A_1902] : memref<10240x2048xf32, #tpu.memory_space<hbm>> -> memref<10240x2048xf32, #tpu.memory_space<hbm>>
    %dma_wait3A_1904 = tpu.memref_slice %arg15[%dma_wait3A_1897] : memref<2x!tpu.dma_semaphore, #tpu.memory_space<semaphore_mem>> -> memref<1x!tpu.dma_semaphore, #tpu.memory_space<semaphore_mem>>
    %dma_wait3A_1905 = tpu.memref_squeeze %dma_wait3A_1904 : memref<1x!tpu.dma_semaphore, #tpu.memory_space<semaphore_mem>> -> memref<!tpu.dma_semaphore, #tpu.memory_space<semaphore_mem>>
    tpu.wait_indirect_dma semaphore(%dma_wait3A_1905 : memref<!tpu.dma_semaphore, #tpu.memory_space<semaphore_mem>>) src(%arg12 : memref<16x2048xf32, #tpu.memory_space<vmem>>) dst(%dma_wait3A_1903 : memref<10240x2048xf32, #tpu.memory_space<hbm>>)
    %add3A_1906 = arith.constant 128 : i32
    %add3A_1907 = arith.addi %mul3A_2, %add3A_1906 : i32
    %dma_start3A_1908 = arith.constant 0 : i32
    %dma_start3A_1909 = arith.constant 0 : i32
    %dma_start3A_1910 = tpu.memref_slice %arg3[%add3A_1907, %dma_start3A_1909] : memref<8192x2048xf32, #tpu.memory_space<hbm>> -> memref<16x2048xf32, #tpu.memory_space<hbm>>
    %dma_start3A_1911 = tpu.memref_slice %arg14[%dma_start3A_1908] : memref<2x!tpu.dma_semaphore, #tpu.memory_space<semaphore_mem>> -> memref<1x!tpu.dma_semaphore, #tpu.memory_space<semaphore_mem>>
    %dma_start3A_1912 = tpu.memref_squeeze %dma_start3A_1911 : memref<1x!tpu.dma_semaphore, #tpu.memory_space<semaphore_mem>> -> memref<!tpu.dma_semaphore, #tpu.memory_space<semaphore_mem>>
    %dma_start3A_1913 = arith.constant 0 : i32
    %dma_start3A_1914 = tpu.memref_slice %arg3[%add3A_1907, %dma_start3A_1913] : memref<8192x2048xf32, #tpu.memory_space<hbm>> -> memref<16x2048xf32, #tpu.memory_space<hbm>>
    tpu.enqueue_dma source(%dma_start3A_1914 : memref<16x2048xf32, #tpu.memory_space<hbm>>) target(%arg12 : memref<16x2048xf32, #tpu.memory_space<vmem>>) target_semaphore(%dma_start3A_1912 : memref<!tpu.dma_semaphore, #tpu.memory_space<semaphore_mem>>)
    %dma_wait3A_1915 = arith.constant 1 : i32
    %dma_wait3A_1916 = arith.constant 0 : i32
    %dma_wait3A_1917 = tpu.memref_slice %arg3[%add3A_1871, %dma_wait3A_1916] : memref<8192x2048xf32, #tpu.memory_space<hbm>> -> memref<16x2048xf32, #tpu.memory_space<hbm>>
    %dma_wait3A_1918 = tpu.memref_slice %arg14[%dma_wait3A_1915] : memref<2x!tpu.dma_semaphore, #tpu.memory_space<semaphore_mem>> -> memref<1x!tpu.dma_semaphore, #tpu.memory_space<semaphore_mem>>
    %dma_wait3A_1919 = tpu.memref_squeeze %dma_wait3A_1918 : memref<1x!tpu.dma_semaphore, #tpu.memory_space<semaphore_mem>> -> memref<!tpu.dma_semaphore, #tpu.memory_space<semaphore_mem>>
    %dma_wait3A_1920 = arith.constant 0 : i32
    %dma_wait3A_1921 = tpu.memref_slice %arg3[%add3A_1871, %dma_wait3A_1920] : memref<8192x2048xf32, #tpu.memory_space<hbm>> -> memref<16x2048xf32, #tpu.memory_space<hbm>>
    tpu.wait_dma2 semaphore(%dma_wait3A_1919 : memref<!tpu.dma_semaphore, #tpu.memory_space<semaphore_mem>>) src(%dma_wait3A_1921 : memref<16x2048xf32, #tpu.memory_space<hbm>>) dst(%arg13 : memref<16x2048xf32, #tpu.memory_space<vmem>>)
    %dma_start3A_1922 = arith.constant 7 : i32
    %dma_start3A_1923 = arith.constant 1 : i32
    %dma_start3A_1924 = arith.constant 0 : i32
    %dma_start3A_1925 = tpu.memref_slice %arg10[%dma_start3A_1922, %dma_start3A_1924] : memref<16x16xi32, #tpu.memory_space<vmem>> -> memref<1x16xi32, #tpu.memory_space<vmem>>
    %dma_start3A_1926 = tpu.memref_squeeze %dma_start3A_1925 : memref<1x16xi32, #tpu.memory_space<vmem>> -> memref<16xi32, #tpu.memory_space<vmem>>
    %dma_start3A_1927 = arith.constant 0 : i32
    %dma_start3A_1928 = arith.constant 0 : i32
    %dma_start3A_1929 = tpu.memref_slice %arg6[%dma_start3A_1927, %dma_start3A_1928] : memref<10240x2048xf32, #tpu.memory_space<hbm>> -> memref<10240x2048xf32, #tpu.memory_space<hbm>>
    %dma_start3A_1930 = tpu.memref_slice %arg15[%dma_start3A_1923] : memref<2x!tpu.dma_semaphore, #tpu.memory_space<semaphore_mem>> -> memref<1x!tpu.dma_semaphore, #tpu.memory_space<semaphore_mem>>
    %dma_start3A_1931 = tpu.memref_squeeze %dma_start3A_1930 : memref<1x!tpu.dma_semaphore, #tpu.memory_space<semaphore_mem>> -> memref<!tpu.dma_semaphore, #tpu.memory_space<semaphore_mem>>
    tpu.enqueue_indirect_dma source(%arg13 : memref<16x2048xf32, #tpu.memory_space<vmem>>) target(%dma_start3A_1929 : memref<10240x2048xf32, #tpu.memory_space<hbm>>) offsets(%dma_start3A_1926 : memref<16xi32, #tpu.memory_space<vmem>>) semaphore(%dma_start3A_1931 : memref<!tpu.dma_semaphore, #tpu.memory_space<semaphore_mem>>)
    %dma_wait3A_1932 = arith.constant 7 : i32
    %dma_wait3A_1933 = arith.constant 1 : i32
    %dma_wait3A_1934 = arith.constant 0 : i32
    %dma_wait3A_1935 = tpu.memref_slice %arg10[%dma_wait3A_1932, %dma_wait3A_1934] : memref<16x16xi32, #tpu.memory_space<vmem>> -> memref<1x16xi32, #tpu.memory_space<vmem>>
    %dma_wait3A_1936 = tpu.memref_squeeze %dma_wait3A_1935 : memref<1x16xi32, #tpu.memory_space<vmem>> -> memref<16xi32, #tpu.memory_space<vmem>>
    %dma_wait3A_1937 = arith.constant 0 : i32
    %dma_wait3A_1938 = arith.constant 0 : i32
    %dma_wait3A_1939 = tpu.memref_slice %arg6[%dma_wait3A_1937, %dma_wait3A_1938] : memref<10240x2048xf32, #tpu.memory_space<hbm>> -> memref<10240x2048xf32, #tpu.memory_space<hbm>>
    %dma_wait3A_1940 = tpu.memref_slice %arg15[%dma_wait3A_1933] : memref<2x!tpu.dma_semaphore, #tpu.memory_space<semaphore_mem>> -> memref<1x!tpu.dma_semaphore, #tpu.memory_space<semaphore_mem>>
    %dma_wait3A_1941 = tpu.memref_squeeze %dma_wait3A_1940 : memref<1x!tpu.dma_semaphore, #tpu.memory_space<semaphore_mem>> -> memref<!tpu.dma_semaphore, #tpu.memory_space<semaphore_mem>>
    tpu.wait_indirect_dma semaphore(%dma_wait3A_1941 : memref<!tpu.dma_semaphore, #tpu.memory_space<semaphore_mem>>) src(%arg13 : memref<16x2048xf32, #tpu.memory_space<vmem>>) dst(%dma_wait3A_1939 : memref<10240x2048xf32, #tpu.memory_space<hbm>>)
    %add3A_1942 = arith.constant 144 : i32
    %add3A_1943 = arith.addi %mul3A_2, %add3A_1942 : i32
    %dma_start3A_1944 = arith.constant 1 : i32
    %dma_start3A_1945 = arith.constant 0 : i32
    %dma_start3A_1946 = tpu.memref_slice %arg3[%add3A_1943, %dma_start3A_1945] : memref<8192x2048xf32, #tpu.memory_space<hbm>> -> memref<16x2048xf32, #tpu.memory_space<hbm>>
    %dma_start3A_1947 = tpu.memref_slice %arg14[%dma_start3A_1944] : memref<2x!tpu.dma_semaphore, #tpu.memory_space<semaphore_mem>> -> memref<1x!tpu.dma_semaphore, #tpu.memory_space<semaphore_mem>>
    %dma_start3A_1948 = tpu.memref_squeeze %dma_start3A_1947 : memref<1x!tpu.dma_semaphore, #tpu.memory_space<semaphore_mem>> -> memref<!tpu.dma_semaphore, #tpu.memory_space<semaphore_mem>>
    %dma_start3A_1949 = arith.constant 0 : i32
    %dma_start3A_1950 = tpu.memref_slice %arg3[%add3A_1943, %dma_start3A_1949] : memref<8192x2048xf32, #tpu.memory_space<hbm>> -> memref<16x2048xf32, #tpu.memory_space<hbm>>
    tpu.enqueue_dma source(%dma_start3A_1950 : memref<16x2048xf32, #tpu.memory_space<hbm>>) target(%arg13 : memref<16x2048xf32, #tpu.memory_space<vmem>>) target_semaphore(%dma_start3A_1948 : memref<!tpu.dma_semaphore, #tpu.memory_space<semaphore_mem>>)
    %dma_wait3A_1951 = arith.constant 0 : i32
    %dma_wait3A_1952 = arith.constant 0 : i32
    %dma_wait3A_1953 = tpu.memref_slice %arg3[%add3A_1907, %dma_wait3A_1952] : memref<8192x2048xf32, #tpu.memory_space<hbm>> -> memref<16x2048xf32, #tpu.memory_space<hbm>>
    %dma_wait3A_1954 = tpu.memref_slice %arg14[%dma_wait3A_1951] : memref<2x!tpu.dma_semaphore, #tpu.memory_space<semaphore_mem>> -> memref<1x!tpu.dma_semaphore, #tpu.memory_space<semaphore_mem>>
    %dma_wait3A_1955 = tpu.memref_squeeze %dma_wait3A_1954 : memref<1x!tpu.dma_semaphore, #tpu.memory_space<semaphore_mem>> -> memref<!tpu.dma_semaphore, #tpu.memory_space<semaphore_mem>>
    %dma_wait3A_1956 = arith.constant 0 : i32
    %dma_wait3A_1957 = tpu.memref_slice %arg3[%add3A_1907, %dma_wait3A_1956] : memref<8192x2048xf32, #tpu.memory_space<hbm>> -> memref<16x2048xf32, #tpu.memory_space<hbm>>
    tpu.wait_dma2 semaphore(%dma_wait3A_1955 : memref<!tpu.dma_semaphore, #tpu.memory_space<semaphore_mem>>) src(%dma_wait3A_1957 : memref<16x2048xf32, #tpu.memory_space<hbm>>) dst(%arg12 : memref<16x2048xf32, #tpu.memory_space<vmem>>)
    %dma_start3A_1958 = arith.constant 8 : i32
    %dma_start3A_1959 = arith.constant 0 : i32
    %dma_start3A_1960 = arith.constant 0 : i32
    %dma_start3A_1961 = tpu.memref_slice %arg10[%dma_start3A_1958, %dma_start3A_1960] : memref<16x16xi32, #tpu.memory_space<vmem>> -> memref<1x16xi32, #tpu.memory_space<vmem>>
    %dma_start3A_1962 = tpu.memref_squeeze %dma_start3A_1961 : memref<1x16xi32, #tpu.memory_space<vmem>> -> memref<16xi32, #tpu.memory_space<vmem>>
    %dma_start3A_1963 = arith.constant 0 : i32
    %dma_start3A_1964 = arith.constant 0 : i32
    %dma_start3A_1965 = tpu.memref_slice %arg6[%dma_start3A_1963, %dma_start3A_1964] : memref<10240x2048xf32, #tpu.memory_space<hbm>> -> memref<10240x2048xf32, #tpu.memory_space<hbm>>
    %dma_start3A_1966 = tpu.memref_slice %arg15[%dma_start3A_1959] : memref<2x!tpu.dma_semaphore, #tpu.memory_space<semaphore_mem>> -> memref<1x!tpu.dma_semaphore, #tpu.memory_space<semaphore_mem>>
    %dma_start3A_1967 = tpu.memref_squeeze %dma_start3A_1966 : memref<1x!tpu.dma_semaphore, #tpu.memory_space<semaphore_mem>> -> memref<!tpu.dma_semaphore, #tpu.memory_space<semaphore_mem>>
    tpu.enqueue_indirect_dma source(%arg12 : memref<16x2048xf32, #tpu.memory_space<vmem>>) target(%dma_start3A_1965 : memref<10240x2048xf32, #tpu.memory_space<hbm>>) offsets(%dma_start3A_1962 : memref<16xi32, #tpu.memory_space<vmem>>) semaphore(%dma_start3A_1967 : memref<!tpu.dma_semaphore, #tpu.memory_space<semaphore_mem>>)
    %dma_wait3A_1968 = arith.constant 8 : i32
    %dma_wait3A_1969 = arith.constant 0 : i32
    %dma_wait3A_1970 = arith.constant 0 : i32
    %dma_wait3A_1971 = tpu.memref_slice %arg10[%dma_wait3A_1968, %dma_wait3A_1970] : memref<16x16xi32, #tpu.memory_space<vmem>> -> memref<1x16xi32, #tpu.memory_space<vmem>>
    %dma_wait3A_1972 = tpu.memref_squeeze %dma_wait3A_1971 : memref<1x16xi32, #tpu.memory_space<vmem>> -> memref<16xi32, #tpu.memory_space<vmem>>
    %dma_wait3A_1973 = arith.constant 0 : i32
    %dma_wait3A_1974 = arith.constant 0 : i32
    %dma_wait3A_1975 = tpu.memref_slice %arg6[%dma_wait3A_1973, %dma_wait3A_1974] : memref<10240x2048xf32, #tpu.memory_space<hbm>> -> memref<10240x2048xf32, #tpu.memory_space<hbm>>
    %dma_wait3A_1976 = tpu.memref_slice %arg15[%dma_wait3A_1969] : memref<2x!tpu.dma_semaphore, #tpu.memory_space<semaphore_mem>> -> memref<1x!tpu.dma_semaphore, #tpu.memory_space<semaphore_mem>>
    %dma_wait3A_1977 = tpu.memref_squeeze %dma_wait3A_1976 : memref<1x!tpu.dma_semaphore, #tpu.memory_space<semaphore_mem>> -> memref<!tpu.dma_semaphore, #tpu.memory_space<semaphore_mem>>
    tpu.wait_indirect_dma semaphore(%dma_wait3A_1977 : memref<!tpu.dma_semaphore, #tpu.memory_space<semaphore_mem>>) src(%arg12 : memref<16x2048xf32, #tpu.memory_space<vmem>>) dst(%dma_wait3A_1975 : memref<10240x2048xf32, #tpu.memory_space<hbm>>)
    %add3A_1978 = arith.constant 160 : i32
    %add3A_1979 = arith.addi %mul3A_2, %add3A_1978 : i32
    %dma_start3A_1980 = arith.constant 0 : i32
    %dma_start3A_1981 = arith.constant 0 : i32
    %dma_start3A_1982 = tpu.memref_slice %arg3[%add3A_1979, %dma_start3A_1981] : memref<8192x2048xf32, #tpu.memory_space<hbm>> -> memref<16x2048xf32, #tpu.memory_space<hbm>>
    %dma_start3A_1983 = tpu.memref_slice %arg14[%dma_start3A_1980] : memref<2x!tpu.dma_semaphore, #tpu.memory_space<semaphore_mem>> -> memref<1x!tpu.dma_semaphore, #tpu.memory_space<semaphore_mem>>
    %dma_start3A_1984 = tpu.memref_squeeze %dma_start3A_1983 : memref<1x!tpu.dma_semaphore, #tpu.memory_space<semaphore_mem>> -> memref<!tpu.dma_semaphore, #tpu.memory_space<semaphore_mem>>
    %dma_start3A_1985 = arith.constant 0 : i32
    %dma_start3A_1986 = tpu.memref_slice %arg3[%add3A_1979, %dma_start3A_1985] : memref<8192x2048xf32, #tpu.memory_space<hbm>> -> memref<16x2048xf32, #tpu.memory_space<hbm>>
    tpu.enqueue_dma source(%dma_start3A_1986 : memref<16x2048xf32, #tpu.memory_space<hbm>>) target(%arg12 : memref<16x2048xf32, #tpu.memory_space<vmem>>) target_semaphore(%dma_start3A_1984 : memref<!tpu.dma_semaphore, #tpu.memory_space<semaphore_mem>>)
    %dma_wait3A_1987 = arith.constant 1 : i32
    %dma_wait3A_1988 = arith.constant 0 : i32
    %dma_wait3A_1989 = tpu.memref_slice %arg3[%add3A_1943, %dma_wait3A_1988] : memref<8192x2048xf32, #tpu.memory_space<hbm>> -> memref<16x2048xf32, #tpu.memory_space<hbm>>
    %dma_wait3A_1990 = tpu.memref_slice %arg14[%dma_wait3A_1987] : memref<2x!tpu.dma_semaphore, #tpu.memory_space<semaphore_mem>> -> memref<1x!tpu.dma_semaphore, #tpu.memory_space<semaphore_mem>>
    %dma_wait3A_1991 = tpu.memref_squeeze %dma_wait3A_1990 : memref<1x!tpu.dma_semaphore, #tpu.memory_space<semaphore_mem>> -> memref<!tpu.dma_semaphore, #tpu.memory_space<semaphore_mem>>
    %dma_wait3A_1992 = arith.constant 0 : i32
    %dma_wait3A_1993 = tpu.memref_slice %arg3[%add3A_1943, %dma_wait3A_1992] : memref<8192x2048xf32, #tpu.memory_space<hbm>> -> memref<16x2048xf32, #tpu.memory_space<hbm>>
    tpu.wait_dma2 semaphore(%dma_wait3A_1991 : memref<!tpu.dma_semaphore, #tpu.memory_space<semaphore_mem>>) src(%dma_wait3A_1993 : memref<16x2048xf32, #tpu.memory_space<hbm>>) dst(%arg13 : memref<16x2048xf32, #tpu.memory_space<vmem>>)
    %dma_start3A_1994 = arith.constant 9 : i32
    %dma_start3A_1995 = arith.constant 1 : i32
    %dma_start3A_1996 = arith.constant 0 : i32
    %dma_start3A_1997 = tpu.memref_slice %arg10[%dma_start3A_1994, %dma_start3A_1996] : memref<16x16xi32, #tpu.memory_space<vmem>> -> memref<1x16xi32, #tpu.memory_space<vmem>>
    %dma_start3A_1998 = tpu.memref_squeeze %dma_start3A_1997 : memref<1x16xi32, #tpu.memory_space<vmem>> -> memref<16xi32, #tpu.memory_space<vmem>>
    %dma_start3A_1999 = arith.constant 0 : i32
    %dma_start3A_2000 = arith.constant 0 : i32
    %dma_start3A_2001 = tpu.memref_slice %arg6[%dma_start3A_1999, %dma_start3A_2000] : memref<10240x2048xf32, #tpu.memory_space<hbm>> -> memref<10240x2048xf32, #tpu.memory_space<hbm>>
    %dma_start3A_2002 = tpu.memref_slice %arg15[%dma_start3A_1995] : memref<2x!tpu.dma_semaphore, #tpu.memory_space<semaphore_mem>> -> memref<1x!tpu.dma_semaphore, #tpu.memory_space<semaphore_mem>>
    %dma_start3A_2003 = tpu.memref_squeeze %dma_start3A_2002 : memref<1x!tpu.dma_semaphore, #tpu.memory_space<semaphore_mem>> -> memref<!tpu.dma_semaphore, #tpu.memory_space<semaphore_mem>>
    tpu.enqueue_indirect_dma source(%arg13 : memref<16x2048xf32, #tpu.memory_space<vmem>>) target(%dma_start3A_2001 : memref<10240x2048xf32, #tpu.memory_space<hbm>>) offsets(%dma_start3A_1998 : memref<16xi32, #tpu.memory_space<vmem>>) semaphore(%dma_start3A_2003 : memref<!tpu.dma_semaphore, #tpu.memory_space<semaphore_mem>>)
    %dma_wait3A_2004 = arith.constant 9 : i32
    %dma_wait3A_2005 = arith.constant 1 : i32
    %dma_wait3A_2006 = arith.constant 0 : i32
    %dma_wait3A_2007 = tpu.memref_slice %arg10[%dma_wait3A_2004, %dma_wait3A_2006] : memref<16x16xi32, #tpu.memory_space<vmem>> -> memref<1x16xi32, #tpu.memory_space<vmem>>
    %dma_wait3A_2008 = tpu.memref_squeeze %dma_wait3A_2007 : memref<1x16xi32, #tpu.memory_space<vmem>> -> memref<16xi32, #tpu.memory_space<vmem>>
    %dma_wait3A_2009 = arith.constant 0 : i32
    %dma_wait3A_2010 = arith.constant 0 : i32
    %dma_wait3A_2011 = tpu.memref_slice %arg6[%dma_wait3A_2009, %dma_wait3A_2010] : memref<10240x2048xf32, #tpu.memory_space<hbm>> -> memref<10240x2048xf32, #tpu.memory_space<hbm>>
    %dma_wait3A_2012 = tpu.memref_slice %arg15[%dma_wait3A_2005] : memref<2x!tpu.dma_semaphore, #tpu.memory_space<semaphore_mem>> -> memref<1x!tpu.dma_semaphore, #tpu.memory_space<semaphore_mem>>
    %dma_wait3A_2013 = tpu.memref_squeeze %dma_wait3A_2012 : memref<1x!tpu.dma_semaphore, #tpu.memory_space<semaphore_mem>> -> memref<!tpu.dma_semaphore, #tpu.memory_space<semaphore_mem>>
    tpu.wait_indirect_dma semaphore(%dma_wait3A_2013 : memref<!tpu.dma_semaphore, #tpu.memory_space<semaphore_mem>>) src(%arg13 : memref<16x2048xf32, #tpu.memory_space<vmem>>) dst(%dma_wait3A_2011 : memref<10240x2048xf32, #tpu.memory_space<hbm>>)
    %add3A_2014 = arith.constant 176 : i32
    %add3A_2015 = arith.addi %mul3A_2, %add3A_2014 : i32
    %dma_start3A_2016 = arith.constant 1 : i32
    %dma_start3A_2017 = arith.constant 0 : i32
    %dma_start3A_2018 = tpu.memref_slice %arg3[%add3A_2015, %dma_start3A_2017] : memref<8192x2048xf32, #tpu.memory_space<hbm>> -> memref<16x2048xf32, #tpu.memory_space<hbm>>
    %dma_start3A_2019 = tpu.memref_slice %arg14[%dma_start3A_2016] : memref<2x!tpu.dma_semaphore, #tpu.memory_space<semaphore_mem>> -> memref<1x!tpu.dma_semaphore, #tpu.memory_space<semaphore_mem>>
    %dma_start3A_2020 = tpu.memref_squeeze %dma_start3A_2019 : memref<1x!tpu.dma_semaphore, #tpu.memory_space<semaphore_mem>> -> memref<!tpu.dma_semaphore, #tpu.memory_space<semaphore_mem>>
    %dma_start3A_2021 = arith.constant 0 : i32
    %dma_start3A_2022 = tpu.memref_slice %arg3[%add3A_2015, %dma_start3A_2021] : memref<8192x2048xf32, #tpu.memory_space<hbm>> -> memref<16x2048xf32, #tpu.memory_space<hbm>>
    tpu.enqueue_dma source(%dma_start3A_2022 : memref<16x2048xf32, #tpu.memory_space<hbm>>) target(%arg13 : memref<16x2048xf32, #tpu.memory_space<vmem>>) target_semaphore(%dma_start3A_2020 : memref<!tpu.dma_semaphore, #tpu.memory_space<semaphore_mem>>)
    %dma_wait3A_2023 = arith.constant 0 : i32
    %dma_wait3A_2024 = arith.constant 0 : i32
    %dma_wait3A_2025 = tpu.memref_slice %arg3[%add3A_1979, %dma_wait3A_2024] : memref<8192x2048xf32, #tpu.memory_space<hbm>> -> memref<16x2048xf32, #tpu.memory_space<hbm>>
    %dma_wait3A_2026 = tpu.memref_slice %arg14[%dma_wait3A_2023] : memref<2x!tpu.dma_semaphore, #tpu.memory_space<semaphore_mem>> -> memref<1x!tpu.dma_semaphore, #tpu.memory_space<semaphore_mem>>
    %dma_wait3A_2027 = tpu.memref_squeeze %dma_wait3A_2026 : memref<1x!tpu.dma_semaphore, #tpu.memory_space<semaphore_mem>> -> memref<!tpu.dma_semaphore, #tpu.memory_space<semaphore_mem>>
    %dma_wait3A_2028 = arith.constant 0 : i32
    %dma_wait3A_2029 = tpu.memref_slice %arg3[%add3A_1979, %dma_wait3A_2028] : memref<8192x2048xf32, #tpu.memory_space<hbm>> -> memref<16x2048xf32, #tpu.memory_space<hbm>>
    tpu.wait_dma2 semaphore(%dma_wait3A_2027 : memref<!tpu.dma_semaphore, #tpu.memory_space<semaphore_mem>>) src(%dma_wait3A_2029 : memref<16x2048xf32, #tpu.memory_space<hbm>>) dst(%arg12 : memref<16x2048xf32, #tpu.memory_space<vmem>>)
    %dma_start3A_2030 = arith.constant 10 : i32
    %dma_start3A_2031 = arith.constant 0 : i32
    %dma_start3A_2032 = arith.constant 0 : i32
    %dma_start3A_2033 = tpu.memref_slice %arg10[%dma_start3A_2030, %dma_start3A_2032] : memref<16x16xi32, #tpu.memory_space<vmem>> -> memref<1x16xi32, #tpu.memory_space<vmem>>
    %dma_start3A_2034 = tpu.memref_squeeze %dma_start3A_2033 : memref<1x16xi32, #tpu.memory_space<vmem>> -> memref<16xi32, #tpu.memory_space<vmem>>
    %dma_start3A_2035 = arith.constant 0 : i32
    %dma_start3A_2036 = arith.constant 0 : i32
    %dma_start3A_2037 = tpu.memref_slice %arg6[%dma_start3A_2035, %dma_start3A_2036] : memref<10240x2048xf32, #tpu.memory_space<hbm>> -> memref<10240x2048xf32, #tpu.memory_space<hbm>>
    %dma_start3A_2038 = tpu.memref_slice %arg15[%dma_start3A_2031] : memref<2x!tpu.dma_semaphore, #tpu.memory_space<semaphore_mem>> -> memref<1x!tpu.dma_semaphore, #tpu.memory_space<semaphore_mem>>
    %dma_start3A_2039 = tpu.memref_squeeze %dma_start3A_2038 : memref<1x!tpu.dma_semaphore, #tpu.memory_space<semaphore_mem>> -> memref<!tpu.dma_semaphore, #tpu.memory_space<semaphore_mem>>
    tpu.enqueue_indirect_dma source(%arg12 : memref<16x2048xf32, #tpu.memory_space<vmem>>) target(%dma_start3A_2037 : memref<10240x2048xf32, #tpu.memory_space<hbm>>) offsets(%dma_start3A_2034 : memref<16xi32, #tpu.memory_space<vmem>>) semaphore(%dma_start3A_2039 : memref<!tpu.dma_semaphore, #tpu.memory_space<semaphore_mem>>)
    %dma_wait3A_2040 = arith.constant 10 : i32
    %dma_wait3A_2041 = arith.constant 0 : i32
    %dma_wait3A_2042 = arith.constant 0 : i32
    %dma_wait3A_2043 = tpu.memref_slice %arg10[%dma_wait3A_2040, %dma_wait3A_2042] : memref<16x16xi32, #tpu.memory_space<vmem>> -> memref<1x16xi32, #tpu.memory_space<vmem>>
    %dma_wait3A_2044 = tpu.memref_squeeze %dma_wait3A_2043 : memref<1x16xi32, #tpu.memory_space<vmem>> -> memref<16xi32, #tpu.memory_space<vmem>>
    %dma_wait3A_2045 = arith.constant 0 : i32
    %dma_wait3A_2046 = arith.constant 0 : i32
    %dma_wait3A_2047 = tpu.memref_slice %arg6[%dma_wait3A_2045, %dma_wait3A_2046] : memref<10240x2048xf32, #tpu.memory_space<hbm>> -> memref<10240x2048xf32, #tpu.memory_space<hbm>>
    %dma_wait3A_2048 = tpu.memref_slice %arg15[%dma_wait3A_2041] : memref<2x!tpu.dma_semaphore, #tpu.memory_space<semaphore_mem>> -> memref<1x!tpu.dma_semaphore, #tpu.memory_space<semaphore_mem>>
    %dma_wait3A_2049 = tpu.memref_squeeze %dma_wait3A_2048 : memref<1x!tpu.dma_semaphore, #tpu.memory_space<semaphore_mem>> -> memref<!tpu.dma_semaphore, #tpu.memory_space<semaphore_mem>>
    tpu.wait_indirect_dma semaphore(%dma_wait3A_2049 : memref<!tpu.dma_semaphore, #tpu.memory_space<semaphore_mem>>) src(%arg12 : memref<16x2048xf32, #tpu.memory_space<vmem>>) dst(%dma_wait3A_2047 : memref<10240x2048xf32, #tpu.memory_space<hbm>>)
    %add3A_2050 = arith.constant 192 : i32
    %add3A_2051 = arith.addi %mul3A_2, %add3A_2050 : i32
    %dma_start3A_2052 = arith.constant 0 : i32
    %dma_start3A_2053 = arith.constant 0 : i32
    %dma_start3A_2054 = tpu.memref_slice %arg3[%add3A_2051, %dma_start3A_2053] : memref<8192x2048xf32, #tpu.memory_space<hbm>> -> memref<16x2048xf32, #tpu.memory_space<hbm>>
    %dma_start3A_2055 = tpu.memref_slice %arg14[%dma_start3A_2052] : memref<2x!tpu.dma_semaphore, #tpu.memory_space<semaphore_mem>> -> memref<1x!tpu.dma_semaphore, #tpu.memory_space<semaphore_mem>>
    %dma_start3A_2056 = tpu.memref_squeeze %dma_start3A_2055 : memref<1x!tpu.dma_semaphore, #tpu.memory_space<semaphore_mem>> -> memref<!tpu.dma_semaphore, #tpu.memory_space<semaphore_mem>>
    %dma_start3A_2057 = arith.constant 0 : i32
    %dma_start3A_2058 = tpu.memref_slice %arg3[%add3A_2051, %dma_start3A_2057] : memref<8192x2048xf32, #tpu.memory_space<hbm>> -> memref<16x2048xf32, #tpu.memory_space<hbm>>
    tpu.enqueue_dma source(%dma_start3A_2058 : memref<16x2048xf32, #tpu.memory_space<hbm>>) target(%arg12 : memref<16x2048xf32, #tpu.memory_space<vmem>>) target_semaphore(%dma_start3A_2056 : memref<!tpu.dma_semaphore, #tpu.memory_space<semaphore_mem>>)
    %dma_wait3A_2059 = arith.constant 1 : i32
    %dma_wait3A_2060 = arith.constant 0 : i32
    %dma_wait3A_2061 = tpu.memref_slice %arg3[%add3A_2015, %dma_wait3A_2060] : memref<8192x2048xf32, #tpu.memory_space<hbm>> -> memref<16x2048xf32, #tpu.memory_space<hbm>>
    %dma_wait3A_2062 = tpu.memref_slice %arg14[%dma_wait3A_2059] : memref<2x!tpu.dma_semaphore, #tpu.memory_space<semaphore_mem>> -> memref<1x!tpu.dma_semaphore, #tpu.memory_space<semaphore_mem>>
    %dma_wait3A_2063 = tpu.memref_squeeze %dma_wait3A_2062 : memref<1x!tpu.dma_semaphore, #tpu.memory_space<semaphore_mem>> -> memref<!tpu.dma_semaphore, #tpu.memory_space<semaphore_mem>>
    %dma_wait3A_2064 = arith.constant 0 : i32
    %dma_wait3A_2065 = tpu.memref_slice %arg3[%add3A_2015, %dma_wait3A_2064] : memref<8192x2048xf32, #tpu.memory_space<hbm>> -> memref<16x2048xf32, #tpu.memory_space<hbm>>
    tpu.wait_dma2 semaphore(%dma_wait3A_2063 : memref<!tpu.dma_semaphore, #tpu.memory_space<semaphore_mem>>) src(%dma_wait3A_2065 : memref<16x2048xf32, #tpu.memory_space<hbm>>) dst(%arg13 : memref<16x2048xf32, #tpu.memory_space<vmem>>)
    %dma_start3A_2066 = arith.constant 11 : i32
    %dma_start3A_2067 = arith.constant 1 : i32
    %dma_start3A_2068 = arith.constant 0 : i32
    %dma_start3A_2069 = tpu.memref_slice %arg10[%dma_start3A_2066, %dma_start3A_2068] : memref<16x16xi32, #tpu.memory_space<vmem>> -> memref<1x16xi32, #tpu.memory_space<vmem>>
    %dma_start3A_2070 = tpu.memref_squeeze %dma_start3A_2069 : memref<1x16xi32, #tpu.memory_space<vmem>> -> memref<16xi32, #tpu.memory_space<vmem>>
    %dma_start3A_2071 = arith.constant 0 : i32
    %dma_start3A_2072 = arith.constant 0 : i32
    %dma_start3A_2073 = tpu.memref_slice %arg6[%dma_start3A_2071, %dma_start3A_2072] : memref<10240x2048xf32, #tpu.memory_space<hbm>> -> memref<10240x2048xf32, #tpu.memory_space<hbm>>
    %dma_start3A_2074 = tpu.memref_slice %arg15[%dma_start3A_2067] : memref<2x!tpu.dma_semaphore, #tpu.memory_space<semaphore_mem>> -> memref<1x!tpu.dma_semaphore, #tpu.memory_space<semaphore_mem>>
    %dma_start3A_2075 = tpu.memref_squeeze %dma_start3A_2074 : memref<1x!tpu.dma_semaphore, #tpu.memory_space<semaphore_mem>> -> memref<!tpu.dma_semaphore, #tpu.memory_space<semaphore_mem>>
    tpu.enqueue_indirect_dma source(%arg13 : memref<16x2048xf32, #tpu.memory_space<vmem>>) target(%dma_start3A_2073 : memref<10240x2048xf32, #tpu.memory_space<hbm>>) offsets(%dma_start3A_2070 : memref<16xi32, #tpu.memory_space<vmem>>) semaphore(%dma_start3A_2075 : memref<!tpu.dma_semaphore, #tpu.memory_space<semaphore_mem>>)
    %dma_wait3A_2076 = arith.constant 11 : i32
    %dma_wait3A_2077 = arith.constant 1 : i32
    %dma_wait3A_2078 = arith.constant 0 : i32
    %dma_wait3A_2079 = tpu.memref_slice %arg10[%dma_wait3A_2076, %dma_wait3A_2078] : memref<16x16xi32, #tpu.memory_space<vmem>> -> memref<1x16xi32, #tpu.memory_space<vmem>>
    %dma_wait3A_2080 = tpu.memref_squeeze %dma_wait3A_2079 : memref<1x16xi32, #tpu.memory_space<vmem>> -> memref<16xi32, #tpu.memory_space<vmem>>
    %dma_wait3A_2081 = arith.constant 0 : i32
    %dma_wait3A_2082 = arith.constant 0 : i32
    %dma_wait3A_2083 = tpu.memref_slice %arg6[%dma_wait3A_2081, %dma_wait3A_2082] : memref<10240x2048xf32, #tpu.memory_space<hbm>> -> memref<10240x2048xf32, #tpu.memory_space<hbm>>
    %dma_wait3A_2084 = tpu.memref_slice %arg15[%dma_wait3A_2077] : memref<2x!tpu.dma_semaphore, #tpu.memory_space<semaphore_mem>> -> memref<1x!tpu.dma_semaphore, #tpu.memory_space<semaphore_mem>>
    %dma_wait3A_2085 = tpu.memref_squeeze %dma_wait3A_2084 : memref<1x!tpu.dma_semaphore, #tpu.memory_space<semaphore_mem>> -> memref<!tpu.dma_semaphore, #tpu.memory_space<semaphore_mem>>
    tpu.wait_indirect_dma semaphore(%dma_wait3A_2085 : memref<!tpu.dma_semaphore, #tpu.memory_space<semaphore_mem>>) src(%arg13 : memref<16x2048xf32, #tpu.memory_space<vmem>>) dst(%dma_wait3A_2083 : memref<10240x2048xf32, #tpu.memory_space<hbm>>)
    %add3A_2086 = arith.constant 208 : i32
    %add3A_2087 = arith.addi %mul3A_2, %add3A_2086 : i32
    %dma_start3A_2088 = arith.constant 1 : i32
    %dma_start3A_2089 = arith.constant 0 : i32
    %dma_start3A_2090 = tpu.memref_slice %arg3[%add3A_2087, %dma_start3A_2089] : memref<8192x2048xf32, #tpu.memory_space<hbm>> -> memref<16x2048xf32, #tpu.memory_space<hbm>>
    %dma_start3A_2091 = tpu.memref_slice %arg14[%dma_start3A_2088] : memref<2x!tpu.dma_semaphore, #tpu.memory_space<semaphore_mem>> -> memref<1x!tpu.dma_semaphore, #tpu.memory_space<semaphore_mem>>
    %dma_start3A_2092 = tpu.memref_squeeze %dma_start3A_2091 : memref<1x!tpu.dma_semaphore, #tpu.memory_space<semaphore_mem>> -> memref<!tpu.dma_semaphore, #tpu.memory_space<semaphore_mem>>
    %dma_start3A_2093 = arith.constant 0 : i32
    %dma_start3A_2094 = tpu.memref_slice %arg3[%add3A_2087, %dma_start3A_2093] : memref<8192x2048xf32, #tpu.memory_space<hbm>> -> memref<16x2048xf32, #tpu.memory_space<hbm>>
    tpu.enqueue_dma source(%dma_start3A_2094 : memref<16x2048xf32, #tpu.memory_space<hbm>>) target(%arg13 : memref<16x2048xf32, #tpu.memory_space<vmem>>) target_semaphore(%dma_start3A_2092 : memref<!tpu.dma_semaphore, #tpu.memory_space<semaphore_mem>>)
    %dma_wait3A_2095 = arith.constant 0 : i32
    %dma_wait3A_2096 = arith.constant 0 : i32
    %dma_wait3A_2097 = tpu.memref_slice %arg3[%add3A_2051, %dma_wait3A_2096] : memref<8192x2048xf32, #tpu.memory_space<hbm>> -> memref<16x2048xf32, #tpu.memory_space<hbm>>
    %dma_wait3A_2098 = tpu.memref_slice %arg14[%dma_wait3A_2095] : memref<2x!tpu.dma_semaphore, #tpu.memory_space<semaphore_mem>> -> memref<1x!tpu.dma_semaphore, #tpu.memory_space<semaphore_mem>>
    %dma_wait3A_2099 = tpu.memref_squeeze %dma_wait3A_2098 : memref<1x!tpu.dma_semaphore, #tpu.memory_space<semaphore_mem>> -> memref<!tpu.dma_semaphore, #tpu.memory_space<semaphore_mem>>
    %dma_wait3A_2100 = arith.constant 0 : i32
    %dma_wait3A_2101 = tpu.memref_slice %arg3[%add3A_2051, %dma_wait3A_2100] : memref<8192x2048xf32, #tpu.memory_space<hbm>> -> memref<16x2048xf32, #tpu.memory_space<hbm>>
    tpu.wait_dma2 semaphore(%dma_wait3A_2099 : memref<!tpu.dma_semaphore, #tpu.memory_space<semaphore_mem>>) src(%dma_wait3A_2101 : memref<16x2048xf32, #tpu.memory_space<hbm>>) dst(%arg12 : memref<16x2048xf32, #tpu.memory_space<vmem>>)
    %dma_start3A_2102 = arith.constant 12 : i32
    %dma_start3A_2103 = arith.constant 0 : i32
    %dma_start3A_2104 = arith.constant 0 : i32
    %dma_start3A_2105 = tpu.memref_slice %arg10[%dma_start3A_2102, %dma_start3A_2104] : memref<16x16xi32, #tpu.memory_space<vmem>> -> memref<1x16xi32, #tpu.memory_space<vmem>>
    %dma_start3A_2106 = tpu.memref_squeeze %dma_start3A_2105 : memref<1x16xi32, #tpu.memory_space<vmem>> -> memref<16xi32, #tpu.memory_space<vmem>>
    %dma_start3A_2107 = arith.constant 0 : i32
    %dma_start3A_2108 = arith.constant 0 : i32
    %dma_start3A_2109 = tpu.memref_slice %arg6[%dma_start3A_2107, %dma_start3A_2108] : memref<10240x2048xf32, #tpu.memory_space<hbm>> -> memref<10240x2048xf32, #tpu.memory_space<hbm>>
    %dma_start3A_2110 = tpu.memref_slice %arg15[%dma_start3A_2103] : memref<2x!tpu.dma_semaphore, #tpu.memory_space<semaphore_mem>> -> memref<1x!tpu.dma_semaphore, #tpu.memory_space<semaphore_mem>>
    %dma_start3A_2111 = tpu.memref_squeeze %dma_start3A_2110 : memref<1x!tpu.dma_semaphore, #tpu.memory_space<semaphore_mem>> -> memref<!tpu.dma_semaphore, #tpu.memory_space<semaphore_mem>>
    tpu.enqueue_indirect_dma source(%arg12 : memref<16x2048xf32, #tpu.memory_space<vmem>>) target(%dma_start3A_2109 : memref<10240x2048xf32, #tpu.memory_space<hbm>>) offsets(%dma_start3A_2106 : memref<16xi32, #tpu.memory_space<vmem>>) semaphore(%dma_start3A_2111 : memref<!tpu.dma_semaphore, #tpu.memory_space<semaphore_mem>>)
    %dma_wait3A_2112 = arith.constant 12 : i32
    %dma_wait3A_2113 = arith.constant 0 : i32
    %dma_wait3A_2114 = arith.constant 0 : i32
    %dma_wait3A_2115 = tpu.memref_slice %arg10[%dma_wait3A_2112, %dma_wait3A_2114] : memref<16x16xi32, #tpu.memory_space<vmem>> -> memref<1x16xi32, #tpu.memory_space<vmem>>
    %dma_wait3A_2116 = tpu.memref_squeeze %dma_wait3A_2115 : memref<1x16xi32, #tpu.memory_space<vmem>> -> memref<16xi32, #tpu.memory_space<vmem>>
    %dma_wait3A_2117 = arith.constant 0 : i32
    %dma_wait3A_2118 = arith.constant 0 : i32
    %dma_wait3A_2119 = tpu.memref_slice %arg6[%dma_wait3A_2117, %dma_wait3A_2118] : memref<10240x2048xf32, #tpu.memory_space<hbm>> -> memref<10240x2048xf32, #tpu.memory_space<hbm>>
    %dma_wait3A_2120 = tpu.memref_slice %arg15[%dma_wait3A_2113] : memref<2x!tpu.dma_semaphore, #tpu.memory_space<semaphore_mem>> -> memref<1x!tpu.dma_semaphore, #tpu.memory_space<semaphore_mem>>
    %dma_wait3A_2121 = tpu.memref_squeeze %dma_wait3A_2120 : memref<1x!tpu.dma_semaphore, #tpu.memory_space<semaphore_mem>> -> memref<!tpu.dma_semaphore, #tpu.memory_space<semaphore_mem>>
    tpu.wait_indirect_dma semaphore(%dma_wait3A_2121 : memref<!tpu.dma_semaphore, #tpu.memory_space<semaphore_mem>>) src(%arg12 : memref<16x2048xf32, #tpu.memory_space<vmem>>) dst(%dma_wait3A_2119 : memref<10240x2048xf32, #tpu.memory_space<hbm>>)
    %add3A_2122 = arith.constant 224 : i32
    %add3A_2123 = arith.addi %mul3A_2, %add3A_2122 : i32
    %dma_start3A_2124 = arith.constant 0 : i32
    %dma_start3A_2125 = arith.constant 0 : i32
    %dma_start3A_2126 = tpu.memref_slice %arg3[%add3A_2123, %dma_start3A_2125] : memref<8192x2048xf32, #tpu.memory_space<hbm>> -> memref<16x2048xf32, #tpu.memory_space<hbm>>
    %dma_start3A_2127 = tpu.memref_slice %arg14[%dma_start3A_2124] : memref<2x!tpu.dma_semaphore, #tpu.memory_space<semaphore_mem>> -> memref<1x!tpu.dma_semaphore, #tpu.memory_space<semaphore_mem>>
    %dma_start3A_2128 = tpu.memref_squeeze %dma_start3A_2127 : memref<1x!tpu.dma_semaphore, #tpu.memory_space<semaphore_mem>> -> memref<!tpu.dma_semaphore, #tpu.memory_space<semaphore_mem>>
    %dma_start3A_2129 = arith.constant 0 : i32
    %dma_start3A_2130 = tpu.memref_slice %arg3[%add3A_2123, %dma_start3A_2129] : memref<8192x2048xf32, #tpu.memory_space<hbm>> -> memref<16x2048xf32, #tpu.memory_space<hbm>>
    tpu.enqueue_dma source(%dma_start3A_2130 : memref<16x2048xf32, #tpu.memory_space<hbm>>) target(%arg12 : memref<16x2048xf32, #tpu.memory_space<vmem>>) target_semaphore(%dma_start3A_2128 : memref<!tpu.dma_semaphore, #tpu.memory_space<semaphore_mem>>)
    %dma_wait3A_2131 = arith.constant 1 : i32
    %dma_wait3A_2132 = arith.constant 0 : i32
    %dma_wait3A_2133 = tpu.memref_slice %arg3[%add3A_2087, %dma_wait3A_2132] : memref<8192x2048xf32, #tpu.memory_space<hbm>> -> memref<16x2048xf32, #tpu.memory_space<hbm>>
    %dma_wait3A_2134 = tpu.memref_slice %arg14[%dma_wait3A_2131] : memref<2x!tpu.dma_semaphore, #tpu.memory_space<semaphore_mem>> -> memref<1x!tpu.dma_semaphore, #tpu.memory_space<semaphore_mem>>
    %dma_wait3A_2135 = tpu.memref_squeeze %dma_wait3A_2134 : memref<1x!tpu.dma_semaphore, #tpu.memory_space<semaphore_mem>> -> memref<!tpu.dma_semaphore, #tpu.memory_space<semaphore_mem>>
    %dma_wait3A_2136 = arith.constant 0 : i32
    %dma_wait3A_2137 = tpu.memref_slice %arg3[%add3A_2087, %dma_wait3A_2136] : memref<8192x2048xf32, #tpu.memory_space<hbm>> -> memref<16x2048xf32, #tpu.memory_space<hbm>>
    tpu.wait_dma2 semaphore(%dma_wait3A_2135 : memref<!tpu.dma_semaphore, #tpu.memory_space<semaphore_mem>>) src(%dma_wait3A_2137 : memref<16x2048xf32, #tpu.memory_space<hbm>>) dst(%arg13 : memref<16x2048xf32, #tpu.memory_space<vmem>>)
    %dma_start3A_2138 = arith.constant 13 : i32
    %dma_start3A_2139 = arith.constant 1 : i32
    %dma_start3A_2140 = arith.constant 0 : i32
    %dma_start3A_2141 = tpu.memref_slice %arg10[%dma_start3A_2138, %dma_start3A_2140] : memref<16x16xi32, #tpu.memory_space<vmem>> -> memref<1x16xi32, #tpu.memory_space<vmem>>
    %dma_start3A_2142 = tpu.memref_squeeze %dma_start3A_2141 : memref<1x16xi32, #tpu.memory_space<vmem>> -> memref<16xi32, #tpu.memory_space<vmem>>
    %dma_start3A_2143 = arith.constant 0 : i32
    %dma_start3A_2144 = arith.constant 0 : i32
    %dma_start3A_2145 = tpu.memref_slice %arg6[%dma_start3A_2143, %dma_start3A_2144] : memref<10240x2048xf32, #tpu.memory_space<hbm>> -> memref<10240x2048xf32, #tpu.memory_space<hbm>>
    %dma_start3A_2146 = tpu.memref_slice %arg15[%dma_start3A_2139] : memref<2x!tpu.dma_semaphore, #tpu.memory_space<semaphore_mem>> -> memref<1x!tpu.dma_semaphore, #tpu.memory_space<semaphore_mem>>
    %dma_start3A_2147 = tpu.memref_squeeze %dma_start3A_2146 : memref<1x!tpu.dma_semaphore, #tpu.memory_space<semaphore_mem>> -> memref<!tpu.dma_semaphore, #tpu.memory_space<semaphore_mem>>
    tpu.enqueue_indirect_dma source(%arg13 : memref<16x2048xf32, #tpu.memory_space<vmem>>) target(%dma_start3A_2145 : memref<10240x2048xf32, #tpu.memory_space<hbm>>) offsets(%dma_start3A_2142 : memref<16xi32, #tpu.memory_space<vmem>>) semaphore(%dma_start3A_2147 : memref<!tpu.dma_semaphore, #tpu.memory_space<semaphore_mem>>)
    %dma_wait3A_2148 = arith.constant 13 : i32
    %dma_wait3A_2149 = arith.constant 1 : i32
    %dma_wait3A_2150 = arith.constant 0 : i32
    %dma_wait3A_2151 = tpu.memref_slice %arg10[%dma_wait3A_2148, %dma_wait3A_2150] : memref<16x16xi32, #tpu.memory_space<vmem>> -> memref<1x16xi32, #tpu.memory_space<vmem>>
    %dma_wait3A_2152 = tpu.memref_squeeze %dma_wait3A_2151 : memref<1x16xi32, #tpu.memory_space<vmem>> -> memref<16xi32, #tpu.memory_space<vmem>>
    %dma_wait3A_2153 = arith.constant 0 : i32
    %dma_wait3A_2154 = arith.constant 0 : i32
    %dma_wait3A_2155 = tpu.memref_slice %arg6[%dma_wait3A_2153, %dma_wait3A_2154] : memref<10240x2048xf32, #tpu.memory_space<hbm>> -> memref<10240x2048xf32, #tpu.memory_space<hbm>>
    %dma_wait3A_2156 = tpu.memref_slice %arg15[%dma_wait3A_2149] : memref<2x!tpu.dma_semaphore, #tpu.memory_space<semaphore_mem>> -> memref<1x!tpu.dma_semaphore, #tpu.memory_space<semaphore_mem>>
    %dma_wait3A_2157 = tpu.memref_squeeze %dma_wait3A_2156 : memref<1x!tpu.dma_semaphore, #tpu.memory_space<semaphore_mem>> -> memref<!tpu.dma_semaphore, #tpu.memory_space<semaphore_mem>>
    tpu.wait_indirect_dma semaphore(%dma_wait3A_2157 : memref<!tpu.dma_semaphore, #tpu.memory_space<semaphore_mem>>) src(%arg13 : memref<16x2048xf32, #tpu.memory_space<vmem>>) dst(%dma_wait3A_2155 : memref<10240x2048xf32, #tpu.memory_space<hbm>>)
    %add3A_2158 = arith.constant 240 : i32
    %add3A_2159 = arith.addi %mul3A_2, %add3A_2158 : i32
    %dma_start3A_2160 = arith.constant 1 : i32
    %dma_start3A_2161 = arith.constant 0 : i32
    %dma_start3A_2162 = tpu.memref_slice %arg3[%add3A_2159, %dma_start3A_2161] : memref<8192x2048xf32, #tpu.memory_space<hbm>> -> memref<16x2048xf32, #tpu.memory_space<hbm>>
    %dma_start3A_2163 = tpu.memref_slice %arg14[%dma_start3A_2160] : memref<2x!tpu.dma_semaphore, #tpu.memory_space<semaphore_mem>> -> memref<1x!tpu.dma_semaphore, #tpu.memory_space<semaphore_mem>>
    %dma_start3A_2164 = tpu.memref_squeeze %dma_start3A_2163 : memref<1x!tpu.dma_semaphore, #tpu.memory_space<semaphore_mem>> -> memref<!tpu.dma_semaphore, #tpu.memory_space<semaphore_mem>>
    %dma_start3A_2165 = arith.constant 0 : i32
    %dma_start3A_2166 = tpu.memref_slice %arg3[%add3A_2159, %dma_start3A_2165] : memref<8192x2048xf32, #tpu.memory_space<hbm>> -> memref<16x2048xf32, #tpu.memory_space<hbm>>
    tpu.enqueue_dma source(%dma_start3A_2166 : memref<16x2048xf32, #tpu.memory_space<hbm>>) target(%arg13 : memref<16x2048xf32, #tpu.memory_space<vmem>>) target_semaphore(%dma_start3A_2164 : memref<!tpu.dma_semaphore, #tpu.memory_space<semaphore_mem>>)
    %dma_wait3A_2167 = arith.constant 0 : i32
    %dma_wait3A_2168 = arith.constant 0 : i32
    %dma_wait3A_2169 = tpu.memref_slice %arg3[%add3A_2123, %dma_wait3A_2168] : memref<8192x2048xf32, #tpu.memory_space<hbm>> -> memref<16x2048xf32, #tpu.memory_space<hbm>>
    %dma_wait3A_2170 = tpu.memref_slice %arg14[%dma_wait3A_2167] : memref<2x!tpu.dma_semaphore, #tpu.memory_space<semaphore_mem>> -> memref<1x!tpu.dma_semaphore, #tpu.memory_space<semaphore_mem>>
    %dma_wait3A_2171 = tpu.memref_squeeze %dma_wait3A_2170 : memref<1x!tpu.dma_semaphore, #tpu.memory_space<semaphore_mem>> -> memref<!tpu.dma_semaphore, #tpu.memory_space<semaphore_mem>>
    %dma_wait3A_2172 = arith.constant 0 : i32
    %dma_wait3A_2173 = tpu.memref_slice %arg3[%add3A_2123, %dma_wait3A_2172] : memref<8192x2048xf32, #tpu.memory_space<hbm>> -> memref<16x2048xf32, #tpu.memory_space<hbm>>
    tpu.wait_dma2 semaphore(%dma_wait3A_2171 : memref<!tpu.dma_semaphore, #tpu.memory_space<semaphore_mem>>) src(%dma_wait3A_2173 : memref<16x2048xf32, #tpu.memory_space<hbm>>) dst(%arg12 : memref<16x2048xf32, #tpu.memory_space<vmem>>)
    %dma_start3A_2174 = arith.constant 14 : i32
    %dma_start3A_2175 = arith.constant 0 : i32
    %dma_start3A_2176 = arith.constant 0 : i32
    %dma_start3A_2177 = tpu.memref_slice %arg10[%dma_start3A_2174, %dma_start3A_2176] : memref<16x16xi32, #tpu.memory_space<vmem>> -> memref<1x16xi32, #tpu.memory_space<vmem>>
    %dma_start3A_2178 = tpu.memref_squeeze %dma_start3A_2177 : memref<1x16xi32, #tpu.memory_space<vmem>> -> memref<16xi32, #tpu.memory_space<vmem>>
    %dma_start3A_2179 = arith.constant 0 : i32
    %dma_start3A_2180 = arith.constant 0 : i32
    %dma_start3A_2181 = tpu.memref_slice %arg6[%dma_start3A_2179, %dma_start3A_2180] : memref<10240x2048xf32, #tpu.memory_space<hbm>> -> memref<10240x2048xf32, #tpu.memory_space<hbm>>
    %dma_start3A_2182 = tpu.memref_slice %arg15[%dma_start3A_2175] : memref<2x!tpu.dma_semaphore, #tpu.memory_space<semaphore_mem>> -> memref<1x!tpu.dma_semaphore, #tpu.memory_space<semaphore_mem>>
    %dma_start3A_2183 = tpu.memref_squeeze %dma_start3A_2182 : memref<1x!tpu.dma_semaphore, #tpu.memory_space<semaphore_mem>> -> memref<!tpu.dma_semaphore, #tpu.memory_space<semaphore_mem>>
    tpu.enqueue_indirect_dma source(%arg12 : memref<16x2048xf32, #tpu.memory_space<vmem>>) target(%dma_start3A_2181 : memref<10240x2048xf32, #tpu.memory_space<hbm>>) offsets(%dma_start3A_2178 : memref<16xi32, #tpu.memory_space<vmem>>) semaphore(%dma_start3A_2183 : memref<!tpu.dma_semaphore, #tpu.memory_space<semaphore_mem>>)
    %dma_wait3A_2184 = arith.constant 1 : i32
    %dma_wait3A_2185 = arith.constant 0 : i32
    %dma_wait3A_2186 = tpu.memref_slice %arg3[%add3A_2159, %dma_wait3A_2185] : memref<8192x2048xf32, #tpu.memory_space<hbm>> -> memref<16x2048xf32, #tpu.memory_space<hbm>>
    %dma_wait3A_2187 = tpu.memref_slice %arg14[%dma_wait3A_2184] : memref<2x!tpu.dma_semaphore, #tpu.memory_space<semaphore_mem>> -> memref<1x!tpu.dma_semaphore, #tpu.memory_space<semaphore_mem>>
    %dma_wait3A_2188 = tpu.memref_squeeze %dma_wait3A_2187 : memref<1x!tpu.dma_semaphore, #tpu.memory_space<semaphore_mem>> -> memref<!tpu.dma_semaphore, #tpu.memory_space<semaphore_mem>>
    %dma_wait3A_2189 = arith.constant 0 : i32
    %dma_wait3A_2190 = tpu.memref_slice %arg3[%add3A_2159, %dma_wait3A_2189] : memref<8192x2048xf32, #tpu.memory_space<hbm>> -> memref<16x2048xf32, #tpu.memory_space<hbm>>
    tpu.wait_dma2 semaphore(%dma_wait3A_2188 : memref<!tpu.dma_semaphore, #tpu.memory_space<semaphore_mem>>) src(%dma_wait3A_2190 : memref<16x2048xf32, #tpu.memory_space<hbm>>) dst(%arg13 : memref<16x2048xf32, #tpu.memory_space<vmem>>)
    %dma_start3A_2191 = arith.constant 15 : i32
    %dma_start3A_2192 = arith.constant 1 : i32
    %dma_start3A_2193 = arith.constant 0 : i32
    %dma_start3A_2194 = tpu.memref_slice %arg10[%dma_start3A_2191, %dma_start3A_2193] : memref<16x16xi32, #tpu.memory_space<vmem>> -> memref<1x16xi32, #tpu.memory_space<vmem>>
    %dma_start3A_2195 = tpu.memref_squeeze %dma_start3A_2194 : memref<1x16xi32, #tpu.memory_space<vmem>> -> memref<16xi32, #tpu.memory_space<vmem>>
    %dma_start3A_2196 = arith.constant 0 : i32
    %dma_start3A_2197 = arith.constant 0 : i32
    %dma_start3A_2198 = tpu.memref_slice %arg6[%dma_start3A_2196, %dma_start3A_2197] : memref<10240x2048xf32, #tpu.memory_space<hbm>> -> memref<10240x2048xf32, #tpu.memory_space<hbm>>
    %dma_start3A_2199 = tpu.memref_slice %arg15[%dma_start3A_2192] : memref<2x!tpu.dma_semaphore, #tpu.memory_space<semaphore_mem>> -> memref<1x!tpu.dma_semaphore, #tpu.memory_space<semaphore_mem>>
    %dma_start3A_2200 = tpu.memref_squeeze %dma_start3A_2199 : memref<1x!tpu.dma_semaphore, #tpu.memory_space<semaphore_mem>> -> memref<!tpu.dma_semaphore, #tpu.memory_space<semaphore_mem>>
    tpu.enqueue_indirect_dma source(%arg13 : memref<16x2048xf32, #tpu.memory_space<vmem>>) target(%dma_start3A_2198 : memref<10240x2048xf32, #tpu.memory_space<hbm>>) offsets(%dma_start3A_2195 : memref<16xi32, #tpu.memory_space<vmem>>) semaphore(%dma_start3A_2200 : memref<!tpu.dma_semaphore, #tpu.memory_space<semaphore_mem>>)
    %dma_wait3A_2201 = arith.constant 14 : i32
    %dma_wait3A_2202 = arith.constant 0 : i32
    %dma_wait3A_2203 = arith.constant 0 : i32
    %dma_wait3A_2204 = tpu.memref_slice %arg10[%dma_wait3A_2201, %dma_wait3A_2203] : memref<16x16xi32, #tpu.memory_space<vmem>> -> memref<1x16xi32, #tpu.memory_space<vmem>>
    %dma_wait3A_2205 = tpu.memref_squeeze %dma_wait3A_2204 : memref<1x16xi32, #tpu.memory_space<vmem>> -> memref<16xi32, #tpu.memory_space<vmem>>
    %dma_wait3A_2206 = arith.constant 0 : i32
    %dma_wait3A_2207 = arith.constant 0 : i32
    %dma_wait3A_2208 = tpu.memref_slice %arg6[%dma_wait3A_2206, %dma_wait3A_2207] : memref<10240x2048xf32, #tpu.memory_space<hbm>> -> memref<10240x2048xf32, #tpu.memory_space<hbm>>
    %dma_wait3A_2209 = tpu.memref_slice %arg15[%dma_wait3A_2202] : memref<2x!tpu.dma_semaphore, #tpu.memory_space<semaphore_mem>> -> memref<1x!tpu.dma_semaphore, #tpu.memory_space<semaphore_mem>>
    %dma_wait3A_2210 = tpu.memref_squeeze %dma_wait3A_2209 : memref<1x!tpu.dma_semaphore, #tpu.memory_space<semaphore_mem>> -> memref<!tpu.dma_semaphore, #tpu.memory_space<semaphore_mem>>
    tpu.wait_indirect_dma semaphore(%dma_wait3A_2210 : memref<!tpu.dma_semaphore, #tpu.memory_space<semaphore_mem>>) src(%arg12 : memref<16x2048xf32, #tpu.memory_space<vmem>>) dst(%dma_wait3A_2208 : memref<10240x2048xf32, #tpu.memory_space<hbm>>)
    %dma_wait3A_2211 = arith.constant 15 : i32
    %dma_wait3A_2212 = arith.constant 1 : i32
    %dma_wait3A_2213 = arith.constant 0 : i32
    %dma_wait3A_2214 = tpu.memref_slice %arg10[%dma_wait3A_2211, %dma_wait3A_2213] : memref<16x16xi32, #tpu.memory_space<vmem>> -> memref<1x16xi32, #tpu.memory_space<vmem>>
    %dma_wait3A_2215 = tpu.memref_squeeze %dma_wait3A_2214 : memref<1x16xi32, #tpu.memory_space<vmem>> -> memref<16xi32, #tpu.memory_space<vmem>>
    %dma_wait3A_2216 = arith.constant 0 : i32
    %dma_wait3A_2217 = arith.constant 0 : i32
    %dma_wait3A_2218 = tpu.memref_slice %arg6[%dma_wait3A_2216, %dma_wait3A_2217] : memref<10240x2048xf32, #tpu.memory_space<hbm>> -> memref<10240x2048xf32, #tpu.memory_space<hbm>>
    %dma_wait3A_2219 = tpu.memref_slice %arg15[%dma_wait3A_2212] : memref<2x!tpu.dma_semaphore, #tpu.memory_space<semaphore_mem>> -> memref<1x!tpu.dma_semaphore, #tpu.memory_space<semaphore_mem>>
    %dma_wait3A_2220 = tpu.memref_squeeze %dma_wait3A_2219 : memref<1x!tpu.dma_semaphore, #tpu.memory_space<semaphore_mem>> -> memref<!tpu.dma_semaphore, #tpu.memory_space<semaphore_mem>>
    tpu.wait_indirect_dma semaphore(%dma_wait3A_2220 : memref<!tpu.dma_semaphore, #tpu.memory_space<semaphore_mem>>) src(%arg13 : memref<16x2048xf32, #tpu.memory_space<vmem>>) dst(%dma_wait3A_2218 : memref<10240x2048xf32, #tpu.memory_space<hbm>>)
    return
  }
}

#map = affine_map<(d0, d1) -> (0, 0)>
module attributes {stable_mosaic.version = 14 : i64} {
  func.func @_unpermute_body(%arg0: i32, %arg1: i32, %arg2: memref<256x32xi32, #tpu.memory_space<hbm>>, %arg3: memref<10240x1024xf32, #tpu.memory_space<hbm>>, %arg4: memref<8192x1024xf32, #tpu.memory_space<hbm>>, %arg5: memref<8x32xi32, #tpu.memory_space<vmem>>, %arg6: memref<32x1024xf32, #tpu.memory_space<vmem>>, %arg7: memref<32x1024xf32, #tpu.memory_space<vmem>>, %arg8: memref<2x!tpu.dma_semaphore, #tpu.memory_space<semaphore_mem>>, %arg9: memref<2x!tpu.dma_semaphore, #tpu.memory_space<semaphore_mem>>) attributes {dimension_semantics = [#tpu.dimension_semantics<core_parallel>, #tpu.dimension_semantics<subcore_parallel>], iteration_bounds = array<i64: 2, 16>, scalar_prefetch = 0 : i64, scratch_operands = 5 : i64, tpu.core_type = #tpu.core_type<sc_vector_subcore>, window_params = [{transform_indices = #map}, {transform_indices = #map}, {transform_indices = #map}]} {
    %mul3A = arith.constant 2 : i32
    %mul3A_0 = arith.muli %arg1, %mul3A : i32
    %add3A = arith.addi %mul3A_0, %arg0 : i32
    %mul3A_1 = arith.constant 256 : i32
    %mul3A_2 = arith.muli %add3A, %mul3A_1 : i32
    %mul3A_3 = arith.constant 8 : i32
    %mul3A_4 = arith.muli %add3A, %mul3A_3 : i32
    "tpu.region"() ({
      %run_scoped3A = tpu.sem_alloc : memref<!tpu.dma_semaphore, #tpu.memory_space<semaphore_mem>>
      %dma_start3A_291 = arith.constant 0 : i32
      %dma_start3A_292 = tpu.memref_slice %arg2[%mul3A_4, %dma_start3A_291] : memref<256x32xi32, #tpu.memory_space<hbm>> -> memref<8x32xi32, #tpu.memory_space<hbm>>
      %dma_start3A_293 = arith.constant 0 : i32
      %dma_start3A_294 = tpu.memref_slice %arg2[%mul3A_4, %dma_start3A_293] : memref<256x32xi32, #tpu.memory_space<hbm>> -> memref<8x32xi32, #tpu.memory_space<hbm>>
      tpu.enqueue_dma source(%dma_start3A_294 : memref<8x32xi32, #tpu.memory_space<hbm>>) target(%arg5 : memref<8x32xi32, #tpu.memory_space<vmem>>) target_semaphore(%run_scoped3A : memref<!tpu.dma_semaphore, #tpu.memory_space<semaphore_mem>>)
      %dma_wait3A_295 = arith.constant 0 : i32
      %dma_wait3A_296 = tpu.memref_slice %arg2[%mul3A_4, %dma_wait3A_295] : memref<256x32xi32, #tpu.memory_space<hbm>> -> memref<8x32xi32, #tpu.memory_space<hbm>>
      %dma_wait3A_297 = arith.constant 0 : i32
      %dma_wait3A_298 = tpu.memref_slice %arg2[%mul3A_4, %dma_wait3A_297] : memref<256x32xi32, #tpu.memory_space<hbm>> -> memref<8x32xi32, #tpu.memory_space<hbm>>
      tpu.wait_dma2 semaphore(%run_scoped3A : memref<!tpu.dma_semaphore, #tpu.memory_space<semaphore_mem>>) src(%dma_wait3A_298 : memref<8x32xi32, #tpu.memory_space<hbm>>) dst(%arg5 : memref<8x32xi32, #tpu.memory_space<vmem>>)
      tpu.yield
    }) : () -> ()
    %dma_start3A = arith.constant 0 : i32
    %dma_start3A_5 = arith.constant 0 : i32
    %dma_start3A_6 = arith.constant 0 : i32
    %dma_start3A_7 = tpu.memref_slice %arg5[%dma_start3A, %dma_start3A_6] : memref<8x32xi32, #tpu.memory_space<vmem>> -> memref<1x32xi32, #tpu.memory_space<vmem>>
    %dma_start3A_8 = tpu.memref_squeeze %dma_start3A_7 : memref<1x32xi32, #tpu.memory_space<vmem>> -> memref<32xi32, #tpu.memory_space<vmem>>
    %dma_start3A_9 = arith.constant 0 : i32
    %dma_start3A_10 = arith.constant 0 : i32
    %dma_start3A_11 = tpu.memref_slice %arg3[%dma_start3A_9, %dma_start3A_10] : memref<10240x1024xf32, #tpu.memory_space<hbm>> -> memref<10240x1024xf32, #tpu.memory_space<hbm>>
    %dma_start3A_12 = tpu.memref_slice %arg8[%dma_start3A_5] : memref<2x!tpu.dma_semaphore, #tpu.memory_space<semaphore_mem>> -> memref<1x!tpu.dma_semaphore, #tpu.memory_space<semaphore_mem>>
    %dma_start3A_13 = tpu.memref_squeeze %dma_start3A_12 : memref<1x!tpu.dma_semaphore, #tpu.memory_space<semaphore_mem>> -> memref<!tpu.dma_semaphore, #tpu.memory_space<semaphore_mem>>
    tpu.enqueue_indirect_dma source(%dma_start3A_11 : memref<10240x1024xf32, #tpu.memory_space<hbm>>) target(%arg6 : memref<32x1024xf32, #tpu.memory_space<vmem>>) offsets(%dma_start3A_8 : memref<32xi32, #tpu.memory_space<vmem>>) semaphore(%dma_start3A_13 : memref<!tpu.dma_semaphore, #tpu.memory_space<semaphore_mem>>)
    %dma_start3A_14 = arith.constant 1 : i32
    %dma_start3A_15 = arith.constant 1 : i32
    %dma_start3A_16 = arith.constant 0 : i32
    %dma_start3A_17 = tpu.memref_slice %arg5[%dma_start3A_14, %dma_start3A_16] : memref<8x32xi32, #tpu.memory_space<vmem>> -> memref<1x32xi32, #tpu.memory_space<vmem>>
    %dma_start3A_18 = tpu.memref_squeeze %dma_start3A_17 : memref<1x32xi32, #tpu.memory_space<vmem>> -> memref<32xi32, #tpu.memory_space<vmem>>
    %dma_start3A_19 = arith.constant 0 : i32
    %dma_start3A_20 = arith.constant 0 : i32
    %dma_start3A_21 = tpu.memref_slice %arg3[%dma_start3A_19, %dma_start3A_20] : memref<10240x1024xf32, #tpu.memory_space<hbm>> -> memref<10240x1024xf32, #tpu.memory_space<hbm>>
    %dma_start3A_22 = tpu.memref_slice %arg8[%dma_start3A_15] : memref<2x!tpu.dma_semaphore, #tpu.memory_space<semaphore_mem>> -> memref<1x!tpu.dma_semaphore, #tpu.memory_space<semaphore_mem>>
    %dma_start3A_23 = tpu.memref_squeeze %dma_start3A_22 : memref<1x!tpu.dma_semaphore, #tpu.memory_space<semaphore_mem>> -> memref<!tpu.dma_semaphore, #tpu.memory_space<semaphore_mem>>
    tpu.enqueue_indirect_dma source(%dma_start3A_21 : memref<10240x1024xf32, #tpu.memory_space<hbm>>) target(%arg7 : memref<32x1024xf32, #tpu.memory_space<vmem>>) offsets(%dma_start3A_18 : memref<32xi32, #tpu.memory_space<vmem>>) semaphore(%dma_start3A_23 : memref<!tpu.dma_semaphore, #tpu.memory_space<semaphore_mem>>)
    %dma_wait3A = arith.constant 0 : i32
    %dma_wait3A_24 = arith.constant 0 : i32
    %dma_wait3A_25 = arith.constant 0 : i32
    %dma_wait3A_26 = tpu.memref_slice %arg5[%dma_wait3A, %dma_wait3A_25] : memref<8x32xi32, #tpu.memory_space<vmem>> -> memref<1x32xi32, #tpu.memory_space<vmem>>
    %dma_wait3A_27 = tpu.memref_squeeze %dma_wait3A_26 : memref<1x32xi32, #tpu.memory_space<vmem>> -> memref<32xi32, #tpu.memory_space<vmem>>
    %dma_wait3A_28 = arith.constant 0 : i32
    %dma_wait3A_29 = arith.constant 0 : i32
    %dma_wait3A_30 = tpu.memref_slice %arg3[%dma_wait3A_28, %dma_wait3A_29] : memref<10240x1024xf32, #tpu.memory_space<hbm>> -> memref<10240x1024xf32, #tpu.memory_space<hbm>>
    %dma_wait3A_31 = tpu.memref_slice %arg8[%dma_wait3A_24] : memref<2x!tpu.dma_semaphore, #tpu.memory_space<semaphore_mem>> -> memref<1x!tpu.dma_semaphore, #tpu.memory_space<semaphore_mem>>
    %dma_wait3A_32 = tpu.memref_squeeze %dma_wait3A_31 : memref<1x!tpu.dma_semaphore, #tpu.memory_space<semaphore_mem>> -> memref<!tpu.dma_semaphore, #tpu.memory_space<semaphore_mem>>
    tpu.wait_indirect_dma semaphore(%dma_wait3A_32 : memref<!tpu.dma_semaphore, #tpu.memory_space<semaphore_mem>>) src(%dma_wait3A_30 : memref<10240x1024xf32, #tpu.memory_space<hbm>>) dst(%arg6 : memref<32x1024xf32, #tpu.memory_space<vmem>>)
    %add3A_33 = arith.constant 0 : i32
    %add3A_34 = arith.addi %mul3A_2, %add3A_33 : i32
    %dma_start3A_35 = arith.constant 0 : i32
    %dma_start3A_36 = arith.constant 0 : i32
    %dma_start3A_37 = tpu.memref_slice %arg4[%add3A_34, %dma_start3A_36] : memref<8192x1024xf32, #tpu.memory_space<hbm>> -> memref<32x1024xf32, #tpu.memory_space<hbm>>
    %dma_start3A_38 = tpu.memref_slice %arg9[%dma_start3A_35] : memref<2x!tpu.dma_semaphore, #tpu.memory_space<semaphore_mem>> -> memref<1x!tpu.dma_semaphore, #tpu.memory_space<semaphore_mem>>
    %dma_start3A_39 = tpu.memref_squeeze %dma_start3A_38 : memref<1x!tpu.dma_semaphore, #tpu.memory_space<semaphore_mem>> -> memref<!tpu.dma_semaphore, #tpu.memory_space<semaphore_mem>>
    %dma_start3A_40 = arith.constant 0 : i32
    %dma_start3A_41 = tpu.memref_slice %arg4[%add3A_34, %dma_start3A_40] : memref<8192x1024xf32, #tpu.memory_space<hbm>> -> memref<32x1024xf32, #tpu.memory_space<hbm>>
    tpu.enqueue_dma source(%arg6 : memref<32x1024xf32, #tpu.memory_space<vmem>>) target(%dma_start3A_41 : memref<32x1024xf32, #tpu.memory_space<hbm>>) target_semaphore(%dma_start3A_39 : memref<!tpu.dma_semaphore, #tpu.memory_space<semaphore_mem>>)
    %dma_wait3A_42 = arith.constant 0 : i32
    %dma_wait3A_43 = arith.constant 0 : i32
    %dma_wait3A_44 = tpu.memref_slice %arg4[%add3A_34, %dma_wait3A_43] : memref<8192x1024xf32, #tpu.memory_space<hbm>> -> memref<32x1024xf32, #tpu.memory_space<hbm>>
    %dma_wait3A_45 = tpu.memref_slice %arg9[%dma_wait3A_42] : memref<2x!tpu.dma_semaphore, #tpu.memory_space<semaphore_mem>> -> memref<1x!tpu.dma_semaphore, #tpu.memory_space<semaphore_mem>>
    %dma_wait3A_46 = tpu.memref_squeeze %dma_wait3A_45 : memref<1x!tpu.dma_semaphore, #tpu.memory_space<semaphore_mem>> -> memref<!tpu.dma_semaphore, #tpu.memory_space<semaphore_mem>>
    %dma_wait3A_47 = arith.constant 0 : i32
    %dma_wait3A_48 = tpu.memref_slice %arg4[%add3A_34, %dma_wait3A_47] : memref<8192x1024xf32, #tpu.memory_space<hbm>> -> memref<32x1024xf32, #tpu.memory_space<hbm>>
    tpu.wait_dma2 semaphore(%dma_wait3A_46 : memref<!tpu.dma_semaphore, #tpu.memory_space<semaphore_mem>>) src(%arg6 : memref<32x1024xf32, #tpu.memory_space<vmem>>) dst(%dma_wait3A_48 : memref<32x1024xf32, #tpu.memory_space<hbm>>)
    %dma_start3A_49 = arith.constant 2 : i32
    %dma_start3A_50 = arith.constant 0 : i32
    %dma_start3A_51 = arith.constant 0 : i32
    %dma_start3A_52 = tpu.memref_slice %arg5[%dma_start3A_49, %dma_start3A_51] : memref<8x32xi32, #tpu.memory_space<vmem>> -> memref<1x32xi32, #tpu.memory_space<vmem>>
    %dma_start3A_53 = tpu.memref_squeeze %dma_start3A_52 : memref<1x32xi32, #tpu.memory_space<vmem>> -> memref<32xi32, #tpu.memory_space<vmem>>
    %dma_start3A_54 = arith.constant 0 : i32
    %dma_start3A_55 = arith.constant 0 : i32
    %dma_start3A_56 = tpu.memref_slice %arg3[%dma_start3A_54, %dma_start3A_55] : memref<10240x1024xf32, #tpu.memory_space<hbm>> -> memref<10240x1024xf32, #tpu.memory_space<hbm>>
    %dma_start3A_57 = tpu.memref_slice %arg8[%dma_start3A_50] : memref<2x!tpu.dma_semaphore, #tpu.memory_space<semaphore_mem>> -> memref<1x!tpu.dma_semaphore, #tpu.memory_space<semaphore_mem>>
    %dma_start3A_58 = tpu.memref_squeeze %dma_start3A_57 : memref<1x!tpu.dma_semaphore, #tpu.memory_space<semaphore_mem>> -> memref<!tpu.dma_semaphore, #tpu.memory_space<semaphore_mem>>
    tpu.enqueue_indirect_dma source(%dma_start3A_56 : memref<10240x1024xf32, #tpu.memory_space<hbm>>) target(%arg6 : memref<32x1024xf32, #tpu.memory_space<vmem>>) offsets(%dma_start3A_53 : memref<32xi32, #tpu.memory_space<vmem>>) semaphore(%dma_start3A_58 : memref<!tpu.dma_semaphore, #tpu.memory_space<semaphore_mem>>)
    %dma_wait3A_59 = arith.constant 1 : i32
    %dma_wait3A_60 = arith.constant 1 : i32
    %dma_wait3A_61 = arith.constant 0 : i32
    %dma_wait3A_62 = tpu.memref_slice %arg5[%dma_wait3A_59, %dma_wait3A_61] : memref<8x32xi32, #tpu.memory_space<vmem>> -> memref<1x32xi32, #tpu.memory_space<vmem>>
    %dma_wait3A_63 = tpu.memref_squeeze %dma_wait3A_62 : memref<1x32xi32, #tpu.memory_space<vmem>> -> memref<32xi32, #tpu.memory_space<vmem>>
    %dma_wait3A_64 = arith.constant 0 : i32
    %dma_wait3A_65 = arith.constant 0 : i32
    %dma_wait3A_66 = tpu.memref_slice %arg3[%dma_wait3A_64, %dma_wait3A_65] : memref<10240x1024xf32, #tpu.memory_space<hbm>> -> memref<10240x1024xf32, #tpu.memory_space<hbm>>
    %dma_wait3A_67 = tpu.memref_slice %arg8[%dma_wait3A_60] : memref<2x!tpu.dma_semaphore, #tpu.memory_space<semaphore_mem>> -> memref<1x!tpu.dma_semaphore, #tpu.memory_space<semaphore_mem>>
    %dma_wait3A_68 = tpu.memref_squeeze %dma_wait3A_67 : memref<1x!tpu.dma_semaphore, #tpu.memory_space<semaphore_mem>> -> memref<!tpu.dma_semaphore, #tpu.memory_space<semaphore_mem>>
    tpu.wait_indirect_dma semaphore(%dma_wait3A_68 : memref<!tpu.dma_semaphore, #tpu.memory_space<semaphore_mem>>) src(%dma_wait3A_66 : memref<10240x1024xf32, #tpu.memory_space<hbm>>) dst(%arg7 : memref<32x1024xf32, #tpu.memory_space<vmem>>)
    %add3A_69 = arith.constant 32 : i32
    %add3A_70 = arith.addi %mul3A_2, %add3A_69 : i32
    %dma_start3A_71 = arith.constant 1 : i32
    %dma_start3A_72 = arith.constant 0 : i32
    %dma_start3A_73 = tpu.memref_slice %arg4[%add3A_70, %dma_start3A_72] : memref<8192x1024xf32, #tpu.memory_space<hbm>> -> memref<32x1024xf32, #tpu.memory_space<hbm>>
    %dma_start3A_74 = tpu.memref_slice %arg9[%dma_start3A_71] : memref<2x!tpu.dma_semaphore, #tpu.memory_space<semaphore_mem>> -> memref<1x!tpu.dma_semaphore, #tpu.memory_space<semaphore_mem>>
    %dma_start3A_75 = tpu.memref_squeeze %dma_start3A_74 : memref<1x!tpu.dma_semaphore, #tpu.memory_space<semaphore_mem>> -> memref<!tpu.dma_semaphore, #tpu.memory_space<semaphore_mem>>
    %dma_start3A_76 = arith.constant 0 : i32
    %dma_start3A_77 = tpu.memref_slice %arg4[%add3A_70, %dma_start3A_76] : memref<8192x1024xf32, #tpu.memory_space<hbm>> -> memref<32x1024xf32, #tpu.memory_space<hbm>>
    tpu.enqueue_dma source(%arg7 : memref<32x1024xf32, #tpu.memory_space<vmem>>) target(%dma_start3A_77 : memref<32x1024xf32, #tpu.memory_space<hbm>>) target_semaphore(%dma_start3A_75 : memref<!tpu.dma_semaphore, #tpu.memory_space<semaphore_mem>>)
    %dma_wait3A_78 = arith.constant 1 : i32
    %dma_wait3A_79 = arith.constant 0 : i32
    %dma_wait3A_80 = tpu.memref_slice %arg4[%add3A_70, %dma_wait3A_79] : memref<8192x1024xf32, #tpu.memory_space<hbm>> -> memref<32x1024xf32, #tpu.memory_space<hbm>>
    %dma_wait3A_81 = tpu.memref_slice %arg9[%dma_wait3A_78] : memref<2x!tpu.dma_semaphore, #tpu.memory_space<semaphore_mem>> -> memref<1x!tpu.dma_semaphore, #tpu.memory_space<semaphore_mem>>
    %dma_wait3A_82 = tpu.memref_squeeze %dma_wait3A_81 : memref<1x!tpu.dma_semaphore, #tpu.memory_space<semaphore_mem>> -> memref<!tpu.dma_semaphore, #tpu.memory_space<semaphore_mem>>
    %dma_wait3A_83 = arith.constant 0 : i32
    %dma_wait3A_84 = tpu.memref_slice %arg4[%add3A_70, %dma_wait3A_83] : memref<8192x1024xf32, #tpu.memory_space<hbm>> -> memref<32x1024xf32, #tpu.memory_space<hbm>>
    tpu.wait_dma2 semaphore(%dma_wait3A_82 : memref<!tpu.dma_semaphore, #tpu.memory_space<semaphore_mem>>) src(%arg7 : memref<32x1024xf32, #tpu.memory_space<vmem>>) dst(%dma_wait3A_84 : memref<32x1024xf32, #tpu.memory_space<hbm>>)
    %dma_start3A_85 = arith.constant 3 : i32
    %dma_start3A_86 = arith.constant 1 : i32
    %dma_start3A_87 = arith.constant 0 : i32
    %dma_start3A_88 = tpu.memref_slice %arg5[%dma_start3A_85, %dma_start3A_87] : memref<8x32xi32, #tpu.memory_space<vmem>> -> memref<1x32xi32, #tpu.memory_space<vmem>>
    %dma_start3A_89 = tpu.memref_squeeze %dma_start3A_88 : memref<1x32xi32, #tpu.memory_space<vmem>> -> memref<32xi32, #tpu.memory_space<vmem>>
    %dma_start3A_90 = arith.constant 0 : i32
    %dma_start3A_91 = arith.constant 0 : i32
    %dma_start3A_92 = tpu.memref_slice %arg3[%dma_start3A_90, %dma_start3A_91] : memref<10240x1024xf32, #tpu.memory_space<hbm>> -> memref<10240x1024xf32, #tpu.memory_space<hbm>>
    %dma_start3A_93 = tpu.memref_slice %arg8[%dma_start3A_86] : memref<2x!tpu.dma_semaphore, #tpu.memory_space<semaphore_mem>> -> memref<1x!tpu.dma_semaphore, #tpu.memory_space<semaphore_mem>>
    %dma_start3A_94 = tpu.memref_squeeze %dma_start3A_93 : memref<1x!tpu.dma_semaphore, #tpu.memory_space<semaphore_mem>> -> memref<!tpu.dma_semaphore, #tpu.memory_space<semaphore_mem>>
    tpu.enqueue_indirect_dma source(%dma_start3A_92 : memref<10240x1024xf32, #tpu.memory_space<hbm>>) target(%arg7 : memref<32x1024xf32, #tpu.memory_space<vmem>>) offsets(%dma_start3A_89 : memref<32xi32, #tpu.memory_space<vmem>>) semaphore(%dma_start3A_94 : memref<!tpu.dma_semaphore, #tpu.memory_space<semaphore_mem>>)
    %dma_wait3A_95 = arith.constant 2 : i32
    %dma_wait3A_96 = arith.constant 0 : i32
    %dma_wait3A_97 = arith.constant 0 : i32
    %dma_wait3A_98 = tpu.memref_slice %arg5[%dma_wait3A_95, %dma_wait3A_97] : memref<8x32xi32, #tpu.memory_space<vmem>> -> memref<1x32xi32, #tpu.memory_space<vmem>>
    %dma_wait3A_99 = tpu.memref_squeeze %dma_wait3A_98 : memref<1x32xi32, #tpu.memory_space<vmem>> -> memref<32xi32, #tpu.memory_space<vmem>>
    %dma_wait3A_100 = arith.constant 0 : i32
    %dma_wait3A_101 = arith.constant 0 : i32
    %dma_wait3A_102 = tpu.memref_slice %arg3[%dma_wait3A_100, %dma_wait3A_101] : memref<10240x1024xf32, #tpu.memory_space<hbm>> -> memref<10240x1024xf32, #tpu.memory_space<hbm>>
    %dma_wait3A_103 = tpu.memref_slice %arg8[%dma_wait3A_96] : memref<2x!tpu.dma_semaphore, #tpu.memory_space<semaphore_mem>> -> memref<1x!tpu.dma_semaphore, #tpu.memory_space<semaphore_mem>>
    %dma_wait3A_104 = tpu.memref_squeeze %dma_wait3A_103 : memref<1x!tpu.dma_semaphore, #tpu.memory_space<semaphore_mem>> -> memref<!tpu.dma_semaphore, #tpu.memory_space<semaphore_mem>>
    tpu.wait_indirect_dma semaphore(%dma_wait3A_104 : memref<!tpu.dma_semaphore, #tpu.memory_space<semaphore_mem>>) src(%dma_wait3A_102 : memref<10240x1024xf32, #tpu.memory_space<hbm>>) dst(%arg6 : memref<32x1024xf32, #tpu.memory_space<vmem>>)
    %add3A_105 = arith.constant 64 : i32
    %add3A_106 = arith.addi %mul3A_2, %add3A_105 : i32
    %dma_start3A_107 = arith.constant 0 : i32
    %dma_start3A_108 = arith.constant 0 : i32
    %dma_start3A_109 = tpu.memref_slice %arg4[%add3A_106, %dma_start3A_108] : memref<8192x1024xf32, #tpu.memory_space<hbm>> -> memref<32x1024xf32, #tpu.memory_space<hbm>>
    %dma_start3A_110 = tpu.memref_slice %arg9[%dma_start3A_107] : memref<2x!tpu.dma_semaphore, #tpu.memory_space<semaphore_mem>> -> memref<1x!tpu.dma_semaphore, #tpu.memory_space<semaphore_mem>>
    %dma_start3A_111 = tpu.memref_squeeze %dma_start3A_110 : memref<1x!tpu.dma_semaphore, #tpu.memory_space<semaphore_mem>> -> memref<!tpu.dma_semaphore, #tpu.memory_space<semaphore_mem>>
    %dma_start3A_112 = arith.constant 0 : i32
    %dma_start3A_113 = tpu.memref_slice %arg4[%add3A_106, %dma_start3A_112] : memref<8192x1024xf32, #tpu.memory_space<hbm>> -> memref<32x1024xf32, #tpu.memory_space<hbm>>
    tpu.enqueue_dma source(%arg6 : memref<32x1024xf32, #tpu.memory_space<vmem>>) target(%dma_start3A_113 : memref<32x1024xf32, #tpu.memory_space<hbm>>) target_semaphore(%dma_start3A_111 : memref<!tpu.dma_semaphore, #tpu.memory_space<semaphore_mem>>)
    %dma_wait3A_114 = arith.constant 0 : i32
    %dma_wait3A_115 = arith.constant 0 : i32
    %dma_wait3A_116 = tpu.memref_slice %arg4[%add3A_106, %dma_wait3A_115] : memref<8192x1024xf32, #tpu.memory_space<hbm>> -> memref<32x1024xf32, #tpu.memory_space<hbm>>
    %dma_wait3A_117 = tpu.memref_slice %arg9[%dma_wait3A_114] : memref<2x!tpu.dma_semaphore, #tpu.memory_space<semaphore_mem>> -> memref<1x!tpu.dma_semaphore, #tpu.memory_space<semaphore_mem>>
    %dma_wait3A_118 = tpu.memref_squeeze %dma_wait3A_117 : memref<1x!tpu.dma_semaphore, #tpu.memory_space<semaphore_mem>> -> memref<!tpu.dma_semaphore, #tpu.memory_space<semaphore_mem>>
    %dma_wait3A_119 = arith.constant 0 : i32
    %dma_wait3A_120 = tpu.memref_slice %arg4[%add3A_106, %dma_wait3A_119] : memref<8192x1024xf32, #tpu.memory_space<hbm>> -> memref<32x1024xf32, #tpu.memory_space<hbm>>
    tpu.wait_dma2 semaphore(%dma_wait3A_118 : memref<!tpu.dma_semaphore, #tpu.memory_space<semaphore_mem>>) src(%arg6 : memref<32x1024xf32, #tpu.memory_space<vmem>>) dst(%dma_wait3A_120 : memref<32x1024xf32, #tpu.memory_space<hbm>>)
    %dma_start3A_121 = arith.constant 4 : i32
    %dma_start3A_122 = arith.constant 0 : i32
    %dma_start3A_123 = arith.constant 0 : i32
    %dma_start3A_124 = tpu.memref_slice %arg5[%dma_start3A_121, %dma_start3A_123] : memref<8x32xi32, #tpu.memory_space<vmem>> -> memref<1x32xi32, #tpu.memory_space<vmem>>
    %dma_start3A_125 = tpu.memref_squeeze %dma_start3A_124 : memref<1x32xi32, #tpu.memory_space<vmem>> -> memref<32xi32, #tpu.memory_space<vmem>>
    %dma_start3A_126 = arith.constant 0 : i32
    %dma_start3A_127 = arith.constant 0 : i32
    %dma_start3A_128 = tpu.memref_slice %arg3[%dma_start3A_126, %dma_start3A_127] : memref<10240x1024xf32, #tpu.memory_space<hbm>> -> memref<10240x1024xf32, #tpu.memory_space<hbm>>
    %dma_start3A_129 = tpu.memref_slice %arg8[%dma_start3A_122] : memref<2x!tpu.dma_semaphore, #tpu.memory_space<semaphore_mem>> -> memref<1x!tpu.dma_semaphore, #tpu.memory_space<semaphore_mem>>
    %dma_start3A_130 = tpu.memref_squeeze %dma_start3A_129 : memref<1x!tpu.dma_semaphore, #tpu.memory_space<semaphore_mem>> -> memref<!tpu.dma_semaphore, #tpu.memory_space<semaphore_mem>>
    tpu.enqueue_indirect_dma source(%dma_start3A_128 : memref<10240x1024xf32, #tpu.memory_space<hbm>>) target(%arg6 : memref<32x1024xf32, #tpu.memory_space<vmem>>) offsets(%dma_start3A_125 : memref<32xi32, #tpu.memory_space<vmem>>) semaphore(%dma_start3A_130 : memref<!tpu.dma_semaphore, #tpu.memory_space<semaphore_mem>>)
    %dma_wait3A_131 = arith.constant 3 : i32
    %dma_wait3A_132 = arith.constant 1 : i32
    %dma_wait3A_133 = arith.constant 0 : i32
    %dma_wait3A_134 = tpu.memref_slice %arg5[%dma_wait3A_131, %dma_wait3A_133] : memref<8x32xi32, #tpu.memory_space<vmem>> -> memref<1x32xi32, #tpu.memory_space<vmem>>
    %dma_wait3A_135 = tpu.memref_squeeze %dma_wait3A_134 : memref<1x32xi32, #tpu.memory_space<vmem>> -> memref<32xi32, #tpu.memory_space<vmem>>
    %dma_wait3A_136 = arith.constant 0 : i32
    %dma_wait3A_137 = arith.constant 0 : i32
    %dma_wait3A_138 = tpu.memref_slice %arg3[%dma_wait3A_136, %dma_wait3A_137] : memref<10240x1024xf32, #tpu.memory_space<hbm>> -> memref<10240x1024xf32, #tpu.memory_space<hbm>>
    %dma_wait3A_139 = tpu.memref_slice %arg8[%dma_wait3A_132] : memref<2x!tpu.dma_semaphore, #tpu.memory_space<semaphore_mem>> -> memref<1x!tpu.dma_semaphore, #tpu.memory_space<semaphore_mem>>
    %dma_wait3A_140 = tpu.memref_squeeze %dma_wait3A_139 : memref<1x!tpu.dma_semaphore, #tpu.memory_space<semaphore_mem>> -> memref<!tpu.dma_semaphore, #tpu.memory_space<semaphore_mem>>
    tpu.wait_indirect_dma semaphore(%dma_wait3A_140 : memref<!tpu.dma_semaphore, #tpu.memory_space<semaphore_mem>>) src(%dma_wait3A_138 : memref<10240x1024xf32, #tpu.memory_space<hbm>>) dst(%arg7 : memref<32x1024xf32, #tpu.memory_space<vmem>>)
    %add3A_141 = arith.constant 96 : i32
    %add3A_142 = arith.addi %mul3A_2, %add3A_141 : i32
    %dma_start3A_143 = arith.constant 1 : i32
    %dma_start3A_144 = arith.constant 0 : i32
    %dma_start3A_145 = tpu.memref_slice %arg4[%add3A_142, %dma_start3A_144] : memref<8192x1024xf32, #tpu.memory_space<hbm>> -> memref<32x1024xf32, #tpu.memory_space<hbm>>
    %dma_start3A_146 = tpu.memref_slice %arg9[%dma_start3A_143] : memref<2x!tpu.dma_semaphore, #tpu.memory_space<semaphore_mem>> -> memref<1x!tpu.dma_semaphore, #tpu.memory_space<semaphore_mem>>
    %dma_start3A_147 = tpu.memref_squeeze %dma_start3A_146 : memref<1x!tpu.dma_semaphore, #tpu.memory_space<semaphore_mem>> -> memref<!tpu.dma_semaphore, #tpu.memory_space<semaphore_mem>>
    %dma_start3A_148 = arith.constant 0 : i32
    %dma_start3A_149 = tpu.memref_slice %arg4[%add3A_142, %dma_start3A_148] : memref<8192x1024xf32, #tpu.memory_space<hbm>> -> memref<32x1024xf32, #tpu.memory_space<hbm>>
    tpu.enqueue_dma source(%arg7 : memref<32x1024xf32, #tpu.memory_space<vmem>>) target(%dma_start3A_149 : memref<32x1024xf32, #tpu.memory_space<hbm>>) target_semaphore(%dma_start3A_147 : memref<!tpu.dma_semaphore, #tpu.memory_space<semaphore_mem>>)
    %dma_wait3A_150 = arith.constant 1 : i32
    %dma_wait3A_151 = arith.constant 0 : i32
    %dma_wait3A_152 = tpu.memref_slice %arg4[%add3A_142, %dma_wait3A_151] : memref<8192x1024xf32, #tpu.memory_space<hbm>> -> memref<32x1024xf32, #tpu.memory_space<hbm>>
    %dma_wait3A_153 = tpu.memref_slice %arg9[%dma_wait3A_150] : memref<2x!tpu.dma_semaphore, #tpu.memory_space<semaphore_mem>> -> memref<1x!tpu.dma_semaphore, #tpu.memory_space<semaphore_mem>>
    %dma_wait3A_154 = tpu.memref_squeeze %dma_wait3A_153 : memref<1x!tpu.dma_semaphore, #tpu.memory_space<semaphore_mem>> -> memref<!tpu.dma_semaphore, #tpu.memory_space<semaphore_mem>>
    %dma_wait3A_155 = arith.constant 0 : i32
    %dma_wait3A_156 = tpu.memref_slice %arg4[%add3A_142, %dma_wait3A_155] : memref<8192x1024xf32, #tpu.memory_space<hbm>> -> memref<32x1024xf32, #tpu.memory_space<hbm>>
    tpu.wait_dma2 semaphore(%dma_wait3A_154 : memref<!tpu.dma_semaphore, #tpu.memory_space<semaphore_mem>>) src(%arg7 : memref<32x1024xf32, #tpu.memory_space<vmem>>) dst(%dma_wait3A_156 : memref<32x1024xf32, #tpu.memory_space<hbm>>)
    %dma_start3A_157 = arith.constant 5 : i32
    %dma_start3A_158 = arith.constant 1 : i32
    %dma_start3A_159 = arith.constant 0 : i32
    %dma_start3A_160 = tpu.memref_slice %arg5[%dma_start3A_157, %dma_start3A_159] : memref<8x32xi32, #tpu.memory_space<vmem>> -> memref<1x32xi32, #tpu.memory_space<vmem>>
    %dma_start3A_161 = tpu.memref_squeeze %dma_start3A_160 : memref<1x32xi32, #tpu.memory_space<vmem>> -> memref<32xi32, #tpu.memory_space<vmem>>
    %dma_start3A_162 = arith.constant 0 : i32
    %dma_start3A_163 = arith.constant 0 : i32
    %dma_start3A_164 = tpu.memref_slice %arg3[%dma_start3A_162, %dma_start3A_163] : memref<10240x1024xf32, #tpu.memory_space<hbm>> -> memref<10240x1024xf32, #tpu.memory_space<hbm>>
    %dma_start3A_165 = tpu.memref_slice %arg8[%dma_start3A_158] : memref<2x!tpu.dma_semaphore, #tpu.memory_space<semaphore_mem>> -> memref<1x!tpu.dma_semaphore, #tpu.memory_space<semaphore_mem>>
    %dma_start3A_166 = tpu.memref_squeeze %dma_start3A_165 : memref<1x!tpu.dma_semaphore, #tpu.memory_space<semaphore_mem>> -> memref<!tpu.dma_semaphore, #tpu.memory_space<semaphore_mem>>
    tpu.enqueue_indirect_dma source(%dma_start3A_164 : memref<10240x1024xf32, #tpu.memory_space<hbm>>) target(%arg7 : memref<32x1024xf32, #tpu.memory_space<vmem>>) offsets(%dma_start3A_161 : memref<32xi32, #tpu.memory_space<vmem>>) semaphore(%dma_start3A_166 : memref<!tpu.dma_semaphore, #tpu.memory_space<semaphore_mem>>)
    %dma_wait3A_167 = arith.constant 4 : i32
    %dma_wait3A_168 = arith.constant 0 : i32
    %dma_wait3A_169 = arith.constant 0 : i32
    %dma_wait3A_170 = tpu.memref_slice %arg5[%dma_wait3A_167, %dma_wait3A_169] : memref<8x32xi32, #tpu.memory_space<vmem>> -> memref<1x32xi32, #tpu.memory_space<vmem>>
    %dma_wait3A_171 = tpu.memref_squeeze %dma_wait3A_170 : memref<1x32xi32, #tpu.memory_space<vmem>> -> memref<32xi32, #tpu.memory_space<vmem>>
    %dma_wait3A_172 = arith.constant 0 : i32
    %dma_wait3A_173 = arith.constant 0 : i32
    %dma_wait3A_174 = tpu.memref_slice %arg3[%dma_wait3A_172, %dma_wait3A_173] : memref<10240x1024xf32, #tpu.memory_space<hbm>> -> memref<10240x1024xf32, #tpu.memory_space<hbm>>
    %dma_wait3A_175 = tpu.memref_slice %arg8[%dma_wait3A_168] : memref<2x!tpu.dma_semaphore, #tpu.memory_space<semaphore_mem>> -> memref<1x!tpu.dma_semaphore, #tpu.memory_space<semaphore_mem>>
    %dma_wait3A_176 = tpu.memref_squeeze %dma_wait3A_175 : memref<1x!tpu.dma_semaphore, #tpu.memory_space<semaphore_mem>> -> memref<!tpu.dma_semaphore, #tpu.memory_space<semaphore_mem>>
    tpu.wait_indirect_dma semaphore(%dma_wait3A_176 : memref<!tpu.dma_semaphore, #tpu.memory_space<semaphore_mem>>) src(%dma_wait3A_174 : memref<10240x1024xf32, #tpu.memory_space<hbm>>) dst(%arg6 : memref<32x1024xf32, #tpu.memory_space<vmem>>)
    %add3A_177 = arith.constant 128 : i32
    %add3A_178 = arith.addi %mul3A_2, %add3A_177 : i32
    %dma_start3A_179 = arith.constant 0 : i32
    %dma_start3A_180 = arith.constant 0 : i32
    %dma_start3A_181 = tpu.memref_slice %arg4[%add3A_178, %dma_start3A_180] : memref<8192x1024xf32, #tpu.memory_space<hbm>> -> memref<32x1024xf32, #tpu.memory_space<hbm>>
    %dma_start3A_182 = tpu.memref_slice %arg9[%dma_start3A_179] : memref<2x!tpu.dma_semaphore, #tpu.memory_space<semaphore_mem>> -> memref<1x!tpu.dma_semaphore, #tpu.memory_space<semaphore_mem>>
    %dma_start3A_183 = tpu.memref_squeeze %dma_start3A_182 : memref<1x!tpu.dma_semaphore, #tpu.memory_space<semaphore_mem>> -> memref<!tpu.dma_semaphore, #tpu.memory_space<semaphore_mem>>
    %dma_start3A_184 = arith.constant 0 : i32
    %dma_start3A_185 = tpu.memref_slice %arg4[%add3A_178, %dma_start3A_184] : memref<8192x1024xf32, #tpu.memory_space<hbm>> -> memref<32x1024xf32, #tpu.memory_space<hbm>>
    tpu.enqueue_dma source(%arg6 : memref<32x1024xf32, #tpu.memory_space<vmem>>) target(%dma_start3A_185 : memref<32x1024xf32, #tpu.memory_space<hbm>>) target_semaphore(%dma_start3A_183 : memref<!tpu.dma_semaphore, #tpu.memory_space<semaphore_mem>>)
    %dma_wait3A_186 = arith.constant 0 : i32
    %dma_wait3A_187 = arith.constant 0 : i32
    %dma_wait3A_188 = tpu.memref_slice %arg4[%add3A_178, %dma_wait3A_187] : memref<8192x1024xf32, #tpu.memory_space<hbm>> -> memref<32x1024xf32, #tpu.memory_space<hbm>>
    %dma_wait3A_189 = tpu.memref_slice %arg9[%dma_wait3A_186] : memref<2x!tpu.dma_semaphore, #tpu.memory_space<semaphore_mem>> -> memref<1x!tpu.dma_semaphore, #tpu.memory_space<semaphore_mem>>
    %dma_wait3A_190 = tpu.memref_squeeze %dma_wait3A_189 : memref<1x!tpu.dma_semaphore, #tpu.memory_space<semaphore_mem>> -> memref<!tpu.dma_semaphore, #tpu.memory_space<semaphore_mem>>
    %dma_wait3A_191 = arith.constant 0 : i32
    %dma_wait3A_192 = tpu.memref_slice %arg4[%add3A_178, %dma_wait3A_191] : memref<8192x1024xf32, #tpu.memory_space<hbm>> -> memref<32x1024xf32, #tpu.memory_space<hbm>>
    tpu.wait_dma2 semaphore(%dma_wait3A_190 : memref<!tpu.dma_semaphore, #tpu.memory_space<semaphore_mem>>) src(%arg6 : memref<32x1024xf32, #tpu.memory_space<vmem>>) dst(%dma_wait3A_192 : memref<32x1024xf32, #tpu.memory_space<hbm>>)
    %dma_start3A_193 = arith.constant 6 : i32
    %dma_start3A_194 = arith.constant 0 : i32
    %dma_start3A_195 = arith.constant 0 : i32
    %dma_start3A_196 = tpu.memref_slice %arg5[%dma_start3A_193, %dma_start3A_195] : memref<8x32xi32, #tpu.memory_space<vmem>> -> memref<1x32xi32, #tpu.memory_space<vmem>>
    %dma_start3A_197 = tpu.memref_squeeze %dma_start3A_196 : memref<1x32xi32, #tpu.memory_space<vmem>> -> memref<32xi32, #tpu.memory_space<vmem>>
    %dma_start3A_198 = arith.constant 0 : i32
    %dma_start3A_199 = arith.constant 0 : i32
    %dma_start3A_200 = tpu.memref_slice %arg3[%dma_start3A_198, %dma_start3A_199] : memref<10240x1024xf32, #tpu.memory_space<hbm>> -> memref<10240x1024xf32, #tpu.memory_space<hbm>>
    %dma_start3A_201 = tpu.memref_slice %arg8[%dma_start3A_194] : memref<2x!tpu.dma_semaphore, #tpu.memory_space<semaphore_mem>> -> memref<1x!tpu.dma_semaphore, #tpu.memory_space<semaphore_mem>>
    %dma_start3A_202 = tpu.memref_squeeze %dma_start3A_201 : memref<1x!tpu.dma_semaphore, #tpu.memory_space<semaphore_mem>> -> memref<!tpu.dma_semaphore, #tpu.memory_space<semaphore_mem>>
    tpu.enqueue_indirect_dma source(%dma_start3A_200 : memref<10240x1024xf32, #tpu.memory_space<hbm>>) target(%arg6 : memref<32x1024xf32, #tpu.memory_space<vmem>>) offsets(%dma_start3A_197 : memref<32xi32, #tpu.memory_space<vmem>>) semaphore(%dma_start3A_202 : memref<!tpu.dma_semaphore, #tpu.memory_space<semaphore_mem>>)
    %dma_wait3A_203 = arith.constant 5 : i32
    %dma_wait3A_204 = arith.constant 1 : i32
    %dma_wait3A_205 = arith.constant 0 : i32
    %dma_wait3A_206 = tpu.memref_slice %arg5[%dma_wait3A_203, %dma_wait3A_205] : memref<8x32xi32, #tpu.memory_space<vmem>> -> memref<1x32xi32, #tpu.memory_space<vmem>>
    %dma_wait3A_207 = tpu.memref_squeeze %dma_wait3A_206 : memref<1x32xi32, #tpu.memory_space<vmem>> -> memref<32xi32, #tpu.memory_space<vmem>>
    %dma_wait3A_208 = arith.constant 0 : i32
    %dma_wait3A_209 = arith.constant 0 : i32
    %dma_wait3A_210 = tpu.memref_slice %arg3[%dma_wait3A_208, %dma_wait3A_209] : memref<10240x1024xf32, #tpu.memory_space<hbm>> -> memref<10240x1024xf32, #tpu.memory_space<hbm>>
    %dma_wait3A_211 = tpu.memref_slice %arg8[%dma_wait3A_204] : memref<2x!tpu.dma_semaphore, #tpu.memory_space<semaphore_mem>> -> memref<1x!tpu.dma_semaphore, #tpu.memory_space<semaphore_mem>>
    %dma_wait3A_212 = tpu.memref_squeeze %dma_wait3A_211 : memref<1x!tpu.dma_semaphore, #tpu.memory_space<semaphore_mem>> -> memref<!tpu.dma_semaphore, #tpu.memory_space<semaphore_mem>>
    tpu.wait_indirect_dma semaphore(%dma_wait3A_212 : memref<!tpu.dma_semaphore, #tpu.memory_space<semaphore_mem>>) src(%dma_wait3A_210 : memref<10240x1024xf32, #tpu.memory_space<hbm>>) dst(%arg7 : memref<32x1024xf32, #tpu.memory_space<vmem>>)
    %add3A_213 = arith.constant 160 : i32
    %add3A_214 = arith.addi %mul3A_2, %add3A_213 : i32
    %dma_start3A_215 = arith.constant 1 : i32
    %dma_start3A_216 = arith.constant 0 : i32
    %dma_start3A_217 = tpu.memref_slice %arg4[%add3A_214, %dma_start3A_216] : memref<8192x1024xf32, #tpu.memory_space<hbm>> -> memref<32x1024xf32, #tpu.memory_space<hbm>>
    %dma_start3A_218 = tpu.memref_slice %arg9[%dma_start3A_215] : memref<2x!tpu.dma_semaphore, #tpu.memory_space<semaphore_mem>> -> memref<1x!tpu.dma_semaphore, #tpu.memory_space<semaphore_mem>>
    %dma_start3A_219 = tpu.memref_squeeze %dma_start3A_218 : memref<1x!tpu.dma_semaphore, #tpu.memory_space<semaphore_mem>> -> memref<!tpu.dma_semaphore, #tpu.memory_space<semaphore_mem>>
    %dma_start3A_220 = arith.constant 0 : i32
    %dma_start3A_221 = tpu.memref_slice %arg4[%add3A_214, %dma_start3A_220] : memref<8192x1024xf32, #tpu.memory_space<hbm>> -> memref<32x1024xf32, #tpu.memory_space<hbm>>
    tpu.enqueue_dma source(%arg7 : memref<32x1024xf32, #tpu.memory_space<vmem>>) target(%dma_start3A_221 : memref<32x1024xf32, #tpu.memory_space<hbm>>) target_semaphore(%dma_start3A_219 : memref<!tpu.dma_semaphore, #tpu.memory_space<semaphore_mem>>)
    %dma_wait3A_222 = arith.constant 1 : i32
    %dma_wait3A_223 = arith.constant 0 : i32
    %dma_wait3A_224 = tpu.memref_slice %arg4[%add3A_214, %dma_wait3A_223] : memref<8192x1024xf32, #tpu.memory_space<hbm>> -> memref<32x1024xf32, #tpu.memory_space<hbm>>
    %dma_wait3A_225 = tpu.memref_slice %arg9[%dma_wait3A_222] : memref<2x!tpu.dma_semaphore, #tpu.memory_space<semaphore_mem>> -> memref<1x!tpu.dma_semaphore, #tpu.memory_space<semaphore_mem>>
    %dma_wait3A_226 = tpu.memref_squeeze %dma_wait3A_225 : memref<1x!tpu.dma_semaphore, #tpu.memory_space<semaphore_mem>> -> memref<!tpu.dma_semaphore, #tpu.memory_space<semaphore_mem>>
    %dma_wait3A_227 = arith.constant 0 : i32
    %dma_wait3A_228 = tpu.memref_slice %arg4[%add3A_214, %dma_wait3A_227] : memref<8192x1024xf32, #tpu.memory_space<hbm>> -> memref<32x1024xf32, #tpu.memory_space<hbm>>
    tpu.wait_dma2 semaphore(%dma_wait3A_226 : memref<!tpu.dma_semaphore, #tpu.memory_space<semaphore_mem>>) src(%arg7 : memref<32x1024xf32, #tpu.memory_space<vmem>>) dst(%dma_wait3A_228 : memref<32x1024xf32, #tpu.memory_space<hbm>>)
    %dma_start3A_229 = arith.constant 7 : i32
    %dma_start3A_230 = arith.constant 1 : i32
    %dma_start3A_231 = arith.constant 0 : i32
    %dma_start3A_232 = tpu.memref_slice %arg5[%dma_start3A_229, %dma_start3A_231] : memref<8x32xi32, #tpu.memory_space<vmem>> -> memref<1x32xi32, #tpu.memory_space<vmem>>
    %dma_start3A_233 = tpu.memref_squeeze %dma_start3A_232 : memref<1x32xi32, #tpu.memory_space<vmem>> -> memref<32xi32, #tpu.memory_space<vmem>>
    %dma_start3A_234 = arith.constant 0 : i32
    %dma_start3A_235 = arith.constant 0 : i32
    %dma_start3A_236 = tpu.memref_slice %arg3[%dma_start3A_234, %dma_start3A_235] : memref<10240x1024xf32, #tpu.memory_space<hbm>> -> memref<10240x1024xf32, #tpu.memory_space<hbm>>
    %dma_start3A_237 = tpu.memref_slice %arg8[%dma_start3A_230] : memref<2x!tpu.dma_semaphore, #tpu.memory_space<semaphore_mem>> -> memref<1x!tpu.dma_semaphore, #tpu.memory_space<semaphore_mem>>
    %dma_start3A_238 = tpu.memref_squeeze %dma_start3A_237 : memref<1x!tpu.dma_semaphore, #tpu.memory_space<semaphore_mem>> -> memref<!tpu.dma_semaphore, #tpu.memory_space<semaphore_mem>>
    tpu.enqueue_indirect_dma source(%dma_start3A_236 : memref<10240x1024xf32, #tpu.memory_space<hbm>>) target(%arg7 : memref<32x1024xf32, #tpu.memory_space<vmem>>) offsets(%dma_start3A_233 : memref<32xi32, #tpu.memory_space<vmem>>) semaphore(%dma_start3A_238 : memref<!tpu.dma_semaphore, #tpu.memory_space<semaphore_mem>>)
    %dma_wait3A_239 = arith.constant 6 : i32
    %dma_wait3A_240 = arith.constant 0 : i32
    %dma_wait3A_241 = arith.constant 0 : i32
    %dma_wait3A_242 = tpu.memref_slice %arg5[%dma_wait3A_239, %dma_wait3A_241] : memref<8x32xi32, #tpu.memory_space<vmem>> -> memref<1x32xi32, #tpu.memory_space<vmem>>
    %dma_wait3A_243 = tpu.memref_squeeze %dma_wait3A_242 : memref<1x32xi32, #tpu.memory_space<vmem>> -> memref<32xi32, #tpu.memory_space<vmem>>
    %dma_wait3A_244 = arith.constant 0 : i32
    %dma_wait3A_245 = arith.constant 0 : i32
    %dma_wait3A_246 = tpu.memref_slice %arg3[%dma_wait3A_244, %dma_wait3A_245] : memref<10240x1024xf32, #tpu.memory_space<hbm>> -> memref<10240x1024xf32, #tpu.memory_space<hbm>>
    %dma_wait3A_247 = tpu.memref_slice %arg8[%dma_wait3A_240] : memref<2x!tpu.dma_semaphore, #tpu.memory_space<semaphore_mem>> -> memref<1x!tpu.dma_semaphore, #tpu.memory_space<semaphore_mem>>
    %dma_wait3A_248 = tpu.memref_squeeze %dma_wait3A_247 : memref<1x!tpu.dma_semaphore, #tpu.memory_space<semaphore_mem>> -> memref<!tpu.dma_semaphore, #tpu.memory_space<semaphore_mem>>
    tpu.wait_indirect_dma semaphore(%dma_wait3A_248 : memref<!tpu.dma_semaphore, #tpu.memory_space<semaphore_mem>>) src(%dma_wait3A_246 : memref<10240x1024xf32, #tpu.memory_space<hbm>>) dst(%arg6 : memref<32x1024xf32, #tpu.memory_space<vmem>>)
    %add3A_249 = arith.constant 192 : i32
    %add3A_250 = arith.addi %mul3A_2, %add3A_249 : i32
    %dma_start3A_251 = arith.constant 0 : i32
    %dma_start3A_252 = arith.constant 0 : i32
    %dma_start3A_253 = tpu.memref_slice %arg4[%add3A_250, %dma_start3A_252] : memref<8192x1024xf32, #tpu.memory_space<hbm>> -> memref<32x1024xf32, #tpu.memory_space<hbm>>
    %dma_start3A_254 = tpu.memref_slice %arg9[%dma_start3A_251] : memref<2x!tpu.dma_semaphore, #tpu.memory_space<semaphore_mem>> -> memref<1x!tpu.dma_semaphore, #tpu.memory_space<semaphore_mem>>
    %dma_start3A_255 = tpu.memref_squeeze %dma_start3A_254 : memref<1x!tpu.dma_semaphore, #tpu.memory_space<semaphore_mem>> -> memref<!tpu.dma_semaphore, #tpu.memory_space<semaphore_mem>>
    %dma_start3A_256 = arith.constant 0 : i32
    %dma_start3A_257 = tpu.memref_slice %arg4[%add3A_250, %dma_start3A_256] : memref<8192x1024xf32, #tpu.memory_space<hbm>> -> memref<32x1024xf32, #tpu.memory_space<hbm>>
    tpu.enqueue_dma source(%arg6 : memref<32x1024xf32, #tpu.memory_space<vmem>>) target(%dma_start3A_257 : memref<32x1024xf32, #tpu.memory_space<hbm>>) target_semaphore(%dma_start3A_255 : memref<!tpu.dma_semaphore, #tpu.memory_space<semaphore_mem>>)
    %dma_wait3A_258 = arith.constant 7 : i32
    %dma_wait3A_259 = arith.constant 1 : i32
    %dma_wait3A_260 = arith.constant 0 : i32
    %dma_wait3A_261 = tpu.memref_slice %arg5[%dma_wait3A_258, %dma_wait3A_260] : memref<8x32xi32, #tpu.memory_space<vmem>> -> memref<1x32xi32, #tpu.memory_space<vmem>>
    %dma_wait3A_262 = tpu.memref_squeeze %dma_wait3A_261 : memref<1x32xi32, #tpu.memory_space<vmem>> -> memref<32xi32, #tpu.memory_space<vmem>>
    %dma_wait3A_263 = arith.constant 0 : i32
    %dma_wait3A_264 = arith.constant 0 : i32
    %dma_wait3A_265 = tpu.memref_slice %arg3[%dma_wait3A_263, %dma_wait3A_264] : memref<10240x1024xf32, #tpu.memory_space<hbm>> -> memref<10240x1024xf32, #tpu.memory_space<hbm>>
    %dma_wait3A_266 = tpu.memref_slice %arg8[%dma_wait3A_259] : memref<2x!tpu.dma_semaphore, #tpu.memory_space<semaphore_mem>> -> memref<1x!tpu.dma_semaphore, #tpu.memory_space<semaphore_mem>>
    %dma_wait3A_267 = tpu.memref_squeeze %dma_wait3A_266 : memref<1x!tpu.dma_semaphore, #tpu.memory_space<semaphore_mem>> -> memref<!tpu.dma_semaphore, #tpu.memory_space<semaphore_mem>>
    tpu.wait_indirect_dma semaphore(%dma_wait3A_267 : memref<!tpu.dma_semaphore, #tpu.memory_space<semaphore_mem>>) src(%dma_wait3A_265 : memref<10240x1024xf32, #tpu.memory_space<hbm>>) dst(%arg7 : memref<32x1024xf32, #tpu.memory_space<vmem>>)
    %add3A_268 = arith.constant 224 : i32
    %add3A_269 = arith.addi %mul3A_2, %add3A_268 : i32
    %dma_start3A_270 = arith.constant 1 : i32
    %dma_start3A_271 = arith.constant 0 : i32
    %dma_start3A_272 = tpu.memref_slice %arg4[%add3A_269, %dma_start3A_271] : memref<8192x1024xf32, #tpu.memory_space<hbm>> -> memref<32x1024xf32, #tpu.memory_space<hbm>>
    %dma_start3A_273 = tpu.memref_slice %arg9[%dma_start3A_270] : memref<2x!tpu.dma_semaphore, #tpu.memory_space<semaphore_mem>> -> memref<1x!tpu.dma_semaphore, #tpu.memory_space<semaphore_mem>>
    %dma_start3A_274 = tpu.memref_squeeze %dma_start3A_273 : memref<1x!tpu.dma_semaphore, #tpu.memory_space<semaphore_mem>> -> memref<!tpu.dma_semaphore, #tpu.memory_space<semaphore_mem>>
    %dma_start3A_275 = arith.constant 0 : i32
    %dma_start3A_276 = tpu.memref_slice %arg4[%add3A_269, %dma_start3A_275] : memref<8192x1024xf32, #tpu.memory_space<hbm>> -> memref<32x1024xf32, #tpu.memory_space<hbm>>
    tpu.enqueue_dma source(%arg7 : memref<32x1024xf32, #tpu.memory_space<vmem>>) target(%dma_start3A_276 : memref<32x1024xf32, #tpu.memory_space<hbm>>) target_semaphore(%dma_start3A_274 : memref<!tpu.dma_semaphore, #tpu.memory_space<semaphore_mem>>)
    %dma_wait3A_277 = arith.constant 0 : i32
    %dma_wait3A_278 = arith.constant 0 : i32
    %dma_wait3A_279 = tpu.memref_slice %arg4[%add3A_250, %dma_wait3A_278] : memref<8192x1024xf32, #tpu.memory_space<hbm>> -> memref<32x1024xf32, #tpu.memory_space<hbm>>
    %dma_wait3A_280 = tpu.memref_slice %arg9[%dma_wait3A_277] : memref<2x!tpu.dma_semaphore, #tpu.memory_space<semaphore_mem>> -> memref<1x!tpu.dma_semaphore, #tpu.memory_space<semaphore_mem>>
    %dma_wait3A_281 = tpu.memref_squeeze %dma_wait3A_280 : memref<1x!tpu.dma_semaphore, #tpu.memory_space<semaphore_mem>> -> memref<!tpu.dma_semaphore, #tpu.memory_space<semaphore_mem>>
    %dma_wait3A_282 = arith.constant 0 : i32
    %dma_wait3A_283 = tpu.memref_slice %arg4[%add3A_250, %dma_wait3A_282] : memref<8192x1024xf32, #tpu.memory_space<hbm>> -> memref<32x1024xf32, #tpu.memory_space<hbm>>
    tpu.wait_dma2 semaphore(%dma_wait3A_281 : memref<!tpu.dma_semaphore, #tpu.memory_space<semaphore_mem>>) src(%arg6 : memref<32x1024xf32, #tpu.memory_space<vmem>>) dst(%dma_wait3A_283 : memref<32x1024xf32, #tpu.memory_space<hbm>>)
    %dma_wait3A_284 = arith.constant 1 : i32
    %dma_wait3A_285 = arith.constant 0 : i32
    %dma_wait3A_286 = tpu.memref_slice %arg4[%add3A_269, %dma_wait3A_285] : memref<8192x1024xf32, #tpu.memory_space<hbm>> -> memref<32x1024xf32, #tpu.memory_space<hbm>>
    %dma_wait3A_287 = tpu.memref_slice %arg9[%dma_wait3A_284] : memref<2x!tpu.dma_semaphore, #tpu.memory_space<semaphore_mem>> -> memref<1x!tpu.dma_semaphore, #tpu.memory_space<semaphore_mem>>
    %dma_wait3A_288 = tpu.memref_squeeze %dma_wait3A_287 : memref<1x!tpu.dma_semaphore, #tpu.memory_space<semaphore_mem>> -> memref<!tpu.dma_semaphore, #tpu.memory_space<semaphore_mem>>
    %dma_wait3A_289 = arith.constant 0 : i32
    %dma_wait3A_290 = tpu.memref_slice %arg4[%add3A_269, %dma_wait3A_289] : memref<8192x1024xf32, #tpu.memory_space<hbm>> -> memref<32x1024xf32, #tpu.memory_space<hbm>>
    tpu.wait_dma2 semaphore(%dma_wait3A_288 : memref<!tpu.dma_semaphore, #tpu.memory_space<semaphore_mem>>) src(%arg7 : memref<32x1024xf32, #tpu.memory_space<vmem>>) dst(%dma_wait3A_290 : memref<32x1024xf32, #tpu.memory_space<hbm>>)
    return
  }
}

module attributes {stable_mosaic.version = 14 : i64} {
  func.func @_mm_body(%arg0: i32, %arg1: memref<48xi32, #tpu.memory_space<smem>>, %arg2: memref<256x2048xf32, #tpu.memory_space<vmem>>, %arg3: memref<1x1024x2048xf32, #tpu.memory_space<vmem>>, %arg4: memref<1x1x1024xf32, #tpu.memory_space<vmem>>, %arg5: memref<256x1024xf32, #tpu.memory_space<vmem>>, %arg6: memref<1024x2048xbf16, #tpu.memory_space<vmem>>, %arg7: memref<1xi32, #tpu.memory_space<smem>>) attributes {dimension_semantics = [#tpu.dimension_semantics<arbitrary>], iteration_bounds = array<i64: 40>, scalar_prefetch = 1 : i64, scratch_operands = 2 : i64, tpu.core_type = #tpu.core_type<tc>, window_params = [{transform_indices = @transform_0, window_bounds = array<i64: 256, 2048>}, {transform_indices = @transform_1, window_bounds = array<i64: 1, 1024, 2048>}, {transform_indices = @transform_2, window_bounds = array<i64: 1, 1, 1024>}, {transform_indices = @transform_3, window_bounds = array<i64: 256, 1024>}]} {
    %get3A = arith.index_cast %arg0 : i32 to index
    %get3A_0 = memref.load %arg1[%get3A] : memref<48xi32, #tpu.memory_space<smem>>
    %eq3A = arith.constant 0 : i32
    %eq3A_1 = arith.cmpi eq, %arg0, %eq3A : i32
    %get3A_2 = arith.constant 0 : index
    %get3A_3 = memref.load %arg7[%get3A_2] : memref<1xi32, #tpu.memory_space<smem>>
    %ne3A = arith.cmpi ne, %get3A_0, %get3A_3 : i32
    %or3A = arith.ori %eq3A_1, %ne3A : i1
    %convert_element_type3A = arith.extui %or3A : i1 to i32
    %cond3A = arith.constant 0 : i32
    %cond3A_4 = arith.cmpi ne, %convert_element_type3A, %cond3A : i32
    scf.if %cond3A_4 {
      %get3A_21 = arith.constant 0 : index
      %get3A_22 = arith.constant 0 : index
      %get3A_23 = arith.constant 0 : index
      %get3A_24 = vector.load %arg3[%get3A_21, %get3A_22, %get3A_23] : memref<1x1024x2048xf32, #tpu.memory_space<vmem>>, vector<1x1024x2048xf32>
      %get3A_25 = vector.shape_cast %get3A_24 : vector<1x1024x2048xf32> to vector<1024x2048xf32>
      %convert_element_type3A_26 = arith.truncf %get3A_25 : vector<1024x2048xf32> to vector<1024x2048xbf16>
      %swap3A_27 = arith.constant 0 : index
      %swap3A_28 = arith.constant 0 : index
      %swap3A_29 = vector.load %arg6[%swap3A_27, %swap3A_28] : memref<1024x2048xbf16, #tpu.memory_space<vmem>>, vector<1024x2048xbf16>
      tpu.vector_store %arg6[%swap3A_27, %swap3A_28], %convert_element_type3A_26 {strides = array<i32>} : memref<1024x2048xbf16, #tpu.memory_space<vmem>>, vector<1024x2048xbf16>,
      %swap3A_30 = arith.constant 0 : index
      %swap3A_31 = memref.load %arg7[%swap3A_30] : memref<1xi32, #tpu.memory_space<smem>>
      memref.store %get3A_0, %arg7[%swap3A_30] : memref<1xi32, #tpu.memory_space<smem>>
    } else {
    }
    %get3A_5 = arith.constant 0 : index
    %get3A_6 = arith.constant 0 : index
    %get3A_7 = vector.load %arg2[%get3A_5, %get3A_6] : memref<256x2048xf32, #tpu.memory_space<vmem>>, vector<256x2048xf32>
    %convert_element_type3A_8 = arith.truncf %get3A_7 : vector<256x2048xf32> to vector<256x2048xbf16>
    %get3A_9 = arith.constant 0 : index
    %get3A_10 = arith.constant 0 : index
    %get3A_11 = vector.load %arg6[%get3A_9, %get3A_10] : memref<1024x2048xbf16, #tpu.memory_space<vmem>>, vector<1024x2048xbf16>
    %dot_general3A = arith.constant dense<0.000000e+00> : vector<256x1024xf32>
    %dot_general3A_12 = tpu.matmul %convert_element_type3A_8, %get3A_11, %dot_general3A {dimension_numbers = #tpu.dot_dimension_numbers<[1], [1], [0], [0], [0, 0, 1, 0], [], []>, transpose_lhs_hint = false} : vector<256x2048xbf16>, vector<1024x2048xbf16>, vector<256x1024xf32> -> vector<256x1024xf32>
    %get3A_13 = arith.constant 0 : index
    %get3A_14 = arith.constant 0 : index
    %get3A_15 = arith.constant 0 : index
    %get3A_16 = vector.load %arg4[%get3A_13, %get3A_14, %get3A_15] : memref<1x1x1024xf32, #tpu.memory_space<vmem>>, vector<1x1x1024xf32>
    %get3A_17 = vector.shape_cast %get3A_16 : vector<1x1x1024xf32> to vector<1x1024xf32>
    %add3A = vector.broadcast %get3A_17 : vector<1x1024xf32> to vector<256x1024xf32>
    %add3A_18 = arith.addf %dot_general3A_12, %add3A : vector<256x1024xf32>
    %swap3A = arith.constant 0 : index
    %swap3A_19 = arith.constant 0 : index
    %swap3A_20 = vector.load %arg5[%swap3A, %swap3A_19] : memref<256x1024xf32, #tpu.memory_space<vmem>>, vector<256x1024xf32>
    tpu.vector_store %arg5[%swap3A, %swap3A_19], %add3A_18 {strides = array<i32>} : memref<256x1024xf32, #tpu.memory_space<vmem>>, vector<256x1024xf32>,
    return
  }
  func.func @transform_0(%arg0: i32, %arg1: memref<48xi32, #tpu.memory_space<smem>>) -> (i32, i32) {
    %c0_i32 = arith.constant 0 : i32
    %c0_i32_0 = arith.constant 0 : i32
    return %arg0, %c0_i32 : i32, i32
  }
  func.func @transform_1(%arg0: i32, %arg1: memref<48xi32, #tpu.memory_space<smem>>) -> (i32, i32, i32) {
    %get3A = arith.index_cast %arg0 : i32 to index
    %get3A_0 = memref.load %arg1[%get3A] : memref<48xi32, #tpu.memory_space<smem>>
    %c0_i32 = arith.constant 0 : i32
    %c0_i32_1 = arith.constant 0 : i32
    %c0_i32_2 = arith.constant 0 : i32
    return %get3A_0, %c0_i32, %c0_i32_1 : i32, i32, i32
  }
  func.func @transform_2(%arg0: i32, %arg1: memref<48xi32, #tpu.memory_space<smem>>) -> (i32, i32, i32) {
    %get3A = arith.index_cast %arg0 : i32 to index
    %get3A_0 = memref.load %arg1[%get3A] : memref<48xi32, #tpu.memory_space<smem>>
    %c0_i32 = arith.constant 0 : i32
    %c0_i32_1 = arith.constant 0 : i32
    %c0_i32_2 = arith.constant 0 : i32
    return %get3A_0, %c0_i32, %c0_i32_1 : i32, i32, i32
  }
  func.func @transform_3(%arg0: i32, %arg1: memref<48xi32, #tpu.memory_space<smem>>) -> (i32, i32) {
    %c0_i32 = arith.constant 0 : i32
    %c0_i32_0 = arith.constant 0 : i32
    return %arg0, %c0_i32 : i32, i32
  }
}

</mosaic_0001>

<sc_bundles>
// kernel: kernel.5.cloned.1.call-start
scs
__scs_entry_jumppad:
0x0: {  	(pc) =	sbr.rel $0x88, $3  }
0x1: {  	(tag) =	ssettag $0x0;
	lr =	simm.s32 $0x1  }
0x2: {  	[smem:$0x3F9D] =	sst lr;
	_ =	strace $0xD0000000  }
0x3: {  	_ = 	snop  }
0x4: {  	_ = 	snop  }
0x5: {  	_ = 	snop  }
0x6: {  	_ = 	snop  }
0x7: {  	_ = 	snop  }
__scs_overlays_trampoline_lowered:
0x8: {  	[smem:$0x3FAC] =	sst s0  }
0x9: {  	[smem:$0x3FAD] =	sst s1  }
0xa: {  	[smem:$0x3FAE] =	sst s2  }
0xb: {  	[smem:$0x3FAF] =	sst s3  }
0xc: {  	[smem:$0x3FB0] =	sst s4  }
0xd: {  	[smem:$0x3FB1] =	sst s5  }
0xe: {  	[smem:$0x3FB2] =	sst s6  }
0xf: {  	[smem:$0x3FB3] =	sst s7  }
0x10: {  	[smem:$0x3FB4] =	sst s8  }
0x11: {  	[smem:$0x3FB5] =	sst s9;
	s0 =	simm.s32 @!p0 $0x0  }
0x12: {  	s1 =	sld [smem:$0x3F9B];
	s0 =	simm.s32 @p0 $0x1  }
0x13: {  	[smem:$0x3FB6] =	sst s0;
	s0 =	simm.s32 @!p1 $0x0  }
0x14: {  	s2 =	sld [smem:$0x3F9A];
	s0 =	simm.s32 @p1 $0x1  }
0x15: {  	[smem:$0x3FB7] =	sst s0;
	s0 =	simm.s32 @!p2 $0x0  }
0x16: {  	s3 =	sld [smem:$0x3FDB];
	s0 =	simm.s32 @p2 $0x1  }
0x17: {  	s4 =	simm.s32 $0x1BF5;
	[smem:$0x3FB9] =	sst s0  }
0x18: {  	s0 =	sld [smem:$0x3F9C];
	_ =	swait.ge [sflag:s4], $0x0  }
0x19: {  	s7 =	sld [smem:$0x3F9D]  }
0x1a: {  	s8 =	sadd.s32 $0xFFFFE003, lr  }
0x1b: {  	s9 =	sadd.s32 $0xFFFFFEF7, lr;
	s5 =	simm.s32 $0xFFFFFFFF;
	p2 =	slt.u32 s8, $0xFFFFF086  }
0x1c: {  	p1 =	slt.u32 s9, $0xF7A;
	s5 =	simm.s32 @!p2 $0x0  }
0x1d: {  	s5 =	simm.s32 @p1 $0x1;
	p0 =	seq.s32 s7, s2  }
0x1e: {  	s7 =	smul.u32 @!p0 $0xF7A, s2;
	p2 =	seq.s32 @!p0 s5, $0x0  }
0x1f: {  	s9 =	smul.u32 $0xF7A, s1;
	s8 =	simm.s32 @!p0 $0x1BF5;
	p2 =	por !p2, p0  }
0x20: {  	[sflag:s8] =	ssyncset.s32 @!p0 $0xFFFFF086;
	s6 =	sadd.s32 @!p0 s3, s7;
	s7 =	simm.s32 @!p0 $0x108  }
0x21: {  	s3 =	sadd.s32 s3, s9;
	s6 =	sadd.s32 @!p0 $0x88, s6;
	s7 =	simm.s32 @p2 $0x1082  }
0x22: {  	[simem:s7], [sflag:s8] =	dma.local @!p0 [hbm:s6], $0xF7A  }
0x23: {  	s9 =	sor.u32 $0xD0000000, s2;
	s6 =	simm.s32 $0x108;
	_ =	swait.ge @!p0 [sflag:s8], $0x0  }
0x24: {  	s3 =	sadd.s32 $0x88, s3;
	s6 =	simm.s32 @!p1 $0x1082;
	[sflag:s4] =	ssyncset.s32 $0xFFFFF086  }
0x25: {  	[simem:s6], [sflag:s4] =	dma.local [hbm:s3], $0xF7A  }
0x26: {  	[smem:$0x3F9D] =	sst s1;
	(tag) =	ssettag s2;
	_ =	strace s9  }
0x27: {  	s1 =	sld [smem:$0x3FAD]  }
0x28: {  	s2 =	sld [smem:$0x3FAE]  }
0x29: {  	s4 =	sld [smem:$0x3FB0]  }
0x2a: {  	p0 =	seq.s32 s5, $0x0;
	s5 =	sld [smem:$0x3FB1]  }
0x2b: {  	s6 =	sld [smem:$0x3FB2]  }
0x2c: {  	s7 =	sld [smem:$0x3FB3]  }
0x2d: {  	s3 =	simm.s32 $0x108;
	s8 =	sld [smem:$0x3FB4]  }
0x2e: {  	s3 =	simm.s32 @!p0 $0x1082;
	s9 =	sld [smem:$0x3FB5]  }
0x2f: {  	lr =	sadd.s32 s0, s3;
	s0 =	sld [smem:$0x3FAC]  }
0x30: {  	s3 =	sld [smem:$0x3FAF]  }
0x31: {  	[smem:$0x3FB8] =	sst s10  }
0x32: {  	s10 =	sld [smem:$0x3FB6];
	_ =	sdelay $0x3  }
0x33: {  	p0 =	seq.s32 s10, $0x1;
	s10 =	sld [smem:$0x3FB8];
	_ =	sdelay $0x3  }
0x34: {  	[smem:$0x3FB8] =	sst s10  }
0x35: {  	s10 =	sld [smem:$0x3FB7];
	_ =	sdelay $0x3  }
0x36: {  	p1 =	seq.s32 s10, $0x1;
	s10 =	sld [smem:$0x3FB8];
	_ =	sdelay $0x3  }
0x37: {  	[smem:$0x3FB8] =	sst s10  }
0x38: {  	s10 =	sld [smem:$0x3FB9]  }
0x39: {  	_ = 	snop;
	(pc) =	sbr.ind lr, $3  }
0x3a: {  	_ = 	snop  }
0x3b: {  	_ = 	snop  }
0x3c: {  	p2 =	seq.s32 s10, $0x1;
	s10 =	sld [smem:$0x3FB8]  }
0x3d: {  	_ =	shalt  }
0x3e: {  	_ =	shalt  }
0x3f: {  	_ =	shalt  }
0x40: {  	_ =	shalt  }
0x41: {  	_ =	shalt  }
0x42: {  	_ =	shalt  }
0x43: {  	_ =	shalt  }
0x44: {  	_ =	shalt  }
0x45: {  	_ =	shalt  }
0x46: {  	_ =	shalt  }
0x47: {  	_ =	shalt  }
0x48: {  	_ =	shalt  }
0x49: {  	_ =	shalt  }
0x4a: {  	_ =	shalt  }
0x4b: {  	_ =	shalt  }
0x4c: {  	_ =	shalt  }
0x4d: {  	_ =	shalt  }
0x4e: {  	_ =	shalt  }
0x4f: {  	_ =	shalt  }
0x50: {  	_ =	shalt  }
0x51: {  	_ =	shalt  }
0x52: {  	_ =	shalt  }
0x53: {  	_ =	shalt  }
0x54: {  	_ =	shalt  }
0x55: {  	_ =	shalt  }
0x56: {  	_ =	shalt  }
0x57: {  	_ =	shalt  }
0x58: {  	_ =	shalt  }
0x59: {  	_ =	shalt  }
0x5a: {  	_ =	shalt  }
0x5b: {  	_ =	shalt  }
0x5c: {  	_ =	shalt  }
0x5d: {  	_ =	shalt  }
0x5e: {  	_ =	shalt  }
0x5f: {  	_ =	shalt  }
0x60: {  	_ =	shalt  }
0x61: {  	_ =	shalt  }
0x62: {  	_ =	shalt  }
0x63: {  	_ =	shalt  }
0x64: {  	_ =	shalt  }
0x65: {  	_ =	shalt  }
0x66: {  	_ =	shalt  }
0x67: {  	_ =	shalt  }
0x68: {  	_ =	shalt  }
0x69: {  	_ =	shalt  }
0x6a: {  	_ =	shalt  }
0x6b: {  	_ =	shalt  }
0x6c: {  	_ =	shalt  }
0x6d: {  	_ =	shalt  }
0x6e: {  	_ =	shalt  }
0x6f: {  	_ =	shalt  }
0x70: {  	_ =	shalt  }
0x71: {  	_ =	shalt  }
0x72: {  	_ =	shalt  }
0x73: {  	_ =	shalt  }
0x74: {  	_ =	shalt  }
0x75: {  	_ =	shalt  }
0x76: {  	_ =	shalt  }
0x77: {  	_ =	shalt  }
0x78: {  	_ =	shalt  }
0x79: {  	_ =	shalt  }
0x7a: {  	_ =	shalt  }
0x7b: {  	_ =	shalt  }
0x7c: {  	_ =	shalt  }
0x7d: {  	_ =	shalt  }
0x7e: {  	_ =	shalt  }
0x7f: {  	_ =	shalt  }
0x80: {  	_ =	shalt  }
0x81: {  	_ =	shalt  }
0x82: {  	_ =	shalt  }
0x83: {  	_ =	shalt  }
0x84: {  	_ =	shalt  }
0x85: {  	_ =	shalt  }
0x86: {  	_ =	shalt  }
0x87: {  	_ =	shalt  }
.Lfunc_end0:
.L_simem_size_0:
called_computation_lowered:
.L_overlay_start_0:
0x88: {  	s2 =	sld [smem:$0x3FD9]  }
0x89: {  	s3 =	sld [smem:$0x3FFE];
	_ =	sdelay $0x1  }
0x8a: {  	s1 =	srdreg.scid  }
0x8b: {  	s0 =	sand.u32 $0x1, s1  }
0x8c: {  	s17 =	sshll.u32 s0, $0xA;
	s2 =	sadd.s32 s3, s2  }
0x8d: {  	s2 =	sadd.s32 s2, s17  }
0x8e: {  	[smem:$0x3FC4] =	sst s2  }
0x8f: {  	_ = 	snop  }
0x90: {  	s2 =	sld [smem:$0x3FC9]  }
0x91: {  	s18 =	sld [smem:$0x3FC8]  }
0x92: {  	s4 =	sld [smem:$0x3FD0];
	(tm) =	ssettm $0x1  }
0x93: {  	s5 =	sld [smem:$0x3FFB];
	_ =	sdelay $0x3  }
0x94: {  	_ =	strace s5  }
0x95: {  	s5 =	sld [smem:$0x3FFC];
	_ =	sdelay $0x3  }
0x96: {  	_ =	strace s5  }
0x97: {  	s5 =	sld [smem:$0x3FFD];
	_ =	sdelay $0x3  }
0x98: {  	_ =	strace s5  }
0x99: {  	_ =	strace $0x8FFFFFFF  }
0x9a: {  	s19 =	sld [smem:$0x3FDB];
	_ =	sdelay $0x1  }
0x9b: {  	s6 =	simm.s32 $_scs_section_size  }
0x9c: {  	s7 =	simm.s32 $_size__tile_overlayer_lowered;
	s8 =	simm.s32 $_tile_overlayer_lowered  }
0x9d: {  	s22 =	simm.s32 $0x1BFF;
	s21 =	sshll.u32 s8, $0x1;
	s5 =	sadd.s32 s6, s19  }
0x9e: {  	s9 =	simm.s32 $0x0;
	s20 =	sshll.u32 s7, $0x1;
	s7 =	sadd.s32 s21, s5  }
0x9f: {  	[timem:s9], [sflag:s22] =	dma.local [hbm:s7], s20  }
0xa0: {  	_ =	swait.ge [sflag:s22], s20  }
0xa1: {  	s6 =	ssub.s32 $0x0, s20;
	[sflag:s22] =	ssyncset.done $0x0  }
0xa2: {  	[sflag:s22] =	ssyncadd.s32 s6;
	_ =	sdelay $0x1  }
0xa3: {  	s23 =	simm.s32 $0x1B8B  }
0xa4: {  	_ =	swait.ge [sflag:s23], $0x1  }
0xa5: {  	[sflag:s23] =	ssyncset.done $0x0  }
0xa6: {  	s25 =	simm.s32 $0x1B8E;
	s24 =	sld [smem:$0x3FFE];
	[sflag:s23] =	ssyncadd.s32 $0xFFFFFFFF  }
0xa7: {  	s26 =	simm.s32 $execute0_lowered;
	[smem:$0x3FD2] =	sst s25  }
0xa8: {  	s7 =	sshll.u32 s26, $0x1;
	_ =	strace $0x80000046;
	[dreg:$0x1] =	wrdreg $0xFFFFFFFF  }
0xa9: {  	s28 =	simm.s32 $_size_execute0_lowered;
	s5 =	sadd.s32 s5, s7;
	[dreg:$0x0] =	wrdreg $0x0  }
0xaa: {  	s7 =	sshll.u32 s28, $0x1;
	[dreg:$0x2] =	wrdreg s5  }
0xab: {  	[dreg:$0x3] =	wrdreg s7  }
0xac: {  	[dreg:$0x4] =	wrdreg $0xC0  }
0xad: {  	_ =	task [dreg:s9], $0x5FFFF  }
0xae: {  	[dreg:$0x1] =	wrdreg $0xFFFFFFFF  }
0xaf: {  	[dreg:$0x0] =	wrdreg $0x60  }
0xb0: {  	[dreg:$0x2] =	wrdreg s18  }
0xb1: {  	[dreg:$0x3] =	wrdreg s2  }
0xb2: {  	[dreg:$0x4] =	wrdreg s4  }
0xb3: {  	[dreg:$0x5] =	wrdreg s24  }
0xb4: {  	[dreg:$0x6] =	wrdreg $0x9  }
0xb5: {  	_ =	task.clear_ibuf [dreg:s9], $0x7FFFF;
	_ =	strace $0x90000046  }
0xb6: {  	s29 =	simm.s32 $0x9;
	_ =	strace $0x80000048  }
0xb7: {  	_ =	swait.ge [sflag:s29], $0x1  }
0xb8: {  	[sflag:s29] =	ssyncadd.s32 $0xFFFFFFFF  }
0xb9: {  	_ =	strace $0x90000048  }
0xba: {  	_ =	sfence  }
0xbb: {  	s30 =	sld [smem:$0x0];
	_ =	sdelay $0x2  }
0xbc: {  	s31 =	sshll.u32 s1, $0xD;
	s1 =	sshrl.u32 s1, $0x2  }
0xbd: {  	s3 =	sand.u32 $0x4000, s31;
	s1 =	sadd.s32 s1, s30  }
0xbe: {  	s0 =	sor.u32 s3, s0;
	s1 =	sshll.u32 s1, $0x11  }
0xbf: {  	s0 =	sor.u32 s1, s0  }
0xc0: {  	s0 =	sadd.s32 $0x8F2B, s0  }
0xc1: {  	[sflag:s0] =	ssyncadd.remote.s32 $0x1  }
0xc2: {  	_ =	sfence.sel $0xFFFF  }
0xc3: {  	[dreg:$0x0] =	wrdreg $0xFFFFFFFF;
	(pc) =	sbr.abs _section_cstart, $3  }
0xc4: {  	[dreg:$0x1] =	wrdreg $0xFFFFFFFF  }
0xc5: {  	_ =	task.clear_ibuf [dreg:s9], $0x2FFFF;
	_ =	strace $0x9FFFFFFF  }
0xc6: {  	(tm) =	ssettm $0x7FFFFFFF  }
0xc7: {  	_ =	shalt  }
tec
execute0_lowered:
.L_overlay_start_1:
0x0: {  	(tag) =	ssettag $0x1  }
0x1: {  	s0 =	rddreg [dreg:$0x1]  }
0x2: {  	s1 =	rddreg [dreg:$0x2]  }
0x3: {  	s2 =	rddreg [dreg:$0x3];
	s3 =	simm.s32 $0x0;
	s4 =	srdreg.scid  }
0x4: {  	s17 =	stileid.u32;
	[smem:$0x7FF] =	sst s3  }
0x5: {  	s4 =	sand.u32 $0x1, s4;
	s5 =	sshll.u32 s17, $0x1;
	s6 =	sadd.s32 $0x1000, s2  }
0x6: {  	s11 =	sadd.s32 $0x1400, s2;
	s12 =	sadd.s32 $0x1500, s2;
	s13 =	sadd.s32 $0x1600, s2  }
0x7: {  	s14 =	sadd.s32 $0x1700, s2;
	s15 =	sadd.s32 $0x1800, s2;
	s16 =	sadd.s32 $0x1900, s2  }
0x8: {  	s30 =	sshll.u32 s17, $0x5;
	_ =	strace $0x80000047;
	s7 =	sor.u32 s4, s5  }
0x9: {  	[dreg:$0x5] =	wrdreg s6;
	s5 =	sadd.s32 $0x1200, s2;
	s23 =	sshll.u32 s7, $0x8  }
0xa: {  	s9 =	sshll.u32 s7, $0x10;
	[dreg:$0x1b] =	wrdreg s23;
	s1 =	sadd.s32 s1, s23  }
0xb: {  	s8 =	ssub.s32 $0x2, s4;
	s9 =	sadd.s32 s0, s9;
	[dreg:$0x7] =	wrdreg s1  }
0xc: {  	s31 =	sshll.u32 s4, $0x4;
	s25 =	sadd.s32 $0x1000, s9;
	[dreg:$0x6] =	wrdreg s9  }
0xd: {  	s6 =	sshll.u32 s17, $0xB;
	s26 =	sadd.s32 $0x2000, s9;
	[dreg:$0x8] =	wrdreg s25  }
0xe: {  	s4 =	sshll.u32 s4, $0xA;
	s28 =	sadd.s32 $0x3000, s9;
	[dreg:$0x9] =	wrdreg s26  }
0xf: {  	s10 =	sshrl.u32 s8, $0x1;
	s29 =	sadd.s32 $0x4000, s9;
	[dreg:$0xa] =	wrdreg s28  }
0x10: {  	s24 =	ssub.s32 s8, s10;
	s17 =	sadd.s32 $0x5000, s9;
	[dreg:$0xb] =	wrdreg s29  }
0x11: {  	s10 =	sadd.s32 $0x1300, s2;
	s18 =	sadd.s32 $0x6000, s9;
	[dreg:$0xc] =	wrdreg s17  }
0x12: {  	s2 =	sor.u32 s4, s6;
	s0 =	smax.u32 s24, $0x1;
	[dreg:$0xd] =	wrdreg s18  }
0x13: {  	s21 =	sshrl.u32 s2, $0x2;
	[dreg:$0xe] =	wrdreg s0  }
0x14: {  	s22 =	sadd.s32 $0x7000, s9;
	[dreg:$0x11] =	wrdreg s21  }
0x15: {  	s23 =	sadd.s32 $0x8000, s9;
	[dreg:$0x12] =	wrdreg s22  }
0x16: {  	s24 =	sadd.s32 $0x9000, s9;
	[dreg:$0x13] =	wrdreg s23  }
0x17: {  	s1 =	sor.u32 s30, s31;
	s30 =	sadd.s32 $0xE000, s9;
	[dreg:$0x14] =	wrdreg s24  }
0x18: {  	s31 =	sadd.s32 $0xF000, s9;
	[dreg:$0x19] =	wrdreg s30  }
0x19: {  	s19 =	smax.u32 s1, $0x1;
	[dreg:$0x1a] =	wrdreg s31  }
0x1a: {  	p0 =	seq.s32 s7, $0x0;
	s20 =	ssub.s32 $0x200, s1;
	[dreg:$0xf] =	wrdreg s19  }
.Ltmp0:
0x1b: {  	s25 =	sadd.s32 $0xA000, s9;
	[dreg:$0x10] =	wrdreg s20;
	(pc) =	sbr.rel .LBB2_1-.Ltmp0, $4  }
0x1c: {  	v0 =	vimm.s32 $0x0;
	v1 =	vlaneseq.u32;
	p1 =	sne.s32 s7, $0x0;
	s26 =	sadd.s32 $0xB000, s9;
	[dreg:$0x15] =	wrdreg s25  }
0x1d: {  	v2 =	vimm.s32 $0x1;
	vm0 =	vcmask $0x308;
	vm1 =	vcmask $0x70C;
	s6 =	simm.s32 $0x2;
	s28 =	sadd.s32 $0xC000, s9;
	[dreg:$0x16] =	wrdreg s26  }
0x1e: {  	vm2 =	vcmask $0xB10;
	vm3 =	vcmask $0xF14;
	vm4 =	vcmask $0x1318;
	s2 =	simm.s32 $0x0;
	s29 =	sadd.s32 $0xD000, s9;
	[dreg:$0x17] =	wrdreg s28  }
0x1f: {  	vm5 =	vcmask $0x171C;
	vm6 =	vcmask $0x1B20;
	v3 =	vmul.u32 $0x100, v1;
	s0 =	simm.s32 $0x5;
	s9 =	simm.s32 $0x2000;
	[dreg:$0x18] =	wrdreg s29  }
.LBB2_9:
0x20: {  	s29 =	rddreg [dreg:$0x6];
	s30 =	simm.s32 $0x2980  }
0x21: {  	[tilespmem:s30], [sflag:$0x1] =	stream.linear.gather [hbm4b:s29+s3], $0x8000, $0x38;
	[tilespmem:$0x12980] =	vst v63  }
0x22: {  	s18 =	rddreg [dreg:$0x8];
	s31 =	simm.s32 $0xA980;
	s8 =	simm.s32 $0x1  }
0x23: {  	[tilespmem:s31], [sflag:$0x2] =	stream.linear.gather [hbm4b:s18+s3], $0x8000, $0x38;
	[tilespmem:$0x12980] =	vst v63  }
0x24: {  	_ =	swait.ge [sflag:s8], $0x8000  }
0x25: {  	[sflag:s8] =	ssyncset.done $0x0  }
0x26: {  	[sflag:s8] =	ssyncadd.s32 $0xFFFF8000  }
0x27: {  	v4 =	vld [tilespmem:$0x2100];
	_ =	sdelay $0x4  }
0x28: {  	v5 =	vshll.u32 v4, $0x4  }
0x29: {  	v4 =	vand.u32 $0x7, v4;
	v5 =	vand.u32 $0xFFFFFF80, v5  }
0x2a: {  	v7 =	vor.u32 v4, v5;
	v5 =	vand.u32 $0x7, v1;
	v4 =	vshrl.u32 v1, $0x3  }
0x2b: {  	v6 =	vperm.xlane v7, v5;
	v4 =	vmul.u32 $0x8, v4;
	_ =	sdelay $0x1  }
0x2c: {  	v8 =	vadd.s32 v4, v6;
	_ =	sdelay $0x3  }
0x2d: {  	vm7 =	vmmov $0xffff  }
0x2e: {  	[hbm4b:s5+s3] =	stream.indirect_vreg.scatter [tilespmem:s30], [sflag:$0x3], $0x80, v8, vm7, $0xb8;
	[tilespmem:$0x12980] =	vst v63  }
0x2f: {  	s0 =	simm.s32 $0x3180  }
0x30: {  	[hbm4b:s10+s3] =	stream.indirect_vreg.scatter [tilespmem:s0], [sflag:$0x3], $0x80, v8, vm7, $0xb8;
	[tilespmem:$0x12980] =	vst v63  }
0x31: {  	s19 =	simm.s32 $0x3980  }
0x32: {  	[hbm4b:s11+s3] =	stream.indirect_vreg.scatter [tilespmem:s19], [sflag:$0x3], $0x80, v8, vm7, $0xb8;
	[tilespmem:$0x12980] =	vst v63  }
0x33: {  	s20 =	simm.s32 $0x4180  }
0x34: {  	[hbm4b:s12+s3] =	stream.indirect_vreg.scatter [tilespmem:s20], [sflag:$0x3], $0x80, v8, vm7, $0xb8;
	[tilespmem:$0x12980] =	vst v63  }
0x35: {  	s21 =	simm.s32 $0x4980  }
0x36: {  	v33 =	vor.u32 $0x8, v1;
	[hbm4b:s13+s3] =	stream.indirect_vreg.scatter [tilespmem:s21], [sflag:$0x3], $0x80, v8, vm7, $0xb8;
	[tilespmem:$0x12980] =	vst v63  }
0x37: {  	s22 =	simm.s32 $0x5180;
	v7 =	vperm.xlane v7, v33  }
0x38: {  	[hbm4b:s14+s3] =	stream.indirect_vreg.scatter [tilespmem:s22], [sflag:$0x3], $0x80, v8, vm7, $0xb8;
	[tilespmem:$0x12980] =	vst v63  }
0x39: {  	s23 =	simm.s32 $0x5980;
	v7 =	vadd.s32 v4, v7  }
0x3a: {  	[hbm4b:s15+s3] =	stream.indirect_vreg.scatter [tilespmem:s23], [sflag:$0x3], $0x80, v8, vm7, $0xb8;
	[tilespmem:$0x12980] =	vst v63  }
0x3b: {  	s24 =	simm.s32 $0x6180  }
0x3c: {  	[hbm4b:s16+s3] =	stream.indirect_vreg.scatter [tilespmem:s24], [sflag:$0x3], $0x80, v8, vm7, $0xb8;
	[tilespmem:$0x12980] =	vst v63  }
0x3d: {  	s25 =	simm.s32 $0x6980  }
0x3e: {  	[hbm4b:s5+s3] =	stream.indirect_vreg.scatter [tilespmem:s25], [sflag:$0x3], $0x80, v7, vm7, $0xb8;
	[tilespmem:$0x12980] =	vst v63  }
0x3f: {  	s26 =	simm.s32 $0x7180  }
0x40: {  	[hbm4b:s10+s3] =	stream.indirect_vreg.scatter [tilespmem:s26], [sflag:$0x3], $0x80, v7, vm7, $0xb8;
	[tilespmem:$0x12980] =	vst v63  }
0x41: {  	s28 =	simm.s32 $0x7980  }
0x42: {  	[hbm4b:s11+s3] =	stream.indirect_vreg.scatter [tilespmem:s28], [sflag:$0x3], $0x80, v7, vm7, $0xb8;
	[tilespmem:$0x12980] =	vst v63  }
0x43: {  	s29 =	simm.s32 $0x8180  }
0x44: {  	[hbm4b:s12+s3] =	stream.indirect_vreg.scatter [tilespmem:s29], [sflag:$0x3], $0x80, v7, vm7, $0xb8;
	[tilespmem:$0x12980] =	vst v63  }
0x45: {  	s1 =	simm.s32 $0x8980  }
0x46: {  	[hbm4b:s13+s3] =	stream.indirect_vreg.scatter [tilespmem:s1], [sflag:$0x3], $0x80, v7, vm7, $0xb8;
	[tilespmem:$0x12980] =	vst v63  }
0x47: {  	s2 =	simm.s32 $0x9180  }
0x48: {  	[hbm4b:s14+s3] =	stream.indirect_vreg.scatter [tilespmem:s2], [sflag:$0x3], $0x80, v7, vm7, $0xb8;
	[tilespmem:$0x12980] =	vst v63  }
0x49: {  	s17 =	simm.s32 $0x9980  }
0x4a: {  	[hbm4b:s15+s3] =	stream.indirect_vreg.scatter [tilespmem:s17], [sflag:$0x3], $0x80, v7, vm7, $0xb8;
	[tilespmem:$0x12980] =	vst v63  }
0x4b: {  	s0 =	simm.s32 $0x3;
	s29 =	simm.s32 $0xA180  }
0x4c: {  	[hbm4b:s16+s3] =	stream.indirect_vreg.scatter [tilespmem:s29], [sflag:$0x3], $0x80, v7, vm7, $0xb8;
	[tilespmem:$0x12980] =	vst v63  }
0x4d: {  	_ =	swait.ge [sflag:s0], $0x8000  }
0x4e: {  	[sflag:s0] =	ssyncset.done $0x0  }
0x4f: {  	s1 =	rddreg [dreg:$0x9];
	[sflag:s0] =	ssyncadd.s32 $0xFFFF8000  }
0x50: {  	[tilespmem:s30], [sflag:$0x1] =	stream.linear.gather [hbm4b:s1+s3], $0x8000, $0x38;
	[tilespmem:$0x12980] =	vst v63  }
0x51: {  	_ =	swait.ge [sflag:s6], $0x8000  }
0x52: {  	[sflag:s6] =	ssyncset.done $0x0  }
0x53: {  	[sflag:s6] =	ssyncadd.s32 $0xFFFF8000  }
0x54: {  	v34 =	vld [tilespmem:$0x2180];
	_ =	sdelay $0x4  }
0x55: {  	v35 =	vshll.u32 v34, $0x4  }
0x56: {  	v7 =	vand.u32 $0x7, v34;
	v8 =	vand.u32 $0xFFFFFF80, v35  }
0x57: {  	v7 =	vor.u32 v7, v8  }
0x58: {  	v8 =	vperm.xlane v7, v5;
	_ =	sdelay $0x1  }
0x59: {  	v8 =	vadd.s32 v4, v8;
	_ =	sdelay $0x4  }
0x5a: {  	[hbm4b:s5+s3] =	stream.indirect_vreg.scatter [tilespmem:s31], [sflag:$0x4], $0x80, v8, vm7, $0xb8;
	[tilespmem:$0x12980] =	vst v63  }
0x5b: {  	s17 =	simm.s32 $0xB180  }
0x5c: {  	[hbm4b:s10+s3] =	stream.indirect_vreg.scatter [tilespmem:s17], [sflag:$0x4], $0x80, v8, vm7, $0xb8;
	[tilespmem:$0x12980] =	vst v63  }
0x5d: {  	s2 =	simm.s32 $0xB980  }
0x5e: {  	[hbm4b:s11+s3] =	stream.indirect_vreg.scatter [tilespmem:s2], [sflag:$0x4], $0x80, v8, vm7, $0xb8;
	[tilespmem:$0x12980] =	vst v63  }
0x5f: {  	s29 =	simm.s32 $0xC180  }
0x60: {  	[hbm4b:s12+s3] =	stream.indirect_vreg.scatter [tilespmem:s29], [sflag:$0x4], $0x80, v8, vm7, $0xb8;
	[tilespmem:$0x12980] =	vst v63  }
0x61: {  	s1 =	simm.s32 $0xC980  }
0x62: {  	[hbm4b:s13+s3] =	stream.indirect_vreg.scatter [tilespmem:s1], [sflag:$0x4], $0x80, v8, vm7, $0xb8;
	[tilespmem:$0x12980] =	vst v63  }
0x63: {  	v7 =	vperm.xlane v7, v33;
	s2 =	simm.s32 $0xD180  }
0x64: {  	[hbm4b:s14+s3] =	stream.indirect_vreg.scatter [tilespmem:s2], [sflag:$0x4], $0x80, v8, vm7, $0xb8;
	[tilespmem:$0x12980] =	vst v63  }
0x65: {  	v7 =	vadd.s32 v4, v7;
	s29 =	simm.s32 $0xD980  }
0x66: {  	[hbm4b:s15+s3] =	stream.indirect_vreg.scatter [tilespmem:s29], [sflag:$0x4], $0x80, v8, vm7, $0xb8;
	[tilespmem:$0x12980] =	vst v63  }
0x67: {  	s29 =	simm.s32 $0xE180  }
0x68: {  	[hbm4b:s16+s3] =	stream.indirect_vreg.scatter [tilespmem:s29], [sflag:$0x4], $0x80, v8, vm7, $0xb8;
	[tilespmem:$0x12980] =	vst v63  }
0x69: {  	s29 =	simm.s32 $0xE980  }
0x6a: {  	[hbm4b:s5+s3] =	stream.indirect_vreg.scatter [tilespmem:s29], [sflag:$0x4], $0x80, v7, vm7, $0xb8;
	[tilespmem:$0x12980] =	vst v63  }
0x6b: {  	s29 =	simm.s32 $0xF180  }
0x6c: {  	[hbm4b:s10+s3] =	stream.indirect_vreg.scatter [tilespmem:s29], [sflag:$0x4], $0x80, v7, vm7, $0xb8;
	[tilespmem:$0x12980] =	vst v63  }
0x6d: {  	s29 =	simm.s32 $0xF980  }
0x6e: {  	[hbm4b:s11+s3] =	stream.indirect_vreg.scatter [tilespmem:s29], [sflag:$0x4], $0x80, v7, vm7, $0xb8;
	[tilespmem:$0x12980] =	vst v63  }
0x6f: {  	s29 =	simm.s32 $0x10180  }
0x70: {  	[hbm4b:s12+s3] =	stream.indirect_vreg.scatter [tilespmem:s29], [sflag:$0x4], $0x80, v7, vm7, $0xb8;
	[tilespmem:$0x12980] =	vst v63  }
0x71: {  	s29 =	simm.s32 $0x10980  }
0x72: {  	[hbm4b:s13+s3] =	stream.indirect_vreg.scatter [tilespmem:s29], [sflag:$0x4], $0x80, v7, vm7, $0xb8;
	[tilespmem:$0x12980] =	vst v63  }
0x73: {  	s29 =	simm.s32 $0x11180  }
0x74: {  	[hbm4b:s14+s3] =	stream.indirect_vreg.scatter [tilespmem:s29], [sflag:$0x4], $0x80, v7, vm7, $0xb8;
	[tilespmem:$0x12980] =	vst v63  }
0x75: {  	s29 =	simm.s32 $0x11980  }
0x76: {  	[hbm4b:s15+s3] =	stream.indirect_vreg.scatter [tilespmem:s29], [sflag:$0x4], $0x80, v7, vm7, $0xb8;
	[tilespmem:$0x12980] =	vst v63  }
0x77: {  	s17 =	simm.s32 $0x4;
	s29 =	simm.s32 $0x12180  }
0x78: {  	[hbm4b:s16+s3] =	stream.indirect_vreg.scatter [tilespmem:s29], [sflag:$0x4], $0x80, v7, vm7, $0xb8;
	[tilespmem:$0x12980] =	vst v63  }
0x79: {  	_ =	swait.ge [sflag:s17], $0x8000  }
0x7a: {  	[sflag:s17] =	ssyncset.done $0x0  }
0x7b: {  	s29 =	rddreg [dreg:$0xa];
	[sflag:s17] =	ssyncadd.s32 $0xFFFF8000  }
0x7c: {  	[tilespmem:s31], [sflag:$0x2] =	stream.linear.gather [hbm4b:s29+s3], $0x8000, $0x38;
	[tilespmem:$0x12980] =	vst v63  }
0x7d: {  	_ =	swait.ge [sflag:s8], $0x8000  }
0x7e: {  	[sflag:s8] =	ssyncset.done $0x0  }
0x7f: {  	[sflag:s8] =	ssyncadd.s32 $0xFFFF8000  }
0x80: {  	v36 =	vld [tilespmem:$0x2200];
	_ =	sdelay $0x4  }
0x81: {  	v37 =	vshll.u32 v36, $0x4  }
0x82: {  	v7 =	vand.u32 $0x7, v36;
	v8 =	vand.u32 $0xFFFFFF80, v37  }
0x83: {  	v7 =	vor.u32 v7, v8  }
0x84: {  	v8 =	vperm.xlane v7, v5;
	_ =	sdelay $0x1  }
0x85: {  	v8 =	vadd.s32 v4, v8;
	_ =	sdelay $0x4  }
0x86: {  	[hbm4b:s5+s3] =	stream.indirect_vreg.scatter [tilespmem:s30], [sflag:$0x3], $0x80, v8, vm7, $0xb8;
	[tilespmem:$0x12980] =	vst v63  }
0x87: {  	s18 =	simm.s32 $0x3180  }
0x88: {  	[hbm4b:s10+s3] =	stream.indirect_vreg.scatter [tilespmem:s18], [sflag:$0x3], $0x80, v8, vm7, $0xb8;
	[tilespmem:$0x12980] =	vst v63  }
0x89: {  	s4 =	simm.s32 $0x3980  }
0x8a: {  	[hbm4b:s11+s3] =	stream.indirect_vreg.scatter [tilespmem:s4], [sflag:$0x3], $0x80, v8, vm7, $0xb8;
	[tilespmem:$0x12980] =	vst v63  }
0x8b: {  	s7 =	simm.s32 $0x4180  }
0x8c: {  	[hbm4b:s12+s3] =	stream.indirect_vreg.scatter [tilespmem:s7], [sflag:$0x3], $0x80, v8, vm7, $0xb8;
	[tilespmem:$0x12980] =	vst v63  }
0x8d: {  	s19 =	simm.s32 $0x4980  }
0x8e: {  	[hbm4b:s13+s3] =	stream.indirect_vreg.scatter [tilespmem:s19], [sflag:$0x3], $0x80, v8, vm7, $0xb8;
	[tilespmem:$0x12980] =	vst v63  }
0x8f: {  	s20 =	simm.s32 $0x5180;
	v7 =	vperm.xlane v7, v33  }
0x90: {  	[hbm4b:s14+s3] =	stream.indirect_vreg.scatter [tilespmem:s20], [sflag:$0x3], $0x80, v8, vm7, $0xb8;
	[tilespmem:$0x12980] =	vst v63  }
0x91: {  	s21 =	simm.s32 $0x5980;
	v7 =	vadd.s32 v4, v7  }
0x92: {  	[hbm4b:s15+s3] =	stream.indirect_vreg.scatter [tilespmem:s21], [sflag:$0x3], $0x80, v8, vm7, $0xb8;
	[tilespmem:$0x12980] =	vst v63  }
0x93: {  	s22 =	simm.s32 $0x6180  }
0x94: {  	[hbm4b:s16+s3] =	stream.indirect_vreg.scatter [tilespmem:s22], [sflag:$0x3], $0x80, v8, vm7, $0xb8;
	[tilespmem:$0x12980] =	vst v63  }
0x95: {  	s23 =	simm.s32 $0x6980  }
0x96: {  	[hbm4b:s5+s3] =	stream.indirect_vreg.scatter [tilespmem:s23], [sflag:$0x3], $0x80, v7, vm7, $0xb8;
	[tilespmem:$0x12980] =	vst v63  }
0x97: {  	s24 =	simm.s32 $0x7180  }
0x98: {  	[hbm4b:s10+s3] =	stream.indirect_vreg.scatter [tilespmem:s24], [sflag:$0x3], $0x80, v7, vm7, $0xb8;
	[tilespmem:$0x12980] =	vst v63  }
0x99: {  	s25 =	simm.s32 $0x7980  }
0x9a: {  	[hbm4b:s11+s3] =	stream.indirect_vreg.scatter [tilespmem:s25], [sflag:$0x3], $0x80, v7, vm7, $0xb8;
	[tilespmem:$0x12980] =	vst v63  }
0x9b: {  	s26 =	simm.s32 $0x8180  }
0x9c: {  	[hbm4b:s12+s3] =	stream.indirect_vreg.scatter [tilespmem:s26], [sflag:$0x3], $0x80, v7, vm7, $0xb8;
	[tilespmem:$0x12980] =	vst v63  }
0x9d: {  	s28 =	simm.s32 $0x8980  }
0x9e: {  	[hbm4b:s13+s3] =	stream.indirect_vreg.scatter [tilespmem:s28], [sflag:$0x3], $0x80, v7, vm7, $0xb8;
	[tilespmem:$0x12980] =	vst v63  }
0x9f: {  	s29 =	simm.s32 $0x9180  }
0xa0: {  	[hbm4b:s14+s3] =	stream.indirect_vreg.scatter [tilespmem:s29], [sflag:$0x3], $0x80, v7, vm7, $0xb8;
	[tilespmem:$0x12980] =	vst v63  }
0xa1: {  	s29 =	simm.s32 $0x9980  }
0xa2: {  	[hbm4b:s15+s3] =	stream.indirect_vreg.scatter [tilespmem:s29], [sflag:$0x3], $0x80, v7, vm7, $0xb8;
	[tilespmem:$0x12980] =	vst v63  }
0xa3: {  	s29 =	simm.s32 $0xA180  }
0xa4: {  	[hbm4b:s16+s3] =	stream.indirect_vreg.scatter [tilespmem:s29], [sflag:$0x3], $0x80, v7, vm7, $0xb8;
	[tilespmem:$0x12980] =	vst v63  }
0xa5: {  	_ =	swait.ge [sflag:s0], $0x8000  }
0xa6: {  	[sflag:s0] =	ssyncset.done $0x0  }
0xa7: {  	s29 =	rddreg [dreg:$0xb];
	[sflag:s0] =	ssyncadd.s32 $0xFFFF8000  }
0xa8: {  	[tilespmem:s30], [sflag:$0x1] =	stream.linear.gather [hbm4b:s29+s3], $0x8000, $0x38;
	[tilespmem:$0x12980] =	vst v63  }
0xa9: {  	_ =	swait.ge [sflag:s6], $0x8000  }
0xaa: {  	[sflag:s6] =	ssyncset.done $0x0  }
0xab: {  	[sflag:s6] =	ssyncadd.s32 $0xFFFF8000  }
0xac: {  	v38 =	vld [tilespmem:$0x2280];
	_ =	sdelay $0x4  }
0xad: {  	v39 =	vshll.u32 v38, $0x4  }
0xae: {  	v7 =	vand.u32 $0x7, v38;
	v8 =	vand.u32 $0xFFFFFF80, v39  }
0xaf: {  	v7 =	vor.u32 v7, v8  }
0xb0: {  	v8 =	vperm.xlane v7, v5;
	_ =	sdelay $0x1  }
0xb1: {  	v8 =	vadd.s32 v4, v8;
	_ =	sdelay $0x4  }
0xb2: {  	[hbm4b:s5+s3] =	stream.indirect_vreg.scatter [tilespmem:s31], [sflag:$0x4], $0x80, v8, vm7, $0xb8;
	[tilespmem:$0x12980] =	vst v63  }
0xb3: {  	s29 =	simm.s32 $0xB180  }
0xb4: {  	[hbm4b:s10+s3] =	stream.indirect_vreg.scatter [tilespmem:s29], [sflag:$0x4], $0x80, v8, vm7, $0xb8;
	[tilespmem:$0x12980] =	vst v63  }
0xb5: {  	s29 =	simm.s32 $0xB980  }
0xb6: {  	[hbm4b:s11+s3] =	stream.indirect_vreg.scatter [tilespmem:s29], [sflag:$0x4], $0x80, v8, vm7, $0xb8;
	[tilespmem:$0x12980] =	vst v63  }
0xb7: {  	s29 =	simm.s32 $0xC180  }
0xb8: {  	[hbm4b:s12+s3] =	stream.indirect_vreg.scatter [tilespmem:s29], [sflag:$0x4], $0x80, v8, vm7, $0xb8;
	[tilespmem:$0x12980] =	vst v63  }
0xb9: {  	s1 =	simm.s32 $0xC980  }
0xba: {  	[hbm4b:s13+s3] =	stream.indirect_vreg.scatter [tilespmem:s1], [sflag:$0x4], $0x80, v8, vm7, $0xb8;
	[tilespmem:$0x12980] =	vst v63  }
0xbb: {  	s2 =	simm.s32 $0xD180;
	v7 =	vperm.xlane v7, v33  }
0xbc: {  	[hbm4b:s14+s3] =	stream.indirect_vreg.scatter [tilespmem:s2], [sflag:$0x4], $0x80, v8, vm7, $0xb8;
	[tilespmem:$0x12980] =	vst v63  }
0xbd: {  	v7 =	vadd.s32 v4, v7;
	s2 =	simm.s32 $0xD980  }
0xbe: {  	[hbm4b:s15+s3] =	stream.indirect_vreg.scatter [tilespmem:s2], [sflag:$0x4], $0x80, v8, vm7, $0xb8;
	[tilespmem:$0x12980] =	vst v63  }
0xbf: {  	s29 =	simm.s32 $0xE180  }
0xc0: {  	[hbm4b:s16+s3] =	stream.indirect_vreg.scatter [tilespmem:s29], [sflag:$0x4], $0x80, v8, vm7, $0xb8;
	[tilespmem:$0x12980] =	vst v63  }
0xc1: {  	s29 =	simm.s32 $0xE980  }
0xc2: {  	[hbm4b:s5+s3] =	stream.indirect_vreg.scatter [tilespmem:s29], [sflag:$0x4], $0x80, v7, vm7, $0xb8;
	[tilespmem:$0x12980] =	vst v63  }
0xc3: {  	s29 =	simm.s32 $0xF180  }
0xc4: {  	[hbm4b:s10+s3] =	stream.indirect_vreg.scatter [tilespmem:s29], [sflag:$0x4], $0x80, v7, vm7, $0xb8;
	[tilespmem:$0x12980] =	vst v63  }
0xc5: {  	s29 =	simm.s32 $0xF980  }
0xc6: {  	[hbm4b:s11+s3] =	stream.indirect_vreg.scatter [tilespmem:s29], [sflag:$0x4], $0x80, v7, vm7, $0xb8;
	[tilespmem:$0x12980] =	vst v63  }
0xc7: {  	s29 =	simm.s32 $0x10180  }
0xc8: {  	[hbm4b:s12+s3] =	stream.indirect_vreg.scatter [tilespmem:s29], [sflag:$0x4], $0x80, v7, vm7, $0xb8;
	[tilespmem:$0x12980] =	vst v63  }
0xc9: {  	s29 =	simm.s32 $0x10980  }
0xca: {  	[hbm4b:s13+s3] =	stream.indirect_vreg.scatter [tilespmem:s29], [sflag:$0x4], $0x80, v7, vm7, $0xb8;
	[tilespmem:$0x12980] =	vst v63  }
0xcb: {  	s29 =	simm.s32 $0x11180  }
0xcc: {  	[hbm4b:s14+s3] =	stream.indirect_vreg.scatter [tilespmem:s29], [sflag:$0x4], $0x80, v7, vm7, $0xb8;
	[tilespmem:$0x12980] =	vst v63  }
0xcd: {  	s29 =	simm.s32 $0x11980  }
0xce: {  	[hbm4b:s15+s3] =	stream.indirect_vreg.scatter [tilespmem:s29], [sflag:$0x4], $0x80, v7, vm7, $0xb8;
	[tilespmem:$0x12980] =	vst v63  }
0xcf: {  	s29 =	simm.s32 $0x12180  }
0xd0: {  	[hbm4b:s16+s3] =	stream.indirect_vreg.scatter [tilespmem:s29], [sflag:$0x4], $0x80, v7, vm7, $0xb8;
	[tilespmem:$0x12980] =	vst v63  }
0xd1: {  	_ =	swait.ge [sflag:s17], $0x8000  }
0xd2: {  	[sflag:s17] =	ssyncset.done $0x0  }
0xd3: {  	s29 =	rddreg [dreg:$0xc];
	[sflag:s17] =	ssyncadd.s32 $0xFFFF8000  }
0xd4: {  	[tilespmem:s31], [sflag:$0x2] =	stream.linear.gather [hbm4b:s29+s3], $0x8000, $0x38;
	[tilespmem:$0x12980] =	vst v63  }
0xd5: {  	_ =	swait.ge [sflag:s8], $0x8000  }
0xd6: {  	[sflag:s8] =	ssyncset.done $0x0  }
0xd7: {  	[sflag:s8] =	ssyncadd.s32 $0xFFFF8000  }
0xd8: {  	v40 =	vld [tilespmem:$0x2300];
	_ =	sdelay $0x4  }
0xd9: {  	v41 =	vshll.u32 v40, $0x4  }
0xda: {  	v7 =	vand.u32 $0x7, v40;
	v8 =	vand.u32 $0xFFFFFF80, v41  }
0xdb: {  	v7 =	vor.u32 v7, v8  }
0xdc: {  	v8 =	vperm.xlane v7, v5;
	_ =	sdelay $0x1  }
0xdd: {  	v8 =	vadd.s32 v4, v8;
	_ =	sdelay $0x4  }
0xde: {  	[hbm4b:s5+s3] =	stream.indirect_vreg.scatter [tilespmem:s30], [sflag:$0x3], $0x80, v8, vm7, $0xb8;
	[tilespmem:$0x12980] =	vst v63  }
0xdf: {  	s18 =	simm.s32 $0x3180  }
0xe0: {  	[hbm4b:s10+s3] =	stream.indirect_vreg.scatter [tilespmem:s18], [sflag:$0x3], $0x80, v8, vm7, $0xb8;
	[tilespmem:$0x12980] =	vst v63  }
0xe1: {  	s4 =	simm.s32 $0x3980  }
0xe2: {  	[hbm4b:s11+s3] =	stream.indirect_vreg.scatter [tilespmem:s4], [sflag:$0x3], $0x80, v8, vm7, $0xb8;
	[tilespmem:$0x12980] =	vst v63  }
0xe3: {  	s7 =	simm.s32 $0x4180  }
0xe4: {  	[hbm4b:s12+s3] =	stream.indirect_vreg.scatter [tilespmem:s7], [sflag:$0x3], $0x80, v8, vm7, $0xb8;
	[tilespmem:$0x12980] =	vst v63  }
0xe5: {  	s19 =	simm.s32 $0x4980  }
0xe6: {  	[hbm4b:s13+s3] =	stream.indirect_vreg.scatter [tilespmem:s19], [sflag:$0x3], $0x80, v8, vm7, $0xb8;
	[tilespmem:$0x12980] =	vst v63  }
0xe7: {  	s29 =	simm.s32 $0x5180;
	v7 =	vperm.xlane v7, v33  }
0xe8: {  	[hbm4b:s14+s3] =	stream.indirect_vreg.scatter [tilespmem:s29], [sflag:$0x3], $0x80, v8, vm7, $0xb8;
	[tilespmem:$0x12980] =	vst v63  }
0xe9: {  	s20 =	simm.s32 $0x5980;
	v7 =	vadd.s32 v4, v7  }
0xea: {  	[hbm4b:s15+s3] =	stream.indirect_vreg.scatter [tilespmem:s20], [sflag:$0x3], $0x80, v8, vm7, $0xb8;
	[tilespmem:$0x12980] =	vst v63  }
0xeb: {  	s21 =	simm.s32 $0x6180  }
0xec: {  	[hbm4b:s16+s3] =	stream.indirect_vreg.scatter [tilespmem:s21], [sflag:$0x3], $0x80, v8, vm7, $0xb8;
	[tilespmem:$0x12980] =	vst v63  }
0xed: {  	s22 =	simm.s32 $0x6980  }
0xee: {  	[hbm4b:s5+s3] =	stream.indirect_vreg.scatter [tilespmem:s22], [sflag:$0x3], $0x80, v7, vm7, $0xb8;
	[tilespmem:$0x12980] =	vst v63  }
0xef: {  	s23 =	simm.s32 $0x7180  }
0xf0: {  	[hbm4b:s10+s3] =	stream.indirect_vreg.scatter [tilespmem:s23], [sflag:$0x3], $0x80, v7, vm7, $0xb8;
	[tilespmem:$0x12980] =	vst v63  }
0xf1: {  	s24 =	simm.s32 $0x7980  }
0xf2: {  	[hbm4b:s11+s3] =	stream.indirect_vreg.scatter [tilespmem:s24], [sflag:$0x3], $0x80, v7, vm7, $0xb8;
	[tilespmem:$0x12980] =	vst v63  }
0xf3: {  	s25 =	simm.s32 $0x8180  }
0xf4: {  	[hbm4b:s12+s3] =	stream.indirect_vreg.scatter [tilespmem:s25], [sflag:$0x3], $0x80, v7, vm7, $0xb8;
	[tilespmem:$0x12980] =	vst v63  }
0xf5: {  	s28 =	simm.s32 $0x8980  }
0xf6: {  	[hbm4b:s13+s3] =	stream.indirect_vreg.scatter [tilespmem:s28], [sflag:$0x3], $0x80, v7, vm7, $0xb8;
	[tilespmem:$0x12980] =	vst v63  }
0xf7: {  	s26 =	simm.s32 $0x9180  }
0xf8: {  	[hbm4b:s14+s3] =	stream.indirect_vreg.scatter [tilespmem:s26], [sflag:$0x3], $0x80, v7, vm7, $0xb8;
	[tilespmem:$0x12980] =	vst v63  }
0xf9: {  	s29 =	simm.s32 $0x9980  }
0xfa: {  	[hbm4b:s15+s3] =	stream.indirect_vreg.scatter [tilespmem:s29], [sflag:$0x3], $0x80, v7, vm7, $0xb8;
	[tilespmem:$0x12980] =	vst v63  }
0xfb: {  	s29 =	simm.s32 $0xA180  }
0xfc: {  	[hbm4b:s16+s3] =	stream.indirect_vreg.scatter [tilespmem:s29], [sflag:$0x3], $0x80, v7, vm7, $0xb8;
	[tilespmem:$0x12980] =	vst v63  }
0xfd: {  	_ =	swait.ge [sflag:s0], $0x8000  }
0xfe: {  	[sflag:s0] =	ssyncset.done $0x0  }
0xff: {  	s29 =	rddreg [dreg:$0xd];
	[sflag:s0] =	ssyncadd.s32 $0xFFFF8000  }
0x100: {  	[tilespmem:s30], [sflag:$0x1] =	stream.linear.gather [hbm4b:s29+s3], $0x8000, $0x38;
	[tilespmem:$0x12980] =	vst v63  }
0x101: {  	_ =	swait.ge [sflag:s6], $0x8000  }
0x102: {  	[sflag:s6] =	ssyncset.done $0x0  }
0x103: {  	[sflag:s6] =	ssyncadd.s32 $0xFFFF8000  }
0x104: {  	v42 =	vld [tilespmem:$0x2380];
	_ =	sdelay $0x4  }
0x105: {  	v43 =	vshll.u32 v42, $0x4  }
0x106: {  	v7 =	vand.u32 $0x7, v42;
	v8 =	vand.u32 $0xFFFFFF80, v43  }
0x107: {  	v7 =	vor.u32 v7, v8  }
0x108: {  	v8 =	vperm.xlane v7, v5;
	_ =	sdelay $0x1  }
0x109: {  	v8 =	vadd.s32 v4, v8;
	_ =	sdelay $0x4  }
0x10a: {  	[hbm4b:s5+s3] =	stream.indirect_vreg.scatter [tilespmem:s31], [sflag:$0x4], $0x80, v8, vm7, $0xb8;
	[tilespmem:$0x12980] =	vst v63  }
0x10b: {  	s29 =	simm.s32 $0xB180  }
0x10c: {  	[hbm4b:s10+s3] =	stream.indirect_vreg.scatter [tilespmem:s29], [sflag:$0x4], $0x80, v8, vm7, $0xb8;
	[tilespmem:$0x12980] =	vst v63  }
0x10d: {  	s29 =	simm.s32 $0xB980  }
0x10e: {  	[hbm4b:s11+s3] =	stream.indirect_vreg.scatter [tilespmem:s29], [sflag:$0x4], $0x80, v8, vm7, $0xb8;
	[tilespmem:$0x12980] =	vst v63  }
0x10f: {  	s29 =	simm.s32 $0xC180  }
0x110: {  	[hbm4b:s12+s3] =	stream.indirect_vreg.scatter [tilespmem:s29], [sflag:$0x4], $0x80, v8, vm7, $0xb8;
	[tilespmem:$0x12980] =	vst v63  }
0x111: {  	s29 =	simm.s32 $0xC980  }
0x112: {  	[hbm4b:s13+s3] =	stream.indirect_vreg.scatter [tilespmem:s29], [sflag:$0x4], $0x80, v8, vm7, $0xb8;
	[tilespmem:$0x12980] =	vst v63  }
0x113: {  	v7 =	vperm.xlane v7, v33;
	s29 =	simm.s32 $0xD180  }
0x114: {  	[hbm4b:s14+s3] =	stream.indirect_vreg.scatter [tilespmem:s29], [sflag:$0x4], $0x80, v8, vm7, $0xb8;
	[tilespmem:$0x12980] =	vst v63  }
0x115: {  	s1 =	simm.s32 $0xD980;
	v7 =	vadd.s32 v4, v7  }
0x116: {  	[hbm4b:s15+s3] =	stream.indirect_vreg.scatter [tilespmem:s1], [sflag:$0x4], $0x80, v8, vm7, $0xb8;
	[tilespmem:$0x12980] =	vst v63  }
0x117: {  	s2 =	simm.s32 $0xE180  }
0x118: {  	[hbm4b:s16+s3] =	stream.indirect_vreg.scatter [tilespmem:s2], [sflag:$0x4], $0x80, v8, vm7, $0xb8;
	[tilespmem:$0x12980] =	vst v63  }
0x119: {  	s29 =	simm.s32 $0xE980  }
0x11a: {  	[hbm4b:s5+s3] =	stream.indirect_vreg.scatter [tilespmem:s29], [sflag:$0x4], $0x80, v7, vm7, $0xb8;
	[tilespmem:$0x12980] =	vst v63  }
0x11b: {  	s29 =	simm.s32 $0xF180  }
0x11c: {  	[hbm4b:s10+s3] =	stream.indirect_vreg.scatter [tilespmem:s29], [sflag:$0x4], $0x80, v7, vm7, $0xb8;
	[tilespmem:$0x12980] =	vst v63  }
0x11d: {  	s29 =	simm.s32 $0xF980  }
0x11e: {  	[hbm4b:s11+s3] =	stream.indirect_vreg.scatter [tilespmem:s29], [sflag:$0x4], $0x80, v7, vm7, $0xb8;
	[tilespmem:$0x12980] =	vst v63  }
0x11f: {  	s29 =	simm.s32 $0x10180  }
0x120: {  	[hbm4b:s12+s3] =	stream.indirect_vreg.scatter [tilespmem:s29], [sflag:$0x4], $0x80, v7, vm7, $0xb8;
	[tilespmem:$0x12980] =	vst v63  }
0x121: {  	s29 =	simm.s32 $0x10980  }
0x122: {  	[hbm4b:s13+s3] =	stream.indirect_vreg.scatter [tilespmem:s29], [sflag:$0x4], $0x80, v7, vm7, $0xb8;
	[tilespmem:$0x12980] =	vst v63  }
0x123: {  	s29 =	simm.s32 $0x11180  }
0x124: {  	[hbm4b:s14+s3] =	stream.indirect_vreg.scatter [tilespmem:s29], [sflag:$0x4], $0x80, v7, vm7, $0xb8;
	[tilespmem:$0x12980] =	vst v63  }
0x125: {  	s29 =	simm.s32 $0x11980  }
0x126: {  	[hbm4b:s15+s3] =	stream.indirect_vreg.scatter [tilespmem:s29], [sflag:$0x4], $0x80, v7, vm7, $0xb8;
	[tilespmem:$0x12980] =	vst v63  }
0x127: {  	s29 =	simm.s32 $0x12180  }
0x128: {  	[hbm4b:s16+s3] =	stream.indirect_vreg.scatter [tilespmem:s29], [sflag:$0x4], $0x80, v7, vm7, $0xb8;
	[tilespmem:$0x12980] =	vst v63  }
0x129: {  	_ =	swait.ge [sflag:s17], $0x8000  }
0x12a: {  	[sflag:s17] =	ssyncset.done $0x0  }
0x12b: {  	s29 =	rddreg [dreg:$0x12];
	[sflag:s17] =	ssyncadd.s32 $0xFFFF8000  }
0x12c: {  	[tilespmem:s31], [sflag:$0x2] =	stream.linear.gather [hbm4b:s29+s3], $0x8000, $0x38;
	[tilespmem:$0x12980] =	vst v63  }
0x12d: {  	_ =	swait.ge [sflag:s8], $0x8000  }
0x12e: {  	[sflag:s8] =	ssyncset.done $0x0  }
0x12f: {  	[sflag:s8] =	ssyncadd.s32 $0xFFFF8000  }
0x130: {  	v44 =	vld [tilespmem:$0x2400];
	_ =	sdelay $0x4  }
0x131: {  	v45 =	vshll.u32 v44, $0x4  }
0x132: {  	v7 =	vand.u32 $0x7, v44;
	v8 =	vand.u32 $0xFFFFFF80, v45  }
0x133: {  	v7 =	vor.u32 v7, v8  }
0x134: {  	v8 =	vperm.xlane v7, v5;
	_ =	sdelay $0x1  }
0x135: {  	v8 =	vadd.s32 v4, v8;
	_ =	sdelay $0x4  }
0x136: {  	[hbm4b:s5+s3] =	stream.indirect_vreg.scatter [tilespmem:s30], [sflag:$0x3], $0x80, v8, vm7, $0xb8;
	[tilespmem:$0x12980] =	vst v63  }
0x137: {  	s18 =	simm.s32 $0x3180  }
0x138: {  	[hbm4b:s10+s3] =	stream.indirect_vreg.scatter [tilespmem:s18], [sflag:$0x3], $0x80, v8, vm7, $0xb8;
	[tilespmem:$0x12980] =	vst v63  }
0x139: {  	s4 =	simm.s32 $0x3980  }
0x13a: {  	[hbm4b:s11+s3] =	stream.indirect_vreg.scatter [tilespmem:s4], [sflag:$0x3], $0x80, v8, vm7, $0xb8;
	[tilespmem:$0x12980] =	vst v63  }
0x13b: {  	s7 =	simm.s32 $0x4180  }
0x13c: {  	[hbm4b:s12+s3] =	stream.indirect_vreg.scatter [tilespmem:s7], [sflag:$0x3], $0x80, v8, vm7, $0xb8;
	[tilespmem:$0x12980] =	vst v63  }
0x13d: {  	s19 =	simm.s32 $0x4980  }
0x13e: {  	[hbm4b:s13+s3] =	stream.indirect_vreg.scatter [tilespmem:s19], [sflag:$0x3], $0x80, v8, vm7, $0xb8;
	[tilespmem:$0x12980] =	vst v63  }
0x13f: {  	s29 =	simm.s32 $0x5180;
	v7 =	vperm.xlane v7, v33  }
0x140: {  	[hbm4b:s14+s3] =	stream.indirect_vreg.scatter [tilespmem:s29], [sflag:$0x3], $0x80, v8, vm7, $0xb8;
	[tilespmem:$0x12980] =	vst v63  }
0x141: {  	s20 =	simm.s32 $0x5980;
	v7 =	vadd.s32 v4, v7  }
0x142: {  	[hbm4b:s15+s3] =	stream.indirect_vreg.scatter [tilespmem:s20], [sflag:$0x3], $0x80, v8, vm7, $0xb8;
	[tilespmem:$0x12980] =	vst v63  }
0x143: {  	s21 =	simm.s32 $0x6180  }
0x144: {  	[hbm4b:s16+s3] =	stream.indirect_vreg.scatter [tilespmem:s21], [sflag:$0x3], $0x80, v8, vm7, $0xb8;
	[tilespmem:$0x12980] =	vst v63  }
0x145: {  	s22 =	simm.s32 $0x6980  }
0x146: {  	[hbm4b:s5+s3] =	stream.indirect_vreg.scatter [tilespmem:s22], [sflag:$0x3], $0x80, v7, vm7, $0xb8;
	[tilespmem:$0x12980] =	vst v63  }
0x147: {  	s23 =	simm.s32 $0x7180  }
0x148: {  	[hbm4b:s10+s3] =	stream.indirect_vreg.scatter [tilespmem:s23], [sflag:$0x3], $0x80, v7, vm7, $0xb8;
	[tilespmem:$0x12980] =	vst v63  }
0x149: {  	s24 =	simm.s32 $0x7980  }
0x14a: {  	[hbm4b:s11+s3] =	stream.indirect_vreg.scatter [tilespmem:s24], [sflag:$0x3], $0x80, v7, vm7, $0xb8;
	[tilespmem:$0x12980] =	vst v63  }
0x14b: {  	s25 =	simm.s32 $0x8180  }
0x14c: {  	[hbm4b:s12+s3] =	stream.indirect_vreg.scatter [tilespmem:s25], [sflag:$0x3], $0x80, v7, vm7, $0xb8;
	[tilespmem:$0x12980] =	vst v63  }
0x14d: {  	s28 =	simm.s32 $0x8980  }
0x14e: {  	[hbm4b:s13+s3] =	stream.indirect_vreg.scatter [tilespmem:s28], [sflag:$0x3], $0x80, v7, vm7, $0xb8;
	[tilespmem:$0x12980] =	vst v63  }
0x14f: {  	s26 =	simm.s32 $0x9180  }
0x150: {  	[hbm4b:s14+s3] =	stream.indirect_vreg.scatter [tilespmem:s26], [sflag:$0x3], $0x80, v7, vm7, $0xb8;
	[tilespmem:$0x12980] =	vst v63  }
0x151: {  	s29 =	simm.s32 $0x9980  }
0x152: {  	[hbm4b:s15+s3] =	stream.indirect_vreg.scatter [tilespmem:s29], [sflag:$0x3], $0x80, v7, vm7, $0xb8;
	[tilespmem:$0x12980] =	vst v63  }
0x153: {  	s29 =	simm.s32 $0xA180  }
0x154: {  	[hbm4b:s16+s3] =	stream.indirect_vreg.scatter [tilespmem:s29], [sflag:$0x3], $0x80, v7, vm7, $0xb8;
	[tilespmem:$0x12980] =	vst v63  }
0x155: {  	_ =	swait.ge [sflag:s0], $0x8000  }
0x156: {  	[sflag:s0] =	ssyncset.done $0x0  }
0x157: {  	s29 =	rddreg [dreg:$0x13];
	[sflag:s0] =	ssyncadd.s32 $0xFFFF8000  }
0x158: {  	[tilespmem:s30], [sflag:$0x1] =	stream.linear.gather [hbm4b:s29+s3], $0x8000, $0x38;
	[tilespmem:$0x12980] =	vst v63  }
0x159: {  	_ =	swait.ge [sflag:s6], $0x8000  }
0x15a: {  	[sflag:s6] =	ssyncset.done $0x0  }
0x15b: {  	[sflag:s6] =	ssyncadd.s32 $0xFFFF8000  }
0x15c: {  	v46 =	vld [tilespmem:$0x2480];
	_ =	sdelay $0x4  }
0x15d: {  	v47 =	vshll.u32 v46, $0x4  }
0x15e: {  	v7 =	vand.u32 $0x7, v46;
	v8 =	vand.u32 $0xFFFFFF80, v47  }
0x15f: {  	v7 =	vor.u32 v7, v8  }
0x160: {  	v8 =	vperm.xlane v7, v5;
	_ =	sdelay $0x1  }
0x161: {  	v8 =	vadd.s32 v4, v8;
	_ =	sdelay $0x4  }
0x162: {  	[hbm4b:s5+s3] =	stream.indirect_vreg.scatter [tilespmem:s31], [sflag:$0x4], $0x80, v8, vm7, $0xb8;
	[tilespmem:$0x12980] =	vst v63  }
0x163: {  	s29 =	simm.s32 $0xB180  }
0x164: {  	[hbm4b:s10+s3] =	stream.indirect_vreg.scatter [tilespmem:s29], [sflag:$0x4], $0x80, v8, vm7, $0xb8;
	[tilespmem:$0x12980] =	vst v63  }
0x165: {  	s29 =	simm.s32 $0xB980  }
0x166: {  	[hbm4b:s11+s3] =	stream.indirect_vreg.scatter [tilespmem:s29], [sflag:$0x4], $0x80, v8, vm7, $0xb8;
	[tilespmem:$0x12980] =	vst v63  }
0x167: {  	s29 =	simm.s32 $0xC180  }
0x168: {  	[hbm4b:s12+s3] =	stream.indirect_vreg.scatter [tilespmem:s29], [sflag:$0x4], $0x80, v8, vm7, $0xb8;
	[tilespmem:$0x12980] =	vst v63  }
0x169: {  	s29 =	simm.s32 $0xC980  }
0x16a: {  	[hbm4b:s13+s3] =	stream.indirect_vreg.scatter [tilespmem:s29], [sflag:$0x4], $0x80, v8, vm7, $0xb8;
	[tilespmem:$0x12980] =	vst v63  }
0x16b: {  	v7 =	vperm.xlane v7, v33;
	s29 =	simm.s32 $0xD180  }
0x16c: {  	[hbm4b:s14+s3] =	stream.indirect_vreg.scatter [tilespmem:s29], [sflag:$0x4], $0x80, v8, vm7, $0xb8;
	[tilespmem:$0x12980] =	vst v63  }
0x16d: {  	s1 =	simm.s32 $0xD980;
	v7 =	vadd.s32 v4, v7  }
0x16e: {  	[hbm4b:s15+s3] =	stream.indirect_vreg.scatter [tilespmem:s1], [sflag:$0x4], $0x80, v8, vm7, $0xb8;
	[tilespmem:$0x12980] =	vst v63  }
0x16f: {  	s2 =	simm.s32 $0xE180  }
0x170: {  	[hbm4b:s16+s3] =	stream.indirect_vreg.scatter [tilespmem:s2], [sflag:$0x4], $0x80, v8, vm7, $0xb8;
	[tilespmem:$0x12980] =	vst v63  }
0x171: {  	s29 =	simm.s32 $0xE980  }
0x172: {  	[hbm4b:s5+s3] =	stream.indirect_vreg.scatter [tilespmem:s29], [sflag:$0x4], $0x80, v7, vm7, $0xb8;
	[tilespmem:$0x12980] =	vst v63  }
0x173: {  	s29 =	simm.s32 $0xF180  }
0x174: {  	[hbm4b:s10+s3] =	stream.indirect_vreg.scatter [tilespmem:s29], [sflag:$0x4], $0x80, v7, vm7, $0xb8;
	[tilespmem:$0x12980] =	vst v63  }
0x175: {  	s29 =	simm.s32 $0xF980  }
0x176: {  	[hbm4b:s11+s3] =	stream.indirect_vreg.scatter [tilespmem:s29], [sflag:$0x4], $0x80, v7, vm7, $0xb8;
	[tilespmem:$0x12980] =	vst v63  }
0x177: {  	s29 =	simm.s32 $0x10180  }
0x178: {  	[hbm4b:s12+s3] =	stream.indirect_vreg.scatter [tilespmem:s29], [sflag:$0x4], $0x80, v7, vm7, $0xb8;
	[tilespmem:$0x12980] =	vst v63  }
0x179: {  	s29 =	simm.s32 $0x10980  }
0x17a: {  	[hbm4b:s13+s3] =	stream.indirect_vreg.scatter [tilespmem:s29], [sflag:$0x4], $0x80, v7, vm7, $0xb8;
	[tilespmem:$0x12980] =	vst v63  }
0x17b: {  	s29 =	simm.s32 $0x11180  }
0x17c: {  	[hbm4b:s14+s3] =	stream.indirect_vreg.scatter [tilespmem:s29], [sflag:$0x4], $0x80, v7, vm7, $0xb8;
	[tilespmem:$0x12980] =	vst v63  }
0x17d: {  	s29 =	simm.s32 $0x11980  }
0x17e: {  	[hbm4b:s15+s3] =	stream.indirect_vreg.scatter [tilespmem:s29], [sflag:$0x4], $0x80, v7, vm7, $0xb8;
	[tilespmem:$0x12980] =	vst v63  }
0x17f: {  	s29 =	simm.s32 $0x12180  }
0x180: {  	[hbm4b:s16+s3] =	stream.indirect_vreg.scatter [tilespmem:s29], [sflag:$0x4], $0x80, v7, vm7, $0xb8;
	[tilespmem:$0x12980] =	vst v63  }
0x181: {  	_ =	swait.ge [sflag:s17], $0x8000  }
0x182: {  	[sflag:s17] =	ssyncset.done $0x0  }
0x183: {  	s29 =	rddreg [dreg:$0x14];
	[sflag:s17] =	ssyncadd.s32 $0xFFFF8000  }
0x184: {  	[tilespmem:s31], [sflag:$0x2] =	stream.linear.gather [hbm4b:s29+s3], $0x8000, $0x38;
	[tilespmem:$0x12980] =	vst v63  }
0x185: {  	_ =	swait.ge [sflag:s8], $0x8000  }
0x186: {  	[sflag:s8] =	ssyncset.done $0x0  }
0x187: {  	[sflag:s8] =	ssyncadd.s32 $0xFFFF8000  }
0x188: {  	v48 =	vld [tilespmem:$0x2500];
	_ =	sdelay $0x4  }
0x189: {  	v49 =	vshll.u32 v48, $0x4  }
0x18a: {  	v7 =	vand.u32 $0x7, v48;
	v8 =	vand.u32 $0xFFFFFF80, v49  }
0x18b: {  	v7 =	vor.u32 v7, v8  }
0x18c: {  	v8 =	vperm.xlane v7, v5;
	_ =	sdelay $0x1  }
0x18d: {  	v8 =	vadd.s32 v4, v8;
	_ =	sdelay $0x4  }
0x18e: {  	[hbm4b:s5+s3] =	stream.indirect_vreg.scatter [tilespmem:s30], [sflag:$0x3], $0x80, v8, vm7, $0xb8;
	[tilespmem:$0x12980] =	vst v63  }
0x18f: {  	s18 =	simm.s32 $0x3180  }
0x190: {  	[hbm4b:s10+s3] =	stream.indirect_vreg.scatter [tilespmem:s18], [sflag:$0x3], $0x80, v8, vm7, $0xb8;
	[tilespmem:$0x12980] =	vst v63  }
0x191: {  	s4 =	simm.s32 $0x3980  }
0x192: {  	[hbm4b:s11+s3] =	stream.indirect_vreg.scatter [tilespmem:s4], [sflag:$0x3], $0x80, v8, vm7, $0xb8;
	[tilespmem:$0x12980] =	vst v63  }
0x193: {  	s7 =	simm.s32 $0x4180  }
0x194: {  	[hbm4b:s12+s3] =	stream.indirect_vreg.scatter [tilespmem:s7], [sflag:$0x3], $0x80, v8, vm7, $0xb8;
	[tilespmem:$0x12980] =	vst v63  }
0x195: {  	s19 =	simm.s32 $0x4980  }
0x196: {  	[hbm4b:s13+s3] =	stream.indirect_vreg.scatter [tilespmem:s19], [sflag:$0x3], $0x80, v8, vm7, $0xb8;
	[tilespmem:$0x12980] =	vst v63  }
0x197: {  	s29 =	simm.s32 $0x5180;
	v7 =	vperm.xlane v7, v33  }
0x198: {  	[hbm4b:s14+s3] =	stream.indirect_vreg.scatter [tilespmem:s29], [sflag:$0x3], $0x80, v8, vm7, $0xb8;
	[tilespmem:$0x12980] =	vst v63  }
0x199: {  	s20 =	simm.s32 $0x5980;
	v7 =	vadd.s32 v4, v7  }
0x19a: {  	[hbm4b:s15+s3] =	stream.indirect_vreg.scatter [tilespmem:s20], [sflag:$0x3], $0x80, v8, vm7, $0xb8;
	[tilespmem:$0x12980] =	vst v63  }
0x19b: {  	s21 =	simm.s32 $0x6180  }
0x19c: {  	[hbm4b:s16+s3] =	stream.indirect_vreg.scatter [tilespmem:s21], [sflag:$0x3], $0x80, v8, vm7, $0xb8;
	[tilespmem:$0x12980] =	vst v63  }
0x19d: {  	s22 =	simm.s32 $0x6980  }
0x19e: {  	[hbm4b:s5+s3] =	stream.indirect_vreg.scatter [tilespmem:s22], [sflag:$0x3], $0x80, v7, vm7, $0xb8;
	[tilespmem:$0x12980] =	vst v63  }
0x19f: {  	s23 =	simm.s32 $0x7180  }
0x1a0: {  	[hbm4b:s10+s3] =	stream.indirect_vreg.scatter [tilespmem:s23], [sflag:$0x3], $0x80, v7, vm7, $0xb8;
	[tilespmem:$0x12980] =	vst v63  }
0x1a1: {  	s24 =	simm.s32 $0x7980  }
0x1a2: {  	[hbm4b:s11+s3] =	stream.indirect_vreg.scatter [tilespmem:s24], [sflag:$0x3], $0x80, v7, vm7, $0xb8;
	[tilespmem:$0x12980] =	vst v63  }
0x1a3: {  	s25 =	simm.s32 $0x8180  }
0x1a4: {  	[hbm4b:s12+s3] =	stream.indirect_vreg.scatter [tilespmem:s25], [sflag:$0x3], $0x80, v7, vm7, $0xb8;
	[tilespmem:$0x12980] =	vst v63  }
0x1a5: {  	s28 =	simm.s32 $0x8980  }
0x1a6: {  	[hbm4b:s13+s3] =	stream.indirect_vreg.scatter [tilespmem:s28], [sflag:$0x3], $0x80, v7, vm7, $0xb8;
	[tilespmem:$0x12980] =	vst v63  }
0x1a7: {  	s26 =	simm.s32 $0x9180  }
0x1a8: {  	[hbm4b:s14+s3] =	stream.indirect_vreg.scatter [tilespmem:s26], [sflag:$0x3], $0x80, v7, vm7, $0xb8;
	[tilespmem:$0x12980] =	vst v63  }
0x1a9: {  	s29 =	simm.s32 $0x9980  }
0x1aa: {  	[hbm4b:s15+s3] =	stream.indirect_vreg.scatter [tilespmem:s29], [sflag:$0x3], $0x80, v7, vm7, $0xb8;
	[tilespmem:$0x12980] =	vst v63  }
0x1ab: {  	s29 =	simm.s32 $0xA180  }
0x1ac: {  	[hbm4b:s16+s3] =	stream.indirect_vreg.scatter [tilespmem:s29], [sflag:$0x3], $0x80, v7, vm7, $0xb8;
	[tilespmem:$0x12980] =	vst v63  }
0x1ad: {  	_ =	swait.ge [sflag:s0], $0x8000  }
0x1ae: {  	[sflag:s0] =	ssyncset.done $0x0  }
0x1af: {  	s29 =	rddreg [dreg:$0x15];
	[sflag:s0] =	ssyncadd.s32 $0xFFFF8000  }
0x1b0: {  	[tilespmem:s30], [sflag:$0x1] =	stream.linear.gather [hbm4b:s29+s3], $0x8000, $0x38;
	[tilespmem:$0x12980] =	vst v63  }
0x1b1: {  	_ =	swait.ge [sflag:s6], $0x8000  }
0x1b2: {  	[sflag:s6] =	ssyncset.done $0x0  }
0x1b3: {  	[sflag:s6] =	ssyncadd.s32 $0xFFFF8000  }
0x1b4: {  	v50 =	vld [tilespmem:$0x2580];
	_ =	sdelay $0x4  }
0x1b5: {  	v51 =	vshll.u32 v50, $0x4  }
0x1b6: {  	v7 =	vand.u32 $0x7, v50;
	v8 =	vand.u32 $0xFFFFFF80, v51  }
0x1b7: {  	v7 =	vor.u32 v7, v8  }
0x1b8: {  	v8 =	vperm.xlane v7, v5;
	_ =	sdelay $0x1  }
0x1b9: {  	v8 =	vadd.s32 v4, v8;
	_ =	sdelay $0x4  }
0x1ba: {  	[hbm4b:s5+s3] =	stream.indirect_vreg.scatter [tilespmem:s31], [sflag:$0x4], $0x80, v8, vm7, $0xb8;
	[tilespmem:$0x12980] =	vst v63  }
0x1bb: {  	s29 =	simm.s32 $0xB180  }
0x1bc: {  	[hbm4b:s10+s3] =	stream.indirect_vreg.scatter [tilespmem:s29], [sflag:$0x4], $0x80, v8, vm7, $0xb8;
	[tilespmem:$0x12980] =	vst v63  }
0x1bd: {  	s29 =	simm.s32 $0xB980  }
0x1be: {  	[hbm4b:s11+s3] =	stream.indirect_vreg.scatter [tilespmem:s29], [sflag:$0x4], $0x80, v8, vm7, $0xb8;
	[tilespmem:$0x12980] =	vst v63  }
0x1bf: {  	s29 =	simm.s32 $0xC180  }
0x1c0: {  	[hbm4b:s12+s3] =	stream.indirect_vreg.scatter [tilespmem:s29], [sflag:$0x4], $0x80, v8, vm7, $0xb8;
	[tilespmem:$0x12980] =	vst v63  }
0x1c1: {  	s29 =	simm.s32 $0xC980  }
0x1c2: {  	[hbm4b:s13+s3] =	stream.indirect_vreg.scatter [tilespmem:s29], [sflag:$0x4], $0x80, v8, vm7, $0xb8;
	[tilespmem:$0x12980] =	vst v63  }
0x1c3: {  	v7 =	vperm.xlane v7, v33;
	s29 =	simm.s32 $0xD180  }
0x1c4: {  	[hbm4b:s14+s3] =	stream.indirect_vreg.scatter [tilespmem:s29], [sflag:$0x4], $0x80, v8, vm7, $0xb8;
	[tilespmem:$0x12980] =	vst v63  }
0x1c5: {  	s1 =	simm.s32 $0xD980;
	v7 =	vadd.s32 v4, v7  }
0x1c6: {  	[hbm4b:s15+s3] =	stream.indirect_vreg.scatter [tilespmem:s1], [sflag:$0x4], $0x80, v8, vm7, $0xb8;
	[tilespmem:$0x12980] =	vst v63  }
0x1c7: {  	s2 =	simm.s32 $0xE180  }
0x1c8: {  	[hbm4b:s16+s3] =	stream.indirect_vreg.scatter [tilespmem:s2], [sflag:$0x4], $0x80, v8, vm7, $0xb8;
	[tilespmem:$0x12980] =	vst v63  }
0x1c9: {  	s29 =	simm.s32 $0xE980  }
0x1ca: {  	[hbm4b:s5+s3] =	stream.indirect_vreg.scatter [tilespmem:s29], [sflag:$0x4], $0x80, v7, vm7, $0xb8;
	[tilespmem:$0x12980] =	vst v63  }
0x1cb: {  	s29 =	simm.s32 $0xF180  }
0x1cc: {  	[hbm4b:s10+s3] =	stream.indirect_vreg.scatter [tilespmem:s29], [sflag:$0x4], $0x80, v7, vm7, $0xb8;
	[tilespmem:$0x12980] =	vst v63  }
0x1cd: {  	s29 =	simm.s32 $0xF980  }
0x1ce: {  	[hbm4b:s11+s3] =	stream.indirect_vreg.scatter [tilespmem:s29], [sflag:$0x4], $0x80, v7, vm7, $0xb8;
	[tilespmem:$0x12980] =	vst v63  }
0x1cf: {  	s29 =	simm.s32 $0x10180  }
0x1d0: {  	[hbm4b:s12+s3] =	stream.indirect_vreg.scatter [tilespmem:s29], [sflag:$0x4], $0x80, v7, vm7, $0xb8;
	[tilespmem:$0x12980] =	vst v63  }
0x1d1: {  	s29 =	simm.s32 $0x10980  }
0x1d2: {  	[hbm4b:s13+s3] =	stream.indirect_vreg.scatter [tilespmem:s29], [sflag:$0x4], $0x80, v7, vm7, $0xb8;
	[tilespmem:$0x12980] =	vst v63  }
0x1d3: {  	s29 =	simm.s32 $0x11180  }
0x1d4: {  	[hbm4b:s14+s3] =	stream.indirect_vreg.scatter [tilespmem:s29], [sflag:$0x4], $0x80, v7, vm7, $0xb8;
	[tilespmem:$0x12980] =	vst v63  }
0x1d5: {  	s29 =	simm.s32 $0x11980  }
0x1d6: {  	[hbm4b:s15+s3] =	stream.indirect_vreg.scatter [tilespmem:s29], [sflag:$0x4], $0x80, v7, vm7, $0xb8;
	[tilespmem:$0x12980] =	vst v63  }
0x1d7: {  	s29 =	simm.s32 $0x12180  }
0x1d8: {  	[hbm4b:s16+s3] =	stream.indirect_vreg.scatter [tilespmem:s29], [sflag:$0x4], $0x80, v7, vm7, $0xb8;
	[tilespmem:$0x12980] =	vst v63  }
0x1d9: {  	_ =	swait.ge [sflag:s17], $0x8000  }
0x1da: {  	[sflag:s17] =	ssyncset.done $0x0  }
0x1db: {  	s29 =	rddreg [dreg:$0x16];
	[sflag:s17] =	ssyncadd.s32 $0xFFFF8000  }
0x1dc: {  	[tilespmem:s31], [sflag:$0x2] =	stream.linear.gather [hbm4b:s29+s3], $0x8000, $0x38;
	[tilespmem:$0x12980] =	vst v63  }
0x1dd: {  	_ =	swait.ge [sflag:s8], $0x8000  }
0x1de: {  	[sflag:s8] =	ssyncset.done $0x0  }
0x1df: {  	[sflag:s8] =	ssyncadd.s32 $0xFFFF8000  }
0x1e0: {  	v52 =	vld [tilespmem:$0x2600];
	_ =	sdelay $0x4  }
0x1e1: {  	v53 =	vshll.u32 v52, $0x4  }
0x1e2: {  	v7 =	vand.u32 $0x7, v52;
	v8 =	vand.u32 $0xFFFFFF80, v53  }
0x1e3: {  	v7 =	vor.u32 v7, v8  }
0x1e4: {  	v8 =	vperm.xlane v7, v5;
	_ =	sdelay $0x1  }
0x1e5: {  	v8 =	vadd.s32 v4, v8;
	_ =	sdelay $0x4  }
0x1e6: {  	[hbm4b:s5+s3] =	stream.indirect_vreg.scatter [tilespmem:s30], [sflag:$0x3], $0x80, v8, vm7, $0xb8;
	[tilespmem:$0x12980] =	vst v63  }
0x1e7: {  	s18 =	simm.s32 $0x3180  }
0x1e8: {  	[hbm4b:s10+s3] =	stream.indirect_vreg.scatter [tilespmem:s18], [sflag:$0x3], $0x80, v8, vm7, $0xb8;
	[tilespmem:$0x12980] =	vst v63  }
0x1e9: {  	s4 =	simm.s32 $0x3980  }
0x1ea: {  	[hbm4b:s11+s3] =	stream.indirect_vreg.scatter [tilespmem:s4], [sflag:$0x3], $0x80, v8, vm7, $0xb8;
	[tilespmem:$0x12980] =	vst v63  }
0x1eb: {  	s7 =	simm.s32 $0x4180  }
0x1ec: {  	[hbm4b:s12+s3] =	stream.indirect_vreg.scatter [tilespmem:s7], [sflag:$0x3], $0x80, v8, vm7, $0xb8;
	[tilespmem:$0x12980] =	vst v63  }
0x1ed: {  	s19 =	simm.s32 $0x4980  }
0x1ee: {  	[hbm4b:s13+s3] =	stream.indirect_vreg.scatter [tilespmem:s19], [sflag:$0x3], $0x80, v8, vm7, $0xb8;
	[tilespmem:$0x12980] =	vst v63  }
0x1ef: {  	s29 =	simm.s32 $0x5180;
	v7 =	vperm.xlane v7, v33  }
0x1f0: {  	[hbm4b:s14+s3] =	stream.indirect_vreg.scatter [tilespmem:s29], [sflag:$0x3], $0x80, v8, vm7, $0xb8;
	[tilespmem:$0x12980] =	vst v63  }
0x1f1: {  	s20 =	simm.s32 $0x5980;
	v7 =	vadd.s32 v4, v7  }
0x1f2: {  	[hbm4b:s15+s3] =	stream.indirect_vreg.scatter [tilespmem:s20], [sflag:$0x3], $0x80, v8, vm7, $0xb8;
	[tilespmem:$0x12980] =	vst v63  }
0x1f3: {  	s21 =	simm.s32 $0x6180  }
0x1f4: {  	[hbm4b:s16+s3] =	stream.indirect_vreg.scatter [tilespmem:s21], [sflag:$0x3], $0x80, v8, vm7, $0xb8;
	[tilespmem:$0x12980] =	vst v63  }
0x1f5: {  	s22 =	simm.s32 $0x6980  }
0x1f6: {  	[hbm4b:s5+s3] =	stream.indirect_vreg.scatter [tilespmem:s22], [sflag:$0x3], $0x80, v7, vm7, $0xb8;
	[tilespmem:$0x12980] =	vst v63  }
0x1f7: {  	s23 =	simm.s32 $0x7180  }
0x1f8: {  	[hbm4b:s10+s3] =	stream.indirect_vreg.scatter [tilespmem:s23], [sflag:$0x3], $0x80, v7, vm7, $0xb8;
	[tilespmem:$0x12980] =	vst v63  }
0x1f9: {  	s24 =	simm.s32 $0x7980  }
0x1fa: {  	[hbm4b:s11+s3] =	stream.indirect_vreg.scatter [tilespmem:s24], [sflag:$0x3], $0x80, v7, vm7, $0xb8;
	[tilespmem:$0x12980] =	vst v63  }
0x1fb: {  	s25 =	simm.s32 $0x8180  }
0x1fc: {  	[hbm4b:s12+s3] =	stream.indirect_vreg.scatter [tilespmem:s25], [sflag:$0x3], $0x80, v7, vm7, $0xb8;
	[tilespmem:$0x12980] =	vst v63  }
0x1fd: {  	s28 =	simm.s32 $0x8980  }
0x1fe: {  	[hbm4b:s13+s3] =	stream.indirect_vreg.scatter [tilespmem:s28], [sflag:$0x3], $0x80, v7, vm7, $0xb8;
	[tilespmem:$0x12980] =	vst v63  }
0x1ff: {  	s26 =	simm.s32 $0x9180  }
0x200: {  	[hbm4b:s14+s3] =	stream.indirect_vreg.scatter [tilespmem:s26], [sflag:$0x3], $0x80, v7, vm7, $0xb8;
	[tilespmem:$0x12980] =	vst v63  }
0x201: {  	s29 =	simm.s32 $0x9980  }
0x202: {  	[hbm4b:s15+s3] =	stream.indirect_vreg.scatter [tilespmem:s29], [sflag:$0x3], $0x80, v7, vm7, $0xb8;
	[tilespmem:$0x12980] =	vst v63  }
0x203: {  	s29 =	simm.s32 $0xA180  }
0x204: {  	[hbm4b:s16+s3] =	stream.indirect_vreg.scatter [tilespmem:s29], [sflag:$0x3], $0x80, v7, vm7, $0xb8;
	[tilespmem:$0x12980] =	vst v63  }
0x205: {  	_ =	swait.ge [sflag:s0], $0x8000  }
0x206: {  	[sflag:s0] =	ssyncset.done $0x0  }
0x207: {  	s29 =	rddreg [dreg:$0x17];
	[sflag:s0] =	ssyncadd.s32 $0xFFFF8000  }
0x208: {  	[tilespmem:s30], [sflag:$0x1] =	stream.linear.gather [hbm4b:s29+s3], $0x8000, $0x38;
	[tilespmem:$0x12980] =	vst v63  }
0x209: {  	_ =	swait.ge [sflag:s6], $0x8000  }
0x20a: {  	[sflag:s6] =	ssyncset.done $0x0  }
0x20b: {  	[sflag:s6] =	ssyncadd.s32 $0xFFFF8000  }
0x20c: {  	v54 =	vld [tilespmem:$0x2680];
	_ =	sdelay $0x4  }
0x20d: {  	v55 =	vshll.u32 v54, $0x4  }
0x20e: {  	v7 =	vand.u32 $0x7, v54;
	v8 =	vand.u32 $0xFFFFFF80, v55  }
0x20f: {  	v7 =	vor.u32 v7, v8  }
0x210: {  	v8 =	vperm.xlane v7, v5;
	_ =	sdelay $0x1  }
0x211: {  	v8 =	vadd.s32 v4, v8;
	_ =	sdelay $0x4  }
0x212: {  	[hbm4b:s5+s3] =	stream.indirect_vreg.scatter [tilespmem:s31], [sflag:$0x4], $0x80, v8, vm7, $0xb8;
	[tilespmem:$0x12980] =	vst v63  }
0x213: {  	s29 =	simm.s32 $0xB180  }
0x214: {  	[hbm4b:s10+s3] =	stream.indirect_vreg.scatter [tilespmem:s29], [sflag:$0x4], $0x80, v8, vm7, $0xb8;
	[tilespmem:$0x12980] =	vst v63  }
0x215: {  	s29 =	simm.s32 $0xB980  }
0x216: {  	[hbm4b:s11+s3] =	stream.indirect_vreg.scatter [tilespmem:s29], [sflag:$0x4], $0x80, v8, vm7, $0xb8;
	[tilespmem:$0x12980] =	vst v63  }
0x217: {  	s29 =	simm.s32 $0xC180  }
0x218: {  	[hbm4b:s12+s3] =	stream.indirect_vreg.scatter [tilespmem:s29], [sflag:$0x4], $0x80, v8, vm7, $0xb8;
	[tilespmem:$0x12980] =	vst v63  }
0x219: {  	s29 =	simm.s32 $0xC980  }
0x21a: {  	[hbm4b:s13+s3] =	stream.indirect_vreg.scatter [tilespmem:s29], [sflag:$0x4], $0x80, v8, vm7, $0xb8;
	[tilespmem:$0x12980] =	vst v63  }
0x21b: {  	v7 =	vperm.xlane v7, v33;
	s29 =	simm.s32 $0xD180  }
0x21c: {  	[hbm4b:s14+s3] =	stream.indirect_vreg.scatter [tilespmem:s29], [sflag:$0x4], $0x80, v8, vm7, $0xb8;
	[tilespmem:$0x12980] =	vst v63  }
0x21d: {  	s1 =	simm.s32 $0xD980;
	v7 =	vadd.s32 v4, v7  }
0x21e: {  	[hbm4b:s15+s3] =	stream.indirect_vreg.scatter [tilespmem:s1], [sflag:$0x4], $0x80, v8, vm7, $0xb8;
	[tilespmem:$0x12980] =	vst v63  }
0x21f: {  	s2 =	simm.s32 $0xE180  }
0x220: {  	[hbm4b:s16+s3] =	stream.indirect_vreg.scatter [tilespmem:s2], [sflag:$0x4], $0x80, v8, vm7, $0xb8;
	[tilespmem:$0x12980] =	vst v63  }
0x221: {  	s2 =	simm.s32 $0xE980  }
0x222: {  	[hbm4b:s5+s3] =	stream.indirect_vreg.scatter [tilespmem:s2], [sflag:$0x4], $0x80, v7, vm7, $0xb8;
	[tilespmem:$0x12980] =	vst v63  }
0x223: {  	s29 =	simm.s32 $0xF180  }
0x224: {  	[hbm4b:s10+s3] =	stream.indirect_vreg.scatter [tilespmem:s29], [sflag:$0x4], $0x80, v7, vm7, $0xb8;
	[tilespmem:$0x12980] =	vst v63  }
0x225: {  	s2 =	simm.s32 $0xF980  }
0x226: {  	[hbm4b:s11+s3] =	stream.indirect_vreg.scatter [tilespmem:s2], [sflag:$0x4], $0x80, v7, vm7, $0xb8;
	[tilespmem:$0x12980] =	vst v63  }
0x227: {  	s29 =	simm.s32 $0x10180  }
0x228: {  	[hbm4b:s12+s3] =	stream.indirect_vreg.scatter [tilespmem:s29], [sflag:$0x4], $0x80, v7, vm7, $0xb8;
	[tilespmem:$0x12980] =	vst v63  }
0x229: {  	s2 =	simm.s32 $0x10980  }
0x22a: {  	[hbm4b:s13+s3] =	stream.indirect_vreg.scatter [tilespmem:s2], [sflag:$0x4], $0x80, v7, vm7, $0xb8;
	[tilespmem:$0x12980] =	vst v63  }
0x22b: {  	s29 =	simm.s32 $0x11180  }
0x22c: {  	[hbm4b:s14+s3] =	stream.indirect_vreg.scatter [tilespmem:s29], [sflag:$0x4], $0x80, v7, vm7, $0xb8;
	[tilespmem:$0x12980] =	vst v63  }
0x22d: {  	s2 =	simm.s32 $0x11980  }
0x22e: {  	[hbm4b:s15+s3] =	stream.indirect_vreg.scatter [tilespmem:s2], [sflag:$0x4], $0x80, v7, vm7, $0xb8;
	[tilespmem:$0x12980] =	vst v63  }
0x22f: {  	s29 =	simm.s32 $0x12180  }
0x230: {  	[hbm4b:s16+s3] =	stream.indirect_vreg.scatter [tilespmem:s29], [sflag:$0x4], $0x80, v7, vm7, $0xb8;
	[tilespmem:$0x12980] =	vst v63  }
0x231: {  	_ =	swait.ge [sflag:s17], $0x8000  }
0x232: {  	[sflag:s17] =	ssyncset.done $0x0  }
0x233: {  	s2 =	rddreg [dreg:$0x18];
	[sflag:s17] =	ssyncadd.s32 $0xFFFF8000  }
0x234: {  	[tilespmem:s31], [sflag:$0x2] =	stream.linear.gather [hbm4b:s2+s3], $0x8000, $0x38;
	[tilespmem:$0x12980] =	vst v63  }
0x235: {  	_ =	swait.ge [sflag:s8], $0x8000  }
0x236: {  	[sflag:s8] =	ssyncset.done $0x0  }
0x237: {  	[sflag:s8] =	ssyncadd.s32 $0xFFFF8000  }
0x238: {  	v56 =	vld [tilespmem:$0x2700];
	_ =	sdelay $0x4  }
0x239: {  	v57 =	vshll.u32 v56, $0x4  }
0x23a: {  	v7 =	vand.u32 $0x7, v56;
	v8 =	vand.u32 $0xFFFFFF80, v57  }
0x23b: {  	v7 =	vor.u32 v7, v8  }
0x23c: {  	v8 =	vperm.xlane v7, v5;
	_ =	sdelay $0x1  }
0x23d: {  	v8 =	vadd.s32 v4, v8;
	_ =	sdelay $0x4  }
0x23e: {  	[hbm4b:s5+s3] =	stream.indirect_vreg.scatter [tilespmem:s30], [sflag:$0x3], $0x80, v8, vm7, $0xb8;
	[tilespmem:$0x12980] =	vst v63  }
0x23f: {  	s18 =	simm.s32 $0x3180  }
0x240: {  	[hbm4b:s10+s3] =	stream.indirect_vreg.scatter [tilespmem:s18], [sflag:$0x3], $0x80, v8, vm7, $0xb8;
	[tilespmem:$0x12980] =	vst v63  }
0x241: {  	s4 =	simm.s32 $0x3980  }
0x242: {  	[hbm4b:s11+s3] =	stream.indirect_vreg.scatter [tilespmem:s4], [sflag:$0x3], $0x80, v8, vm7, $0xb8;
	[tilespmem:$0x12980] =	vst v63  }
0x243: {  	s7 =	simm.s32 $0x4180  }
0x244: {  	[hbm4b:s12+s3] =	stream.indirect_vreg.scatter [tilespmem:s7], [sflag:$0x3], $0x80, v8, vm7, $0xb8;
	[tilespmem:$0x12980] =	vst v63  }
0x245: {  	s19 =	simm.s32 $0x4980  }
0x246: {  	[hbm4b:s13+s3] =	stream.indirect_vreg.scatter [tilespmem:s19], [sflag:$0x3], $0x80, v8, vm7, $0xb8;
	[tilespmem:$0x12980] =	vst v63  }
0x247: {  	v7 =	vperm.xlane v7, v33;
	s19 =	simm.s32 $0x5180  }
0x248: {  	[hbm4b:s14+s3] =	stream.indirect_vreg.scatter [tilespmem:s19], [sflag:$0x3], $0x80, v8, vm7, $0xb8;
	[tilespmem:$0x12980] =	vst v63  }
0x249: {  	s20 =	simm.s32 $0x5980;
	v7 =	vadd.s32 v4, v7  }
0x24a: {  	[hbm4b:s15+s3] =	stream.indirect_vreg.scatter [tilespmem:s20], [sflag:$0x3], $0x80, v8, vm7, $0xb8;
	[tilespmem:$0x12980] =	vst v63  }
0x24b: {  	s21 =	simm.s32 $0x6180  }
0x24c: {  	[hbm4b:s16+s3] =	stream.indirect_vreg.scatter [tilespmem:s21], [sflag:$0x3], $0x80, v8, vm7, $0xb8;
	[tilespmem:$0x12980] =	vst v63  }
0x24d: {  	s22 =	simm.s32 $0x6980  }
0x24e: {  	[hbm4b:s5+s3] =	stream.indirect_vreg.scatter [tilespmem:s22], [sflag:$0x3], $0x80, v7, vm7, $0xb8;
	[tilespmem:$0x12980] =	vst v63  }
0x24f: {  	s23 =	simm.s32 $0x7180  }
0x250: {  	[hbm4b:s10+s3] =	stream.indirect_vreg.scatter [tilespmem:s23], [sflag:$0x3], $0x80, v7, vm7, $0xb8;
	[tilespmem:$0x12980] =	vst v63  }
0x251: {  	s24 =	simm.s32 $0x7980  }
0x252: {  	[hbm4b:s11+s3] =	stream.indirect_vreg.scatter [tilespmem:s24], [sflag:$0x3], $0x80, v7, vm7, $0xb8;
	[tilespmem:$0x12980] =	vst v63  }
0x253: {  	s25 =	simm.s32 $0x8180  }
0x254: {  	[hbm4b:s12+s3] =	stream.indirect_vreg.scatter [tilespmem:s25], [sflag:$0x3], $0x80, v7, vm7, $0xb8;
	[tilespmem:$0x12980] =	vst v63  }
0x255: {  	s28 =	simm.s32 $0x8980  }
0x256: {  	[hbm4b:s13+s3] =	stream.indirect_vreg.scatter [tilespmem:s28], [sflag:$0x3], $0x80, v7, vm7, $0xb8;
	[tilespmem:$0x12980] =	vst v63  }
0x257: {  	s26 =	simm.s32 $0x9180  }
0x258: {  	[hbm4b:s14+s3] =	stream.indirect_vreg.scatter [tilespmem:s26], [sflag:$0x3], $0x80, v7, vm7, $0xb8;
	[tilespmem:$0x12980] =	vst v63  }
0x259: {  	s25 =	simm.s32 $0x9980  }
0x25a: {  	[hbm4b:s15+s3] =	stream.indirect_vreg.scatter [tilespmem:s25], [sflag:$0x3], $0x80, v7, vm7, $0xb8;
	[tilespmem:$0x12980] =	vst v63  }
0x25b: {  	s26 =	simm.s32 $0xA180  }
0x25c: {  	[hbm4b:s16+s3] =	stream.indirect_vreg.scatter [tilespmem:s26], [sflag:$0x3], $0x80, v7, vm7, $0xb8;
	[tilespmem:$0x12980] =	vst v63  }
0x25d: {  	_ =	swait.ge [sflag:s0], $0x8000  }
0x25e: {  	[sflag:s0] =	ssyncset.done $0x0  }
0x25f: {  	s28 =	rddreg [dreg:$0x19];
	[sflag:s0] =	ssyncadd.s32 $0xFFFF8000  }
0x260: {  	[tilespmem:s30], [sflag:$0x1] =	stream.linear.gather [hbm4b:s28+s3], $0x8000, $0x38;
	[tilespmem:$0x12980] =	vst v63  }
0x261: {  	_ =	swait.ge [sflag:s6], $0x8000  }
0x262: {  	[sflag:s6] =	ssyncset.done $0x0  }
0x263: {  	[sflag:s6] =	ssyncadd.s32 $0xFFFF8000  }
0x264: {  	v58 =	vld [tilespmem:$0x2780];
	_ =	sdelay $0x4  }
0x265: {  	v59 =	vshll.u32 v58, $0x4  }
0x266: {  	v7 =	vand.u32 $0x7, v58;
	v8 =	vand.u32 $0xFFFFFF80, v59  }
0x267: {  	v7 =	vor.u32 v7, v8  }
0x268: {  	v8 =	vperm.xlane v7, v5;
	_ =	sdelay $0x1  }
0x269: {  	v8 =	vadd.s32 v4, v8;
	_ =	sdelay $0x4  }
0x26a: {  	[hbm4b:s5+s3] =	stream.indirect_vreg.scatter [tilespmem:s31], [sflag:$0x4], $0x80, v8, vm7, $0xb8;
	[tilespmem:$0x12980] =	vst v63  }
0x26b: {  	s1 =	simm.s32 $0xB180  }
0x26c: {  	[hbm4b:s10+s3] =	stream.indirect_vreg.scatter [tilespmem:s1], [sflag:$0x4], $0x80, v8, vm7, $0xb8;
	[tilespmem:$0x12980] =	vst v63  }
0x26d: {  	s2 =	simm.s32 $0xB980  }
0x26e: {  	[hbm4b:s11+s3] =	stream.indirect_vreg.scatter [tilespmem:s2], [sflag:$0x4], $0x80, v8, vm7, $0xb8;
	[tilespmem:$0x12980] =	vst v63  }
0x26f: {  	s4 =	simm.s32 $0xC180  }
0x270: {  	[hbm4b:s12+s3] =	stream.indirect_vreg.scatter [tilespmem:s4], [sflag:$0x4], $0x80, v8, vm7, $0xb8;
	[tilespmem:$0x12980] =	vst v63  }
0x271: {  	s28 =	simm.s32 $0xC980  }
0x272: {  	[hbm4b:s13+s3] =	stream.indirect_vreg.scatter [tilespmem:s28], [sflag:$0x4], $0x80, v8, vm7, $0xb8;
	[tilespmem:$0x12980] =	vst v63  }
0x273: {  	s29 =	simm.s32 $0xD180;
	v7 =	vperm.xlane v7, v33  }
0x274: {  	[hbm4b:s14+s3] =	stream.indirect_vreg.scatter [tilespmem:s29], [sflag:$0x4], $0x80, v8, vm7, $0xb8;
	[tilespmem:$0x12980] =	vst v63  }
0x275: {  	s7 =	simm.s32 $0xD980;
	v7 =	vadd.s32 v4, v7  }
0x276: {  	[hbm4b:s15+s3] =	stream.indirect_vreg.scatter [tilespmem:s7], [sflag:$0x4], $0x80, v8, vm7, $0xb8;
	[tilespmem:$0x12980] =	vst v63  }
0x277: {  	s18 =	simm.s32 $0xE180  }
0x278: {  	[hbm4b:s16+s3] =	stream.indirect_vreg.scatter [tilespmem:s18], [sflag:$0x4], $0x80, v8, vm7, $0xb8;
	[tilespmem:$0x12980] =	vst v63  }
0x279: {  	s19 =	simm.s32 $0xE980  }
0x27a: {  	[hbm4b:s5+s3] =	stream.indirect_vreg.scatter [tilespmem:s19], [sflag:$0x4], $0x80, v7, vm7, $0xb8;
	[tilespmem:$0x12980] =	vst v63  }
0x27b: {  	s20 =	simm.s32 $0xF180  }
0x27c: {  	[hbm4b:s10+s3] =	stream.indirect_vreg.scatter [tilespmem:s20], [sflag:$0x4], $0x80, v7, vm7, $0xb8;
	[tilespmem:$0x12980] =	vst v63  }
0x27d: {  	s21 =	simm.s32 $0xF980  }
0x27e: {  	[hbm4b:s11+s3] =	stream.indirect_vreg.scatter [tilespmem:s21], [sflag:$0x4], $0x80, v7, vm7, $0xb8;
	[tilespmem:$0x12980] =	vst v63  }
0x27f: {  	s22 =	simm.s32 $0x10180  }
0x280: {  	[hbm4b:s12+s3] =	stream.indirect_vreg.scatter [tilespmem:s22], [sflag:$0x4], $0x80, v7, vm7, $0xb8;
	[tilespmem:$0x12980] =	vst v63  }
0x281: {  	s23 =	simm.s32 $0x10980  }
0x282: {  	[hbm4b:s13+s3] =	stream.indirect_vreg.scatter [tilespmem:s23], [sflag:$0x4], $0x80, v7, vm7, $0xb8;
	[tilespmem:$0x12980] =	vst v63  }
0x283: {  	s24 =	simm.s32 $0x11180  }
0x284: {  	[hbm4b:s14+s3] =	stream.indirect_vreg.scatter [tilespmem:s24], [sflag:$0x4], $0x80, v7, vm7, $0xb8;
	[tilespmem:$0x12980] =	vst v63  }
0x285: {  	s25 =	simm.s32 $0x11980  }
0x286: {  	[hbm4b:s15+s3] =	stream.indirect_vreg.scatter [tilespmem:s25], [sflag:$0x4], $0x80, v7, vm7, $0xb8;
	[tilespmem:$0x12980] =	vst v63  }
0x287: {  	s26 =	simm.s32 $0x12180  }
0x288: {  	[hbm4b:s16+s3] =	stream.indirect_vreg.scatter [tilespmem:s26], [sflag:$0x4], $0x80, v7, vm7, $0xb8;
	[tilespmem:$0x12980] =	vst v63  }
0x289: {  	_ =	swait.ge [sflag:s17], $0x8000  }
0x28a: {  	[sflag:s17] =	ssyncset.done $0x0  }
0x28b: {  	s29 =	rddreg [dreg:$0x1a];
	[sflag:s17] =	ssyncadd.s32 $0xFFFF8000  }
0x28c: {  	[tilespmem:s31], [sflag:$0x2] =	stream.linear.gather [hbm4b:s29+s3], $0x8000, $0x38;
	[tilespmem:$0x12980] =	vst v63  }
0x28d: {  	_ =	swait.ge [sflag:s8], $0x8000  }
0x28e: {  	[sflag:s8] =	ssyncset.done $0x0  }
0x28f: {  	[sflag:s8] =	ssyncadd.s32 $0xFFFF8000  }
0x290: {  	v60 =	vld [tilespmem:$0x2800];
	_ =	sdelay $0x4  }
0x291: {  	v61 =	vshll.u32 v60, $0x4  }
0x292: {  	v7 =	vand.u32 $0x7, v60;
	v8 =	vand.u32 $0xFFFFFF80, v61  }
0x293: {  	v7 =	vor.u32 v7, v8  }
0x294: {  	v8 =	vperm.xlane v7, v5;
	_ =	sdelay $0x1  }
0x295: {  	v8 =	vadd.s32 v4, v8;
	_ =	sdelay $0x4  }
0x296: {  	[hbm4b:s5+s3] =	stream.indirect_vreg.scatter [tilespmem:s30], [sflag:$0x3], $0x80, v8, vm7, $0xb8;
	[tilespmem:$0x12980] =	vst v63  }
0x297: {  	s30 =	simm.s32 $0x3180  }
0x298: {  	[hbm4b:s10+s3] =	stream.indirect_vreg.scatter [tilespmem:s30], [sflag:$0x3], $0x80, v8, vm7, $0xb8;
	[tilespmem:$0x12980] =	vst v63  }
0x299: {  	s29 =	simm.s32 $0x3980  }
0x29a: {  	[hbm4b:s11+s3] =	stream.indirect_vreg.scatter [tilespmem:s29], [sflag:$0x3], $0x80, v8, vm7, $0xb8;
	[tilespmem:$0x12980] =	vst v63  }
0x29b: {  	s30 =	simm.s32 $0x4180  }
0x29c: {  	[hbm4b:s12+s3] =	stream.indirect_vreg.scatter [tilespmem:s30], [sflag:$0x3], $0x80, v8, vm7, $0xb8;
	[tilespmem:$0x12980] =	vst v63  }
0x29d: {  	s29 =	simm.s32 $0x4980  }
0x29e: {  	[hbm4b:s13+s3] =	stream.indirect_vreg.scatter [tilespmem:s29], [sflag:$0x3], $0x80, v8, vm7, $0xb8;
	[tilespmem:$0x12980] =	vst v63  }
0x29f: {  	v7 =	vperm.xlane v7, v33;
	s30 =	simm.s32 $0x5180  }
0x2a0: {  	[hbm4b:s14+s3] =	stream.indirect_vreg.scatter [tilespmem:s30], [sflag:$0x3], $0x80, v8, vm7, $0xb8;
	[tilespmem:$0x12980] =	vst v63  }
0x2a1: {  	v7 =	vadd.s32 v4, v7;
	s29 =	simm.s32 $0x5980  }
0x2a2: {  	[hbm4b:s15+s3] =	stream.indirect_vreg.scatter [tilespmem:s29], [sflag:$0x3], $0x80, v8, vm7, $0xb8;
	[tilespmem:$0x12980] =	vst v63  }
0x2a3: {  	s30 =	simm.s32 $0x6180  }
0x2a4: {  	[hbm4b:s16+s3] =	stream.indirect_vreg.scatter [tilespmem:s30], [sflag:$0x3], $0x80, v8, vm7, $0xb8;
	[tilespmem:$0x12980] =	vst v63  }
0x2a5: {  	s29 =	simm.s32 $0x6980  }
0x2a6: {  	[hbm4b:s5+s3] =	stream.indirect_vreg.scatter [tilespmem:s29], [sflag:$0x3], $0x80, v7, vm7, $0xb8;
	[tilespmem:$0x12980] =	vst v63  }
0x2a7: {  	s30 =	simm.s32 $0x7180  }
0x2a8: {  	[hbm4b:s10+s3] =	stream.indirect_vreg.scatter [tilespmem:s30], [sflag:$0x3], $0x80, v7, vm7, $0xb8;
	[tilespmem:$0x12980] =	vst v63  }
0x2a9: {  	s29 =	simm.s32 $0x7980  }
0x2aa: {  	[hbm4b:s11+s3] =	stream.indirect_vreg.scatter [tilespmem:s29], [sflag:$0x3], $0x80, v7, vm7, $0xb8;
	[tilespmem:$0x12980] =	vst v63  }
0x2ab: {  	s30 =	simm.s32 $0x8180  }
0x2ac: {  	[hbm4b:s12+s3] =	stream.indirect_vreg.scatter [tilespmem:s30], [sflag:$0x3], $0x80, v7, vm7, $0xb8;
	[tilespmem:$0x12980] =	vst v63  }
0x2ad: {  	s29 =	simm.s32 $0x8980  }
0x2ae: {  	[hbm4b:s13+s3] =	stream.indirect_vreg.scatter [tilespmem:s29], [sflag:$0x3], $0x80, v7, vm7, $0xb8;
	[tilespmem:$0x12980] =	vst v63  }
0x2af: {  	s30 =	simm.s32 $0x9180  }
0x2b0: {  	[hbm4b:s14+s3] =	stream.indirect_vreg.scatter [tilespmem:s30], [sflag:$0x3], $0x80, v7, vm7, $0xb8;
	[tilespmem:$0x12980] =	vst v63  }
0x2b1: {  	s29 =	simm.s32 $0x9980  }
0x2b2: {  	[hbm4b:s15+s3] =	stream.indirect_vreg.scatter [tilespmem:s29], [sflag:$0x3], $0x80, v7, vm7, $0xb8;
	[tilespmem:$0x12980] =	vst v63  }
0x2b3: {  	s30 =	simm.s32 $0xA180  }
0x2b4: {  	[hbm4b:s16+s3] =	stream.indirect_vreg.scatter [tilespmem:s30], [sflag:$0x3], $0x80, v7, vm7, $0xb8;
	[tilespmem:$0x12980] =	vst v63  }
0x2b5: {  	_ =	swait.ge [sflag:s6], $0x8000  }
0x2b6: {  	[sflag:s6] =	ssyncset.done $0x0  }
0x2b7: {  	[sflag:s6] =	ssyncadd.s32 $0xFFFF8000  }
0x2b8: {  	v62 =	vld [tilespmem:$0x2880];
	_ =	sdelay $0x4  }
0x2b9: {  	v63 =	vshll.u32 v62, $0x4  }
0x2ba: {  	v7 =	vand.u32 $0x7, v62;
	v8 =	vand.u32 $0xFFFFFF80, v63  }
0x2bb: {  	v7 =	vor.u32 v7, v8  }
0x2bc: {  	v5 =	vperm.xlane v7, v5;
	_ =	sdelay $0x1  }
0x2bd: {  	v5 =	vadd.s32 v4, v5;
	_ =	sdelay $0x4  }
0x2be: {  	[hbm4b:s5+s3] =	stream.indirect_vreg.scatter [tilespmem:s31], [sflag:$0x4], $0x80, v5, vm7, $0xb8;
	[tilespmem:$0x12980] =	vst v63  }
0x2bf: {  	_ = 	snop  }
0x2c0: {  	[hbm4b:s10+s3] =	stream.indirect_vreg.scatter [tilespmem:s1], [sflag:$0x4], $0x80, v5, vm7, $0xb8;
	[tilespmem:$0x12980] =	vst v63  }
0x2c1: {  	_ = 	snop  }
0x2c2: {  	[hbm4b:s11+s3] =	stream.indirect_vreg.scatter [tilespmem:s2], [sflag:$0x4], $0x80, v5, vm7, $0xb8;
	[tilespmem:$0x12980] =	vst v63  }
0x2c3: {  	_ = 	snop  }
0x2c4: {  	[hbm4b:s12+s3] =	stream.indirect_vreg.scatter [tilespmem:s4], [sflag:$0x4], $0x80, v5, vm7, $0xb8;
	[tilespmem:$0x12980] =	vst v63  }
0x2c5: {  	_ = 	snop  }
0x2c6: {  	[hbm4b:s13+s3] =	stream.indirect_vreg.scatter [tilespmem:s28], [sflag:$0x4], $0x80, v5, vm7, $0xb8;
	[tilespmem:$0x12980] =	vst v63  }
0x2c7: {  	s29 =	simm.s32 $0xD180;
	v6 =	vperm.xlane v7, v33  }
0x2c8: {  	[hbm4b:s14+s3] =	stream.indirect_vreg.scatter [tilespmem:s29], [sflag:$0x4], $0x80, v5, vm7, $0xb8;
	[tilespmem:$0x12980] =	vst v63  }
0x2c9: {  	v4 =	vadd.s32 v4, v6  }
0x2ca: {  	[hbm4b:s15+s3] =	stream.indirect_vreg.scatter [tilespmem:s7], [sflag:$0x4], $0x80, v5, vm7, $0xb8;
	[tilespmem:$0x12980] =	vst v63  }
0x2cb: {  	_ = 	snop  }
0x2cc: {  	[hbm4b:s16+s3] =	stream.indirect_vreg.scatter [tilespmem:s18], [sflag:$0x4], $0x80, v5, vm7, $0xb8;
	[tilespmem:$0x12980] =	vst v63  }
0x2cd: {  	_ = 	snop  }
0x2ce: {  	[hbm4b:s5+s3] =	stream.indirect_vreg.scatter [tilespmem:s19], [sflag:$0x4], $0x80, v4, vm7, $0xb8;
	[tilespmem:$0x12980] =	vst v63  }
0x2cf: {  	_ = 	snop  }
0x2d0: {  	[hbm4b:s10+s3] =	stream.indirect_vreg.scatter [tilespmem:s20], [sflag:$0x4], $0x80, v4, vm7, $0xb8;
	[tilespmem:$0x12980] =	vst v63  }
0x2d1: {  	_ = 	snop  }
0x2d2: {  	[hbm4b:s11+s3] =	stream.indirect_vreg.scatter [tilespmem:s21], [sflag:$0x4], $0x80, v4, vm7, $0xb8;
	[tilespmem:$0x12980] =	vst v63  }
0x2d3: {  	_ = 	snop  }
0x2d4: {  	[hbm4b:s12+s3] =	stream.indirect_vreg.scatter [tilespmem:s22], [sflag:$0x4], $0x80, v4, vm7, $0xb8;
	[tilespmem:$0x12980] =	vst v63  }
0x2d5: {  	_ = 	snop  }
0x2d6: {  	[hbm4b:s13+s3] =	stream.indirect_vreg.scatter [tilespmem:s23], [sflag:$0x4], $0x80, v4, vm7, $0xb8;
	[tilespmem:$0x12980] =	vst v63  }
0x2d7: {  	_ = 	snop  }
0x2d8: {  	[hbm4b:s14+s3] =	stream.indirect_vreg.scatter [tilespmem:s24], [sflag:$0x4], $0x80, v4, vm7, $0xb8;
	[tilespmem:$0x12980] =	vst v63  }
0x2d9: {  	_ = 	snop  }
0x2da: {  	[hbm4b:s15+s3] =	stream.indirect_vreg.scatter [tilespmem:s25], [sflag:$0x4], $0x80, v4, vm7, $0xb8;
	[tilespmem:$0x12980] =	vst v63  }
0x2db: {  	_ = 	snop  }
0x2dc: {  	[hbm4b:s16+s3] =	stream.indirect_vreg.scatter [tilespmem:s26], [sflag:$0x4], $0x80, v4, vm7, $0xb8;
	[tilespmem:$0x12980] =	vst v63  }
0x2dd: {  	_ =	swait.ge [sflag:s0], $0x8000  }
0x2de: {  	[sflag:s0] =	ssyncset.done $0x0  }
0x2df: {  	[sflag:s0] =	ssyncadd.s32 $0xFFFF8000  }
0x2e0: {  	_ =	swait.ge [sflag:s17], $0x8000  }
0x2e1: {  	s30 =	rddreg [dreg:$0x1c]  }
0x2e2: {  	s31 =	rddreg [dreg:$0xe];
	s2 =	sadd.s32 $0x1, s30  }
0x2e3: {  	p2 =	sne.s32 s2, s31  }
.Ltmp1:
0x2e4: {  	_ = 	snop;
	(pc) =	sbr.rel @!p2 .LBB2_10-.Ltmp1, $3  }
0x2e5: {  	_ =	sdelay $0x1  }
0x2e6: {  	[sflag:s17] =	ssyncset.done $0x0  }
0x2e7: {  	s0 =	simm.s32 $0x5;
	[sflag:s17] =	ssyncadd.s32 $0xFFFF8000  }
.LBB2_1:
0x2e8: {  	s29 =	rddreg [dreg:$0x0]  }
0x2e9: {  	[tilespmem:s3], [sflag:$0x5] =	stream.linear.gather [hbm4b:s29+s3], $0x2000, $0x38;
	[tilespmem:$0x12980] =	vst v63  }
.Ltmp2:
0x2ea: {  	_ = 	snop;
	(pc) =	sbr.rel @p0 .LBB2_5-.Ltmp2, $4  }
0x2eb: {  	_ =	swait.ge [sflag:s0], $0x2000  }
0x2ec: {  	[sflag:s0] =	ssyncset.done $0x0  }
0x2ed: {  	[sflag:s0] =	ssyncadd.s32 $0xFFFFE000  }
0x2ee: {  	[tilespmem:$0x2000] =	vst v0  }
0x2ef: {  	s29 =	rddreg [dreg:$0xf]  }
0x2f0: {  	p2 =	sne.s32 s29, $0x1  }
.Ltmp3:
0x2f1: {  	_ = 	snop;
	(pc) =	sbr.rel @!p2 .LBB2_4-.Ltmp3, $2  }
0x2f2: {  	_ =	sdelay $0x2  }
0x2f3: {  	v4 =	vld [tilespmem:s3+$0x0];
	s30 =	simm.s32 $0x0;
	s29 =	sadd.s32 $0xFFFFFFFF, s29  }
.LBB2_3:
0x2f4: {  	p2 =	sne.s32 s29, $0x1;
	_ =	sdelay $0x3  }
.Ltmp4:
0x2f5: {  	(pc) =	sbr.rel @p2 .LBB2_3-.Ltmp4, $3  }
0x2f6: {  	_ =	sdelay $0x1  }
0x2f7: {  	s30 =	sadd.s32 $0x10, s30;
	[tilespmem:v4+s9+$0x0] =	vst.idx.add.s32.msk $0xffff, v2  }
0x2f8: {  	s29 =	sadd.s32 $0xFFFFFFFF, s29;
	v4 =	vld [tilespmem:s30+$0x0]  }
.LBB2_4:
0x2f9: {  	_ =	sdelay $0x7  }
0x2fa: {  	[tilespmem:v4+s9+$0x0] =	vst.idx.add.s32.msk $0xffff, v2  }
.LBB2_5:
0x2fb: {  	s29 =	rddreg [dreg:$0x10]  }
0x2fc: {  	p2 =	sne.s32 s29, $0x1  }
.Ltmp5:
0x2fd: {  	_ = 	snop;
	(pc) =	sbr.rel @!p2 .LBB2_7-.Ltmp5, $3  }
0x2fe: {  	_ =	sdelay $0x1  }
0x2ff: {  	v5 =	vld [tilespmem:$0x2000];
	s30 =	rddreg [dreg:$0x11]  }
0x300: {  	v4 =	vld [tilespmem:s30+$0x0];
	s29 =	sadd.s32 $0xFFFFFFFF, s29  }
.LBB2_6:
0x301: {  	p2 =	sne.s32 s29, $0x1;
	_ =	sdelay $0x3  }
.Ltmp6:
0x302: {  	(pc) =	sbr.rel @p2 .LBB2_6-.Ltmp6, $3  }
0x303: {  	_ =	sdelay $0x1  }
0x304: {  	s30 =	sadd.s32 $0x10, s30;
	[tilespmem:v4+s9+$0x0] =	vst.idx.add.s32.msk $0xffff, v2  }
0x305: {  	s29 =	sadd.s32 $0xFFFFFFFF, s29;
	v4 =	vld [tilespmem:s30+$0x0]  }
.LBB2_7:
0x306: {  	_ =	sdelay $0x7  }
0x307: {  	[tilespmem:v4+s9+$0x0] =	vst.idx.add.s32.msk $0xffff, v2  }
0x308: {  	v4 =	vld [tilespmem:$0x2000];
	_ =	sdelay $0x4  }
0x309: {  	v4 =	vadd.s32 $0xFF, v4  }
0x30a: {  	v6 =	vand.u32 $0xFFFFFF00, v4  }
0x30b: {  	(xrf0) =	vadd.scan.msk.s32 $0xffff, v6;
	_ =	sdelay $0x5  }
0x30c: {  	v5 =	vsub.s32 v5, v6;
	v4, _, _ =	vpop (xrf0)  }
0x30d: {  	v5 =	vadd.s32 v4, v5  }
0x30e: {  	s0 =	rddreg [dreg:$0x1b];
	[tilespmem:$0x2080] =	vst v5  }
0x30f: {  	v5 =	vld [tilespmem:s0+$0x0];
	_ =	sdelay $0x4  }
0x310: {  	vm7 =	veq.s32 v5, $0x0  }
0x311: {  	vm8 =	veq.s32 v5, $0x1;
	v6 =	vsel vm7, $0x1, v0  }
0x312: {  	vm9 =	veq.s32 v5, $0x2;
	(xrf0) =	vadd.scan.msk.s32 $0xffff, v6;
	v6 =	vsel vm8, $0x1, v0  }
0x313: {  	vm10 =	veq.s32 v5, $0x3;
	(xrf0) =	vadd.scan.msk.s32 $0xffff, v6;
	v6 =	vsel vm9, $0x1, v0  }
0x314: {  	vm11 =	veq.s32 v5, $0x4;
	(xrf0) =	vadd.scan.msk.s32 $0xffff, v6;
	v6 =	vsel vm10, $0x1, v0  }
0x315: {  	vm12 =	veq.s32 v5, $0x5;
	(xrf0) =	vadd.scan.msk.s32 $0xffff, v6;
	v6 =	vsel vm11, $0x1, v0  }
0x316: {  	vm13 =	veq.s32 v5, $0x6;
	(xrf0) =	vadd.scan.msk.s32 $0xffff, v6;
	v6 =	vsel vm12, $0x1, v0  }
0x317: {  	vm14 =	veq.s32 v5, $0x7;
	(xrf0) =	vadd.scan.msk.s32 $0xffff, v6;
	v6 =	vsel vm13, $0x1, v0  }
0x318: {  	v7, _, _ =	vpop (xrf0);
	(xrf0) =	vadd.scan.msk.s32 $0xffff, v6;
	v6 =	vsel vm14, $0x1, v0  }
0x319: {  	v7 =	vadd.s32 $0xFFFFFFFF, v7;
	v8, _, _ =	vpop (xrf0);
	(xrf0) =	vadd.scan.msk.s32 $0xffff, v6  }
0x31a: {  	v6 =	vnsel vm7, $0x0, v7;
	v7 =	vadd.s32 $0xFFFFFFFF, v8;
	v42, _, _ =	vpop (xrf0)  }
0x31b: {  	v6 =	vsel vm8, v7, v6;
	v7 =	vadd.s32 $0xFFFFFFFF, v42;
	v43, _, _ =	vpop (xrf0)  }
0x31c: {  	s1 =	simm.s32 $0x2080;
	v6 =	vsel vm9, v7, v6;
	v7 =	vadd.s32 $0xFFFFFFFF, v43;
	v44, _, _ =	vpop (xrf0)  }
0x31d: {  	v9 =	vld.idx.msk [tilespmem:v5+s1+$0x0], $0xffff;
	v6 =	vsel vm10, v7, v6;
	v7 =	vadd.s32 $0xFFFFFFFF, v44;
	v45, _, _ =	vpop (xrf0)  }
0x31e: {  	v6 =	vsel vm11, v7, v6;
	v7 =	vadd.s32 $0xFFFFFFFF, v45;
	v46, _, _ =	vpop (xrf0)  }
0x31f: {  	v6 =	vsel vm12, v7, v6;
	v7 =	vadd.s32 $0xFFFFFFFF, v46;
	v47, _, _ =	vpop (xrf0)  }
0x320: {  	v6 =	vsel vm13, v7, v6;
	v7 =	vadd.s32 $0xFFFFFFFF, v47  }
0x321: {  	v6 =	vsel vm14, v7, v6  }
0x322: {  	[tilespmem:v5+s1+$0x0] =	vst.idx.add.s32.msk $0xffff, v2;
	v5 =	vadd.s32 v9, v6  }
0x323: {  	[tilespmem:$0x2100] =	vst v5  }
0x324: {  	v5 =	vld [tilespmem:s0+$0x10];
	_ =	sdelay $0x4  }
0x325: {  	vm7 =	veq.s32 v5, $0x0  }
0x326: {  	vm8 =	veq.s32 v5, $0x1;
	v6 =	vsel vm7, $0x1, v0  }
0x327: {  	vm9 =	veq.s32 v5, $0x2;
	(xrf0) =	vadd.scan.msk.s32 $0xffff, v6;
	v6 =	vsel vm8, $0x1, v0  }
0x328: {  	vm10 =	veq.s32 v5, $0x3;
	(xrf0) =	vadd.scan.msk.s32 $0xffff, v6;
	v6 =	vsel vm9, $0x1, v0  }
0x329: {  	vm11 =	veq.s32 v5, $0x4;
	(xrf0) =	vadd.scan.msk.s32 $0xffff, v6;
	v6 =	vsel vm10, $0x1, v0  }
0x32a: {  	vm12 =	veq.s32 v5, $0x5;
	(xrf0) =	vadd.scan.msk.s32 $0xffff, v6;
	v6 =	vsel vm11, $0x1, v0  }
0x32b: {  	vm13 =	veq.s32 v5, $0x6;
	(xrf0) =	vadd.scan.msk.s32 $0xffff, v6;
	v6 =	vsel vm12, $0x1, v0  }
0x32c: {  	vm14 =	veq.s32 v5, $0x7;
	(xrf0) =	vadd.scan.msk.s32 $0xffff, v6;
	v6 =	vsel vm13, $0x1, v0  }
0x32d: {  	v7, _, _ =	vpop (xrf0);
	(xrf0) =	vadd.scan.msk.s32 $0xffff, v6;
	v6 =	vsel vm14, $0x1, v0  }
0x32e: {  	v7 =	vadd.s32 $0xFFFFFFFF, v7;
	v48, _, _ =	vpop (xrf0);
	(xrf0) =	vadd.scan.msk.s32 $0xffff, v6  }
0x32f: {  	v6 =	vnsel vm7, $0x0, v7;
	v7 =	vadd.s32 $0xFFFFFFFF, v48;
	v49, _, _ =	vpop (xrf0)  }
0x330: {  	v6 =	vsel vm8, v7, v6;
	v7 =	vadd.s32 $0xFFFFFFFF, v49;
	v50, _, _ =	vpop (xrf0)  }
0x331: {  	v6 =	vsel vm9, v7, v6;
	v7 =	vadd.s32 $0xFFFFFFFF, v50;
	v51, _, _ =	vpop (xrf0)  }
0x332: {  	v52 =	vld.idx.msk [tilespmem:v5+s1+$0x0], $0xffff;
	v6 =	vsel vm10, v7, v6;
	v7 =	vadd.s32 $0xFFFFFFFF, v51;
	v53, _, _ =	vpop (xrf0)  }
0x333: {  	v6 =	vsel vm11, v7, v6;
	v7 =	vadd.s32 $0xFFFFFFFF, v53;
	v54, _, _ =	vpop (xrf0)  }
0x334: {  	v6 =	vsel vm12, v7, v6;
	v7 =	vadd.s32 $0xFFFFFFFF, v54;
	v55, _, _ =	vpop (xrf0)  }
0x335: {  	v6 =	vsel vm13, v7, v6;
	v7 =	vadd.s32 $0xFFFFFFFF, v55  }
0x336: {  	v6 =	vsel vm14, v7, v6  }
0x337: {  	[tilespmem:v5+s1+$0x0] =	vst.idx.add.s32.msk $0xffff, v2;
	v5 =	vadd.s32 v52, v6  }
0x338: {  	[tilespmem:$0x2180] =	vst v5  }
0x339: {  	v5 =	vld [tilespmem:s0+$0x20];
	_ =	sdelay $0x4  }
0x33a: {  	vm7 =	veq.s32 v5, $0x0  }
0x33b: {  	vm8 =	veq.s32 v5, $0x1;
	v6 =	vsel vm7, $0x1, v0  }
0x33c: {  	vm9 =	veq.s32 v5, $0x2;
	(xrf0) =	vadd.scan.msk.s32 $0xffff, v6;
	v6 =	vsel vm8, $0x1, v0  }
0x33d: {  	vm10 =	veq.s32 v5, $0x3;
	(xrf0) =	vadd.scan.msk.s32 $0xffff, v6;
	v6 =	vsel vm9, $0x1, v0  }
0x33e: {  	vm11 =	veq.s32 v5, $0x4;
	(xrf0) =	vadd.scan.msk.s32 $0xffff, v6;
	v6 =	vsel vm10, $0x1, v0  }
0x33f: {  	vm12 =	veq.s32 v5, $0x5;
	(xrf0) =	vadd.scan.msk.s32 $0xffff, v6;
	v6 =	vsel vm11, $0x1, v0  }
0x340: {  	vm13 =	veq.s32 v5, $0x6;
	(xrf0) =	vadd.scan.msk.s32 $0xffff, v6;
	v6 =	vsel vm12, $0x1, v0  }
0x341: {  	vm14 =	veq.s32 v5, $0x7;
	(xrf0) =	vadd.scan.msk.s32 $0xffff, v6;
	v6 =	vsel vm13, $0x1, v0  }
0x342: {  	v7, _, _ =	vpop (xrf0);
	(xrf0) =	vadd.scan.msk.s32 $0xffff, v6;
	v6 =	vsel vm14, $0x1, v0  }
0x343: {  	v7 =	vadd.s32 $0xFFFFFFFF, v7;
	v56, _, _ =	vpop (xrf0);
	(xrf0) =	vadd.scan.msk.s32 $0xffff, v6  }
0x344: {  	v6 =	vnsel vm7, $0x0, v7;
	v7 =	vadd.s32 $0xFFFFFFFF, v56;
	v57, _, _ =	vpop (xrf0)  }
0x345: {  	v6 =	vsel vm8, v7, v6;
	v7 =	vadd.s32 $0xFFFFFFFF, v57;
	v58, _, _ =	vpop (xrf0)  }
0x346: {  	v6 =	vsel vm9, v7, v6;
	v7 =	vadd.s32 $0xFFFFFFFF, v58;
	v59, _, _ =	vpop (xrf0)  }
0x347: {  	v60 =	vld.idx.msk [tilespmem:v5+s1+$0x0], $0xffff;
	v6 =	vsel vm10, v7, v6;
	v7 =	vadd.s32 $0xFFFFFFFF, v59;
	v61, _, _ =	vpop (xrf0)  }
0x348: {  	v6 =	vsel vm11, v7, v6;
	v7 =	vadd.s32 $0xFFFFFFFF, v61;
	v62, _, _ =	vpop (xrf0)  }
0x349: {  	v6 =	vsel vm12, v7, v6;
	v7 =	vadd.s32 $0xFFFFFFFF, v62;
	v63, _, _ =	vpop (xrf0)  }
0x34a: {  	v6 =	vsel vm13, v7, v6;
	v7 =	vadd.s32 $0xFFFFFFFF, v63  }
0x34b: {  	v6 =	vsel vm14, v7, v6  }
0x34c: {  	[tilespmem:v5+s1+$0x0] =	vst.idx.add.s32.msk $0xffff, v2;
	v5 =	vadd.s32 v60, v6  }
0x34d: {  	[tilespmem:$0x2200] =	vst v5  }
0x34e: {  	v5 =	vld [tilespmem:s0+$0x30];
	_ =	sdelay $0x4  }
0x34f: {  	vm7 =	veq.s32 v5, $0x0  }
0x350: {  	vm8 =	veq.s32 v5, $0x1;
	v6 =	vsel vm7, $0x1, v0  }
0x351: {  	vm9 =	veq.s32 v5, $0x2;
	(xrf0) =	vadd.scan.msk.s32 $0xffff, v6;
	v6 =	vsel vm8, $0x1, v0  }
0x352: {  	vm10 =	veq.s32 v5, $0x3;
	(xrf0) =	vadd.scan.msk.s32 $0xffff, v6;
	v6 =	vsel vm9, $0x1, v0  }
0x353: {  	vm11 =	veq.s32 v5, $0x4;
	(xrf0) =	vadd.scan.msk.s32 $0xffff, v6;
	v6 =	vsel vm10, $0x1, v0  }
0x354: {  	vm12 =	veq.s32 v5, $0x5;
	(xrf0) =	vadd.scan.msk.s32 $0xffff, v6;
	v6 =	vsel vm11, $0x1, v0  }
0x355: {  	vm13 =	veq.s32 v5, $0x6;
	(xrf0) =	vadd.scan.msk.s32 $0xffff, v6;
	v6 =	vsel vm12, $0x1, v0  }
0x356: {  	vm14 =	veq.s32 v5, $0x7;
	(xrf0) =	vadd.scan.msk.s32 $0xffff, v6;
	v6 =	vsel vm13, $0x1, v0  }
0x357: {  	v7, _, _ =	vpop (xrf0);
	(xrf0) =	vadd.scan.msk.s32 $0xffff, v6;
	v6 =	vsel vm14, $0x1, v0  }
0x358: {  	v7 =	vadd.s32 $0xFFFFFFFF, v7;
	v12, _, _ =	vpop (xrf0);
	(xrf0) =	vadd.scan.msk.s32 $0xffff, v6  }
0x359: {  	v6 =	vnsel vm7, $0x0, v7;
	v7 =	vadd.s32 $0xFFFFFFFF, v12;
	v13, _, _ =	vpop (xrf0)  }
0x35a: {  	v6 =	vsel vm8, v7, v6;
	v7 =	vadd.s32 $0xFFFFFFFF, v13;
	v14, _, _ =	vpop (xrf0)  }
0x35b: {  	v6 =	vsel vm9, v7, v6;
	v7 =	vadd.s32 $0xFFFFFFFF, v14;
	v15, _, _ =	vpop (xrf0)  }
0x35c: {  	v16 =	vld.idx.msk [tilespmem:v5+s1+$0x0], $0xffff;
	v6 =	vsel vm10, v7, v6;
	v7 =	vadd.s32 $0xFFFFFFFF, v15;
	v17, _, _ =	vpop (xrf0)  }
0x35d: {  	v6 =	vsel vm11, v7, v6;
	v7 =	vadd.s32 $0xFFFFFFFF, v17;
	v18, _, _ =	vpop (xrf0)  }
0x35e: {  	v6 =	vsel vm12, v7, v6;
	v7 =	vadd.s32 $0xFFFFFFFF, v18;
	v19, _, _ =	vpop (xrf0)  }
0x35f: {  	v6 =	vsel vm13, v7, v6;
	v7 =	vadd.s32 $0xFFFFFFFF, v19  }
0x360: {  	v6 =	vsel vm14, v7, v6  }
0x361: {  	[tilespmem:v5+s1+$0x0] =	vst.idx.add.s32.msk $0xffff, v2;
	v5 =	vadd.s32 v16, v6  }
0x362: {  	[tilespmem:$0x2280] =	vst v5  }
0x363: {  	v5 =	vld [tilespmem:s0+$0x40];
	_ =	sdelay $0x4  }
0x364: {  	vm7 =	veq.s32 v5, $0x0  }
0x365: {  	vm8 =	veq.s32 v5, $0x1;
	v6 =	vsel vm7, $0x1, v0  }
0x366: {  	vm9 =	veq.s32 v5, $0x2;
	(xrf0) =	vadd.scan.msk.s32 $0xffff, v6;
	v6 =	vsel vm8, $0x1, v0  }
0x367: {  	vm10 =	veq.s32 v5, $0x3;
	(xrf0) =	vadd.scan.msk.s32 $0xffff, v6;
	v6 =	vsel vm9, $0x1, v0  }
0x368: {  	vm11 =	veq.s32 v5, $0x4;
	(xrf0) =	vadd.scan.msk.s32 $0xffff, v6;
	v6 =	vsel vm10, $0x1, v0  }
0x369: {  	vm12 =	veq.s32 v5, $0x5;
	(xrf0) =	vadd.scan.msk.s32 $0xffff, v6;
	v6 =	vsel vm11, $0x1, v0  }
0x36a: {  	vm13 =	veq.s32 v5, $0x6;
	(xrf0) =	vadd.scan.msk.s32 $0xffff, v6;
	v6 =	vsel vm12, $0x1, v0  }
0x36b: {  	vm14 =	veq.s32 v5, $0x7;
	(xrf0) =	vadd.scan.msk.s32 $0xffff, v6;
	v6 =	vsel vm13, $0x1, v0  }
0x36c: {  	v7, _, _ =	vpop (xrf0);
	(xrf0) =	vadd.scan.msk.s32 $0xffff, v6;
	v6 =	vsel vm14, $0x1, v0  }
0x36d: {  	v7 =	vadd.s32 $0xFFFFFFFF, v7;
	v20, _, _ =	vpop (xrf0);
	(xrf0) =	vadd.scan.msk.s32 $0xffff, v6  }
0x36e: {  	v6 =	vnsel vm7, $0x0, v7;
	v7 =	vadd.s32 $0xFFFFFFFF, v20;
	v21, _, _ =	vpop (xrf0)  }
0x36f: {  	v6 =	vsel vm8, v7, v6;
	v7 =	vadd.s32 $0xFFFFFFFF, v21;
	v22, _, _ =	vpop (xrf0)  }
0x370: {  	v6 =	vsel vm9, v7, v6;
	v7 =	vadd.s32 $0xFFFFFFFF, v22;
	v23, _, _ =	vpop (xrf0)  }
0x371: {  	v24 =	vld.idx.msk [tilespmem:v5+s1+$0x0], $0xffff;
	v6 =	vsel vm10, v7, v6;
	v7 =	vadd.s32 $0xFFFFFFFF, v23;
	v25, _, _ =	vpop (xrf0)  }
0x372: {  	v6 =	vsel vm11, v7, v6;
	v7 =	vadd.s32 $0xFFFFFFFF, v25;
	v26, _, _ =	vpop (xrf0)  }
0x373: {  	v6 =	vsel vm12, v7, v6;
	v7 =	vadd.s32 $0xFFFFFFFF, v26;
	v27, _, _ =	vpop (xrf0)  }
0x374: {  	v6 =	vsel vm13, v7, v6;
	v7 =	vadd.s32 $0xFFFFFFFF, v27  }
0x375: {  	v6 =	vsel vm14, v7, v6  }
0x376: {  	[tilespmem:v5+s1+$0x0] =	vst.idx.add.s32.msk $0xffff, v2;
	v5 =	vadd.s32 v24, v6  }
0x377: {  	[tilespmem:$0x2300] =	vst v5  }
0x378: {  	v5 =	vld [tilespmem:s0+$0x50];
	_ =	sdelay $0x4  }
0x379: {  	vm7 =	veq.s32 v5, $0x0  }
0x37a: {  	vm8 =	veq.s32 v5, $0x1;
	v6 =	vsel vm7, $0x1, v0  }
0x37b: {  	vm9 =	veq.s32 v5, $0x2;
	(xrf0) =	vadd.scan.msk.s32 $0xffff, v6;
	v6 =	vsel vm8, $0x1, v0  }
0x37c: {  	vm10 =	veq.s32 v5, $0x3;
	(xrf0) =	vadd.scan.msk.s32 $0xffff, v6;
	v6 =	vsel vm9, $0x1, v0  }
0x37d: {  	vm11 =	veq.s32 v5, $0x4;
	(xrf0) =	vadd.scan.msk.s32 $0xffff, v6;
	v6 =	vsel vm10, $0x1, v0  }
0x37e: {  	vm12 =	veq.s32 v5, $0x5;
	(xrf0) =	vadd.scan.msk.s32 $0xffff, v6;
	v6 =	vsel vm11, $0x1, v0  }
0x37f: {  	vm13 =	veq.s32 v5, $0x6;
	(xrf0) =	vadd.scan.msk.s32 $0xffff, v6;
	v6 =	vsel vm12, $0x1, v0  }
0x380: {  	vm14 =	veq.s32 v5, $0x7;
	(xrf0) =	vadd.scan.msk.s32 $0xffff, v6;
	v6 =	vsel vm13, $0x1, v0  }
0x381: {  	v7, _, _ =	vpop (xrf0);
	(xrf0) =	vadd.scan.msk.s32 $0xffff, v6;
	v6 =	vsel vm14, $0x1, v0  }
0x382: {  	v7 =	vadd.s32 $0xFFFFFFFF, v7;
	v28, _, _ =	vpop (xrf0);
	(xrf0) =	vadd.scan.msk.s32 $0xffff, v6  }
0x383: {  	v6 =	vnsel vm7, $0x0, v7;
	v7 =	vadd.s32 $0xFFFFFFFF, v28;
	v29, _, _ =	vpop (xrf0)  }
0x384: {  	v6 =	vsel vm8, v7, v6;
	v7 =	vadd.s32 $0xFFFFFFFF, v29;
	v30, _, _ =	vpop (xrf0)  }
0x385: {  	v6 =	vsel vm9, v7, v6;
	v7 =	vadd.s32 $0xFFFFFFFF, v30;
	v31, _, _ =	vpop (xrf0)  }
0x386: {  	v32 =	vld.idx.msk [tilespmem:v5+s1+$0x0], $0xffff;
	v6 =	vsel vm10, v7, v6;
	v7 =	vadd.s32 $0xFFFFFFFF, v31;
	v33, _, _ =	vpop (xrf0)  }
0x387: {  	v6 =	vsel vm11, v7, v6;
	v7 =	vadd.s32 $0xFFFFFFFF, v33;
	v34, _, _ =	vpop (xrf0)  }
0x388: {  	v6 =	vsel vm12, v7, v6;
	v7 =	vadd.s32 $0xFFFFFFFF, v34;
	v35, _, _ =	vpop (xrf0)  }
0x389: {  	v6 =	vsel vm13, v7, v6;
	v7 =	vadd.s32 $0xFFFFFFFF, v35  }
0x38a: {  	v6 =	vsel vm14, v7, v6  }
0x38b: {  	[tilespmem:v5+s1+$0x0] =	vst.idx.add.s32.msk $0xffff, v2;
	v5 =	vadd.s32 v32, v6  }
0x38c: {  	[tilespmem:$0x2380] =	vst v5  }
0x38d: {  	v5 =	vld [tilespmem:s0+$0x60];
	_ =	sdelay $0x4  }
0x38e: {  	vm7 =	veq.s32 v5, $0x0  }
0x38f: {  	vm8 =	veq.s32 v5, $0x1;
	v6 =	vsel vm7, $0x1, v0  }
0x390: {  	vm9 =	veq.s32 v5, $0x2;
	(xrf0) =	vadd.scan.msk.s32 $0xffff, v6;
	v6 =	vsel vm8, $0x1, v0  }
0x391: {  	vm10 =	veq.s32 v5, $0x3;
	(xrf0) =	vadd.scan.msk.s32 $0xffff, v6;
	v6 =	vsel vm9, $0x1, v0  }
0x392: {  	vm11 =	veq.s32 v5, $0x4;
	(xrf0) =	vadd.scan.msk.s32 $0xffff, v6;
	v6 =	vsel vm10, $0x1, v0  }
0x393: {  	vm12 =	veq.s32 v5, $0x5;
	(xrf0) =	vadd.scan.msk.s32 $0xffff, v6;
	v6 =	vsel vm11, $0x1, v0  }
0x394: {  	vm13 =	veq.s32 v5, $0x6;
	(xrf0) =	vadd.scan.msk.s32 $0xffff, v6;
	v6 =	vsel vm12, $0x1, v0  }
0x395: {  	vm14 =	veq.s32 v5, $0x7;
	(xrf0) =	vadd.scan.msk.s32 $0xffff, v6;
	v6 =	vsel vm13, $0x1, v0  }
0x396: {  	v7, _, _ =	vpop (xrf0);
	(xrf0) =	vadd.scan.msk.s32 $0xffff, v6;
	v6 =	vsel vm14, $0x1, v0  }
0x397: {  	v7 =	vadd.s32 $0xFFFFFFFF, v7;
	v36, _, _ =	vpop (xrf0);
	(xrf0) =	vadd.scan.msk.s32 $0xffff, v6  }
0x398: {  	v6 =	vnsel vm7, $0x0, v7;
	v7 =	vadd.s32 $0xFFFFFFFF, v36;
	v37, _, _ =	vpop (xrf0)  }
0x399: {  	v6 =	vsel vm8, v7, v6;
	v7 =	vadd.s32 $0xFFFFFFFF, v37;
	v38, _, _ =	vpop (xrf0)  }
0x39a: {  	v6 =	vsel vm9, v7, v6;
	v7 =	vadd.s32 $0xFFFFFFFF, v38;
	v39, _, _ =	vpop (xrf0)  }
0x39b: {  	v40 =	vld.idx.msk [tilespmem:v5+s1+$0x0], $0xffff;
	v6 =	vsel vm10, v7, v6;
	v7 =	vadd.s32 $0xFFFFFFFF, v39;
	v41, _, _ =	vpop (xrf0)  }
0x39c: {  	v6 =	vsel vm11, v7, v6;
	v7 =	vadd.s32 $0xFFFFFFFF, v41;
	v42, _, _ =	vpop (xrf0)  }
0x39d: {  	v6 =	vsel vm12, v7, v6;
	v7 =	vadd.s32 $0xFFFFFFFF, v42;
	v43, _, _ =	vpop (xrf0)  }
0x39e: {  	v6 =	vsel vm13, v7, v6;
	v7 =	vadd.s32 $0xFFFFFFFF, v43  }
0x39f: {  	v6 =	vsel vm14, v7, v6  }
0x3a0: {  	[tilespmem:v5+s1+$0x0] =	vst.idx.add.s32.msk $0xffff, v2;
	v5 =	vadd.s32 v40, v6  }
0x3a1: {  	[tilespmem:$0x2400] =	vst v5  }
0x3a2: {  	v5 =	vld [tilespmem:s0+$0x70];
	_ =	sdelay $0x4  }
0x3a3: {  	vm7 =	veq.s32 v5, $0x0  }
0x3a4: {  	vm8 =	veq.s32 v5, $0x1;
	v6 =	vsel vm7, $0x1, v0  }
0x3a5: {  	vm9 =	veq.s32 v5, $0x2;
	(xrf0) =	vadd.scan.msk.s32 $0xffff, v6;
	v6 =	vsel vm8, $0x1, v0  }
0x3a6: {  	vm10 =	veq.s32 v5, $0x3;
	(xrf0) =	vadd.scan.msk.s32 $0xffff, v6;
	v6 =	vsel vm9, $0x1, v0  }
0x3a7: {  	vm11 =	veq.s32 v5, $0x4;
	(xrf0) =	vadd.scan.msk.s32 $0xffff, v6;
	v6 =	vsel vm10, $0x1, v0  }
0x3a8: {  	vm12 =	veq.s32 v5, $0x5;
	(xrf0) =	vadd.scan.msk.s32 $0xffff, v6;
	v6 =	vsel vm11, $0x1, v0  }
0x3a9: {  	vm13 =	veq.s32 v5, $0x6;
	(xrf0) =	vadd.scan.msk.s32 $0xffff, v6;
	v6 =	vsel vm12, $0x1, v0  }
0x3aa: {  	vm14 =	veq.s32 v5, $0x7;
	(xrf0) =	vadd.scan.msk.s32 $0xffff, v6;
	v6 =	vsel vm13, $0x1, v0  }
0x3ab: {  	v7, _, _ =	vpop (xrf0);
	(xrf0) =	vadd.scan.msk.s32 $0xffff, v6;
	v6 =	vsel vm14, $0x1, v0  }
0x3ac: {  	v7 =	vadd.s32 $0xFFFFFFFF, v7;
	v44, _, _ =	vpop (xrf0);
	(xrf0) =	vadd.scan.msk.s32 $0xffff, v6  }
0x3ad: {  	v6 =	vnsel vm7, $0x0, v7;
	v7 =	vadd.s32 $0xFFFFFFFF, v44;
	v45, _, _ =	vpop (xrf0)  }
0x3ae: {  	v6 =	vsel vm8, v7, v6;
	v7 =	vadd.s32 $0xFFFFFFFF, v45;
	v46, _, _ =	vpop (xrf0)  }
0x3af: {  	v6 =	vsel vm9, v7, v6;
	v7 =	vadd.s32 $0xFFFFFFFF, v46;
	v47, _, _ =	vpop (xrf0)  }
0x3b0: {  	v48 =	vld.idx.msk [tilespmem:v5+s1+$0x0], $0xffff;
	v6 =	vsel vm10, v7, v6;
	v7 =	vadd.s32 $0xFFFFFFFF, v47;
	v49, _, _ =	vpop (xrf0)  }
0x3b1: {  	v6 =	vsel vm11, v7, v6;
	v7 =	vadd.s32 $0xFFFFFFFF, v49;
	v50, _, _ =	vpop (xrf0)  }
0x3b2: {  	v6 =	vsel vm12, v7, v6;
	v7 =	vadd.s32 $0xFFFFFFFF, v50;
	v51, _, _ =	vpop (xrf0)  }
0x3b3: {  	v6 =	vsel vm13, v7, v6;
	v7 =	vadd.s32 $0xFFFFFFFF, v51  }
0x3b4: {  	v6 =	vsel vm14, v7, v6  }
0x3b5: {  	[tilespmem:v5+s1+$0x0] =	vst.idx.add.s32.msk $0xffff, v2;
	v5 =	vadd.s32 v48, v6  }
0x3b6: {  	[tilespmem:$0x2480] =	vst v5  }
0x3b7: {  	v5 =	vld [tilespmem:s0+$0x80];
	_ =	sdelay $0x4  }
0x3b8: {  	vm7 =	veq.s32 v5, $0x0  }
0x3b9: {  	vm8 =	veq.s32 v5, $0x1;
	v6 =	vsel vm7, $0x1, v0  }
0x3ba: {  	vm9 =	veq.s32 v5, $0x2;
	(xrf0) =	vadd.scan.msk.s32 $0xffff, v6;
	v6 =	vsel vm8, $0x1, v0  }
0x3bb: {  	vm10 =	veq.s32 v5, $0x3;
	(xrf0) =	vadd.scan.msk.s32 $0xffff, v6;
	v6 =	vsel vm9, $0x1, v0  }
0x3bc: {  	vm11 =	veq.s32 v5, $0x4;
	(xrf0) =	vadd.scan.msk.s32 $0xffff, v6;
	v6 =	vsel vm10, $0x1, v0  }
0x3bd: {  	vm12 =	veq.s32 v5, $0x5;
	(xrf0) =	vadd.scan.msk.s32 $0xffff, v6;
	v6 =	vsel vm11, $0x1, v0  }
0x3be: {  	vm13 =	veq.s32 v5, $0x6;
	(xrf0) =	vadd.scan.msk.s32 $0xffff, v6;
	v6 =	vsel vm12, $0x1, v0  }
0x3bf: {  	vm14 =	veq.s32 v5, $0x7;
	(xrf0) =	vadd.scan.msk.s32 $0xffff, v6;
	v6 =	vsel vm13, $0x1, v0  }
0x3c0: {  	v7, _, _ =	vpop (xrf0);
	(xrf0) =	vadd.scan.msk.s32 $0xffff, v6;
	v6 =	vsel vm14, $0x1, v0  }
0x3c1: {  	v7 =	vadd.s32 $0xFFFFFFFF, v7;
	v52, _, _ =	vpop (xrf0);
	(xrf0) =	vadd.scan.msk.s32 $0xffff, v6  }
0x3c2: {  	v6 =	vnsel vm7, $0x0, v7;
	v7 =	vadd.s32 $0xFFFFFFFF, v52;
	v53, _, _ =	vpop (xrf0)  }
0x3c3: {  	v6 =	vsel vm8, v7, v6;
	v7 =	vadd.s32 $0xFFFFFFFF, v53;
	v54, _, _ =	vpop (xrf0)  }
0x3c4: {  	v6 =	vsel vm9, v7, v6;
	v7 =	vadd.s32 $0xFFFFFFFF, v54;
	v55, _, _ =	vpop (xrf0)  }
0x3c5: {  	v56 =	vld.idx.msk [tilespmem:v5+s1+$0x0], $0xffff;
	v6 =	vsel vm10, v7, v6;
	v7 =	vadd.s32 $0xFFFFFFFF, v55;
	v57, _, _ =	vpop (xrf0)  }
0x3c6: {  	v6 =	vsel vm11, v7, v6;
	v7 =	vadd.s32 $0xFFFFFFFF, v57;
	v58, _, _ =	vpop (xrf0)  }
0x3c7: {  	v6 =	vsel vm12, v7, v6;
	v7 =	vadd.s32 $0xFFFFFFFF, v58;
	v59, _, _ =	vpop (xrf0)  }
0x3c8: {  	v6 =	vsel vm13, v7, v6;
	v7 =	vadd.s32 $0xFFFFFFFF, v59  }
0x3c9: {  	v6 =	vsel vm14, v7, v6  }
0x3ca: {  	[tilespmem:v5+s1+$0x0] =	vst.idx.add.s32.msk $0xffff, v2;
	v5 =	vadd.s32 v56, v6  }
0x3cb: {  	[tilespmem:$0x2500] =	vst v5  }
0x3cc: {  	v5 =	vld [tilespmem:s0+$0x90];
	_ =	sdelay $0x4  }
0x3cd: {  	vm7 =	veq.s32 v5, $0x0  }
0x3ce: {  	vm8 =	veq.s32 v5, $0x1;
	v6 =	vsel vm7, $0x1, v0  }
0x3cf: {  	vm9 =	veq.s32 v5, $0x2;
	(xrf0) =	vadd.scan.msk.s32 $0xffff, v6;
	v6 =	vsel vm8, $0x1, v0  }
0x3d0: {  	vm10 =	veq.s32 v5, $0x3;
	(xrf0) =	vadd.scan.msk.s32 $0xffff, v6;
	v6 =	vsel vm9, $0x1, v0  }
0x3d1: {  	vm11 =	veq.s32 v5, $0x4;
	(xrf0) =	vadd.scan.msk.s32 $0xffff, v6;
	v6 =	vsel vm10, $0x1, v0  }
0x3d2: {  	vm12 =	veq.s32 v5, $0x5;
	(xrf0) =	vadd.scan.msk.s32 $0xffff, v6;
	v6 =	vsel vm11, $0x1, v0  }
0x3d3: {  	vm13 =	veq.s32 v5, $0x6;
	(xrf0) =	vadd.scan.msk.s32 $0xffff, v6;
	v6 =	vsel vm12, $0x1, v0  }
0x3d4: {  	vm14 =	veq.s32 v5, $0x7;
	(xrf0) =	vadd.scan.msk.s32 $0xffff, v6;
	v6 =	vsel vm13, $0x1, v0  }
0x3d5: {  	v7, _, _ =	vpop (xrf0);
	(xrf0) =	vadd.scan.msk.s32 $0xffff, v6;
	v6 =	vsel vm14, $0x1, v0  }
0x3d6: {  	v7 =	vadd.s32 $0xFFFFFFFF, v7;
	v60, _, _ =	vpop (xrf0);
	(xrf0) =	vadd.scan.msk.s32 $0xffff, v6  }
0x3d7: {  	v6 =	vnsel vm7, $0x0, v7;
	v7 =	vadd.s32 $0xFFFFFFFF, v60;
	v61, _, _ =	vpop (xrf0)  }
0x3d8: {  	v6 =	vsel vm8, v7, v6;
	v7 =	vadd.s32 $0xFFFFFFFF, v61;
	v62, _, _ =	vpop (xrf0)  }
0x3d9: {  	v6 =	vsel vm9, v7, v6;
	v7 =	vadd.s32 $0xFFFFFFFF, v62;
	v63, _, _ =	vpop (xrf0)  }
0x3da: {  	v12 =	vld.idx.msk [tilespmem:v5+s1+$0x0], $0xffff;
	v6 =	vsel vm10, v7, v6;
	v7 =	vadd.s32 $0xFFFFFFFF, v63;
	v13, _, _ =	vpop (xrf0)  }
0x3db: {  	v6 =	vsel vm11, v7, v6;
	v7 =	vadd.s32 $0xFFFFFFFF, v13;
	v14, _, _ =	vpop (xrf0)  }
0x3dc: {  	v6 =	vsel vm12, v7, v6;
	v7 =	vadd.s32 $0xFFFFFFFF, v14;
	v15, _, _ =	vpop (xrf0)  }
0x3dd: {  	v6 =	vsel vm13, v7, v6;
	v7 =	vadd.s32 $0xFFFFFFFF, v15  }
0x3de: {  	v6 =	vsel vm14, v7, v6  }
0x3df: {  	[tilespmem:v5+s1+$0x0] =	vst.idx.add.s32.msk $0xffff, v2;
	v5 =	vadd.s32 v12, v6  }
0x3e0: {  	[tilespmem:$0x2580] =	vst v5  }
0x3e1: {  	v5 =	vld [tilespmem:s0+$0xA0];
	_ =	sdelay $0x4  }
0x3e2: {  	vm7 =	veq.s32 v5, $0x0  }
0x3e3: {  	vm8 =	veq.s32 v5, $0x1;
	v6 =	vsel vm7, $0x1, v0  }
0x3e4: {  	vm9 =	veq.s32 v5, $0x2;
	(xrf0) =	vadd.scan.msk.s32 $0xffff, v6;
	v6 =	vsel vm8, $0x1, v0  }
0x3e5: {  	vm10 =	veq.s32 v5, $0x3;
	(xrf0) =	vadd.scan.msk.s32 $0xffff, v6;
	v6 =	vsel vm9, $0x1, v0  }
0x3e6: {  	vm11 =	veq.s32 v5, $0x4;
	(xrf0) =	vadd.scan.msk.s32 $0xffff, v6;
	v6 =	vsel vm10, $0x1, v0  }
0x3e7: {  	vm12 =	veq.s32 v5, $0x5;
	(xrf0) =	vadd.scan.msk.s32 $0xffff, v6;
	v6 =	vsel vm11, $0x1, v0  }
0x3e8: {  	vm13 =	veq.s32 v5, $0x6;
	(xrf0) =	vadd.scan.msk.s32 $0xffff, v6;
	v6 =	vsel vm12, $0x1, v0  }
0x3e9: {  	vm14 =	veq.s32 v5, $0x7;
	(xrf0) =	vadd.scan.msk.s32 $0xffff, v6;
	v6 =	vsel vm13, $0x1, v0  }
0x3ea: {  	v7, _, _ =	vpop (xrf0);
	(xrf0) =	vadd.scan.msk.s32 $0xffff, v6;
	v6 =	vsel vm14, $0x1, v0  }
0x3eb: {  	v7 =	vadd.s32 $0xFFFFFFFF, v7;
	v16, _, _ =	vpop (xrf0);
	(xrf0) =	vadd.scan.msk.s32 $0xffff, v6  }
0x3ec: {  	v6 =	vnsel vm7, $0x0, v7;
	v7 =	vadd.s32 $0xFFFFFFFF, v16;
	v17, _, _ =	vpop (xrf0)  }
0x3ed: {  	v6 =	vsel vm8, v7, v6;
	v7 =	vadd.s32 $0xFFFFFFFF, v17;
	v18, _, _ =	vpop (xrf0)  }
0x3ee: {  	v6 =	vsel vm9, v7, v6;
	v7 =	vadd.s32 $0xFFFFFFFF, v18;
	v19, _, _ =	vpop (xrf0)  }
0x3ef: {  	v20 =	vld.idx.msk [tilespmem:v5+s1+$0x0], $0xffff;
	v6 =	vsel vm10, v7, v6;
	v7 =	vadd.s32 $0xFFFFFFFF, v19;
	v21, _, _ =	vpop (xrf0)  }
0x3f0: {  	v6 =	vsel vm11, v7, v6;
	v7 =	vadd.s32 $0xFFFFFFFF, v21;
	v22, _, _ =	vpop (xrf0)  }
0x3f1: {  	v6 =	vsel vm12, v7, v6;
	v7 =	vadd.s32 $0xFFFFFFFF, v22;
	v23, _, _ =	vpop (xrf0)  }
0x3f2: {  	v6 =	vsel vm13, v7, v6;
	v7 =	vadd.s32 $0xFFFFFFFF, v23  }
0x3f3: {  	v6 =	vsel vm14, v7, v6  }
0x3f4: {  	[tilespmem:v5+s1+$0x0] =	vst.idx.add.s32.msk $0xffff, v2;
	v5 =	vadd.s32 v20, v6  }
0x3f5: {  	[tilespmem:$0x2600] =	vst v5  }
0x3f6: {  	v5 =	vld [tilespmem:s0+$0xB0];
	_ =	sdelay $0x4  }
0x3f7: {  	vm7 =	veq.s32 v5, $0x0  }
0x3f8: {  	vm8 =	veq.s32 v5, $0x1;
	v6 =	vsel vm7, $0x1, v0  }
0x3f9: {  	vm9 =	veq.s32 v5, $0x2;
	(xrf0) =	vadd.scan.msk.s32 $0xffff, v6;
	v6 =	vsel vm8, $0x1, v0  }
0x3fa: {  	vm10 =	veq.s32 v5, $0x3;
	(xrf0) =	vadd.scan.msk.s32 $0xffff, v6;
	v6 =	vsel vm9, $0x1, v0  }
0x3fb: {  	vm11 =	veq.s32 v5, $0x4;
	(xrf0) =	vadd.scan.msk.s32 $0xffff, v6;
	v6 =	vsel vm10, $0x1, v0  }
0x3fc: {  	vm12 =	veq.s32 v5, $0x5;
	(xrf0) =	vadd.scan.msk.s32 $0xffff, v6;
	v6 =	vsel vm11, $0x1, v0  }
0x3fd: {  	vm13 =	veq.s32 v5, $0x6;
	(xrf0) =	vadd.scan.msk.s32 $0xffff, v6;
	v6 =	vsel vm12, $0x1, v0  }
0x3fe: {  	vm14 =	veq.s32 v5, $0x7;
	(xrf0) =	vadd.scan.msk.s32 $0xffff, v6;
	v6 =	vsel vm13, $0x1, v0  }
0x3ff: {  	v7, _, _ =	vpop (xrf0);
	(xrf0) =	vadd.scan.msk.s32 $0xffff, v6;
	v6 =	vsel vm14, $0x1, v0  }
0x400: {  	v7 =	vadd.s32 $0xFFFFFFFF, v7;
	v24, _, _ =	vpop (xrf0);
	(xrf0) =	vadd.scan.msk.s32 $0xffff, v6  }
0x401: {  	v6 =	vnsel vm7, $0x0, v7;
	v7 =	vadd.s32 $0xFFFFFFFF, v24;
	v25, _, _ =	vpop (xrf0)  }
0x402: {  	v6 =	vsel vm8, v7, v6;
	v7 =	vadd.s32 $0xFFFFFFFF, v25;
	v26, _, _ =	vpop (xrf0)  }
0x403: {  	v6 =	vsel vm9, v7, v6;
	v7 =	vadd.s32 $0xFFFFFFFF, v26;
	v27, _, _ =	vpop (xrf0)  }
0x404: {  	v28 =	vld.idx.msk [tilespmem:v5+s1+$0x0], $0xffff;
	v6 =	vsel vm10, v7, v6;
	v7 =	vadd.s32 $0xFFFFFFFF, v27;
	v29, _, _ =	vpop (xrf0)  }
0x405: {  	v6 =	vsel vm11, v7, v6;
	v7 =	vadd.s32 $0xFFFFFFFF, v29;
	v30, _, _ =	vpop (xrf0)  }
0x406: {  	v6 =	vsel vm12, v7, v6;
	v7 =	vadd.s32 $0xFFFFFFFF, v30;
	v31, _, _ =	vpop (xrf0)  }
0x407: {  	v6 =	vsel vm13, v7, v6;
	v7 =	vadd.s32 $0xFFFFFFFF, v31  }
0x408: {  	v6 =	vsel vm14, v7, v6  }
0x409: {  	[tilespmem:v5+s1+$0x0] =	vst.idx.add.s32.msk $0xffff, v2;
	v5 =	vadd.s32 v28, v6  }
0x40a: {  	[tilespmem:$0x2680] =	vst v5  }
0x40b: {  	v5 =	vld [tilespmem:s0+$0xC0];
	_ =	sdelay $0x4  }
0x40c: {  	vm7 =	veq.s32 v5, $0x0  }
0x40d: {  	vm8 =	veq.s32 v5, $0x1;
	v6 =	vsel vm7, $0x1, v0  }
0x40e: {  	vm9 =	veq.s32 v5, $0x2;
	(xrf0) =	vadd.scan.msk.s32 $0xffff, v6;
	v6 =	vsel vm8, $0x1, v0  }
0x40f: {  	vm10 =	veq.s32 v5, $0x3;
	(xrf0) =	vadd.scan.msk.s32 $0xffff, v6;
	v6 =	vsel vm9, $0x1, v0  }
0x410: {  	vm11 =	veq.s32 v5, $0x4;
	(xrf0) =	vadd.scan.msk.s32 $0xffff, v6;
	v6 =	vsel vm10, $0x1, v0  }
0x411: {  	vm12 =	veq.s32 v5, $0x5;
	(xrf0) =	vadd.scan.msk.s32 $0xffff, v6;
	v6 =	vsel vm11, $0x1, v0  }
0x412: {  	vm13 =	veq.s32 v5, $0x6;
	(xrf0) =	vadd.scan.msk.s32 $0xffff, v6;
	v6 =	vsel vm12, $0x1, v0  }
0x413: {  	vm14 =	veq.s32 v5, $0x7;
	(xrf0) =	vadd.scan.msk.s32 $0xffff, v6;
	v6 =	vsel vm13, $0x1, v0  }
0x414: {  	v7, _, _ =	vpop (xrf0);
	(xrf0) =	vadd.scan.msk.s32 $0xffff, v6;
	v6 =	vsel vm14, $0x1, v0  }
0x415: {  	v7 =	vadd.s32 $0xFFFFFFFF, v7;
	v32, _, _ =	vpop (xrf0);
	(xrf0) =	vadd.scan.msk.s32 $0xffff, v6  }
0x416: {  	v6 =	vnsel vm7, $0x0, v7;
	v7 =	vadd.s32 $0xFFFFFFFF, v32;
	v33, _, _ =	vpop (xrf0)  }
0x417: {  	v6 =	vsel vm8, v7, v6;
	v7 =	vadd.s32 $0xFFFFFFFF, v33;
	v34, _, _ =	vpop (xrf0)  }
0x418: {  	v6 =	vsel vm9, v7, v6;
	v7 =	vadd.s32 $0xFFFFFFFF, v34;
	v35, _, _ =	vpop (xrf0)  }
0x419: {  	v36 =	vld.idx.msk [tilespmem:v5+s1+$0x0], $0xffff;
	v6 =	vsel vm10, v7, v6;
	v7 =	vadd.s32 $0xFFFFFFFF, v35;
	v37, _, _ =	vpop (xrf0)  }
0x41a: {  	v6 =	vsel vm11, v7, v6;
	v7 =	vadd.s32 $0xFFFFFFFF, v37;
	v38, _, _ =	vpop (xrf0)  }
0x41b: {  	v6 =	vsel vm12, v7, v6;
	v7 =	vadd.s32 $0xFFFFFFFF, v38;
	v39, _, _ =	vpop (xrf0)  }
0x41c: {  	v6 =	vsel vm13, v7, v6;
	v7 =	vadd.s32 $0xFFFFFFFF, v39  }
0x41d: {  	v6 =	vsel vm14, v7, v6  }
0x41e: {  	[tilespmem:v5+s1+$0x0] =	vst.idx.add.s32.msk $0xffff, v2;
	v5 =	vadd.s32 v36, v6  }
0x41f: {  	[tilespmem:$0x2700] =	vst v5  }
0x420: {  	v5 =	vld [tilespmem:s0+$0xD0];
	_ =	sdelay $0x4  }
0x421: {  	vm7 =	veq.s32 v5, $0x0  }
0x422: {  	vm8 =	veq.s32 v5, $0x1;
	v6 =	vsel vm7, $0x1, v0  }
0x423: {  	vm9 =	veq.s32 v5, $0x2;
	(xrf0) =	vadd.scan.msk.s32 $0xffff, v6;
	v6 =	vsel vm8, $0x1, v0  }
0x424: {  	vm10 =	veq.s32 v5, $0x3;
	(xrf0) =	vadd.scan.msk.s32 $0xffff, v6;
	v6 =	vsel vm9, $0x1, v0  }
0x425: {  	vm11 =	veq.s32 v5, $0x4;
	(xrf0) =	vadd.scan.msk.s32 $0xffff, v6;
	v6 =	vsel vm10, $0x1, v0  }
0x426: {  	vm12 =	veq.s32 v5, $0x5;
	(xrf0) =	vadd.scan.msk.s32 $0xffff, v6;
	v6 =	vsel vm11, $0x1, v0  }
0x427: {  	vm13 =	veq.s32 v5, $0x6;
	(xrf0) =	vadd.scan.msk.s32 $0xffff, v6;
	v6 =	vsel vm12, $0x1, v0  }
0x428: {  	vm14 =	veq.s32 v5, $0x7;
	(xrf0) =	vadd.scan.msk.s32 $0xffff, v6;
	v6 =	vsel vm13, $0x1, v0  }
0x429: {  	v7, _, _ =	vpop (xrf0);
	(xrf0) =	vadd.scan.msk.s32 $0xffff, v6;
	v6 =	vsel vm14, $0x1, v0  }
0x42a: {  	v7 =	vadd.s32 $0xFFFFFFFF, v7;
	v40, _, _ =	vpop (xrf0);
	(xrf0) =	vadd.scan.msk.s32 $0xffff, v6  }
0x42b: {  	v6 =	vnsel vm7, $0x0, v7;
	v7 =	vadd.s32 $0xFFFFFFFF, v40;
	v41, _, _ =	vpop (xrf0)  }
0x42c: {  	v6 =	vsel vm8, v7, v6;
	v7 =	vadd.s32 $0xFFFFFFFF, v41;
	v42, _, _ =	vpop (xrf0)  }
0x42d: {  	v6 =	vsel vm9, v7, v6;
	v7 =	vadd.s32 $0xFFFFFFFF, v42;
	v43, _, _ =	vpop (xrf0)  }
0x42e: {  	v44 =	vld.idx.msk [tilespmem:v5+s1+$0x0], $0xffff;
	v6 =	vsel vm10, v7, v6;
	v7 =	vadd.s32 $0xFFFFFFFF, v43;
	v45, _, _ =	vpop (xrf0)  }
0x42f: {  	v6 =	vsel vm11, v7, v6;
	v7 =	vadd.s32 $0xFFFFFFFF, v45;
	v46, _, _ =	vpop (xrf0)  }
0x430: {  	v6 =	vsel vm12, v7, v6;
	v7 =	vadd.s32 $0xFFFFFFFF, v46;
	v47, _, _ =	vpop (xrf0)  }
0x431: {  	v6 =	vsel vm13, v7, v6;
	v7 =	vadd.s32 $0xFFFFFFFF, v47  }
0x432: {  	v6 =	vsel vm14, v7, v6  }
0x433: {  	[tilespmem:v5+s1+$0x0] =	vst.idx.add.s32.msk $0xffff, v2;
	v5 =	vadd.s32 v44, v6  }
0x434: {  	[tilespmem:$0x2780] =	vst v5  }
0x435: {  	v5 =	vld [tilespmem:s0+$0xE0];
	_ =	sdelay $0x4  }
0x436: {  	vm7 =	veq.s32 v5, $0x0  }
0x437: {  	vm8 =	veq.s32 v5, $0x1;
	v6 =	vsel vm7, $0x1, v0  }
0x438: {  	vm9 =	veq.s32 v5, $0x2;
	(xrf0) =	vadd.scan.msk.s32 $0xffff, v6;
	v6 =	vsel vm8, $0x1, v0  }
0x439: {  	vm10 =	veq.s32 v5, $0x3;
	(xrf0) =	vadd.scan.msk.s32 $0xffff, v6;
	v6 =	vsel vm9, $0x1, v0  }
0x43a: {  	vm11 =	veq.s32 v5, $0x4;
	(xrf0) =	vadd.scan.msk.s32 $0xffff, v6;
	v6 =	vsel vm10, $0x1, v0  }
0x43b: {  	vm12 =	veq.s32 v5, $0x5;
	(xrf0) =	vadd.scan.msk.s32 $0xffff, v6;
	v6 =	vsel vm11, $0x1, v0  }
0x43c: {  	vm13 =	veq.s32 v5, $0x6;
	(xrf0) =	vadd.scan.msk.s32 $0xffff, v6;
	v6 =	vsel vm12, $0x1, v0  }
0x43d: {  	vm14 =	veq.s32 v5, $0x7;
	(xrf0) =	vadd.scan.msk.s32 $0xffff, v6;
	v6 =	vsel vm13, $0x1, v0  }
0x43e: {  	v7, _, _ =	vpop (xrf0);
	(xrf0) =	vadd.scan.msk.s32 $0xffff, v6;
	v6 =	vsel vm14, $0x1, v0  }
0x43f: {  	v7 =	vadd.s32 $0xFFFFFFFF, v7;
	v48, _, _ =	vpop (xrf0);
	(xrf0) =	vadd.scan.msk.s32 $0xffff, v6  }
0x440: {  	v6 =	vnsel vm7, $0x0, v7;
	v7 =	vadd.s32 $0xFFFFFFFF, v48;
	v49, _, _ =	vpop (xrf0)  }
0x441: {  	v6 =	vsel vm8, v7, v6;
	v7 =	vadd.s32 $0xFFFFFFFF, v49;
	v50, _, _ =	vpop (xrf0)  }
0x442: {  	v6 =	vsel vm9, v7, v6;
	v7 =	vadd.s32 $0xFFFFFFFF, v50;
	v51, _, _ =	vpop (xrf0)  }
0x443: {  	v52 =	vld.idx.msk [tilespmem:v5+s1+$0x0], $0xffff;
	v6 =	vsel vm10, v7, v6;
	v7 =	vadd.s32 $0xFFFFFFFF, v51;
	v53, _, _ =	vpop (xrf0)  }
0x444: {  	v6 =	vsel vm11, v7, v6;
	v7 =	vadd.s32 $0xFFFFFFFF, v53;
	v54, _, _ =	vpop (xrf0)  }
0x445: {  	v6 =	vsel vm12, v7, v6;
	v7 =	vadd.s32 $0xFFFFFFFF, v54;
	v55, _, _ =	vpop (xrf0)  }
0x446: {  	v6 =	vsel vm13, v7, v6;
	v7 =	vadd.s32 $0xFFFFFFFF, v55  }
0x447: {  	v6 =	vsel vm14, v7, v6  }
0x448: {  	[tilespmem:v5+s1+$0x0] =	vst.idx.add.s32.msk $0xffff, v2;
	v5 =	vadd.s32 v52, v6  }
0x449: {  	[tilespmem:$0x2800] =	vst v5  }
0x44a: {  	v5 =	vld [tilespmem:s0+$0xF0];
	_ =	sdelay $0x4  }
0x44b: {  	vm7 =	veq.s32 v5, $0x0  }
0x44c: {  	vm8 =	veq.s32 v5, $0x1;
	v6 =	vsel vm7, $0x1, v0  }
0x44d: {  	vm9 =	veq.s32 v5, $0x2;
	(xrf0) =	vadd.scan.msk.s32 $0xffff, v6;
	v6 =	vsel vm8, $0x1, v0  }
0x44e: {  	vm10 =	veq.s32 v5, $0x3;
	(xrf0) =	vadd.scan.msk.s32 $0xffff, v6;
	v6 =	vsel vm9, $0x1, v0  }
0x44f: {  	vm11 =	veq.s32 v5, $0x4;
	(xrf0) =	vadd.scan.msk.s32 $0xffff, v6;
	v6 =	vsel vm10, $0x1, v0  }
0x450: {  	vm12 =	veq.s32 v5, $0x5;
	(xrf0) =	vadd.scan.msk.s32 $0xffff, v6;
	v6 =	vsel vm11, $0x1, v0  }
0x451: {  	vm13 =	veq.s32 v5, $0x6;
	(xrf0) =	vadd.scan.msk.s32 $0xffff, v6;
	v6 =	vsel vm12, $0x1, v0  }
0x452: {  	vm14 =	veq.s32 v5, $0x7;
	(xrf0) =	vadd.scan.msk.s32 $0xffff, v6;
	v6 =	vsel vm13, $0x1, v0  }
0x453: {  	v7, _, _ =	vpop (xrf0);
	(xrf0) =	vadd.scan.msk.s32 $0xffff, v6;
	v6 =	vsel vm14, $0x1, v0;
	_ =	sdelay $0x1  }
0x454: {  	v7 =	vadd.s32 $0xFFFFFFFF, v7;
	v56, _, _ =	vpop (xrf0);
	(xrf0) =	vadd.scan.msk.s32 $0xffff, v6  }
0x455: {  	v7 =	vnsel vm7, $0x0, v7;
	v8 =	vadd.s32 $0xFFFFFFFF, v56;
	v6, _, _ =	vpop (xrf0)  }
0x456: {  	v7 =	vsel vm8, v8, v7;
	v57, _, _ =	vpop (xrf0);
	v6 =	vadd.s32 $0xFFFFFFFF, v6  }
0x457: {  	v58, _, _ =	vpop (xrf0);
	v6 =	vsel vm9, v6, v7;
	v7 =	vadd.s32 $0xFFFFFFFF, v57  }
0x458: {  	v59, _, _ =	vpop (xrf0);
	v6 =	vsel vm10, v7, v6;
	v7 =	vld.idx.msk [tilespmem:v5+s1+$0x0], $0xffff;
	v8 =	vadd.s32 $0xFFFFFFFF, v58  }
0x459: {  	v10, _, _ =	vpop (xrf0);
	v6 =	vsel vm11, v8, v6;
	v60 =	vadd.s32 $0xFFFFFFFF, v59  }
0x45a: {  	v6 =	vsel vm12, v60, v6;
	v61 =	vadd.s32 $0xFFFFFFFF, v10;
	v62, _, _ =	vpop (xrf0)  }
0x45b: {  	v6 =	vsel vm13, v61, v6;
	v63 =	vadd.s32 $0xFFFFFFFF, v62  }
0x45c: {  	v6 =	vsel vm14, v63, v6  }
0x45d: {  	s29 =	rddreg [dreg:$0x7];
	[tilespmem:v5+s1+$0x0] =	vst.idx.add.s32.msk $0xffff, v2;
	v5 =	vadd.s32 v7, v6  }
.Ltmp7:
0x45e: {  	s30 =	simm.s32 $0x2100;
	s0 =	simm.s32 $0x5;
	[tilespmem:$0x2880] =	vst v5;
	(pc) =	sbr.rel @p1 .LBB2_9-.Ltmp7, $4  }
0x45f: {  	[hbm4b:s29+s3] =	stream.linear.scatter [tilespmem:s30], [sflag:$0x5], $0x800, $0x38;
	[tilespmem:$0x12980] =	vst v63  }
0x460: {  	_ =	swait.ge [sflag:s0], $0x800  }
0x461: {  	[sflag:s0] =	ssyncset.done $0x0  }
0x462: {  	[dreg:$0x1c] =	wrdreg s2;
	[sflag:s0] =	ssyncadd.s32 $0xFFFFF800  }
0x463: {  	vm7 =	vmmov $0x1  }
0x464: {  	v5 =	vnsel vm7, $0x0, v4  }
0x465: {  	(xrf0) =	vadd.scan.msk.s32 $0xffff, v5;
	v5 =	vsel vm0, $0x0, v4  }
0x466: {  	(xrf0) =	vadd.scan.msk.s32 $0xffff, v5  }
0x467: {  	v5 =	vsel vm1, $0x0, v4  }
0x468: {  	(xrf0) =	vadd.scan.msk.s32 $0xffff, v5  }
0x469: {  	v5 =	vsel vm2, $0x0, v4  }
0x46a: {  	(xrf0) =	vadd.scan.msk.s32 $0xffff, v5;
	v5 =	vsel vm3, $0x0, v4  }
0x46b: {  	v6, _, _ =	vpop (xrf0);
	(xrf0) =	vadd.scan.msk.s32 $0xffff, v5;
	v5 =	vsel vm4, $0x0, v4  }
0x46c: {  	v7, _, _ =	vpop (xrf0);
	(xrf0) =	vadd.scan.msk.s32 $0xffff, v5;
	v5 =	vsel vm5, $0x0, v4  }
0x46d: {  	v6 =	vbroadcast v6, $0xF;
	v4 =	vsel vm6, $0x0, v4;
	(xrf0) =	vadd.scan.msk.s32 $0xffff, v5  }
0x46e: {  	v7 =	vbroadcast v7, $0xF;
	v5 =	vor.u32 $0x1, v3;
	v8, _, _ =	vpop (xrf0);
	(xrf0) =	vadd.scan.msk.s32 $0xffff, v4  }
0x46f: {  	vm7 =	vlt.s32 v6, v5;
	v8 =	vbroadcast v8, $0xF  }
0x470: {  	v17 =	vor.u32 $0x2001, v3;
	v4, _, _ =	vpop (xrf0);
	vm8 =	vlt.s32 v7, v5;
	v9 =	vsel vm7, $0x1, v0  }
0x471: {  	v10 =	vsel vm8, $0x1, v0;
	v4 =	vbroadcast v4, $0xF;
	vm7 =	vlt.s32 v8, v5;
	v11, _, _ =	vpop (xrf0)  }
0x472: {  	v9 =	vadd.s32 v10, v9;
	v12 =	vsel vm7, $0x1, v0;
	v47, _, _ =	vpop (xrf0);
	v11 =	vbroadcast v11, $0xF  }
0x473: {  	vm7 =	vlt.s32 v4, v5;
	v9 =	vadd.s32 v12, v9;
	v13, _, _ =	vpop (xrf0);
	v10 =	vbroadcast v47, $0xF  }
0x474: {  	v48 =	vsel vm7, $0x1, v0;
	vm7 =	vlt.s32 v11, v5;
	v49 =	vbroadcast v13, $0xF;
	v50, _, _ =	vpop (xrf0)  }
0x475: {  	v14 =	vsel vm7, $0x1, v0;
	vm7 =	vlt.s32 v10, v5;
	v13 =	vbroadcast v50, $0xF  }
0x476: {  	v9 =	vadd.s32 v48, v9;
	v51 =	vsel vm7, $0x1, v0;
	vm7 =	vlt.s32 v49, v5  }
0x477: {  	v15 =	vsel vm7, $0x1, v0;
	vm7 =	vlt.s32 v13, v5;
	v5 =	vor.u32 $0x1001, v3  }
0x478: {  	v9 =	vadd.s32 v14, v9;
	v52 =	vsel vm7, $0x1, v0;
	vm7 =	vlt.s32 v6, v5  }
0x479: {  	v9 =	vadd.s32 v51, v9;
	v53 =	vsel vm7, $0x1, v0;
	vm7 =	vlt.s32 v7, v5  }
0x47a: {  	v9 =	vadd.s32 v15, v9;
	v54 =	vsel vm7, $0x1, v0;
	vm7 =	vlt.s32 v8, v5  }
0x47b: {  	v9 =	vadd.s32 v52, v9;
	v55 =	vsel vm7, $0x1, v0;
	vm7 =	vlt.s32 v4, v5  }
0x47c: {  	v62 =	vmin.u32 v9, $0x7;
	v56 =	vsel vm7, $0x1, v0;
	vm7 =	vlt.s32 v11, v5  }
0x47d: {  	v14 =	vadd.s32 v54, v53;
	v57 =	vsel vm7, $0x1, v0;
	vm7 =	vlt.s32 v10, v5  }
0x47e: {  	v14 =	vadd.s32 v55, v14;
	v16 =	vsel vm7, $0x1, v0;
	vm7 =	vlt.s32 v49, v5  }
0x47f: {  	v14 =	vadd.s32 v56, v14;
	v58 =	vsel vm7, $0x1, v0;
	vm7 =	vlt.s32 v6, v17  }
0x480: {  	v14 =	vadd.s32 v57, v14;
	v60 =	vsel vm7, $0x1, v0;
	vm7 =	vlt.s32 v7, v17  }
0x481: {  	v59 =	vadd.s32 v16, v14;
	v7 =	vsel vm7, $0x1, v0;
	vm7 =	vlt.s32 v13, v5  }
0x482: {  	v6 =	vadd.s32 v58, v59;
	v61 =	vsel vm7, $0x1, v0;
	vm7 =	vlt.s32 v8, v17  }
0x483: {  	v5 =	vadd.s32 v7, v60;
	v63 =	vsel vm7, $0x1, v0;
	vm7 =	vlt.s32 v4, v17  }
0x484: {  	v4 =	vadd.s32 v63, v5;
	v5 =	vsel vm7, $0x1, v0;
	vm7 =	vlt.s32 v11, v17  }
0x485: {  	v4 =	vadd.s32 v5, v4;
	v5 =	vsel vm7, $0x1, v0;
	vm7 =	vlt.s32 v10, v17  }
0x486: {  	v4 =	vadd.s32 v5, v4;
	v5 =	vsel vm7, $0x1, v0;
	vm7 =	vlt.s32 v49, v17  }
0x487: {  	v4 =	vadd.s32 v5, v4;
	v5 =	vsel vm7, $0x1, v0;
	vm7 =	vlt.s32 v13, v17  }
0x488: {  	v6 =	vadd.s32 v61, v6;
	v4 =	vadd.s32 v5, v4;
	v5 =	vsel vm7, $0x1, v0  }
0x489: {  	[tilespmem:$0x2900] =	vst v62;
	v6 =	vmin.u32 v6, $0x7;
	v4 =	vadd.s32 v5, v4  }
0x48a: {  	[tilespmem:$0x2910] =	vst v6;
	v4 =	vmin.u32 v4, $0x7  }
.Ltmp8:
0x48b: {  	s29 =	rddreg [dreg:$0x5];
	s31 =	simm.s32 $0x2900;
	[tilespmem:$0x2920] =	vst v4;
	(pc) =	sbr.rel .LBB2_9-.Ltmp8, $4  }
0x48c: {  	[hbm4b:s29+s3] =	stream.linear.scatter [tilespmem:s31], [sflag:$0x5], $0x80, $0x38;
	[tilespmem:$0x12980] =	vst v63  }
0x48d: {  	_ =	swait.ge [sflag:s0], $0x80  }
0x48e: {  	[sflag:s0] =	ssyncset.done $0x0  }
0x48f: {  	[sflag:s0] =	ssyncadd.s32 $0xFFFFFF80  }
.LBB2_10:
0x490: {  	_ =	sfence.sel $0x180000  }
0x491: {  	[bflag:$0x0] =	sbarrier.arrive $0xFFFF  }
0x492: {  	_ =	strace $0x90000047  }
0x493: {  	s0 =	stileid.u32;
	[bflag:$0x2] =	sbarrier.arrive $0xFFFF  }
0x494: {  	p0 =	sne.s32 s0, $0x0;
	s0 =	rddreg [dreg:$0x4]  }
0x495: {  	s0 =	sadd.s32 @!p0 $0x100000, s0  }
0x496: {  	[sflag:s0] =	ssyncadd.tile.s32 @!p0 $0x1;
	_ =	shalt  }
.Lfunc_end2:
_tile_overlayer_lowered:
.L_overlay_start_2:
0x497: {  	(tag) =	ssettag $0x2  }
0x498: {  	s0 =	rddreg [dreg:$0x0];
	s2 =	stileid.u32  }
0x499: {  	s1 =	rddreg [dreg:$0x1];
	p0 =	sne.s32 s2, $0x0  }
0x49a: {  	s3 =	rddreg [dreg:$0x2];
	[bflag:$0x3] =	sbarrier.arrive $0xFFFF;
	s2 =	simm.s32 @!p0 $0x1C05  }
0x49b: {  	[timem:s3], [sflag:s2] =	dma.local @!p0 [hbm:s0], s1  }
0x49c: {  	s0 =	simm.s32 @!p0 $0x5  }
0x49d: {  	_ =	swait.ge @!p0 [sflag:s0], s1  }
0x49e: {  	s1 =	ssub.s32 @!p0 $0x0, s1;
	[sflag:s0] =	ssyncset.done @!p0 $0x0  }
0x49f: {  	[sflag:s0] =	ssyncadd.s32 @!p0 s1  }
0x4a0: {  	[bflag:$0x3] =	sbarrier.arrive $0xFFFF  }
0x4a1: {  	_ =	shalt  }

// kernel: kernel.8.cloned.1.call-start
scs
__scs_entry_jumppad:
0x0: {  	(pc) =	sbr.rel $0x88, $3  }
0x1: {  	(tag) =	ssettag $0x0;
	lr =	simm.s32 $0x1  }
0x2: {  	[smem:$0x3F9D] =	sst lr;
	_ =	strace $0xD0000000  }
0x3: {  	_ = 	snop  }
0x4: {  	_ = 	snop  }
0x5: {  	_ = 	snop  }
0x6: {  	_ = 	snop  }
0x7: {  	_ = 	snop  }
__scs_overlays_trampoline_lowered:
0x8: {  	[smem:$0x3FAC] =	sst s0  }
0x9: {  	[smem:$0x3FAD] =	sst s1  }
0xa: {  	[smem:$0x3FAE] =	sst s2  }
0xb: {  	[smem:$0x3FAF] =	sst s3  }
0xc: {  	[smem:$0x3FB0] =	sst s4  }
0xd: {  	[smem:$0x3FB1] =	sst s5  }
0xe: {  	[smem:$0x3FB2] =	sst s6  }
0xf: {  	[smem:$0x3FB3] =	sst s7  }
0x10: {  	[smem:$0x3FB4] =	sst s8  }
0x11: {  	[smem:$0x3FB5] =	sst s9;
	s0 =	simm.s32 @!p0 $0x0  }
0x12: {  	s1 =	sld [smem:$0x3F9B];
	s0 =	simm.s32 @p0 $0x1  }
0x13: {  	[smem:$0x3FB6] =	sst s0;
	s0 =	simm.s32 @!p1 $0x0  }
0x14: {  	s2 =	sld [smem:$0x3F9A];
	s0 =	simm.s32 @p1 $0x1  }
0x15: {  	[smem:$0x3FB7] =	sst s0;
	s0 =	simm.s32 @!p2 $0x0  }
0x16: {  	s3 =	sld [smem:$0x3FDB];
	s0 =	simm.s32 @p2 $0x1  }
0x17: {  	s4 =	simm.s32 $0x1BF5;
	[smem:$0x3FB9] =	sst s0  }
0x18: {  	s0 =	sld [smem:$0x3F9C];
	_ =	swait.ge [sflag:s4], $0x0  }
0x19: {  	s7 =	sld [smem:$0x3F9D]  }
0x1a: {  	s8 =	sadd.s32 $0xFFFFE003, lr  }
0x1b: {  	s9 =	sadd.s32 $0xFFFFFEF7, lr;
	s5 =	simm.s32 $0xFFFFFFFF;
	p2 =	slt.u32 s8, $0xFFFFF086  }
0x1c: {  	p1 =	slt.u32 s9, $0xF7A;
	s5 =	simm.s32 @!p2 $0x0  }
0x1d: {  	s5 =	simm.s32 @p1 $0x1;
	p0 =	seq.s32 s7, s2  }
0x1e: {  	s7 =	smul.u32 @!p0 $0xF7A, s2;
	p2 =	seq.s32 @!p0 s5, $0x0  }
0x1f: {  	s9 =	smul.u32 $0xF7A, s1;
	s8 =	simm.s32 @!p0 $0x1BF5;
	p2 =	por !p2, p0  }
0x20: {  	[sflag:s8] =	ssyncset.s32 @!p0 $0xFFFFF086;
	s6 =	sadd.s32 @!p0 s3, s7;
	s7 =	simm.s32 @!p0 $0x108  }
0x21: {  	s3 =	sadd.s32 s3, s9;
	s6 =	sadd.s32 @!p0 $0x88, s6;
	s7 =	simm.s32 @p2 $0x1082  }
0x22: {  	[simem:s7], [sflag:s8] =	dma.local @!p0 [hbm:s6], $0xF7A  }
0x23: {  	s9 =	sor.u32 $0xD0000000, s2;
	s6 =	simm.s32 $0x108;
	_ =	swait.ge @!p0 [sflag:s8], $0x0  }
0x24: {  	s3 =	sadd.s32 $0x88, s3;
	s6 =	simm.s32 @!p1 $0x1082;
	[sflag:s4] =	ssyncset.s32 $0xFFFFF086  }
0x25: {  	[simem:s6], [sflag:s4] =	dma.local [hbm:s3], $0xF7A  }
0x26: {  	[smem:$0x3F9D] =	sst s1;
	(tag) =	ssettag s2;
	_ =	strace s9  }
0x27: {  	s1 =	sld [smem:$0x3FAD]  }
0x28: {  	s2 =	sld [smem:$0x3FAE]  }
0x29: {  	s4 =	sld [smem:$0x3FB0]  }
0x2a: {  	p0 =	seq.s32 s5, $0x0;
	s5 =	sld [smem:$0x3FB1]  }
0x2b: {  	s6 =	sld [smem:$0x3FB2]  }
0x2c: {  	s7 =	sld [smem:$0x3FB3]  }
0x2d: {  	s3 =	simm.s32 $0x108;
	s8 =	sld [smem:$0x3FB4]  }
0x2e: {  	s3 =	simm.s32 @!p0 $0x1082;
	s9 =	sld [smem:$0x3FB5]  }
0x2f: {  	lr =	sadd.s32 s0, s3;
	s0 =	sld [smem:$0x3FAC]  }
0x30: {  	s3 =	sld [smem:$0x3FAF]  }
0x31: {  	[smem:$0x3FB8] =	sst s10  }
0x32: {  	s10 =	sld [smem:$0x3FB6];
	_ =	sdelay $0x3  }
0x33: {  	p0 =	seq.s32 s10, $0x1;
	s10 =	sld [smem:$0x3FB8];
	_ =	sdelay $0x3  }
0x34: {  	[smem:$0x3FB8] =	sst s10  }
0x35: {  	s10 =	sld [smem:$0x3FB7];
	_ =	sdelay $0x3  }
0x36: {  	p1 =	seq.s32 s10, $0x1;
	s10 =	sld [smem:$0x3FB8];
	_ =	sdelay $0x3  }
0x37: {  	[smem:$0x3FB8] =	sst s10  }
0x38: {  	s10 =	sld [smem:$0x3FB9]  }
0x39: {  	_ = 	snop;
	(pc) =	sbr.ind lr, $3  }
0x3a: {  	_ = 	snop  }
0x3b: {  	_ = 	snop  }
0x3c: {  	p2 =	seq.s32 s10, $0x1;
	s10 =	sld [smem:$0x3FB8]  }
0x3d: {  	_ =	shalt  }
0x3e: {  	_ =	shalt  }
0x3f: {  	_ =	shalt  }
0x40: {  	_ =	shalt  }
0x41: {  	_ =	shalt  }
0x42: {  	_ =	shalt  }
0x43: {  	_ =	shalt  }
0x44: {  	_ =	shalt  }
0x45: {  	_ =	shalt  }
0x46: {  	_ =	shalt  }
0x47: {  	_ =	shalt  }
0x48: {  	_ =	shalt  }
0x49: {  	_ =	shalt  }
0x4a: {  	_ =	shalt  }
0x4b: {  	_ =	shalt  }
0x4c: {  	_ =	shalt  }
0x4d: {  	_ =	shalt  }
0x4e: {  	_ =	shalt  }
0x4f: {  	_ =	shalt  }
0x50: {  	_ =	shalt  }
0x51: {  	_ =	shalt  }
0x52: {  	_ =	shalt  }
0x53: {  	_ =	shalt  }
0x54: {  	_ =	shalt  }
0x55: {  	_ =	shalt  }
0x56: {  	_ =	shalt  }
0x57: {  	_ =	shalt  }
0x58: {  	_ =	shalt  }
0x59: {  	_ =	shalt  }
0x5a: {  	_ =	shalt  }
0x5b: {  	_ =	shalt  }
0x5c: {  	_ =	shalt  }
0x5d: {  	_ =	shalt  }
0x5e: {  	_ =	shalt  }
0x5f: {  	_ =	shalt  }
0x60: {  	_ =	shalt  }
0x61: {  	_ =	shalt  }
0x62: {  	_ =	shalt  }
0x63: {  	_ =	shalt  }
0x64: {  	_ =	shalt  }
0x65: {  	_ =	shalt  }
0x66: {  	_ =	shalt  }
0x67: {  	_ =	shalt  }
0x68: {  	_ =	shalt  }
0x69: {  	_ =	shalt  }
0x6a: {  	_ =	shalt  }
0x6b: {  	_ =	shalt  }
0x6c: {  	_ =	shalt  }
0x6d: {  	_ =	shalt  }
0x6e: {  	_ =	shalt  }
0x6f: {  	_ =	shalt  }
0x70: {  	_ =	shalt  }
0x71: {  	_ =	shalt  }
0x72: {  	_ =	shalt  }
0x73: {  	_ =	shalt  }
0x74: {  	_ =	shalt  }
0x75: {  	_ =	shalt  }
0x76: {  	_ =	shalt  }
0x77: {  	_ =	shalt  }
0x78: {  	_ =	shalt  }
0x79: {  	_ =	shalt  }
0x7a: {  	_ =	shalt  }
0x7b: {  	_ =	shalt  }
0x7c: {  	_ =	shalt  }
0x7d: {  	_ =	shalt  }
0x7e: {  	_ =	shalt  }
0x7f: {  	_ =	shalt  }
0x80: {  	_ =	shalt  }
0x81: {  	_ =	shalt  }
0x82: {  	_ =	shalt  }
0x83: {  	_ =	shalt  }
0x84: {  	_ =	shalt  }
0x85: {  	_ =	shalt  }
0x86: {  	_ =	shalt  }
0x87: {  	_ =	shalt  }
.Lfunc_end0:
.L_simem_size_0:
called_computation.1_lowered:
.L_overlay_start_0:
0x88: {  	s2 =	sld [smem:$0x3FD9]  }
0x89: {  	s3 =	sld [smem:$0x3FFE];
	_ =	sdelay $0x1  }
0x8a: {  	s1 =	srdreg.scid  }
0x8b: {  	s0 =	sand.u32 $0x1, s1  }
0x8c: {  	s17 =	sshll.u32 s0, $0xA;
	s2 =	sadd.s32 s3, s2  }
0x8d: {  	s2 =	sadd.s32 s2, s17  }
0x8e: {  	[smem:$0x3FC4] =	sst s2  }
0x8f: {  	_ = 	snop  }
0x90: {  	s2 =	sld [smem:$0x3FD0];
	(tm) =	ssettm $0x1  }
0x91: {  	s18 =	sld [smem:$0x3FFB];
	_ =	sdelay $0x3  }
0x92: {  	_ =	strace s18  }
0x93: {  	s3 =	sld [smem:$0x3FFC];
	_ =	sdelay $0x3  }
0x94: {  	_ =	strace s3  }
0x95: {  	s3 =	sld [smem:$0x3FFD];
	_ =	sdelay $0x3  }
0x96: {  	_ =	strace s3  }
0x97: {  	_ =	strace $0x8FFFFFFF  }
0x98: {  	s19 =	sld [smem:$0x3FDB];
	_ =	sdelay $0x1  }
0x99: {  	s4 =	simm.s32 $_scs_section_size  }
0x9a: {  	s5 =	simm.s32 $_size__tile_overlayer_lowered;
	s6 =	simm.s32 $_tile_overlayer_lowered  }
0x9b: {  	s22 =	simm.s32 $0x1BFF;
	s21 =	sshll.u32 s6, $0x1;
	s3 =	sadd.s32 s4, s19  }
0x9c: {  	s7 =	simm.s32 $0x0;
	s20 =	sshll.u32 s5, $0x1;
	s5 =	sadd.s32 s21, s3  }
0x9d: {  	[timem:s7], [sflag:s22] =	dma.local [hbm:s5], s20  }
0x9e: {  	_ =	swait.ge [sflag:s22], s20  }
0x9f: {  	s4 =	ssub.s32 $0x0, s20;
	[sflag:s22] =	ssyncset.done $0x0  }
0xa0: {  	[sflag:s22] =	ssyncadd.s32 s4;
	_ =	sdelay $0x1  }
0xa1: {  	s23 =	simm.s32 $0x1B8B  }
0xa2: {  	_ =	swait.ge [sflag:s23], $0x1  }
0xa3: {  	[sflag:s23] =	ssyncset.done $0x0  }
0xa4: {  	s25 =	simm.s32 $0x1B8E;
	s24 =	sld [smem:$0x3FFE];
	[sflag:s23] =	ssyncadd.s32 $0xFFFFFFFF  }
0xa5: {  	s26 =	simm.s32 $execute0_lowered;
	[smem:$0x3FD2] =	sst s25  }
0xa6: {  	s5 =	sshll.u32 s26, $0x1;
	_ =	strace $0x80000049;
	[dreg:$0x1] =	wrdreg $0xFFFFFFFF  }
0xa7: {  	s28 =	simm.s32 $_size_execute0_lowered;
	s3 =	sadd.s32 s3, s5;
	[dreg:$0x0] =	wrdreg $0x0  }
0xa8: {  	s5 =	sshll.u32 s28, $0x1;
	[dreg:$0x2] =	wrdreg s3  }
0xa9: {  	[dreg:$0x3] =	wrdreg s5  }
0xaa: {  	[dreg:$0x4] =	wrdreg $0xC0  }
0xab: {  	_ =	task [dreg:s7], $0x5FFFF  }
0xac: {  	[dreg:$0x1] =	wrdreg $0xFFFFFFFF  }
0xad: {  	[dreg:$0x0] =	wrdreg $0x60  }
0xae: {  	[dreg:$0x2] =	wrdreg s24  }
0xaf: {  	[dreg:$0x3] =	wrdreg s2  }
0xb0: {  	[dreg:$0x4] =	wrdreg $0x9  }
0xb1: {  	_ =	task.clear_ibuf [dreg:s7], $0x5FFFF;
	_ =	strace $0x90000049  }
0xb2: {  	s29 =	simm.s32 $0x9;
	_ =	strace $0x8000004B  }
0xb3: {  	_ =	swait.ge [sflag:s29], $0x1  }
0xb4: {  	[sflag:s29] =	ssyncadd.s32 $0xFFFFFFFF  }
0xb5: {  	_ =	strace $0x9000004B  }
0xb6: {  	_ =	sfence  }
0xb7: {  	s30 =	sld [smem:$0x0];
	_ =	sdelay $0x2  }
0xb8: {  	s31 =	sshll.u32 s1, $0xD;
	s1 =	sshrl.u32 s1, $0x2  }
0xb9: {  	s3 =	sand.u32 $0x4000, s31;
	s1 =	sadd.s32 s1, s30  }
0xba: {  	s0 =	sor.u32 s3, s0;
	s1 =	sshll.u32 s1, $0x11  }
0xbb: {  	s0 =	sor.u32 s1, s0  }
0xbc: {  	s0 =	sadd.s32 $0x8F2B, s0  }
0xbd: {  	[sflag:s0] =	ssyncadd.remote.s32 $0x1  }
0xbe: {  	_ =	sfence.sel $0xFFFF  }
0xbf: {  	[dreg:$0x0] =	wrdreg $0xFFFFFFFF;
	(pc) =	sbr.abs _section_cstart, $3  }
0xc0: {  	[dreg:$0x1] =	wrdreg $0xFFFFFFFF  }
0xc1: {  	_ =	task.clear_ibuf [dreg:s7], $0x2FFFF;
	_ =	strace $0x9FFFFFFF  }
0xc2: {  	(tm) =	ssettm $0x7FFFFFFF  }
0xc3: {  	_ =	shalt  }
tec
execute0_lowered:
.L_overlay_start_1:
0x0: {  	(tag) =	ssettag $0x1  }
0x1: {  	s0 =	srdreg.scid;
	s1 =	rddreg [dreg:$0x0]  }
0x2: {  	s2 =	stileid.u32;
	s3 =	rddreg [dreg:$0x1];
	s10 =	simm.s32 $0x400  }
0x3: {  	s18 =	simm.s32 $0x1;
	s19 =	simm.s32 $0x3;
	s28 =	simm.s32 $0x2400  }
0x4: {  	s29 =	simm.s32 $0x2C00;
	s30 =	simm.s32 $0x3400;
	s31 =	simm.s32 $0x3C00  }
0x5: {  	s16 =	simm.s32 $0x4C00;
	s9 =	simm.s32 $0x5C00;
	s11 =	simm.s32 $0x6400  }
0x6: {  	s12 =	simm.s32 $0x6C00;
	s0 =	sand.u32 $0x1, s0;
	s2 =	sshll.u32 s2, $0x1  }
0x7: {  	s13 =	simm.s32 $0x7400;
	s14 =	simm.s32 $0x7C00;
	s4 =	sor.u32 s0, s2  }
0x8: {  	s2 =	simm.s32 $0x0;
	s5 =	sshll.u32 s4, $0x7;
	s4 =	sshll.u32 s4, $0xF  }
0x9: {  	[smem:$0x7FF] =	sst s2;
	s5 =	sadd.s32 s5, s1;
	s8 =	sadd.s32 s3, s4  }
0xa: {  	_ =	strace $0x8000004A;
	s5 =	sadd.s32 $0x281200, s5;
	[dreg:$0xb] =	wrdreg s8  }
0xb: {  	s6 =	sadd.s32 $0x282400, s1;
	s3 =	sadd.s32 $0x1000, s8;
	[dreg:$0x3] =	wrdreg s5  }
0xc: {  	s7 =	sadd.s32 $0x282500, s1;
	s20 =	sadd.s32 $0x2000, s8;
	[dreg:$0x4] =	wrdreg s3  }
0xd: {  	s0 =	ssub.s32 $0x2, s0;
	s22 =	sadd.s32 $0x3000, s8;
	[dreg:$0x5] =	wrdreg s20  }
0xe: {  	s21 =	sshrl.u32 s0, $0x1;
	s23 =	sadd.s32 $0x4000, s8;
	[dreg:$0x6] =	wrdreg s22  }
0xf: {  	s4 =	sadd.s32 $0x282200, s1;
	s24 =	sadd.s32 $0x5000, s8;
	[dreg:$0x7] =	wrdreg s23  }
0x10: {  	s0 =	ssub.s32 s0, s21;
	s25 =	sadd.s32 $0x6000, s8;
	[dreg:$0x8] =	wrdreg s24  }
0x11: {  	s21 =	simm.s32 $0x4;
	s26 =	sadd.s32 $0x7000, s8;
	[dreg:$0x9] =	wrdreg s25  }
0x12: {  	v2 =	vlaneseq.u32;
	s8 =	smax.u32 s0, $0x1;
	s5 =	sadd.s32 $0x282300, s1;
	[dreg:$0xa] =	wrdreg s26  }
0x13: {  	vm0 =	vmmov $0xffff;
	v1 =	vshrl.u32 v2, $0x3;
	s26 =	simm.s32 $0x8400;
	s20 =	simm.s32 $0x2;
	s23 =	simm.s32 $0xC00  }
0x14: {  	v0 =	vand.u32 $0x7, v2;
	v2 =	vor.u32 $0x8, v2;
	v1 =	vmul.u32 $0x8, v1;
	s24 =	simm.s32 $0x1400;
	s25 =	simm.s32 $0x1C00;
	s3 =	simm.s32 $0x5400  }
.LBB2_1:
0x15: {  	s22 =	rddreg [dreg:$0x3];
	s15 =	simm.s32 $0x5  }
0x16: {  	[tilespmem:s2], [sflag:$0x5] =	stream.linear.gather [hbm4b:s22+s2], $0x400, $0x38;
	[tilespmem:$0x10400] =	vst v63  }
0x17: {  	_ =	swait.ge [sflag:s15], $0x400  }
0x18: {  	[sflag:s15] =	ssyncset.done $0x0  }
0x19: {  	[sflag:s15] =	ssyncadd.s32 $0xFFFFFC00  }
0x1a: {  	v3 =	vld [tilespmem:$0x0];
	_ =	sdelay $0x4  }
0x1b: {  	v4 =	vshll.u32 v3, $0x3  }
0x1c: {  	v3 =	vand.u32 $0x7, v3;
	v4 =	vand.u32 $0xFFFFFFC0, v4  }
0x1d: {  	v3 =	vor.u32 v3, v4  }
0x1e: {  	v4 =	vperm.xlane v3, v0;
	_ =	sdelay $0x1  }
0x1f: {  	v4 =	vadd.s32 v1, v4;
	_ =	sdelay $0x4  }
0x20: {  	[tilespmem:s10], [sflag:$0x1] =	stream.indirect_vreg.gather [hbm4b:s4+s2], $0x80, v4, vm0, $0xb8;
	[tilespmem:$0x10400] =	vst v63  }
0x21: {  	v3 =	vperm.xlane v3, v2  }
0x22: {  	[tilespmem:s23], [sflag:$0x1] =	stream.indirect_vreg.gather [hbm4b:s5+s2], $0x80, v4, vm0, $0xb8;
	[tilespmem:$0x10400] =	vst v63  }
0x23: {  	v3 =	vadd.s32 v1, v3  }
0x24: {  	[tilespmem:s24], [sflag:$0x1] =	stream.indirect_vreg.gather [hbm4b:s6+s2], $0x80, v4, vm0, $0xb8;
	[tilespmem:$0x10400] =	vst v63  }
0x25: {  	_ = 	snop  }
0x26: {  	[tilespmem:s25], [sflag:$0x1] =	stream.indirect_vreg.gather [hbm4b:s7+s2], $0x80, v4, vm0, $0xb8;
	[tilespmem:$0x10400] =	vst v63  }
0x27: {  	_ = 	snop  }
0x28: {  	[tilespmem:s28], [sflag:$0x1] =	stream.indirect_vreg.gather [hbm4b:s4+s2], $0x80, v3, vm0, $0xb8;
	[tilespmem:$0x10400] =	vst v63  }
0x29: {  	_ = 	snop  }
0x2a: {  	[tilespmem:s29], [sflag:$0x1] =	stream.indirect_vreg.gather [hbm4b:s5+s2], $0x80, v3, vm0, $0xb8;
	[tilespmem:$0x10400] =	vst v63  }
0x2b: {  	_ = 	snop  }
0x2c: {  	[tilespmem:s30], [sflag:$0x1] =	stream.indirect_vreg.gather [hbm4b:s6+s2], $0x80, v3, vm0, $0xb8;
	[tilespmem:$0x10400] =	vst v63  }
0x2d: {  	_ = 	snop  }
0x2e: {  	[tilespmem:s31], [sflag:$0x1] =	stream.indirect_vreg.gather [hbm4b:s7+s2], $0x80, v3, vm0, $0xb8;
	[tilespmem:$0x10400] =	vst v63  }
0x2f: {  	v3 =	vld [tilespmem:$0x10];
	_ =	sdelay $0x4  }
0x30: {  	v49 =	vshll.u32 v3, $0x3  }
0x31: {  	v3 =	vand.u32 $0x7, v3;
	v4 =	vand.u32 $0xFFFFFFC0, v49  }
0x32: {  	v3 =	vor.u32 v3, v4  }
0x33: {  	v4 =	vperm.xlane v3, v0;
	_ =	sdelay $0x1  }
0x34: {  	v4 =	vadd.s32 v1, v4;
	_ =	sdelay $0x3  }
0x35: {  	s1 =	simm.s32 $0x4400  }
0x36: {  	[tilespmem:s1], [sflag:$0x1] =	stream.indirect_vreg.gather [hbm4b:s4+s2], $0x80, v4, vm0, $0xb8;
	[tilespmem:$0x10400] =	vst v63  }
0x37: {  	v3 =	vperm.xlane v3, v2  }
0x38: {  	[tilespmem:s16], [sflag:$0x1] =	stream.indirect_vreg.gather [hbm4b:s5+s2], $0x80, v4, vm0, $0xb8;
	[tilespmem:$0x10400] =	vst v63  }
0x39: {  	v3 =	vadd.s32 v1, v3  }
0x3a: {  	[tilespmem:s3], [sflag:$0x1] =	stream.indirect_vreg.gather [hbm4b:s6+s2], $0x80, v4, vm0, $0xb8;
	[tilespmem:$0x10400] =	vst v63  }
0x3b: {  	_ = 	snop  }
0x3c: {  	[tilespmem:s9], [sflag:$0x1] =	stream.indirect_vreg.gather [hbm4b:s7+s2], $0x80, v4, vm0, $0xb8;
	[tilespmem:$0x10400] =	vst v63  }
0x3d: {  	_ = 	snop  }
0x3e: {  	[tilespmem:s11], [sflag:$0x1] =	stream.indirect_vreg.gather [hbm4b:s4+s2], $0x80, v3, vm0, $0xb8;
	[tilespmem:$0x10400] =	vst v63  }
0x3f: {  	_ = 	snop  }
0x40: {  	[tilespmem:s12], [sflag:$0x1] =	stream.indirect_vreg.gather [hbm4b:s5+s2], $0x80, v3, vm0, $0xb8;
	[tilespmem:$0x10400] =	vst v63  }
0x41: {  	_ = 	snop  }
0x42: {  	[tilespmem:s13], [sflag:$0x1] =	stream.indirect_vreg.gather [hbm4b:s6+s2], $0x80, v3, vm0, $0xb8;
	[tilespmem:$0x10400] =	vst v63  }
0x43: {  	_ = 	snop  }
0x44: {  	[tilespmem:s14], [sflag:$0x1] =	stream.indirect_vreg.gather [hbm4b:s7+s2], $0x80, v3, vm0, $0xb8;
	[tilespmem:$0x10400] =	vst v63  }
0x45: {  	v3 =	vld [tilespmem:$0x80];
	_ =	sdelay $0x4  }
0x46: {  	v50 =	vshll.u32 v3, $0x3  }
0x47: {  	v3 =	vand.u32 $0x7, v3;
	v4 =	vand.u32 $0xFFFFFFC0, v50  }
0x48: {  	v3 =	vor.u32 v3, v4  }
0x49: {  	v4 =	vperm.xlane v3, v0;
	_ =	sdelay $0x1  }
0x4a: {  	v4 =	vadd.s32 v1, v4;
	_ =	sdelay $0x4  }
0x4b: {  	[tilespmem:s26], [sflag:$0x2] =	stream.indirect_vreg.gather [hbm4b:s4+s2], $0x80, v4, vm0, $0xb8;
	[tilespmem:$0x10400] =	vst v63  }
0x4c: {  	s15 =	simm.s32 $0x8C00;
	v3 =	vperm.xlane v3, v2  }
0x4d: {  	[tilespmem:s15], [sflag:$0x2] =	stream.indirect_vreg.gather [hbm4b:s5+s2], $0x80, v4, vm0, $0xb8;
	[tilespmem:$0x10400] =	vst v63  }
0x4e: {  	s17 =	simm.s32 $0x9400;
	v3 =	vadd.s32 v1, v3  }
0x4f: {  	[tilespmem:s17], [sflag:$0x2] =	stream.indirect_vreg.gather [hbm4b:s6+s2], $0x80, v4, vm0, $0xb8;
	[tilespmem:$0x10400] =	vst v63  }
0x50: {  	s22 =	simm.s32 $0x9C00  }
0x51: {  	[tilespmem:s22], [sflag:$0x2] =	stream.indirect_vreg.gather [hbm4b:s7+s2], $0x80, v4, vm0, $0xb8;
	[tilespmem:$0x10400] =	vst v63  }
0x52: {  	s17 =	simm.s32 $0xA400  }
0x53: {  	[tilespmem:s17], [sflag:$0x2] =	stream.indirect_vreg.gather [hbm4b:s4+s2], $0x80, v3, vm0, $0xb8;
	[tilespmem:$0x10400] =	vst v63  }
0x54: {  	s15 =	simm.s32 $0xAC00  }
0x55: {  	[tilespmem:s15], [sflag:$0x2] =	stream.indirect_vreg.gather [hbm4b:s5+s2], $0x80, v3, vm0, $0xb8;
	[tilespmem:$0x10400] =	vst v63  }
0x56: {  	s17 =	simm.s32 $0xB400  }
0x57: {  	[tilespmem:s17], [sflag:$0x2] =	stream.indirect_vreg.gather [hbm4b:s6+s2], $0x80, v3, vm0, $0xb8;
	[tilespmem:$0x10400] =	vst v63  }
0x58: {  	s15 =	simm.s32 $0xBC00  }
0x59: {  	[tilespmem:s15], [sflag:$0x2] =	stream.indirect_vreg.gather [hbm4b:s7+s2], $0x80, v3, vm0, $0xb8;
	[tilespmem:$0x10400] =	vst v63  }
0x5a: {  	v3 =	vld [tilespmem:$0x90];
	_ =	sdelay $0x4  }
0x5b: {  	v51 =	vshll.u32 v3, $0x3  }
0x5c: {  	v3 =	vand.u32 $0x7, v3;
	v4 =	vand.u32 $0xFFFFFFC0, v51  }
0x5d: {  	v3 =	vor.u32 v3, v4  }
0x5e: {  	v4 =	vperm.xlane v3, v0;
	_ =	sdelay $0x1  }
0x5f: {  	v4 =	vadd.s32 v1, v4;
	_ =	sdelay $0x3  }
0x60: {  	s17 =	simm.s32 $0xC400  }
0x61: {  	[tilespmem:s17], [sflag:$0x2] =	stream.indirect_vreg.gather [hbm4b:s4+s2], $0x80, v4, vm0, $0xb8;
	[tilespmem:$0x10400] =	vst v63  }
0x62: {  	s22 =	simm.s32 $0xCC00;
	v3 =	vperm.xlane v3, v2  }
0x63: {  	[tilespmem:s22], [sflag:$0x2] =	stream.indirect_vreg.gather [hbm4b:s5+s2], $0x80, v4, vm0, $0xb8;
	[tilespmem:$0x10400] =	vst v63  }
0x64: {  	v3 =	vadd.s32 v1, v3;
	s22 =	simm.s32 $0xD400  }
0x65: {  	[tilespmem:s22], [sflag:$0x2] =	stream.indirect_vreg.gather [hbm4b:s6+s2], $0x80, v4, vm0, $0xb8;
	[tilespmem:$0x10400] =	vst v63  }
0x66: {  	s22 =	simm.s32 $0xDC00  }
0x67: {  	[tilespmem:s22], [sflag:$0x2] =	stream.indirect_vreg.gather [hbm4b:s7+s2], $0x80, v4, vm0, $0xb8;
	[tilespmem:$0x10400] =	vst v63  }
0x68: {  	s22 =	simm.s32 $0xE400  }
0x69: {  	[tilespmem:s22], [sflag:$0x2] =	stream.indirect_vreg.gather [hbm4b:s4+s2], $0x80, v3, vm0, $0xb8;
	[tilespmem:$0x10400] =	vst v63  }
0x6a: {  	s22 =	simm.s32 $0xEC00  }
0x6b: {  	[tilespmem:s22], [sflag:$0x2] =	stream.indirect_vreg.gather [hbm4b:s5+s2], $0x80, v3, vm0, $0xb8;
	[tilespmem:$0x10400] =	vst v63  }
0x6c: {  	s22 =	simm.s32 $0xF400  }
0x6d: {  	[tilespmem:s22], [sflag:$0x2] =	stream.indirect_vreg.gather [hbm4b:s6+s2], $0x80, v3, vm0, $0xb8;
	[tilespmem:$0x10400] =	vst v63  }
0x6e: {  	s22 =	simm.s32 $0xFC00  }
0x6f: {  	[tilespmem:s22], [sflag:$0x2] =	stream.indirect_vreg.gather [hbm4b:s7+s2], $0x80, v3, vm0, $0xb8;
	[tilespmem:$0x10400] =	vst v63  }
0x70: {  	_ =	swait.ge [sflag:s18], $0x8000  }
0x71: {  	[sflag:s18] =	ssyncset.done $0x0  }
0x72: {  	s22 =	rddreg [dreg:$0xb];
	[sflag:s18] =	ssyncadd.s32 $0xFFFF8000  }
0x73: {  	[hbm4b:s22+s2] =	stream.linear.scatter [tilespmem:s10], [sflag:$0x3], $0x8000, $0x38;
	[tilespmem:$0x10400] =	vst v63  }
0x74: {  	_ =	swait.ge [sflag:s19], $0x8000  }
0x75: {  	[sflag:s19] =	ssyncset.done $0x0  }
0x76: {  	[sflag:s19] =	ssyncadd.s32 $0xFFFF8000  }
0x77: {  	v3 =	vld [tilespmem:$0x100];
	_ =	sdelay $0x4  }
0x78: {  	v52 =	vshll.u32 v3, $0x3  }
0x79: {  	v3 =	vand.u32 $0x7, v3;
	v4 =	vand.u32 $0xFFFFFFC0, v52  }
0x7a: {  	v3 =	vor.u32 v3, v4  }
0x7b: {  	v4 =	vperm.xlane v3, v0;
	_ =	sdelay $0x1  }
0x7c: {  	v4 =	vadd.s32 v1, v4;
	_ =	sdelay $0x4  }
0x7d: {  	[tilespmem:s10], [sflag:$0x1] =	stream.indirect_vreg.gather [hbm4b:s4+s2], $0x80, v4, vm0, $0xb8;
	[tilespmem:$0x10400] =	vst v63  }
0x7e: {  	v3 =	vperm.xlane v3, v2  }
0x7f: {  	[tilespmem:s23], [sflag:$0x1] =	stream.indirect_vreg.gather [hbm4b:s5+s2], $0x80, v4, vm0, $0xb8;
	[tilespmem:$0x10400] =	vst v63  }
0x80: {  	v3 =	vadd.s32 v1, v3  }
0x81: {  	[tilespmem:s24], [sflag:$0x1] =	stream.indirect_vreg.gather [hbm4b:s6+s2], $0x80, v4, vm0, $0xb8;
	[tilespmem:$0x10400] =	vst v63  }
0x82: {  	_ = 	snop  }
0x83: {  	[tilespmem:s25], [sflag:$0x1] =	stream.indirect_vreg.gather [hbm4b:s7+s2], $0x80, v4, vm0, $0xb8;
	[tilespmem:$0x10400] =	vst v63  }
0x84: {  	_ = 	snop  }
0x85: {  	[tilespmem:s28], [sflag:$0x1] =	stream.indirect_vreg.gather [hbm4b:s4+s2], $0x80, v3, vm0, $0xb8;
	[tilespmem:$0x10400] =	vst v63  }
0x86: {  	_ = 	snop  }
0x87: {  	[tilespmem:s29], [sflag:$0x1] =	stream.indirect_vreg.gather [hbm4b:s5+s2], $0x80, v3, vm0, $0xb8;
	[tilespmem:$0x10400] =	vst v63  }
0x88: {  	_ = 	snop  }
0x89: {  	[tilespmem:s30], [sflag:$0x1] =	stream.indirect_vreg.gather [hbm4b:s6+s2], $0x80, v3, vm0, $0xb8;
	[tilespmem:$0x10400] =	vst v63  }
0x8a: {  	_ = 	snop  }
0x8b: {  	[tilespmem:s31], [sflag:$0x1] =	stream.indirect_vreg.gather [hbm4b:s7+s2], $0x80, v3, vm0, $0xb8;
	[tilespmem:$0x10400] =	vst v63  }
0x8c: {  	v3 =	vld [tilespmem:$0x110];
	_ =	sdelay $0x4  }
0x8d: {  	v53 =	vshll.u32 v3, $0x3  }
0x8e: {  	v3 =	vand.u32 $0x7, v3;
	v4 =	vand.u32 $0xFFFFFFC0, v53  }
0x8f: {  	v3 =	vor.u32 v3, v4  }
0x90: {  	v4 =	vperm.xlane v3, v0;
	_ =	sdelay $0x1  }
0x91: {  	v4 =	vadd.s32 v1, v4;
	_ =	sdelay $0x4  }
0x92: {  	[tilespmem:s1], [sflag:$0x1] =	stream.indirect_vreg.gather [hbm4b:s4+s2], $0x80, v4, vm0, $0xb8;
	[tilespmem:$0x10400] =	vst v63  }
0x93: {  	v3 =	vperm.xlane v3, v2  }
0x94: {  	[tilespmem:s16], [sflag:$0x1] =	stream.indirect_vreg.gather [hbm4b:s5+s2], $0x80, v4, vm0, $0xb8;
	[tilespmem:$0x10400] =	vst v63  }
0x95: {  	v3 =	vadd.s32 v1, v3  }
0x96: {  	[tilespmem:s3], [sflag:$0x1] =	stream.indirect_vreg.gather [hbm4b:s6+s2], $0x80, v4, vm0, $0xb8;
	[tilespmem:$0x10400] =	vst v63  }
0x97: {  	_ = 	snop  }
0x98: {  	[tilespmem:s9], [sflag:$0x1] =	stream.indirect_vreg.gather [hbm4b:s7+s2], $0x80, v4, vm0, $0xb8;
	[tilespmem:$0x10400] =	vst v63  }
0x99: {  	_ = 	snop  }
0x9a: {  	[tilespmem:s11], [sflag:$0x1] =	stream.indirect_vreg.gather [hbm4b:s4+s2], $0x80, v3, vm0, $0xb8;
	[tilespmem:$0x10400] =	vst v63  }
0x9b: {  	_ = 	snop  }
0x9c: {  	[tilespmem:s12], [sflag:$0x1] =	stream.indirect_vreg.gather [hbm4b:s5+s2], $0x80, v3, vm0, $0xb8;
	[tilespmem:$0x10400] =	vst v63  }
0x9d: {  	_ = 	snop  }
0x9e: {  	[tilespmem:s13], [sflag:$0x1] =	stream.indirect_vreg.gather [hbm4b:s6+s2], $0x80, v3, vm0, $0xb8;
	[tilespmem:$0x10400] =	vst v63  }
0x9f: {  	_ = 	snop  }
0xa0: {  	[tilespmem:s14], [sflag:$0x1] =	stream.indirect_vreg.gather [hbm4b:s7+s2], $0x80, v3, vm0, $0xb8;
	[tilespmem:$0x10400] =	vst v63  }
0xa1: {  	_ =	swait.ge [sflag:s20], $0x8000  }
0xa2: {  	[sflag:s20] =	ssyncset.done $0x0  }
0xa3: {  	s22 =	rddreg [dreg:$0x4];
	[sflag:s20] =	ssyncadd.s32 $0xFFFF8000  }
0xa4: {  	[hbm4b:s22+s2] =	stream.linear.scatter [tilespmem:s26], [sflag:$0x4], $0x8000, $0x38;
	[tilespmem:$0x10400] =	vst v63  }
0xa5: {  	_ =	swait.ge [sflag:s21], $0x8000  }
0xa6: {  	[sflag:s21] =	ssyncset.done $0x0  }
0xa7: {  	[sflag:s21] =	ssyncadd.s32 $0xFFFF8000  }
0xa8: {  	v3 =	vld [tilespmem:$0x180];
	_ =	sdelay $0x4  }
0xa9: {  	v54 =	vshll.u32 v3, $0x3  }
0xaa: {  	v3 =	vand.u32 $0x7, v3;
	v4 =	vand.u32 $0xFFFFFFC0, v54  }
0xab: {  	v3 =	vor.u32 v3, v4  }
0xac: {  	v4 =	vperm.xlane v3, v0;
	_ =	sdelay $0x1  }
0xad: {  	v4 =	vadd.s32 v1, v4;
	_ =	sdelay $0x4  }
0xae: {  	[tilespmem:s26], [sflag:$0x2] =	stream.indirect_vreg.gather [hbm4b:s4+s2], $0x80, v4, vm0, $0xb8;
	[tilespmem:$0x10400] =	vst v63  }
0xaf: {  	s0 =	simm.s32 $0x8C00;
	v3 =	vperm.xlane v3, v2  }
0xb0: {  	[tilespmem:s0], [sflag:$0x2] =	stream.indirect_vreg.gather [hbm4b:s5+s2], $0x80, v4, vm0, $0xb8;
	[tilespmem:$0x10400] =	vst v63  }
0xb1: {  	v3 =	vadd.s32 v1, v3;
	s0 =	simm.s32 $0x9400  }
0xb2: {  	[tilespmem:s0], [sflag:$0x2] =	stream.indirect_vreg.gather [hbm4b:s6+s2], $0x80, v4, vm0, $0xb8;
	[tilespmem:$0x10400] =	vst v63  }
0xb3: {  	s22 =	simm.s32 $0x9C00  }
0xb4: {  	[tilespmem:s22], [sflag:$0x2] =	stream.indirect_vreg.gather [hbm4b:s7+s2], $0x80, v4, vm0, $0xb8;
	[tilespmem:$0x10400] =	vst v63  }
0xb5: {  	s22 =	simm.s32 $0xA400  }
0xb6: {  	[tilespmem:s22], [sflag:$0x2] =	stream.indirect_vreg.gather [hbm4b:s4+s2], $0x80, v3, vm0, $0xb8;
	[tilespmem:$0x10400] =	vst v63  }
0xb7: {  	s22 =	simm.s32 $0xAC00  }
0xb8: {  	[tilespmem:s22], [sflag:$0x2] =	stream.indirect_vreg.gather [hbm4b:s5+s2], $0x80, v3, vm0, $0xb8;
	[tilespmem:$0x10400] =	vst v63  }
0xb9: {  	s22 =	simm.s32 $0xB400  }
0xba: {  	[tilespmem:s22], [sflag:$0x2] =	stream.indirect_vreg.gather [hbm4b:s6+s2], $0x80, v3, vm0, $0xb8;
	[tilespmem:$0x10400] =	vst v63  }
0xbb: {  	s15 =	simm.s32 $0xBC00  }
0xbc: {  	[tilespmem:s15], [sflag:$0x2] =	stream.indirect_vreg.gather [hbm4b:s7+s2], $0x80, v3, vm0, $0xb8;
	[tilespmem:$0x10400] =	vst v63  }
0xbd: {  	v3 =	vld [tilespmem:$0x190];
	_ =	sdelay $0x4  }
0xbe: {  	v55 =	vshll.u32 v3, $0x3  }
0xbf: {  	v3 =	vand.u32 $0x7, v3;
	v4 =	vand.u32 $0xFFFFFFC0, v55  }
0xc0: {  	v3 =	vor.u32 v3, v4  }
0xc1: {  	v4 =	vperm.xlane v3, v0;
	_ =	sdelay $0x1  }
0xc2: {  	v4 =	vadd.s32 v1, v4;
	_ =	sdelay $0x3  }
0xc3: {  	s17 =	simm.s32 $0xC400  }
0xc4: {  	[tilespmem:s17], [sflag:$0x2] =	stream.indirect_vreg.gather [hbm4b:s4+s2], $0x80, v4, vm0, $0xb8;
	[tilespmem:$0x10400] =	vst v63  }
0xc5: {  	s22 =	simm.s32 $0xCC00;
	v3 =	vperm.xlane v3, v2  }
0xc6: {  	[tilespmem:s22], [sflag:$0x2] =	stream.indirect_vreg.gather [hbm4b:s5+s2], $0x80, v4, vm0, $0xb8;
	[tilespmem:$0x10400] =	vst v63  }
0xc7: {  	v3 =	vadd.s32 v1, v3;
	s17 =	simm.s32 $0xD400  }
0xc8: {  	[tilespmem:s17], [sflag:$0x2] =	stream.indirect_vreg.gather [hbm4b:s6+s2], $0x80, v4, vm0, $0xb8;
	[tilespmem:$0x10400] =	vst v63  }
0xc9: {  	s22 =	simm.s32 $0xDC00  }
0xca: {  	[tilespmem:s22], [sflag:$0x2] =	stream.indirect_vreg.gather [hbm4b:s7+s2], $0x80, v4, vm0, $0xb8;
	[tilespmem:$0x10400] =	vst v63  }
0xcb: {  	s17 =	simm.s32 $0xE400  }
0xcc: {  	[tilespmem:s17], [sflag:$0x2] =	stream.indirect_vreg.gather [hbm4b:s4+s2], $0x80, v3, vm0, $0xb8;
	[tilespmem:$0x10400] =	vst v63  }
0xcd: {  	s22 =	simm.s32 $0xEC00  }
0xce: {  	[tilespmem:s22], [sflag:$0x2] =	stream.indirect_vreg.gather [hbm4b:s5+s2], $0x80, v3, vm0, $0xb8;
	[tilespmem:$0x10400] =	vst v63  }
0xcf: {  	s17 =	simm.s32 $0xF400  }
0xd0: {  	[tilespmem:s17], [sflag:$0x2] =	stream.indirect_vreg.gather [hbm4b:s6+s2], $0x80, v3, vm0, $0xb8;
	[tilespmem:$0x10400] =	vst v63  }
0xd1: {  	s22 =	simm.s32 $0xFC00  }
0xd2: {  	[tilespmem:s22], [sflag:$0x2] =	stream.indirect_vreg.gather [hbm4b:s7+s2], $0x80, v3, vm0, $0xb8;
	[tilespmem:$0x10400] =	vst v63  }
0xd3: {  	_ =	swait.ge [sflag:s18], $0x8000  }
0xd4: {  	[sflag:s18] =	ssyncset.done $0x0  }
0xd5: {  	s17 =	rddreg [dreg:$0x5];
	[sflag:s18] =	ssyncadd.s32 $0xFFFF8000  }
0xd6: {  	[hbm4b:s17+s2] =	stream.linear.scatter [tilespmem:s10], [sflag:$0x3], $0x8000, $0x38;
	[tilespmem:$0x10400] =	vst v63  }
0xd7: {  	_ =	swait.ge [sflag:s19], $0x8000  }
0xd8: {  	[sflag:s19] =	ssyncset.done $0x0  }
0xd9: {  	[sflag:s19] =	ssyncadd.s32 $0xFFFF8000  }
0xda: {  	v3 =	vld [tilespmem:$0x200];
	_ =	sdelay $0x4  }
0xdb: {  	v56 =	vshll.u32 v3, $0x3  }
0xdc: {  	v3 =	vand.u32 $0x7, v3;
	v4 =	vand.u32 $0xFFFFFFC0, v56  }
0xdd: {  	v3 =	vor.u32 v3, v4  }
0xde: {  	v4 =	vperm.xlane v3, v0;
	_ =	sdelay $0x1  }
0xdf: {  	v4 =	vadd.s32 v1, v4;
	_ =	sdelay $0x4  }
0xe0: {  	[tilespmem:s10], [sflag:$0x1] =	stream.indirect_vreg.gather [hbm4b:s4+s2], $0x80, v4, vm0, $0xb8;
	[tilespmem:$0x10400] =	vst v63  }
0xe1: {  	v3 =	vperm.xlane v3, v2  }
0xe2: {  	[tilespmem:s23], [sflag:$0x1] =	stream.indirect_vreg.gather [hbm4b:s5+s2], $0x80, v4, vm0, $0xb8;
	[tilespmem:$0x10400] =	vst v63  }
0xe3: {  	v3 =	vadd.s32 v1, v3  }
0xe4: {  	[tilespmem:s24], [sflag:$0x1] =	stream.indirect_vreg.gather [hbm4b:s6+s2], $0x80, v4, vm0, $0xb8;
	[tilespmem:$0x10400] =	vst v63  }
0xe5: {  	_ = 	snop  }
0xe6: {  	[tilespmem:s25], [sflag:$0x1] =	stream.indirect_vreg.gather [hbm4b:s7+s2], $0x80, v4, vm0, $0xb8;
	[tilespmem:$0x10400] =	vst v63  }
0xe7: {  	_ = 	snop  }
0xe8: {  	[tilespmem:s28], [sflag:$0x1] =	stream.indirect_vreg.gather [hbm4b:s4+s2], $0x80, v3, vm0, $0xb8;
	[tilespmem:$0x10400] =	vst v63  }
0xe9: {  	_ = 	snop  }
0xea: {  	[tilespmem:s29], [sflag:$0x1] =	stream.indirect_vreg.gather [hbm4b:s5+s2], $0x80, v3, vm0, $0xb8;
	[tilespmem:$0x10400] =	vst v63  }
0xeb: {  	_ = 	snop  }
0xec: {  	[tilespmem:s30], [sflag:$0x1] =	stream.indirect_vreg.gather [hbm4b:s6+s2], $0x80, v3, vm0, $0xb8;
	[tilespmem:$0x10400] =	vst v63  }
0xed: {  	_ = 	snop  }
0xee: {  	[tilespmem:s31], [sflag:$0x1] =	stream.indirect_vreg.gather [hbm4b:s7+s2], $0x80, v3, vm0, $0xb8;
	[tilespmem:$0x10400] =	vst v63  }
0xef: {  	v3 =	vld [tilespmem:$0x210];
	_ =	sdelay $0x4  }
0xf0: {  	v57 =	vshll.u32 v3, $0x3  }
0xf1: {  	v3 =	vand.u32 $0x7, v3;
	v4 =	vand.u32 $0xFFFFFFC0, v57  }
0xf2: {  	v3 =	vor.u32 v3, v4  }
0xf3: {  	v4 =	vperm.xlane v3, v0;
	_ =	sdelay $0x1  }
0xf4: {  	v4 =	vadd.s32 v1, v4;
	_ =	sdelay $0x4  }
0xf5: {  	[tilespmem:s1], [sflag:$0x1] =	stream.indirect_vreg.gather [hbm4b:s4+s2], $0x80, v4, vm0, $0xb8;
	[tilespmem:$0x10400] =	vst v63  }
0xf6: {  	v3 =	vperm.xlane v3, v2  }
0xf7: {  	[tilespmem:s16], [sflag:$0x1] =	stream.indirect_vreg.gather [hbm4b:s5+s2], $0x80, v4, vm0, $0xb8;
	[tilespmem:$0x10400] =	vst v63  }
0xf8: {  	v3 =	vadd.s32 v1, v3  }
0xf9: {  	[tilespmem:s3], [sflag:$0x1] =	stream.indirect_vreg.gather [hbm4b:s6+s2], $0x80, v4, vm0, $0xb8;
	[tilespmem:$0x10400] =	vst v63  }
0xfa: {  	_ = 	snop  }
0xfb: {  	[tilespmem:s9], [sflag:$0x1] =	stream.indirect_vreg.gather [hbm4b:s7+s2], $0x80, v4, vm0, $0xb8;
	[tilespmem:$0x10400] =	vst v63  }
0xfc: {  	_ = 	snop  }
0xfd: {  	[tilespmem:s11], [sflag:$0x1] =	stream.indirect_vreg.gather [hbm4b:s4+s2], $0x80, v3, vm0, $0xb8;
	[tilespmem:$0x10400] =	vst v63  }
0xfe: {  	_ = 	snop  }
0xff: {  	[tilespmem:s12], [sflag:$0x1] =	stream.indirect_vreg.gather [hbm4b:s5+s2], $0x80, v3, vm0, $0xb8;
	[tilespmem:$0x10400] =	vst v63  }
0x100: {  	_ = 	snop  }
0x101: {  	[tilespmem:s13], [sflag:$0x1] =	stream.indirect_vreg.gather [hbm4b:s6+s2], $0x80, v3, vm0, $0xb8;
	[tilespmem:$0x10400] =	vst v63  }
0x102: {  	_ = 	snop  }
0x103: {  	[tilespmem:s14], [sflag:$0x1] =	stream.indirect_vreg.gather [hbm4b:s7+s2], $0x80, v3, vm0, $0xb8;
	[tilespmem:$0x10400] =	vst v63  }
0x104: {  	_ =	swait.ge [sflag:s20], $0x8000  }
0x105: {  	[sflag:s20] =	ssyncset.done $0x0  }
0x106: {  	s15 =	rddreg [dreg:$0x6];
	[sflag:s20] =	ssyncadd.s32 $0xFFFF8000  }
0x107: {  	[hbm4b:s15+s2] =	stream.linear.scatter [tilespmem:s26], [sflag:$0x4], $0x8000, $0x38;
	[tilespmem:$0x10400] =	vst v63  }
0x108: {  	_ =	swait.ge [sflag:s21], $0x8000  }
0x109: {  	[sflag:s21] =	ssyncset.done $0x0  }
0x10a: {  	[sflag:s21] =	ssyncadd.s32 $0xFFFF8000  }
0x10b: {  	v3 =	vld [tilespmem:$0x280];
	_ =	sdelay $0x4  }
0x10c: {  	v58 =	vshll.u32 v3, $0x3  }
0x10d: {  	v3 =	vand.u32 $0x7, v3;
	v4 =	vand.u32 $0xFFFFFFC0, v58  }
0x10e: {  	v3 =	vor.u32 v3, v4  }
0x10f: {  	v4 =	vperm.xlane v3, v0;
	_ =	sdelay $0x1  }
0x110: {  	v4 =	vadd.s32 v1, v4;
	_ =	sdelay $0x4  }
0x111: {  	[tilespmem:s26], [sflag:$0x2] =	stream.indirect_vreg.gather [hbm4b:s4+s2], $0x80, v4, vm0, $0xb8;
	[tilespmem:$0x10400] =	vst v63  }
0x112: {  	s17 =	simm.s32 $0x8C00;
	v3 =	vperm.xlane v3, v2  }
0x113: {  	[tilespmem:s17], [sflag:$0x2] =	stream.indirect_vreg.gather [hbm4b:s5+s2], $0x80, v4, vm0, $0xb8;
	[tilespmem:$0x10400] =	vst v63  }
0x114: {  	v3 =	vadd.s32 v1, v3  }
0x115: {  	[tilespmem:s0], [sflag:$0x2] =	stream.indirect_vreg.gather [hbm4b:s6+s2], $0x80, v4, vm0, $0xb8;
	[tilespmem:$0x10400] =	vst v63  }
0x116: {  	s22 =	simm.s32 $0x9C00  }
0x117: {  	[tilespmem:s22], [sflag:$0x2] =	stream.indirect_vreg.gather [hbm4b:s7+s2], $0x80, v4, vm0, $0xb8;
	[tilespmem:$0x10400] =	vst v63  }
0x118: {  	s17 =	simm.s32 $0xA400  }
0x119: {  	[tilespmem:s17], [sflag:$0x2] =	stream.indirect_vreg.gather [hbm4b:s4+s2], $0x80, v3, vm0, $0xb8;
	[tilespmem:$0x10400] =	vst v63  }
0x11a: {  	s22 =	simm.s32 $0xAC00  }
0x11b: {  	[tilespmem:s22], [sflag:$0x2] =	stream.indirect_vreg.gather [hbm4b:s5+s2], $0x80, v3, vm0, $0xb8;
	[tilespmem:$0x10400] =	vst v63  }
0x11c: {  	s22 =	simm.s32 $0xB400  }
0x11d: {  	[tilespmem:s22], [sflag:$0x2] =	stream.indirect_vreg.gather [hbm4b:s6+s2], $0x80, v3, vm0, $0xb8;
	[tilespmem:$0x10400] =	vst v63  }
0x11e: {  	s22 =	simm.s32 $0xBC00  }
0x11f: {  	[tilespmem:s22], [sflag:$0x2] =	stream.indirect_vreg.gather [hbm4b:s7+s2], $0x80, v3, vm0, $0xb8;
	[tilespmem:$0x10400] =	vst v63  }
0x120: {  	v3 =	vld [tilespmem:$0x290];
	_ =	sdelay $0x4  }
0x121: {  	v59 =	vshll.u32 v3, $0x3  }
0x122: {  	v3 =	vand.u32 $0x7, v3;
	v4 =	vand.u32 $0xFFFFFFC0, v59  }
0x123: {  	v3 =	vor.u32 v3, v4  }
0x124: {  	v4 =	vperm.xlane v3, v0;
	_ =	sdelay $0x1  }
0x125: {  	v4 =	vadd.s32 v1, v4;
	_ =	sdelay $0x3  }
0x126: {  	s22 =	simm.s32 $0xC400  }
0x127: {  	[tilespmem:s22], [sflag:$0x2] =	stream.indirect_vreg.gather [hbm4b:s4+s2], $0x80, v4, vm0, $0xb8;
	[tilespmem:$0x10400] =	vst v63  }
0x128: {  	v3 =	vperm.xlane v3, v2;
	s22 =	simm.s32 $0xCC00  }
0x129: {  	[tilespmem:s22], [sflag:$0x2] =	stream.indirect_vreg.gather [hbm4b:s5+s2], $0x80, v4, vm0, $0xb8;
	[tilespmem:$0x10400] =	vst v63  }
0x12a: {  	v3 =	vadd.s32 v1, v3;
	s22 =	simm.s32 $0xD400  }
0x12b: {  	[tilespmem:s22], [sflag:$0x2] =	stream.indirect_vreg.gather [hbm4b:s6+s2], $0x80, v4, vm0, $0xb8;
	[tilespmem:$0x10400] =	vst v63  }
0x12c: {  	s22 =	simm.s32 $0xDC00  }
0x12d: {  	[tilespmem:s22], [sflag:$0x2] =	stream.indirect_vreg.gather [hbm4b:s7+s2], $0x80, v4, vm0, $0xb8;
	[tilespmem:$0x10400] =	vst v63  }
0x12e: {  	s22 =	simm.s32 $0xE400  }
0x12f: {  	[tilespmem:s22], [sflag:$0x2] =	stream.indirect_vreg.gather [hbm4b:s4+s2], $0x80, v3, vm0, $0xb8;
	[tilespmem:$0x10400] =	vst v63  }
0x130: {  	s22 =	simm.s32 $0xEC00  }
0x131: {  	[tilespmem:s22], [sflag:$0x2] =	stream.indirect_vreg.gather [hbm4b:s5+s2], $0x80, v3, vm0, $0xb8;
	[tilespmem:$0x10400] =	vst v63  }
0x132: {  	s22 =	simm.s32 $0xF400  }
0x133: {  	[tilespmem:s22], [sflag:$0x2] =	stream.indirect_vreg.gather [hbm4b:s6+s2], $0x80, v3, vm0, $0xb8;
	[tilespmem:$0x10400] =	vst v63  }
0x134: {  	s22 =	simm.s32 $0xFC00  }
0x135: {  	[tilespmem:s22], [sflag:$0x2] =	stream.indirect_vreg.gather [hbm4b:s7+s2], $0x80, v3, vm0, $0xb8;
	[tilespmem:$0x10400] =	vst v63  }
0x136: {  	_ =	swait.ge [sflag:s18], $0x8000  }
0x137: {  	[sflag:s18] =	ssyncset.done $0x0  }
0x138: {  	s22 =	rddreg [dreg:$0x7];
	[sflag:s18] =	ssyncadd.s32 $0xFFFF8000  }
0x139: {  	[hbm4b:s22+s2] =	stream.linear.scatter [tilespmem:s10], [sflag:$0x3], $0x8000, $0x38;
	[tilespmem:$0x10400] =	vst v63  }
0x13a: {  	_ =	swait.ge [sflag:s19], $0x8000  }
0x13b: {  	[sflag:s19] =	ssyncset.done $0x0  }
0x13c: {  	[sflag:s19] =	ssyncadd.s32 $0xFFFF8000  }
0x13d: {  	v3 =	vld [tilespmem:$0x300];
	_ =	sdelay $0x4  }
0x13e: {  	v60 =	vshll.u32 v3, $0x3  }
0x13f: {  	v3 =	vand.u32 $0x7, v3;
	v4 =	vand.u32 $0xFFFFFFC0, v60  }
0x140: {  	v3 =	vor.u32 v3, v4  }
0x141: {  	v4 =	vperm.xlane v3, v0;
	_ =	sdelay $0x1  }
0x142: {  	v4 =	vadd.s32 v1, v4;
	_ =	sdelay $0x4  }
0x143: {  	[tilespmem:s10], [sflag:$0x1] =	stream.indirect_vreg.gather [hbm4b:s4+s2], $0x80, v4, vm0, $0xb8;
	[tilespmem:$0x10400] =	vst v63  }
0x144: {  	v3 =	vperm.xlane v3, v2  }
0x145: {  	[tilespmem:s23], [sflag:$0x1] =	stream.indirect_vreg.gather [hbm4b:s5+s2], $0x80, v4, vm0, $0xb8;
	[tilespmem:$0x10400] =	vst v63  }
0x146: {  	v3 =	vadd.s32 v1, v3  }
0x147: {  	[tilespmem:s24], [sflag:$0x1] =	stream.indirect_vreg.gather [hbm4b:s6+s2], $0x80, v4, vm0, $0xb8;
	[tilespmem:$0x10400] =	vst v63  }
0x148: {  	_ = 	snop  }
0x149: {  	[tilespmem:s25], [sflag:$0x1] =	stream.indirect_vreg.gather [hbm4b:s7+s2], $0x80, v4, vm0, $0xb8;
	[tilespmem:$0x10400] =	vst v63  }
0x14a: {  	_ = 	snop  }
0x14b: {  	[tilespmem:s28], [sflag:$0x1] =	stream.indirect_vreg.gather [hbm4b:s4+s2], $0x80, v3, vm0, $0xb8;
	[tilespmem:$0x10400] =	vst v63  }
0x14c: {  	_ = 	snop  }
0x14d: {  	[tilespmem:s29], [sflag:$0x1] =	stream.indirect_vreg.gather [hbm4b:s5+s2], $0x80, v3, vm0, $0xb8;
	[tilespmem:$0x10400] =	vst v63  }
0x14e: {  	_ = 	snop  }
0x14f: {  	[tilespmem:s30], [sflag:$0x1] =	stream.indirect_vreg.gather [hbm4b:s6+s2], $0x80, v3, vm0, $0xb8;
	[tilespmem:$0x10400] =	vst v63  }
0x150: {  	_ = 	snop  }
0x151: {  	[tilespmem:s31], [sflag:$0x1] =	stream.indirect_vreg.gather [hbm4b:s7+s2], $0x80, v3, vm0, $0xb8;
	[tilespmem:$0x10400] =	vst v63  }
0x152: {  	v3 =	vld [tilespmem:$0x310];
	_ =	sdelay $0x4  }
0x153: {  	v61 =	vshll.u32 v3, $0x3  }
0x154: {  	v3 =	vand.u32 $0x7, v3;
	v4 =	vand.u32 $0xFFFFFFC0, v61  }
0x155: {  	v3 =	vor.u32 v3, v4  }
0x156: {  	v4 =	vperm.xlane v3, v0;
	_ =	sdelay $0x1  }
0x157: {  	v4 =	vadd.s32 v1, v4;
	_ =	sdelay $0x4  }
0x158: {  	[tilespmem:s1], [sflag:$0x1] =	stream.indirect_vreg.gather [hbm4b:s4+s2], $0x80, v4, vm0, $0xb8;
	[tilespmem:$0x10400] =	vst v63  }
0x159: {  	v3 =	vperm.xlane v3, v2  }
0x15a: {  	[tilespmem:s16], [sflag:$0x1] =	stream.indirect_vreg.gather [hbm4b:s5+s2], $0x80, v4, vm0, $0xb8;
	[tilespmem:$0x10400] =	vst v63  }
0x15b: {  	v3 =	vadd.s32 v1, v3  }
0x15c: {  	[tilespmem:s3], [sflag:$0x1] =	stream.indirect_vreg.gather [hbm4b:s6+s2], $0x80, v4, vm0, $0xb8;
	[tilespmem:$0x10400] =	vst v63  }
0x15d: {  	_ = 	snop  }
0x15e: {  	[tilespmem:s9], [sflag:$0x1] =	stream.indirect_vreg.gather [hbm4b:s7+s2], $0x80, v4, vm0, $0xb8;
	[tilespmem:$0x10400] =	vst v63  }
0x15f: {  	_ = 	snop  }
0x160: {  	[tilespmem:s11], [sflag:$0x1] =	stream.indirect_vreg.gather [hbm4b:s4+s2], $0x80, v3, vm0, $0xb8;
	[tilespmem:$0x10400] =	vst v63  }
0x161: {  	_ = 	snop  }
0x162: {  	[tilespmem:s12], [sflag:$0x1] =	stream.indirect_vreg.gather [hbm4b:s5+s2], $0x80, v3, vm0, $0xb8;
	[tilespmem:$0x10400] =	vst v63  }
0x163: {  	_ = 	snop  }
0x164: {  	[tilespmem:s13], [sflag:$0x1] =	stream.indirect_vreg.gather [hbm4b:s6+s2], $0x80, v3, vm0, $0xb8;
	[tilespmem:$0x10400] =	vst v63  }
0x165: {  	_ = 	snop  }
0x166: {  	[tilespmem:s14], [sflag:$0x1] =	stream.indirect_vreg.gather [hbm4b:s7+s2], $0x80, v3, vm0, $0xb8;
	[tilespmem:$0x10400] =	vst v63  }
0x167: {  	_ =	swait.ge [sflag:s20], $0x8000  }
0x168: {  	[sflag:s20] =	ssyncset.done $0x0  }
0x169: {  	s1 =	rddreg [dreg:$0x8];
	[sflag:s20] =	ssyncadd.s32 $0xFFFF8000  }
0x16a: {  	[hbm4b:s1+s2] =	stream.linear.scatter [tilespmem:s26], [sflag:$0x4], $0x8000, $0x38;
	[tilespmem:$0x10400] =	vst v63  }
0x16b: {  	_ =	swait.ge [sflag:s21], $0x8000  }
0x16c: {  	[sflag:s21] =	ssyncset.done $0x0  }
0x16d: {  	[sflag:s21] =	ssyncadd.s32 $0xFFFF8000  }
0x16e: {  	v3 =	vld [tilespmem:$0x380];
	_ =	sdelay $0x4  }
0x16f: {  	v62 =	vshll.u32 v3, $0x3  }
0x170: {  	v3 =	vand.u32 $0x7, v3;
	v4 =	vand.u32 $0xFFFFFFC0, v62  }
0x171: {  	v3 =	vor.u32 v3, v4  }
0x172: {  	v4 =	vperm.xlane v3, v0;
	_ =	sdelay $0x1  }
0x173: {  	v4 =	vadd.s32 v1, v4;
	_ =	sdelay $0x4  }
0x174: {  	[tilespmem:s26], [sflag:$0x2] =	stream.indirect_vreg.gather [hbm4b:s4+s2], $0x80, v4, vm0, $0xb8;
	[tilespmem:$0x10400] =	vst v63  }
0x175: {  	s22 =	simm.s32 $0x8C00;
	v3 =	vperm.xlane v3, v2  }
0x176: {  	[tilespmem:s22], [sflag:$0x2] =	stream.indirect_vreg.gather [hbm4b:s5+s2], $0x80, v4, vm0, $0xb8;
	[tilespmem:$0x10400] =	vst v63  }
0x177: {  	s0 =	simm.s32 $0x9400;
	v3 =	vadd.s32 v1, v3  }
0x178: {  	[tilespmem:s0], [sflag:$0x2] =	stream.indirect_vreg.gather [hbm4b:s6+s2], $0x80, v4, vm0, $0xb8;
	[tilespmem:$0x10400] =	vst v63  }
0x179: {  	s1 =	simm.s32 $0x9C00  }
0x17a: {  	[tilespmem:s1], [sflag:$0x2] =	stream.indirect_vreg.gather [hbm4b:s7+s2], $0x80, v4, vm0, $0xb8;
	[tilespmem:$0x10400] =	vst v63  }
0x17b: {  	s15 =	simm.s32 $0xA400  }
0x17c: {  	[tilespmem:s15], [sflag:$0x2] =	stream.indirect_vreg.gather [hbm4b:s4+s2], $0x80, v3, vm0, $0xb8;
	[tilespmem:$0x10400] =	vst v63  }
0x17d: {  	s17 =	simm.s32 $0xAC00  }
0x17e: {  	[tilespmem:s17], [sflag:$0x2] =	stream.indirect_vreg.gather [hbm4b:s5+s2], $0x80, v3, vm0, $0xb8;
	[tilespmem:$0x10400] =	vst v63  }
0x17f: {  	s22 =	simm.s32 $0xB400  }
0x180: {  	[tilespmem:s22], [sflag:$0x2] =	stream.indirect_vreg.gather [hbm4b:s6+s2], $0x80, v3, vm0, $0xb8;
	[tilespmem:$0x10400] =	vst v63  }
0x181: {  	s1 =	simm.s32 $0xBC00  }
0x182: {  	[tilespmem:s1], [sflag:$0x2] =	stream.indirect_vreg.gather [hbm4b:s7+s2], $0x80, v3, vm0, $0xb8;
	[tilespmem:$0x10400] =	vst v63  }
0x183: {  	v3 =	vld [tilespmem:$0x390];
	_ =	sdelay $0x4  }
0x184: {  	v63 =	vshll.u32 v3, $0x3  }
0x185: {  	v3 =	vand.u32 $0x7, v3;
	v4 =	vand.u32 $0xFFFFFFC0, v63  }
0x186: {  	v3 =	vor.u32 v3, v4  }
0x187: {  	v4 =	vperm.xlane v3, v0;
	_ =	sdelay $0x1  }
0x188: {  	v4 =	vadd.s32 v1, v4;
	_ =	sdelay $0x3  }
0x189: {  	s15 =	simm.s32 $0xC400  }
0x18a: {  	[tilespmem:s15], [sflag:$0x2] =	stream.indirect_vreg.gather [hbm4b:s4+s2], $0x80, v4, vm0, $0xb8;
	[tilespmem:$0x10400] =	vst v63  }
0x18b: {  	s17 =	simm.s32 $0xCC00;
	v3 =	vperm.xlane v3, v2  }
0x18c: {  	[tilespmem:s17], [sflag:$0x2] =	stream.indirect_vreg.gather [hbm4b:s5+s2], $0x80, v4, vm0, $0xb8;
	[tilespmem:$0x10400] =	vst v63  }
0x18d: {  	s22 =	simm.s32 $0xD400;
	v3 =	vadd.s32 v1, v3  }
0x18e: {  	[tilespmem:s22], [sflag:$0x2] =	stream.indirect_vreg.gather [hbm4b:s6+s2], $0x80, v4, vm0, $0xb8;
	[tilespmem:$0x10400] =	vst v63  }
0x18f: {  	s1 =	simm.s32 $0xDC00  }
0x190: {  	[tilespmem:s1], [sflag:$0x2] =	stream.indirect_vreg.gather [hbm4b:s7+s2], $0x80, v4, vm0, $0xb8;
	[tilespmem:$0x10400] =	vst v63  }
0x191: {  	s15 =	simm.s32 $0xE400  }
0x192: {  	[tilespmem:s15], [sflag:$0x2] =	stream.indirect_vreg.gather [hbm4b:s4+s2], $0x80, v3, vm0, $0xb8;
	[tilespmem:$0x10400] =	vst v63  }
0x193: {  	s17 =	simm.s32 $0xEC00  }
0x194: {  	[tilespmem:s17], [sflag:$0x2] =	stream.indirect_vreg.gather [hbm4b:s5+s2], $0x80, v3, vm0, $0xb8;
	[tilespmem:$0x10400] =	vst v63  }
0x195: {  	s22 =	simm.s32 $0xF400  }
0x196: {  	[tilespmem:s22], [sflag:$0x2] =	stream.indirect_vreg.gather [hbm4b:s6+s2], $0x80, v3, vm0, $0xb8;
	[tilespmem:$0x10400] =	vst v63  }
0x197: {  	s1 =	simm.s32 $0xFC00  }
0x198: {  	[tilespmem:s1], [sflag:$0x2] =	stream.indirect_vreg.gather [hbm4b:s7+s2], $0x80, v3, vm0, $0xb8;
	[tilespmem:$0x10400] =	vst v63  }
0x199: {  	_ =	swait.ge [sflag:s18], $0x8000  }
0x19a: {  	[sflag:s18] =	ssyncset.done $0x0  }
0x19b: {  	s15 =	rddreg [dreg:$0x9];
	[sflag:s18] =	ssyncadd.s32 $0xFFFF8000  }
0x19c: {  	[hbm4b:s15+s2] =	stream.linear.scatter [tilespmem:s10], [sflag:$0x3], $0x8000, $0x38;
	[tilespmem:$0x10400] =	vst v63  }
0x19d: {  	_ =	swait.ge [sflag:s20], $0x8000  }
0x19e: {  	[sflag:s20] =	ssyncset.done $0x0  }
0x19f: {  	s17 =	rddreg [dreg:$0xa];
	[sflag:s20] =	ssyncadd.s32 $0xFFFF8000  }
0x1a0: {  	[hbm4b:s17+s2] =	stream.linear.scatter [tilespmem:s26], [sflag:$0x4], $0x8000, $0x38;
	[tilespmem:$0x10400] =	vst v63  }
0x1a1: {  	p0 =	sne.s32 s8, $0x1;
	_ =	swait.ge [sflag:s19], $0x8000  }
.Ltmp0:
0x1a2: {  	[sflag:s19] =	ssyncset.done $0x0;
	(pc) =	sbr.rel @p0 .LBB2_1-.Ltmp0, $4  }
0x1a3: {  	[sflag:s19] =	ssyncadd.s32 $0xFFFF8000  }
0x1a4: {  	_ =	swait.ge [sflag:s21], $0x8000  }
0x1a5: {  	[sflag:s21] =	ssyncset.done $0x0  }
0x1a6: {  	s8 =	sadd.s32 $0xFFFFFFFF, s8;
	[sflag:s21] =	ssyncadd.s32 $0xFFFF8000  }
0x1a7: {  	_ =	sfence.sel $0x180000  }
0x1a8: {  	[bflag:$0x0] =	sbarrier.arrive $0xFFFF  }
0x1a9: {  	_ =	strace $0x9000004A  }
0x1aa: {  	s0 =	stileid.u32;
	[bflag:$0x2] =	sbarrier.arrive $0xFFFF  }
0x1ab: {  	p0 =	sne.s32 s0, $0x0;
	s0 =	rddreg [dreg:$0x2]  }
0x1ac: {  	s0 =	sadd.s32 @!p0 $0x100000, s0  }
0x1ad: {  	[sflag:s0] =	ssyncadd.tile.s32 @!p0 $0x1;
	_ =	shalt  }
.Lfunc_end2:
_tile_overlayer_lowered:
.L_overlay_start_2:
0x1ae: {  	(tag) =	ssettag $0x2  }
0x1af: {  	s0 =	rddreg [dreg:$0x0];
	s2 =	stileid.u32  }
0x1b0: {  	s1 =	rddreg [dreg:$0x1];
	p0 =	sne.s32 s2, $0x0  }
0x1b1: {  	s3 =	rddreg [dreg:$0x2];
	[bflag:$0x3] =	sbarrier.arrive $0xFFFF;
	s2 =	simm.s32 @!p0 $0x1C05  }
0x1b2: {  	[timem:s3], [sflag:s2] =	dma.local @!p0 [hbm:s0], s1  }
0x1b3: {  	s0 =	simm.s32 @!p0 $0x5  }
0x1b4: {  	_ =	swait.ge @!p0 [sflag:s0], s1  }
0x1b5: {  	s1 =	ssub.s32 @!p0 $0x0, s1;
	[sflag:s0] =	ssyncset.done @!p0 $0x0  }
0x1b6: {  	[sflag:s0] =	ssyncadd.s32 @!p0 s1  }
0x1b7: {  	[bflag:$0x3] =	sbarrier.arrive $0xFFFF  }
0x1b8: {  	_ =	shalt  }

</sc_bundles>
